<compile_context>
chip_gen: v7x
topology: tpu7x:2x2x1
jax: 0.10.2.dev20260603
libtpu: 0.0.44.dev20260713+nightly
codegen_flags: <defaults>
</compile_context>

<pallas_src>
import functools

import jax
import jax.numpy as jnp
from jax import lax
from jax.experimental import pallas as pl
from jax.experimental.pallas import tpu as pltpu
from jax.experimental.pallas import tpu_sc as plsc

NC = 2
NS = 16
L = 16
NB = 64
T = 2048
BPT = NB // (NC * NS)
TOK = BPT * T
C = 24
NQ = 2


def _sc_body(yp_hbm, yt_hbm, mk_hbm, b_hbm, out_hbm,
             pred_v, yt_v, mk_v, b2_v, b_v, bp_v, tot_v, red_v, shared,
             *sems):
    cid = lax.axis_index("c")
    sid = lax.axis_index("s")
    wid = sid * NC + cid
    row = wid * BPT

    QT = T // NQ
    cps = []
    for bb in range(BPT):
        for q in range(NQ):
            cps.append(pltpu.async_copy(
                yp_hbm.at[pl.ds(row + bb, 1), :, pl.ds(q * QT, QT)],
                pred_v.at[pl.ds(bb, 1), :, pl.ds(q * QT, QT)],
                sems[bb * NQ + q]))
    pltpu.sync_copy(yt_hbm.at[pl.ds(row, BPT)], yt_v)
    pltpu.sync_copy(mk_hbm.at[pl.ds(row, BPT)], mk_v)
    pltpu.sync_copy(b_hbm, b2_v)
    for k in range(C):
        b_v[pl.ds(C * k, L)] = b2_v[k, pl.ds(0, L)]
        b_v[pl.ds(C * k + 8, L)] = b2_v[k, pl.ds(8, L)]

    iota16 = lax.iota(jnp.int32, L)
    for cp in range(C // 2):
        idx_lo = iota16 * C + 2 * cp
        pk_lo = plsc.pack(plsc.load_gather(b_v, [idx_lo]),
                          plsc.load_gather(b_v, [idx_lo + 1]),
                          format=plsc.PackFormat.INTERLEAVED)
        bp_v[pl.ds(cp * C, L)] = plsc.bitcast(pk_lo, jnp.int32)
        idx_hi = jnp.minimum((iota16 + L) * C + 2 * cp, C * C - 1)
        pk_hi = plsc.pack(plsc.load_gather(b_v, [idx_hi]),
                          plsc.load_gather(b_v, [idx_hi + 1]),
                          format=plsc.PackFormat.INTERLEAVED)
        plsc.store_scatter(bp_v, [cp * C + L + iota16],
                           plsc.bitcast(pk_hi, jnp.int32), mask=iota16 < 8)

    acc0 = jnp.zeros((L,), jnp.float32)
    GPQ = QT // L
    for bb in range(BPT):
        for q in range(NQ):
            cps[bb * NQ + q].wait()

            def g_body(gg, acc, _bb=bb, _q=q):
                g = _q * GPQ + gg
                yt16 = yt_v[_bb, pl.ds(g * L, L)]
                m16 = mk_v[_bb, pl.ds(g * L, L)]
                dots = [jnp.zeros((L,), jnp.float32) for _ in range(4)]
                for cp in range(C // 2):
                    wk = plsc.load_gather(bp_v, [yt16 + cp * C])
                    w0, w1 = plsc.unpack(plsc.bitcast(wk, jnp.bfloat16),
                                         format=plsc.PackFormat.INTERLEAVED)
                    p0 = pred_v[_bb, 2 * cp, pl.ds(g * L, L)]
                    p1 = pred_v[_bb, 2 * cp + 1, pl.ds(g * L, L)]
                    dots[(2 * cp) % 4] = dots[(2 * cp) % 4] + w0 * p0
                    dots[(2 * cp + 1) % 4] = dots[(2 * cp + 1) % 4] + w1 * p1
                dot = (dots[0] + dots[1]) + (dots[2] + dots[3])
                return acc + dot * m16

            acc0 = lax.fori_loop(0, GPQ, g_body, acc0)
    tot_v[...] = acc0

    pltpu.sync_copy(tot_v, shared.at[32 + sid])
    plsc.subcore_barrier()

    @pl.when(sid == 0)
    def _():
        pltpu.sync_copy(shared.at[pl.ds(32, NS)], red_v)
        tot = jnp.zeros((L,), jnp.float32)
        for s in range(NS):
            tot = tot + red_v[s]
        scalar = lax.reduce_sum(tot, (0,))
        tot_v[...] = jnp.zeros((L,), jnp.float32) + scalar
        pltpu.sync_copy(tot_v, out_hbm.at[cid])


@jax.jit
def _sc_call(yp_t, yt, mk, bf):
    mesh = plsc.VectorSubcoreMesh(core_axis_name="c", subcore_axis_name="s")
    fn = pl.kernel(
        _sc_body,
        out_type=jax.ShapeDtypeStruct((NC, L), jnp.float32),
        mesh=mesh,
        scratch_types=[
            pltpu.VMEM((BPT, C, T), jnp.float32),
            pltpu.VMEM((BPT, T), jnp.int32),
            pltpu.VMEM((BPT, T), jnp.float32),
            pltpu.VMEM((C, C), jnp.float32),
            pltpu.VMEM((C * C,), jnp.float32),
            pltpu.VMEM((320,), jnp.int32),
            pltpu.VMEM((L,), jnp.float32),
            pltpu.VMEM((NS, L), jnp.float32),
            pltpu.VMEM_SHARED((32 + NS, L), jnp.float32),
        ] + [pltpu.SemaphoreType.DMA] * (BPT * NQ),
        compiler_params=pltpu.CompilerParams(
            needs_layout_passes=False,
            use_tc_tiling_on_sc=True,
        ),
    )
    return fn(yp_t, yt, mk, bf)


def kernel(y_true, y_pred, mask, B):
    yp_t = y_pred.transpose(0, 2, 1)
    out = _sc_call(yp_t, y_true.astype(jnp.int32), mask, B)
    return out[0, 0] + out[1, 0]

# --- scband reference (transcript-rebuilt; emitter-appended) ---
"""Pipeline reference for scband-score-blosum-19920058318888 (READ-ONLY COPY).

The authoritative reference and input builder live on the scoring server;
editing this copy changes nothing except your own understanding.
"""

import jax, jax.numpy as jnp
import numpy as np

_B62 = np.array([
[4,-1,-2,-2,0,-1,-1,0,-2,-1,-1,-1,-1,-2,-1,1,0,-3,-2,0,-2,-1,0,-4],
[-1,5,0,-2,-3,1,0,-2,0,-3,-2,2,-1,-3,-2,-1,-1,-3,-2,-3,-1,0,-1,-4],
[-2,0,6,1,-3,0,0,0,1,-3,-3,0,-2,-3,-2,1,0,-4,-2,-3,3,0,-1,-4],
[-2,-2,1,6,-3,0,2,-1,-1,-3,-4,-1,-3,-3,-1,0,-1,-4,-3,-3,4,1,-1,-4],
[0,-3,-3,-3,9,-3,-4,-3,-3,-1,-1,-3,-1,-2,-3,-1,-1,-2,-2,-1,-3,-3,-2,-4],
[-1,1,0,0,-3,5,2,-2,0,-3,-2,1,0,-3,-1,0,-1,-2,-1,-2,0,3,-1,-4],
[-1,0,0,2,-4,2,5,-2,0,-3,-3,1,-2,-3,-1,0,-1,-3,-2,-2,1,4,-1,-4],
[0,-2,0,-1,-3,-2,-2,6,-2,-4,-4,-2,-3,-3,-2,0,-2,-2,-3,-3,-1,-2,-1,-4],
[-2,0,1,-1,-3,0,0,-2,8,-3,-3,-1,-2,-1,-2,-1,-2,-2,2,-3,0,0,-1,-4],
[-1,-3,-3,-3,-1,-3,-3,-4,-3,4,2,-3,1,0,-3,-2,-1,-3,-1,3,-3,-3,-1,-4],
[-1,-2,-3,-4,-1,-2,-3,-4,-3,2,4,-2,2,0,-3,-2,-1,-2,-1,1,-4,-3,-1,-4],
[-1,2,0,-1,-3,1,1,-2,-1,-3,-2,5,-1,-3,-1,0,-1,-3,-2,-2,0,1,-1,-4],
[-1,-1,-2,-3,-1,0,-2,-3,-2,1,2,-1,5,0,-2,-1,-1,-1,-1,1,-3,-1,-1,-4],
[-2,-3,-3,-3,-2,-3,-3,-3,-1,0,0,-3,0,6,-4,-2,-2,1,3,-1,-3,-3,-1,-4],
[-1,-2,-2,-1,-3,-1,-1,-2,-2,-3,-3,-1,-2,-4,7,-1,-1,-4,-3,-2,-2,-1,-2,-4],
[1,-1,1,0,-1,0,0,0,-1,-2,-2,0,-1,-2,-1,4,1,-3,-2,-2,0,0,0,-4],
[0,-1,0,-1,-1,-1,-1,-2,-2,-1,-1,-1,-1,-2,-1,1,5,-2,-2,0,-1,-1,0,-4],
[-3,-3,-4,-4,-2,-2,-3,-2,-2,-3,-2,-3,-1,1,-4,-1,-2,11,2,-3,-4,-3,-2,-4],
[-2,-2,-2,-3,-2,-1,-2,-3,2,-1,-1,-2,-1,3,-3,-2,-2,2,7,-1,-3,-2,-1,-4],
[0,-3,-3,-3,-1,-2,-2,-3,-3,3,1,-2,0,-3,-2,-2,0,-3,-1,4,-3,-2,-1,-4],
[-2,-1,3,4,-3,0,1,-1,0,-3,-4,0,-3,-3,-2,0,-1,-4,-3,-3,4,1,-1,-4],
[-1,0,0,1,-3,3,4,-2,0,-3,-3,1,-1,-3,-1,0,-1,-3,-2,-2,1,4,-1,-4],
[0,-1,-1,-1,-2,-1,-1,-1,-1,-1,-1,-1,-1,-1,-2,0,0,-2,-1,-1,-1,-1,-1,-4],
[-4,-4,-4,-4,-4,-4,-4,-4,-4,-4,-4,-4,-4,-4,-4,-4,-4,-4,-4,-4,-4,-4,-4,1]], dtype=np.float32)


def setup_inputs(seed: int = 0):
    key = jax.random.key(seed)
    k1, k2, k3 = jax.random.split(key, 3)
    y_true = jax.random.randint(k1, (64, 2048), 0, 24)
    y_pred = jax.random.normal(k2, (64, 2048, 24), dtype=jnp.float32)
    mask = jax.random.uniform(k3, (64, 2048), dtype=jnp.float32)
    # module stores B transposed (BLOSUM62 is symmetric, but stay faithful)
    B = jnp.asarray(_B62.T)
    return {"y_true": y_true, "y_pred": y_pred, "mask": mask, "B": B}


def reference(y_true, y_pred, mask, B):
    rows = jnp.take(B, y_true.reshape(-1), axis=0)  # gather [N, 24]
    per_tok = jnp.sum(rows * y_pred.reshape(-1, y_pred.shape[-1]), axis=-1)
    return jnp.dot(per_tok, mask.reshape(-1))

if __name__ == "__main__":
    import jax
    _d = setup_inputs()
    print(jax.jit(kernel)(*tuple(_d.values())))

</pallas_src>

<mosaic_0001>
#map = affine_map<(d0, d1) -> (0, 0, 0)>
#map1 = affine_map<(d0, d1) -> (0, 0)>
module attributes {stable_mosaic.version = 14 : i64} {
  func.func @_sc_body(%arg0: i32, %arg1: i32, %arg2: memref<64x24x2048xf32, #tpu.memory_space<hbm>>, %arg3: memref<64x2048xi32, #tpu.memory_space<hbm>>, %arg4: memref<64x2048xf32, #tpu.memory_space<hbm>>, %arg5: memref<24x24xf32, #tpu.memory_space<hbm>>, %arg6: memref<2x16xf32, #tpu.memory_space<hbm>>, %arg7: memref<2x24x2048xf32, #tpu.memory_space<vmem>>, %arg8: memref<2x2048xi32, #tpu.memory_space<vmem>>, %arg9: memref<2x2048xf32, #tpu.memory_space<vmem>>, %arg10: memref<24x24xf32, #tpu.memory_space<vmem>>, %arg11: memref<576xf32, #tpu.memory_space<vmem>>, %arg12: memref<320xi32, #tpu.memory_space<vmem>>, %arg13: memref<16xf32, #tpu.memory_space<vmem>>, %arg14: memref<16x16xf32, #tpu.memory_space<vmem>>, %arg15: memref<48x16xf32, #tpu.memory_space<vmem_shared>>, %arg16: memref<!tpu.dma_semaphore, #tpu.memory_space<semaphore_mem>>, %arg17: memref<!tpu.dma_semaphore, #tpu.memory_space<semaphore_mem>>, %arg18: memref<!tpu.dma_semaphore, #tpu.memory_space<semaphore_mem>>, %arg19: memref<!tpu.dma_semaphore, #tpu.memory_space<semaphore_mem>>) attributes {dimension_semantics = [#tpu.dimension_semantics<core_parallel>, #tpu.dimension_semantics<subcore_parallel>], iteration_bounds = array<i64: 2, 16>, scalar_prefetch = 0 : i64, scratch_operands = 13 : i64, tpu.core_type = #tpu.core_type<sc_vector_subcore>, window_params = [{transform_indices = #map}, {transform_indices = #map1}, {transform_indices = #map1}, {transform_indices = #map1}, {transform_indices = #map1}]} {
    %mul3A = arith.constant 2 : i32
    %mul3A_0 = arith.muli %arg1, %mul3A : i32
    %add3A = arith.addi %mul3A_0, %arg0 : i32
    %mul3A_1 = arith.constant 2 : i32
    %mul3A_2 = arith.muli %add3A, %mul3A_1 : i32
    %add3A_3 = arith.constant 0 : i32
    %add3A_4 = arith.addi %mul3A_2, %add3A_3 : i32
    %dma_start3A = arith.constant 0 : i32
    %dma_start3A_5 = arith.constant 0 : i32
    %dma_start3A_6 = arith.constant 0 : i32
    %dma_start3A_7 = tpu.memref_slice %arg7[%dma_start3A, %dma_start3A_5, %dma_start3A_6] : memref<2x24x2048xf32, #tpu.memory_space<vmem>> -> memref<1x24x1024xf32, #tpu.memory_space<vmem>>
    %dma_start3A_8 = arith.constant 0 : i32
    %dma_start3A_9 = arith.constant 0 : i32
    %dma_start3A_10 = tpu.memref_slice %arg2[%add3A_4, %dma_start3A_8, %dma_start3A_9] : memref<64x24x2048xf32, #tpu.memory_space<hbm>> -> memref<1x24x1024xf32, #tpu.memory_space<hbm>>
    %dma_start3A_11 = arith.constant 0 : i32
    %dma_start3A_12 = arith.constant 0 : i32
    %dma_start3A_13 = arith.constant 0 : i32
    %dma_start3A_14 = tpu.memref_slice %arg7[%dma_start3A_11, %dma_start3A_12, %dma_start3A_13] : memref<2x24x2048xf32, #tpu.memory_space<vmem>> -> memref<1x24x1024xf32, #tpu.memory_space<vmem>>
    %dma_start3A_15 = arith.constant 0 : i32
    %dma_start3A_16 = arith.constant 0 : i32
    %dma_start3A_17 = tpu.memref_slice %arg2[%add3A_4, %dma_start3A_15, %dma_start3A_16] : memref<64x24x2048xf32, #tpu.memory_space<hbm>> -> memref<1x24x1024xf32, #tpu.memory_space<hbm>>
    tpu.enqueue_dma source(%dma_start3A_17 : memref<1x24x1024xf32, #tpu.memory_space<hbm>>) target(%dma_start3A_14 : memref<1x24x1024xf32, #tpu.memory_space<vmem>>) target_semaphore(%arg16 : memref<!tpu.dma_semaphore, #tpu.memory_space<semaphore_mem>>)
    %add3A_18 = arith.constant 0 : i32
    %add3A_19 = arith.addi %mul3A_2, %add3A_18 : i32
    %dma_start3A_20 = arith.constant 0 : i32
    %dma_start3A_21 = arith.constant 0 : i32
    %dma_start3A_22 = arith.constant 1024 : i32
    %dma_start3A_23 = tpu.memref_slice %arg7[%dma_start3A_20, %dma_start3A_21, %dma_start3A_22] : memref<2x24x2048xf32, #tpu.memory_space<vmem>> -> memref<1x24x1024xf32, #tpu.memory_space<vmem>>
    %dma_start3A_24 = arith.constant 0 : i32
    %dma_start3A_25 = arith.constant 1024 : i32
    %dma_start3A_26 = tpu.memref_slice %arg2[%add3A_19, %dma_start3A_24, %dma_start3A_25] : memref<64x24x2048xf32, #tpu.memory_space<hbm>> -> memref<1x24x1024xf32, #tpu.memory_space<hbm>>
    %dma_start3A_27 = arith.constant 0 : i32
    %dma_start3A_28 = arith.constant 0 : i32
    %dma_start3A_29 = arith.constant 1024 : i32
    %dma_start3A_30 = tpu.memref_slice %arg7[%dma_start3A_27, %dma_start3A_28, %dma_start3A_29] : memref<2x24x2048xf32, #tpu.memory_space<vmem>> -> memref<1x24x1024xf32, #tpu.memory_space<vmem>>
    %dma_start3A_31 = arith.constant 0 : i32
    %dma_start3A_32 = arith.constant 1024 : i32
    %dma_start3A_33 = tpu.memref_slice %arg2[%add3A_19, %dma_start3A_31, %dma_start3A_32] : memref<64x24x2048xf32, #tpu.memory_space<hbm>> -> memref<1x24x1024xf32, #tpu.memory_space<hbm>>
    tpu.enqueue_dma source(%dma_start3A_33 : memref<1x24x1024xf32, #tpu.memory_space<hbm>>) target(%dma_start3A_30 : memref<1x24x1024xf32, #tpu.memory_space<vmem>>) target_semaphore(%arg17 : memref<!tpu.dma_semaphore, #tpu.memory_space<semaphore_mem>>)
    %add3A_34 = arith.constant 1 : i32
    %add3A_35 = arith.addi %mul3A_2, %add3A_34 : i32
    %dma_start3A_36 = arith.constant 1 : i32
    %dma_start3A_37 = arith.constant 0 : i32
    %dma_start3A_38 = arith.constant 0 : i32
    %dma_start3A_39 = tpu.memref_slice %arg7[%dma_start3A_36, %dma_start3A_37, %dma_start3A_38] : memref<2x24x2048xf32, #tpu.memory_space<vmem>> -> memref<1x24x1024xf32, #tpu.memory_space<vmem>>
    %dma_start3A_40 = arith.constant 0 : i32
    %dma_start3A_41 = arith.constant 0 : i32
    %dma_start3A_42 = tpu.memref_slice %arg2[%add3A_35, %dma_start3A_40, %dma_start3A_41] : memref<64x24x2048xf32, #tpu.memory_space<hbm>> -> memref<1x24x1024xf32, #tpu.memory_space<hbm>>
    %dma_start3A_43 = arith.constant 1 : i32
    %dma_start3A_44 = arith.constant 0 : i32
    %dma_start3A_45 = arith.constant 0 : i32
    %dma_start3A_46 = tpu.memref_slice %arg7[%dma_start3A_43, %dma_start3A_44, %dma_start3A_45] : memref<2x24x2048xf32, #tpu.memory_space<vmem>> -> memref<1x24x1024xf32, #tpu.memory_space<vmem>>
    %dma_start3A_47 = arith.constant 0 : i32
    %dma_start3A_48 = arith.constant 0 : i32
    %dma_start3A_49 = tpu.memref_slice %arg2[%add3A_35, %dma_start3A_47, %dma_start3A_48] : memref<64x24x2048xf32, #tpu.memory_space<hbm>> -> memref<1x24x1024xf32, #tpu.memory_space<hbm>>
    tpu.enqueue_dma source(%dma_start3A_49 : memref<1x24x1024xf32, #tpu.memory_space<hbm>>) target(%dma_start3A_46 : memref<1x24x1024xf32, #tpu.memory_space<vmem>>) target_semaphore(%arg18 : memref<!tpu.dma_semaphore, #tpu.memory_space<semaphore_mem>>)
    %add3A_50 = arith.constant 1 : i32
    %add3A_51 = arith.addi %mul3A_2, %add3A_50 : i32
    %dma_start3A_52 = arith.constant 1 : i32
    %dma_start3A_53 = arith.constant 0 : i32
    %dma_start3A_54 = arith.constant 1024 : i32
    %dma_start3A_55 = tpu.memref_slice %arg7[%dma_start3A_52, %dma_start3A_53, %dma_start3A_54] : memref<2x24x2048xf32, #tpu.memory_space<vmem>> -> memref<1x24x1024xf32, #tpu.memory_space<vmem>>
    %dma_start3A_56 = arith.constant 0 : i32
    %dma_start3A_57 = arith.constant 1024 : i32
    %dma_start3A_58 = tpu.memref_slice %arg2[%add3A_51, %dma_start3A_56, %dma_start3A_57] : memref<64x24x2048xf32, #tpu.memory_space<hbm>> -> memref<1x24x1024xf32, #tpu.memory_space<hbm>>
    %dma_start3A_59 = arith.constant 1 : i32
    %dma_start3A_60 = arith.constant 0 : i32
    %dma_start3A_61 = arith.constant 1024 : i32
    %dma_start3A_62 = tpu.memref_slice %arg7[%dma_start3A_59, %dma_start3A_60, %dma_start3A_61] : memref<2x24x2048xf32, #tpu.memory_space<vmem>> -> memref<1x24x1024xf32, #tpu.memory_space<vmem>>
    %dma_start3A_63 = arith.constant 0 : i32
    %dma_start3A_64 = arith.constant 1024 : i32
    %dma_start3A_65 = tpu.memref_slice %arg2[%add3A_51, %dma_start3A_63, %dma_start3A_64] : memref<64x24x2048xf32, #tpu.memory_space<hbm>> -> memref<1x24x1024xf32, #tpu.memory_space<hbm>>
    tpu.enqueue_dma source(%dma_start3A_65 : memref<1x24x1024xf32, #tpu.memory_space<hbm>>) target(%dma_start3A_62 : memref<1x24x1024xf32, #tpu.memory_space<vmem>>) target_semaphore(%arg19 : memref<!tpu.dma_semaphore, #tpu.memory_space<semaphore_mem>>)
    "tpu.region"() ({
      %run_scoped3A = tpu.sem_alloc : memref<!tpu.dma_semaphore, #tpu.memory_space<semaphore_mem>>
      %dma_start3A_912 = arith.constant 0 : i32
      %dma_start3A_913 = tpu.memref_slice %arg3[%mul3A_2, %dma_start3A_912] : memref<64x2048xi32, #tpu.memory_space<hbm>> -> memref<2x2048xi32, #tpu.memory_space<hbm>>
      %dma_start3A_914 = arith.constant 0 : i32
      %dma_start3A_915 = tpu.memref_slice %arg3[%mul3A_2, %dma_start3A_914] : memref<64x2048xi32, #tpu.memory_space<hbm>> -> memref<2x2048xi32, #tpu.memory_space<hbm>>
      tpu.enqueue_dma source(%dma_start3A_915 : memref<2x2048xi32, #tpu.memory_space<hbm>>) target(%arg8 : memref<2x2048xi32, #tpu.memory_space<vmem>>) target_semaphore(%run_scoped3A : memref<!tpu.dma_semaphore, #tpu.memory_space<semaphore_mem>>)
      %dma_wait3A_916 = arith.constant 0 : i32
      %dma_wait3A_917 = tpu.memref_slice %arg3[%mul3A_2, %dma_wait3A_916] : memref<64x2048xi32, #tpu.memory_space<hbm>> -> memref<2x2048xi32, #tpu.memory_space<hbm>>
      %dma_wait3A_918 = arith.constant 0 : i32
      %dma_wait3A_919 = tpu.memref_slice %arg3[%mul3A_2, %dma_wait3A_918] : memref<64x2048xi32, #tpu.memory_space<hbm>> -> memref<2x2048xi32, #tpu.memory_space<hbm>>
      tpu.wait_dma2 semaphore(%run_scoped3A : memref<!tpu.dma_semaphore, #tpu.memory_space<semaphore_mem>>) src(%dma_wait3A_919 : memref<2x2048xi32, #tpu.memory_space<hbm>>) dst(%arg8 : memref<2x2048xi32, #tpu.memory_space<vmem>>)
      tpu.yield
    }) : () -> ()
    "tpu.region"() ({
      %run_scoped3A = tpu.sem_alloc : memref<!tpu.dma_semaphore, #tpu.memory_space<semaphore_mem>>
      %dma_start3A_912 = arith.constant 0 : i32
      %dma_start3A_913 = tpu.memref_slice %arg4[%mul3A_2, %dma_start3A_912] : memref<64x2048xf32, #tpu.memory_space<hbm>> -> memref<2x2048xf32, #tpu.memory_space<hbm>>
      %dma_start3A_914 = arith.constant 0 : i32
      %dma_start3A_915 = tpu.memref_slice %arg4[%mul3A_2, %dma_start3A_914] : memref<64x2048xf32, #tpu.memory_space<hbm>> -> memref<2x2048xf32, #tpu.memory_space<hbm>>
      tpu.enqueue_dma source(%dma_start3A_915 : memref<2x2048xf32, #tpu.memory_space<hbm>>) target(%arg9 : memref<2x2048xf32, #tpu.memory_space<vmem>>) target_semaphore(%run_scoped3A : memref<!tpu.dma_semaphore, #tpu.memory_space<semaphore_mem>>)
      %dma_wait3A_916 = arith.constant 0 : i32
      %dma_wait3A_917 = tpu.memref_slice %arg4[%mul3A_2, %dma_wait3A_916] : memref<64x2048xf32, #tpu.memory_space<hbm>> -> memref<2x2048xf32, #tpu.memory_space<hbm>>
      %dma_wait3A_918 = arith.constant 0 : i32
      %dma_wait3A_919 = tpu.memref_slice %arg4[%mul3A_2, %dma_wait3A_918] : memref<64x2048xf32, #tpu.memory_space<hbm>> -> memref<2x2048xf32, #tpu.memory_space<hbm>>
      tpu.wait_dma2 semaphore(%run_scoped3A : memref<!tpu.dma_semaphore, #tpu.memory_space<semaphore_mem>>) src(%dma_wait3A_919 : memref<2x2048xf32, #tpu.memory_space<hbm>>) dst(%arg9 : memref<2x2048xf32, #tpu.memory_space<vmem>>)
      tpu.yield
    }) : () -> ()
    "tpu.region"() ({
      %run_scoped3A = tpu.sem_alloc : memref<!tpu.dma_semaphore, #tpu.memory_space<semaphore_mem>>
      tpu.enqueue_dma source(%arg5 : memref<24x24xf32, #tpu.memory_space<hbm>>) target(%arg10 : memref<24x24xf32, #tpu.memory_space<vmem>>) target_semaphore(%run_scoped3A : memref<!tpu.dma_semaphore, #tpu.memory_space<semaphore_mem>>)
      tpu.wait_dma2 semaphore(%run_scoped3A : memref<!tpu.dma_semaphore, #tpu.memory_space<semaphore_mem>>) src(%arg5 : memref<24x24xf32, #tpu.memory_space<hbm>>) dst(%arg10 : memref<24x24xf32, #tpu.memory_space<vmem>>)
      tpu.yield
    }) : () -> ()
    %get3A = arith.constant 0 : i32
    %get3A_66 = arith.index_cast %get3A : i32 to index
    %get3A_67 = arith.constant 0 : index
    %get3A_68 = tpu.vector_load %arg10[%get3A_66, %get3A_67] {strides = array<i32>} : memref<24x24xf32, #tpu.memory_space<vmem>>, vector<16xf32>,
    %swap3A = arith.constant 0 : index
    %swap3A_69 = tpu.vector_load %arg11[%swap3A] {strides = array<i32>} : memref<576xf32, #tpu.memory_space<vmem>>, vector<16xf32>,
    tpu.vector_store %arg11[%swap3A], %get3A_68 {strides = array<i32>} : memref<576xf32, #tpu.memory_space<vmem>>, vector<16xf32>,
    %get3A_70 = arith.constant 0 : i32
    %get3A_71 = arith.index_cast %get3A_70 : i32 to index
    %get3A_72 = arith.constant 8 : index
    %get3A_73 = tpu.vector_load %arg10[%get3A_71, %get3A_72] {strides = array<i32>} : memref<24x24xf32, #tpu.memory_space<vmem>>, vector<16xf32>,
    %swap3A_74 = arith.constant 8 : index
    %swap3A_75 = tpu.vector_load %arg11[%swap3A_74] {strides = array<i32>} : memref<576xf32, #tpu.memory_space<vmem>>, vector<16xf32>,
    tpu.vector_store %arg11[%swap3A_74], %get3A_73 {strides = array<i32>} : memref<576xf32, #tpu.memory_space<vmem>>, vector<16xf32>,
    %get3A_76 = arith.constant 1 : i32
    %get3A_77 = arith.index_cast %get3A_76 : i32 to index
    %get3A_78 = arith.constant 0 : index
    %get3A_79 = tpu.vector_load %arg10[%get3A_77, %get3A_78] {strides = array<i32>} : memref<24x24xf32, #tpu.memory_space<vmem>>, vector<16xf32>,
    %swap3A_80 = arith.constant 24 : index
    %swap3A_81 = tpu.vector_load %arg11[%swap3A_80] {strides = array<i32>} : memref<576xf32, #tpu.memory_space<vmem>>, vector<16xf32>,
    tpu.vector_store %arg11[%swap3A_80], %get3A_79 {strides = array<i32>} : memref<576xf32, #tpu.memory_space<vmem>>, vector<16xf32>,
    %get3A_82 = arith.constant 1 : i32
    %get3A_83 = arith.index_cast %get3A_82 : i32 to index
    %get3A_84 = arith.constant 8 : index
    %get3A_85 = tpu.vector_load %arg10[%get3A_83, %get3A_84] {strides = array<i32>} : memref<24x24xf32, #tpu.memory_space<vmem>>, vector<16xf32>,
    %swap3A_86 = arith.constant 32 : index
    %swap3A_87 = tpu.vector_load %arg11[%swap3A_86] {strides = array<i32>} : memref<576xf32, #tpu.memory_space<vmem>>, vector<16xf32>,
    tpu.vector_store %arg11[%swap3A_86], %get3A_85 {strides = array<i32>} : memref<576xf32, #tpu.memory_space<vmem>>, vector<16xf32>,
    %get3A_88 = arith.constant 2 : i32
    %get3A_89 = arith.index_cast %get3A_88 : i32 to index
    %get3A_90 = arith.constant 0 : index
    %get3A_91 = tpu.vector_load %arg10[%get3A_89, %get3A_90] {strides = array<i32>} : memref<24x24xf32, #tpu.memory_space<vmem>>, vector<16xf32>,
    %swap3A_92 = arith.constant 48 : index
    %swap3A_93 = tpu.vector_load %arg11[%swap3A_92] {strides = array<i32>} : memref<576xf32, #tpu.memory_space<vmem>>, vector<16xf32>,
    tpu.vector_store %arg11[%swap3A_92], %get3A_91 {strides = array<i32>} : memref<576xf32, #tpu.memory_space<vmem>>, vector<16xf32>,
    %get3A_94 = arith.constant 2 : i32
    %get3A_95 = arith.index_cast %get3A_94 : i32 to index
    %get3A_96 = arith.constant 8 : index
    %get3A_97 = tpu.vector_load %arg10[%get3A_95, %get3A_96] {strides = array<i32>} : memref<24x24xf32, #tpu.memory_space<vmem>>, vector<16xf32>,
    %swap3A_98 = arith.constant 56 : index
    %swap3A_99 = tpu.vector_load %arg11[%swap3A_98] {strides = array<i32>} : memref<576xf32, #tpu.memory_space<vmem>>, vector<16xf32>,
    tpu.vector_store %arg11[%swap3A_98], %get3A_97 {strides = array<i32>} : memref<576xf32, #tpu.memory_space<vmem>>, vector<16xf32>,
    %get3A_100 = arith.constant 3 : i32
    %get3A_101 = arith.index_cast %get3A_100 : i32 to index
    %get3A_102 = arith.constant 0 : index
    %get3A_103 = tpu.vector_load %arg10[%get3A_101, %get3A_102] {strides = array<i32>} : memref<24x24xf32, #tpu.memory_space<vmem>>, vector<16xf32>,
    %swap3A_104 = arith.constant 72 : index
    %swap3A_105 = tpu.vector_load %arg11[%swap3A_104] {strides = array<i32>} : memref<576xf32, #tpu.memory_space<vmem>>, vector<16xf32>,
    tpu.vector_store %arg11[%swap3A_104], %get3A_103 {strides = array<i32>} : memref<576xf32, #tpu.memory_space<vmem>>, vector<16xf32>,
    %get3A_106 = arith.constant 3 : i32
    %get3A_107 = arith.index_cast %get3A_106 : i32 to index
    %get3A_108 = arith.constant 8 : index
    %get3A_109 = tpu.vector_load %arg10[%get3A_107, %get3A_108] {strides = array<i32>} : memref<24x24xf32, #tpu.memory_space<vmem>>, vector<16xf32>,
    %swap3A_110 = arith.constant 80 : index
    %swap3A_111 = tpu.vector_load %arg11[%swap3A_110] {strides = array<i32>} : memref<576xf32, #tpu.memory_space<vmem>>, vector<16xf32>,
    tpu.vector_store %arg11[%swap3A_110], %get3A_109 {strides = array<i32>} : memref<576xf32, #tpu.memory_space<vmem>>, vector<16xf32>,
    %get3A_112 = arith.constant 4 : i32
    %get3A_113 = arith.index_cast %get3A_112 : i32 to index
    %get3A_114 = arith.constant 0 : index
    %get3A_115 = tpu.vector_load %arg10[%get3A_113, %get3A_114] {strides = array<i32>} : memref<24x24xf32, #tpu.memory_space<vmem>>, vector<16xf32>,
    %swap3A_116 = arith.constant 96 : index
    %swap3A_117 = tpu.vector_load %arg11[%swap3A_116] {strides = array<i32>} : memref<576xf32, #tpu.memory_space<vmem>>, vector<16xf32>,
    tpu.vector_store %arg11[%swap3A_116], %get3A_115 {strides = array<i32>} : memref<576xf32, #tpu.memory_space<vmem>>, vector<16xf32>,
    %get3A_118 = arith.constant 4 : i32
    %get3A_119 = arith.index_cast %get3A_118 : i32 to index
    %get3A_120 = arith.constant 8 : index
    %get3A_121 = tpu.vector_load %arg10[%get3A_119, %get3A_120] {strides = array<i32>} : memref<24x24xf32, #tpu.memory_space<vmem>>, vector<16xf32>,
    %swap3A_122 = arith.constant 104 : index
    %swap3A_123 = tpu.vector_load %arg11[%swap3A_122] {strides = array<i32>} : memref<576xf32, #tpu.memory_space<vmem>>, vector<16xf32>,
    tpu.vector_store %arg11[%swap3A_122], %get3A_121 {strides = array<i32>} : memref<576xf32, #tpu.memory_space<vmem>>, vector<16xf32>,
    %get3A_124 = arith.constant 5 : i32
    %get3A_125 = arith.index_cast %get3A_124 : i32 to index
    %get3A_126 = arith.constant 0 : index
    %get3A_127 = tpu.vector_load %arg10[%get3A_125, %get3A_126] {strides = array<i32>} : memref<24x24xf32, #tpu.memory_space<vmem>>, vector<16xf32>,
    %swap3A_128 = arith.constant 120 : index
    %swap3A_129 = tpu.vector_load %arg11[%swap3A_128] {strides = array<i32>} : memref<576xf32, #tpu.memory_space<vmem>>, vector<16xf32>,
    tpu.vector_store %arg11[%swap3A_128], %get3A_127 {strides = array<i32>} : memref<576xf32, #tpu.memory_space<vmem>>, vector<16xf32>,
    %get3A_130 = arith.constant 5 : i32
    %get3A_131 = arith.index_cast %get3A_130 : i32 to index
    %get3A_132 = arith.constant 8 : index
    %get3A_133 = tpu.vector_load %arg10[%get3A_131, %get3A_132] {strides = array<i32>} : memref<24x24xf32, #tpu.memory_space<vmem>>, vector<16xf32>,
    %swap3A_134 = arith.constant 128 : index
    %swap3A_135 = tpu.vector_load %arg11[%swap3A_134] {strides = array<i32>} : memref<576xf32, #tpu.memory_space<vmem>>, vector<16xf32>,
    tpu.vector_store %arg11[%swap3A_134], %get3A_133 {strides = array<i32>} : memref<576xf32, #tpu.memory_space<vmem>>, vector<16xf32>,
    %get3A_136 = arith.constant 6 : i32
    %get3A_137 = arith.index_cast %get3A_136 : i32 to index
    %get3A_138 = arith.constant 0 : index
    %get3A_139 = tpu.vector_load %arg10[%get3A_137, %get3A_138] {strides = array<i32>} : memref<24x24xf32, #tpu.memory_space<vmem>>, vector<16xf32>,
    %swap3A_140 = arith.constant 144 : index
    %swap3A_141 = tpu.vector_load %arg11[%swap3A_140] {strides = array<i32>} : memref<576xf32, #tpu.memory_space<vmem>>, vector<16xf32>,
    tpu.vector_store %arg11[%swap3A_140], %get3A_139 {strides = array<i32>} : memref<576xf32, #tpu.memory_space<vmem>>, vector<16xf32>,
    %get3A_142 = arith.constant 6 : i32
    %get3A_143 = arith.index_cast %get3A_142 : i32 to index
    %get3A_144 = arith.constant 8 : index
    %get3A_145 = tpu.vector_load %arg10[%get3A_143, %get3A_144] {strides = array<i32>} : memref<24x24xf32, #tpu.memory_space<vmem>>, vector<16xf32>,
    %swap3A_146 = arith.constant 152 : index
    %swap3A_147 = tpu.vector_load %arg11[%swap3A_146] {strides = array<i32>} : memref<576xf32, #tpu.memory_space<vmem>>, vector<16xf32>,
    tpu.vector_store %arg11[%swap3A_146], %get3A_145 {strides = array<i32>} : memref<576xf32, #tpu.memory_space<vmem>>, vector<16xf32>,
    %get3A_148 = arith.constant 7 : i32
    %get3A_149 = arith.index_cast %get3A_148 : i32 to index
    %get3A_150 = arith.constant 0 : index
    %get3A_151 = tpu.vector_load %arg10[%get3A_149, %get3A_150] {strides = array<i32>} : memref<24x24xf32, #tpu.memory_space<vmem>>, vector<16xf32>,
    %swap3A_152 = arith.constant 168 : index
    %swap3A_153 = tpu.vector_load %arg11[%swap3A_152] {strides = array<i32>} : memref<576xf32, #tpu.memory_space<vmem>>, vector<16xf32>,
    tpu.vector_store %arg11[%swap3A_152], %get3A_151 {strides = array<i32>} : memref<576xf32, #tpu.memory_space<vmem>>, vector<16xf32>,
    %get3A_154 = arith.constant 7 : i32
    %get3A_155 = arith.index_cast %get3A_154 : i32 to index
    %get3A_156 = arith.constant 8 : index
    %get3A_157 = tpu.vector_load %arg10[%get3A_155, %get3A_156] {strides = array<i32>} : memref<24x24xf32, #tpu.memory_space<vmem>>, vector<16xf32>,
    %swap3A_158 = arith.constant 176 : index
    %swap3A_159 = tpu.vector_load %arg11[%swap3A_158] {strides = array<i32>} : memref<576xf32, #tpu.memory_space<vmem>>, vector<16xf32>,
    tpu.vector_store %arg11[%swap3A_158], %get3A_157 {strides = array<i32>} : memref<576xf32, #tpu.memory_space<vmem>>, vector<16xf32>,
    %get3A_160 = arith.constant 8 : i32
    %get3A_161 = arith.index_cast %get3A_160 : i32 to index
    %get3A_162 = arith.constant 0 : index
    %get3A_163 = tpu.vector_load %arg10[%get3A_161, %get3A_162] {strides = array<i32>} : memref<24x24xf32, #tpu.memory_space<vmem>>, vector<16xf32>,
    %swap3A_164 = arith.constant 192 : index
    %swap3A_165 = tpu.vector_load %arg11[%swap3A_164] {strides = array<i32>} : memref<576xf32, #tpu.memory_space<vmem>>, vector<16xf32>,
    tpu.vector_store %arg11[%swap3A_164], %get3A_163 {strides = array<i32>} : memref<576xf32, #tpu.memory_space<vmem>>, vector<16xf32>,
    %get3A_166 = arith.constant 8 : i32
    %get3A_167 = arith.index_cast %get3A_166 : i32 to index
    %get3A_168 = arith.constant 8 : index
    %get3A_169 = tpu.vector_load %arg10[%get3A_167, %get3A_168] {strides = array<i32>} : memref<24x24xf32, #tpu.memory_space<vmem>>, vector<16xf32>,
    %swap3A_170 = arith.constant 200 : index
    %swap3A_171 = tpu.vector_load %arg11[%swap3A_170] {strides = array<i32>} : memref<576xf32, #tpu.memory_space<vmem>>, vector<16xf32>,
    tpu.vector_store %arg11[%swap3A_170], %get3A_169 {strides = array<i32>} : memref<576xf32, #tpu.memory_space<vmem>>, vector<16xf32>,
    %get3A_172 = arith.constant 9 : i32
    %get3A_173 = arith.index_cast %get3A_172 : i32 to index
    %get3A_174 = arith.constant 0 : index
    %get3A_175 = tpu.vector_load %arg10[%get3A_173, %get3A_174] {strides = array<i32>} : memref<24x24xf32, #tpu.memory_space<vmem>>, vector<16xf32>,
    %swap3A_176 = arith.constant 216 : index
    %swap3A_177 = tpu.vector_load %arg11[%swap3A_176] {strides = array<i32>} : memref<576xf32, #tpu.memory_space<vmem>>, vector<16xf32>,
    tpu.vector_store %arg11[%swap3A_176], %get3A_175 {strides = array<i32>} : memref<576xf32, #tpu.memory_space<vmem>>, vector<16xf32>,
    %get3A_178 = arith.constant 9 : i32
    %get3A_179 = arith.index_cast %get3A_178 : i32 to index
    %get3A_180 = arith.constant 8 : index
    %get3A_181 = tpu.vector_load %arg10[%get3A_179, %get3A_180] {strides = array<i32>} : memref<24x24xf32, #tpu.memory_space<vmem>>, vector<16xf32>,
    %swap3A_182 = arith.constant 224 : index
    %swap3A_183 = tpu.vector_load %arg11[%swap3A_182] {strides = array<i32>} : memref<576xf32, #tpu.memory_space<vmem>>, vector<16xf32>,
    tpu.vector_store %arg11[%swap3A_182], %get3A_181 {strides = array<i32>} : memref<576xf32, #tpu.memory_space<vmem>>, vector<16xf32>,
    %get3A_184 = arith.constant 10 : i32
    %get3A_185 = arith.index_cast %get3A_184 : i32 to index
    %get3A_186 = arith.constant 0 : index
    %get3A_187 = tpu.vector_load %arg10[%get3A_185, %get3A_186] {strides = array<i32>} : memref<24x24xf32, #tpu.memory_space<vmem>>, vector<16xf32>,
    %swap3A_188 = arith.constant 240 : index
    %swap3A_189 = tpu.vector_load %arg11[%swap3A_188] {strides = array<i32>} : memref<576xf32, #tpu.memory_space<vmem>>, vector<16xf32>,
    tpu.vector_store %arg11[%swap3A_188], %get3A_187 {strides = array<i32>} : memref<576xf32, #tpu.memory_space<vmem>>, vector<16xf32>,
    %get3A_190 = arith.constant 10 : i32
    %get3A_191 = arith.index_cast %get3A_190 : i32 to index
    %get3A_192 = arith.constant 8 : index
    %get3A_193 = tpu.vector_load %arg10[%get3A_191, %get3A_192] {strides = array<i32>} : memref<24x24xf32, #tpu.memory_space<vmem>>, vector<16xf32>,
    %swap3A_194 = arith.constant 248 : index
    %swap3A_195 = tpu.vector_load %arg11[%swap3A_194] {strides = array<i32>} : memref<576xf32, #tpu.memory_space<vmem>>, vector<16xf32>,
    tpu.vector_store %arg11[%swap3A_194], %get3A_193 {strides = array<i32>} : memref<576xf32, #tpu.memory_space<vmem>>, vector<16xf32>,
    %get3A_196 = arith.constant 11 : i32
    %get3A_197 = arith.index_cast %get3A_196 : i32 to index
    %get3A_198 = arith.constant 0 : index
    %get3A_199 = tpu.vector_load %arg10[%get3A_197, %get3A_198] {strides = array<i32>} : memref<24x24xf32, #tpu.memory_space<vmem>>, vector<16xf32>,
    %swap3A_200 = arith.constant 264 : index
    %swap3A_201 = tpu.vector_load %arg11[%swap3A_200] {strides = array<i32>} : memref<576xf32, #tpu.memory_space<vmem>>, vector<16xf32>,
    tpu.vector_store %arg11[%swap3A_200], %get3A_199 {strides = array<i32>} : memref<576xf32, #tpu.memory_space<vmem>>, vector<16xf32>,
    %get3A_202 = arith.constant 11 : i32
    %get3A_203 = arith.index_cast %get3A_202 : i32 to index
    %get3A_204 = arith.constant 8 : index
    %get3A_205 = tpu.vector_load %arg10[%get3A_203, %get3A_204] {strides = array<i32>} : memref<24x24xf32, #tpu.memory_space<vmem>>, vector<16xf32>,
    %swap3A_206 = arith.constant 272 : index
    %swap3A_207 = tpu.vector_load %arg11[%swap3A_206] {strides = array<i32>} : memref<576xf32, #tpu.memory_space<vmem>>, vector<16xf32>,
    tpu.vector_store %arg11[%swap3A_206], %get3A_205 {strides = array<i32>} : memref<576xf32, #tpu.memory_space<vmem>>, vector<16xf32>,
    %get3A_208 = arith.constant 12 : i32
    %get3A_209 = arith.index_cast %get3A_208 : i32 to index
    %get3A_210 = arith.constant 0 : index
    %get3A_211 = tpu.vector_load %arg10[%get3A_209, %get3A_210] {strides = array<i32>} : memref<24x24xf32, #tpu.memory_space<vmem>>, vector<16xf32>,
    %swap3A_212 = arith.constant 288 : index
    %swap3A_213 = tpu.vector_load %arg11[%swap3A_212] {strides = array<i32>} : memref<576xf32, #tpu.memory_space<vmem>>, vector<16xf32>,
    tpu.vector_store %arg11[%swap3A_212], %get3A_211 {strides = array<i32>} : memref<576xf32, #tpu.memory_space<vmem>>, vector<16xf32>,
    %get3A_214 = arith.constant 12 : i32
    %get3A_215 = arith.index_cast %get3A_214 : i32 to index
    %get3A_216 = arith.constant 8 : index
    %get3A_217 = tpu.vector_load %arg10[%get3A_215, %get3A_216] {strides = array<i32>} : memref<24x24xf32, #tpu.memory_space<vmem>>, vector<16xf32>,
    %swap3A_218 = arith.constant 296 : index
    %swap3A_219 = tpu.vector_load %arg11[%swap3A_218] {strides = array<i32>} : memref<576xf32, #tpu.memory_space<vmem>>, vector<16xf32>,
    tpu.vector_store %arg11[%swap3A_218], %get3A_217 {strides = array<i32>} : memref<576xf32, #tpu.memory_space<vmem>>, vector<16xf32>,
    %get3A_220 = arith.constant 13 : i32
    %get3A_221 = arith.index_cast %get3A_220 : i32 to index
    %get3A_222 = arith.constant 0 : index
    %get3A_223 = tpu.vector_load %arg10[%get3A_221, %get3A_222] {strides = array<i32>} : memref<24x24xf32, #tpu.memory_space<vmem>>, vector<16xf32>,
    %swap3A_224 = arith.constant 312 : index
    %swap3A_225 = tpu.vector_load %arg11[%swap3A_224] {strides = array<i32>} : memref<576xf32, #tpu.memory_space<vmem>>, vector<16xf32>,
    tpu.vector_store %arg11[%swap3A_224], %get3A_223 {strides = array<i32>} : memref<576xf32, #tpu.memory_space<vmem>>, vector<16xf32>,
    %get3A_226 = arith.constant 13 : i32
    %get3A_227 = arith.index_cast %get3A_226 : i32 to index
    %get3A_228 = arith.constant 8 : index
    %get3A_229 = tpu.vector_load %arg10[%get3A_227, %get3A_228] {strides = array<i32>} : memref<24x24xf32, #tpu.memory_space<vmem>>, vector<16xf32>,
    %swap3A_230 = arith.constant 320 : index
    %swap3A_231 = tpu.vector_load %arg11[%swap3A_230] {strides = array<i32>} : memref<576xf32, #tpu.memory_space<vmem>>, vector<16xf32>,
    tpu.vector_store %arg11[%swap3A_230], %get3A_229 {strides = array<i32>} : memref<576xf32, #tpu.memory_space<vmem>>, vector<16xf32>,
    %get3A_232 = arith.constant 14 : i32
    %get3A_233 = arith.index_cast %get3A_232 : i32 to index
    %get3A_234 = arith.constant 0 : index
    %get3A_235 = tpu.vector_load %arg10[%get3A_233, %get3A_234] {strides = array<i32>} : memref<24x24xf32, #tpu.memory_space<vmem>>, vector<16xf32>,
    %swap3A_236 = arith.constant 336 : index
    %swap3A_237 = tpu.vector_load %arg11[%swap3A_236] {strides = array<i32>} : memref<576xf32, #tpu.memory_space<vmem>>, vector<16xf32>,
    tpu.vector_store %arg11[%swap3A_236], %get3A_235 {strides = array<i32>} : memref<576xf32, #tpu.memory_space<vmem>>, vector<16xf32>,
    %get3A_238 = arith.constant 14 : i32
    %get3A_239 = arith.index_cast %get3A_238 : i32 to index
    %get3A_240 = arith.constant 8 : index
    %get3A_241 = tpu.vector_load %arg10[%get3A_239, %get3A_240] {strides = array<i32>} : memref<24x24xf32, #tpu.memory_space<vmem>>, vector<16xf32>,
    %swap3A_242 = arith.constant 344 : index
    %swap3A_243 = tpu.vector_load %arg11[%swap3A_242] {strides = array<i32>} : memref<576xf32, #tpu.memory_space<vmem>>, vector<16xf32>,
    tpu.vector_store %arg11[%swap3A_242], %get3A_241 {strides = array<i32>} : memref<576xf32, #tpu.memory_space<vmem>>, vector<16xf32>,
    %get3A_244 = arith.constant 15 : i32
    %get3A_245 = arith.index_cast %get3A_244 : i32 to index
    %get3A_246 = arith.constant 0 : index
    %get3A_247 = tpu.vector_load %arg10[%get3A_245, %get3A_246] {strides = array<i32>} : memref<24x24xf32, #tpu.memory_space<vmem>>, vector<16xf32>,
    %swap3A_248 = arith.constant 360 : index
    %swap3A_249 = tpu.vector_load %arg11[%swap3A_248] {strides = array<i32>} : memref<576xf32, #tpu.memory_space<vmem>>, vector<16xf32>,
    tpu.vector_store %arg11[%swap3A_248], %get3A_247 {strides = array<i32>} : memref<576xf32, #tpu.memory_space<vmem>>, vector<16xf32>,
    %get3A_250 = arith.constant 15 : i32
    %get3A_251 = arith.index_cast %get3A_250 : i32 to index
    %get3A_252 = arith.constant 8 : index
    %get3A_253 = tpu.vector_load %arg10[%get3A_251, %get3A_252] {strides = array<i32>} : memref<24x24xf32, #tpu.memory_space<vmem>>, vector<16xf32>,
    %swap3A_254 = arith.constant 368 : index
    %swap3A_255 = tpu.vector_load %arg11[%swap3A_254] {strides = array<i32>} : memref<576xf32, #tpu.memory_space<vmem>>, vector<16xf32>,
    tpu.vector_store %arg11[%swap3A_254], %get3A_253 {strides = array<i32>} : memref<576xf32, #tpu.memory_space<vmem>>, vector<16xf32>,
    %get3A_256 = arith.constant 16 : i32
    %get3A_257 = arith.index_cast %get3A_256 : i32 to index
    %get3A_258 = arith.constant 0 : index
    %get3A_259 = tpu.vector_load %arg10[%get3A_257, %get3A_258] {strides = array<i32>} : memref<24x24xf32, #tpu.memory_space<vmem>>, vector<16xf32>,
    %swap3A_260 = arith.constant 384 : index
    %swap3A_261 = tpu.vector_load %arg11[%swap3A_260] {strides = array<i32>} : memref<576xf32, #tpu.memory_space<vmem>>, vector<16xf32>,
    tpu.vector_store %arg11[%swap3A_260], %get3A_259 {strides = array<i32>} : memref<576xf32, #tpu.memory_space<vmem>>, vector<16xf32>,
    %get3A_262 = arith.constant 16 : i32
    %get3A_263 = arith.index_cast %get3A_262 : i32 to index
    %get3A_264 = arith.constant 8 : index
    %get3A_265 = tpu.vector_load %arg10[%get3A_263, %get3A_264] {strides = array<i32>} : memref<24x24xf32, #tpu.memory_space<vmem>>, vector<16xf32>,
    %swap3A_266 = arith.constant 392 : index
    %swap3A_267 = tpu.vector_load %arg11[%swap3A_266] {strides = array<i32>} : memref<576xf32, #tpu.memory_space<vmem>>, vector<16xf32>,
    tpu.vector_store %arg11[%swap3A_266], %get3A_265 {strides = array<i32>} : memref<576xf32, #tpu.memory_space<vmem>>, vector<16xf32>,
    %get3A_268 = arith.constant 17 : i32
    %get3A_269 = arith.index_cast %get3A_268 : i32 to index
    %get3A_270 = arith.constant 0 : index
    %get3A_271 = tpu.vector_load %arg10[%get3A_269, %get3A_270] {strides = array<i32>} : memref<24x24xf32, #tpu.memory_space<vmem>>, vector<16xf32>,
    %swap3A_272 = arith.constant 408 : index
    %swap3A_273 = tpu.vector_load %arg11[%swap3A_272] {strides = array<i32>} : memref<576xf32, #tpu.memory_space<vmem>>, vector<16xf32>,
    tpu.vector_store %arg11[%swap3A_272], %get3A_271 {strides = array<i32>} : memref<576xf32, #tpu.memory_space<vmem>>, vector<16xf32>,
    %get3A_274 = arith.constant 17 : i32
    %get3A_275 = arith.index_cast %get3A_274 : i32 to index
    %get3A_276 = arith.constant 8 : index
    %get3A_277 = tpu.vector_load %arg10[%get3A_275, %get3A_276] {strides = array<i32>} : memref<24x24xf32, #tpu.memory_space<vmem>>, vector<16xf32>,
    %swap3A_278 = arith.constant 416 : index
    %swap3A_279 = tpu.vector_load %arg11[%swap3A_278] {strides = array<i32>} : memref<576xf32, #tpu.memory_space<vmem>>, vector<16xf32>,
    tpu.vector_store %arg11[%swap3A_278], %get3A_277 {strides = array<i32>} : memref<576xf32, #tpu.memory_space<vmem>>, vector<16xf32>,
    %get3A_280 = arith.constant 18 : i32
    %get3A_281 = arith.index_cast %get3A_280 : i32 to index
    %get3A_282 = arith.constant 0 : index
    %get3A_283 = tpu.vector_load %arg10[%get3A_281, %get3A_282] {strides = array<i32>} : memref<24x24xf32, #tpu.memory_space<vmem>>, vector<16xf32>,
    %swap3A_284 = arith.constant 432 : index
    %swap3A_285 = tpu.vector_load %arg11[%swap3A_284] {strides = array<i32>} : memref<576xf32, #tpu.memory_space<vmem>>, vector<16xf32>,
    tpu.vector_store %arg11[%swap3A_284], %get3A_283 {strides = array<i32>} : memref<576xf32, #tpu.memory_space<vmem>>, vector<16xf32>,
    %get3A_286 = arith.constant 18 : i32
    %get3A_287 = arith.index_cast %get3A_286 : i32 to index
    %get3A_288 = arith.constant 8 : index
    %get3A_289 = tpu.vector_load %arg10[%get3A_287, %get3A_288] {strides = array<i32>} : memref<24x24xf32, #tpu.memory_space<vmem>>, vector<16xf32>,
    %swap3A_290 = arith.constant 440 : index
    %swap3A_291 = tpu.vector_load %arg11[%swap3A_290] {strides = array<i32>} : memref<576xf32, #tpu.memory_space<vmem>>, vector<16xf32>,
    tpu.vector_store %arg11[%swap3A_290], %get3A_289 {strides = array<i32>} : memref<576xf32, #tpu.memory_space<vmem>>, vector<16xf32>,
    %get3A_292 = arith.constant 19 : i32
    %get3A_293 = arith.index_cast %get3A_292 : i32 to index
    %get3A_294 = arith.constant 0 : index
    %get3A_295 = tpu.vector_load %arg10[%get3A_293, %get3A_294] {strides = array<i32>} : memref<24x24xf32, #tpu.memory_space<vmem>>, vector<16xf32>,
    %swap3A_296 = arith.constant 456 : index
    %swap3A_297 = tpu.vector_load %arg11[%swap3A_296] {strides = array<i32>} : memref<576xf32, #tpu.memory_space<vmem>>, vector<16xf32>,
    tpu.vector_store %arg11[%swap3A_296], %get3A_295 {strides = array<i32>} : memref<576xf32, #tpu.memory_space<vmem>>, vector<16xf32>,
    %get3A_298 = arith.constant 19 : i32
    %get3A_299 = arith.index_cast %get3A_298 : i32 to index
    %get3A_300 = arith.constant 8 : index
    %get3A_301 = tpu.vector_load %arg10[%get3A_299, %get3A_300] {strides = array<i32>} : memref<24x24xf32, #tpu.memory_space<vmem>>, vector<16xf32>,
    %swap3A_302 = arith.constant 464 : index
    %swap3A_303 = tpu.vector_load %arg11[%swap3A_302] {strides = array<i32>} : memref<576xf32, #tpu.memory_space<vmem>>, vector<16xf32>,
    tpu.vector_store %arg11[%swap3A_302], %get3A_301 {strides = array<i32>} : memref<576xf32, #tpu.memory_space<vmem>>, vector<16xf32>,
    %get3A_304 = arith.constant 20 : i32
    %get3A_305 = arith.index_cast %get3A_304 : i32 to index
    %get3A_306 = arith.constant 0 : index
    %get3A_307 = tpu.vector_load %arg10[%get3A_305, %get3A_306] {strides = array<i32>} : memref<24x24xf32, #tpu.memory_space<vmem>>, vector<16xf32>,
    %swap3A_308 = arith.constant 480 : index
    %swap3A_309 = tpu.vector_load %arg11[%swap3A_308] {strides = array<i32>} : memref<576xf32, #tpu.memory_space<vmem>>, vector<16xf32>,
    tpu.vector_store %arg11[%swap3A_308], %get3A_307 {strides = array<i32>} : memref<576xf32, #tpu.memory_space<vmem>>, vector<16xf32>,
    %get3A_310 = arith.constant 20 : i32
    %get3A_311 = arith.index_cast %get3A_310 : i32 to index
    %get3A_312 = arith.constant 8 : index
    %get3A_313 = tpu.vector_load %arg10[%get3A_311, %get3A_312] {strides = array<i32>} : memref<24x24xf32, #tpu.memory_space<vmem>>, vector<16xf32>,
    %swap3A_314 = arith.constant 488 : index
    %swap3A_315 = tpu.vector_load %arg11[%swap3A_314] {strides = array<i32>} : memref<576xf32, #tpu.memory_space<vmem>>, vector<16xf32>,
    tpu.vector_store %arg11[%swap3A_314], %get3A_313 {strides = array<i32>} : memref<576xf32, #tpu.memory_space<vmem>>, vector<16xf32>,
    %get3A_316 = arith.constant 21 : i32
    %get3A_317 = arith.index_cast %get3A_316 : i32 to index
    %get3A_318 = arith.constant 0 : index
    %get3A_319 = tpu.vector_load %arg10[%get3A_317, %get3A_318] {strides = array<i32>} : memref<24x24xf32, #tpu.memory_space<vmem>>, vector<16xf32>,
    %swap3A_320 = arith.constant 504 : index
    %swap3A_321 = tpu.vector_load %arg11[%swap3A_320] {strides = array<i32>} : memref<576xf32, #tpu.memory_space<vmem>>, vector<16xf32>,
    tpu.vector_store %arg11[%swap3A_320], %get3A_319 {strides = array<i32>} : memref<576xf32, #tpu.memory_space<vmem>>, vector<16xf32>,
    %get3A_322 = arith.constant 21 : i32
    %get3A_323 = arith.index_cast %get3A_322 : i32 to index
    %get3A_324 = arith.constant 8 : index
    %get3A_325 = tpu.vector_load %arg10[%get3A_323, %get3A_324] {strides = array<i32>} : memref<24x24xf32, #tpu.memory_space<vmem>>, vector<16xf32>,
    %swap3A_326 = arith.constant 512 : index
    %swap3A_327 = tpu.vector_load %arg11[%swap3A_326] {strides = array<i32>} : memref<576xf32, #tpu.memory_space<vmem>>, vector<16xf32>,
    tpu.vector_store %arg11[%swap3A_326], %get3A_325 {strides = array<i32>} : memref<576xf32, #tpu.memory_space<vmem>>, vector<16xf32>,
    %get3A_328 = arith.constant 22 : i32
    %get3A_329 = arith.index_cast %get3A_328 : i32 to index
    %get3A_330 = arith.constant 0 : index
    %get3A_331 = tpu.vector_load %arg10[%get3A_329, %get3A_330] {strides = array<i32>} : memref<24x24xf32, #tpu.memory_space<vmem>>, vector<16xf32>,
    %swap3A_332 = arith.constant 528 : index
    %swap3A_333 = tpu.vector_load %arg11[%swap3A_332] {strides = array<i32>} : memref<576xf32, #tpu.memory_space<vmem>>, vector<16xf32>,
    tpu.vector_store %arg11[%swap3A_332], %get3A_331 {strides = array<i32>} : memref<576xf32, #tpu.memory_space<vmem>>, vector<16xf32>,
    %get3A_334 = arith.constant 22 : i32
    %get3A_335 = arith.index_cast %get3A_334 : i32 to index
    %get3A_336 = arith.constant 8 : index
    %get3A_337 = tpu.vector_load %arg10[%get3A_335, %get3A_336] {strides = array<i32>} : memref<24x24xf32, #tpu.memory_space<vmem>>, vector<16xf32>,
    %swap3A_338 = arith.constant 536 : index
    %swap3A_339 = tpu.vector_load %arg11[%swap3A_338] {strides = array<i32>} : memref<576xf32, #tpu.memory_space<vmem>>, vector<16xf32>,
    tpu.vector_store %arg11[%swap3A_338], %get3A_337 {strides = array<i32>} : memref<576xf32, #tpu.memory_space<vmem>>, vector<16xf32>,
    %get3A_340 = arith.constant 23 : i32
    %get3A_341 = arith.index_cast %get3A_340 : i32 to index
    %get3A_342 = arith.constant 0 : index
    %get3A_343 = tpu.vector_load %arg10[%get3A_341, %get3A_342] {strides = array<i32>} : memref<24x24xf32, #tpu.memory_space<vmem>>, vector<16xf32>,
    %swap3A_344 = arith.constant 552 : index
    %swap3A_345 = tpu.vector_load %arg11[%swap3A_344] {strides = array<i32>} : memref<576xf32, #tpu.memory_space<vmem>>, vector<16xf32>,
    tpu.vector_store %arg11[%swap3A_344], %get3A_343 {strides = array<i32>} : memref<576xf32, #tpu.memory_space<vmem>>, vector<16xf32>,
    %get3A_346 = arith.constant 23 : i32
    %get3A_347 = arith.index_cast %get3A_346 : i32 to index
    %get3A_348 = arith.constant 8 : index
    %get3A_349 = tpu.vector_load %arg10[%get3A_347, %get3A_348] {strides = array<i32>} : memref<24x24xf32, #tpu.memory_space<vmem>>, vector<16xf32>,
    %swap3A_350 = arith.constant 560 : index
    %swap3A_351 = tpu.vector_load %arg11[%swap3A_350] {strides = array<i32>} : memref<576xf32, #tpu.memory_space<vmem>>, vector<16xf32>,
    tpu.vector_store %arg11[%swap3A_350], %get3A_349 {strides = array<i32>} : memref<576xf32, #tpu.memory_space<vmem>>, vector<16xf32>,
    %iota3A = tpu.iota {dimensions = array<i32: 0>} : vector<16xi32>
    %mul3A_352 = arith.constant 24 : i32
    %mul3A_353 = vector.broadcast %mul3A_352 : i32 to vector<16xi32>
    %mul3A_354 = arith.muli %iota3A, %mul3A_353 : vector<16xi32>
    %add3A_355 = arith.constant 0 : i32
    %add3A_356 = vector.broadcast %add3A_355 : i32 to vector<16xi32>
    %add3A_357 = arith.addi %mul3A_354, %add3A_356 : vector<16xi32>
    %gather3A = tpu.vector_load_idx %arg11[%add3A_357] : memref<576xf32, #tpu.memory_space<vmem>>[vector<16xi32>], vector<16xf32>,
    %add3A_358 = arith.constant 1 : i32
    %add3A_359 = vector.broadcast %add3A_358 : i32 to vector<16xi32>
    %add3A_360 = arith.addi %add3A_357, %add3A_359 : vector<16xi32>
    %gather3A_361 = tpu.vector_load_idx %arg11[%add3A_360] : memref<576xf32, #tpu.memory_space<vmem>>[vector<16xi32>], vector<16xf32>,
    %pack3A = tpu.pack_subelements %gather3A, %gather3A_361 {pack_format = #tpu.pack_format<interleaved>, positions = array<i32: 0, 1>} : vector<16xf32>, vector<16xf32> -> vector<32xbf16>
    %bitcast3A = vector.bitcast %pack3A : vector<32xbf16> to vector<16xi32>
    %swap3A_362 = arith.constant 0 : index
    %swap3A_363 = tpu.vector_load %arg12[%swap3A_362] {strides = array<i32>} : memref<320xi32, #tpu.memory_space<vmem>>, vector<16xi32>,
    tpu.vector_store %arg12[%swap3A_362], %bitcast3A {strides = array<i32>} : memref<320xi32, #tpu.memory_space<vmem>>, vector<16xi32>,
    %add3A_364 = arith.constant 16 : i32
    %add3A_365 = vector.broadcast %add3A_364 : i32 to vector<16xi32>
    %add3A_366 = arith.addi %iota3A, %add3A_365 : vector<16xi32>
    %mul3A_367 = arith.constant 24 : i32
    %mul3A_368 = vector.broadcast %mul3A_367 : i32 to vector<16xi32>
    %mul3A_369 = arith.muli %add3A_366, %mul3A_368 : vector<16xi32>
    %add3A_370 = arith.constant 0 : i32
    %add3A_371 = vector.broadcast %add3A_370 : i32 to vector<16xi32>
    %add3A_372 = arith.addi %mul3A_369, %add3A_371 : vector<16xi32>
    %min3A = arith.constant 575 : i32
    %min3A_373 = vector.broadcast %min3A : i32 to vector<16xi32>
    %min3A_374 = arith.minsi %add3A_372, %min3A_373 : vector<16xi32>
    %gather3A_375 = tpu.vector_load_idx %arg11[%min3A_374] : memref<576xf32, #tpu.memory_space<vmem>>[vector<16xi32>], vector<16xf32>,
    %add3A_376 = arith.constant 1 : i32
    %add3A_377 = vector.broadcast %add3A_376 : i32 to vector<16xi32>
    %add3A_378 = arith.addi %min3A_374, %add3A_377 : vector<16xi32>
    %gather3A_379 = tpu.vector_load_idx %arg11[%add3A_378] : memref<576xf32, #tpu.memory_space<vmem>>[vector<16xi32>], vector<16xf32>,
    %pack3A_380 = tpu.pack_subelements %gather3A_375, %gather3A_379 {pack_format = #tpu.pack_format<interleaved>, positions = array<i32: 0, 1>} : vector<16xf32>, vector<16xf32> -> vector<32xbf16>
    %add3A_381 = arith.constant 16 : i32
    %add3A_382 = vector.broadcast %add3A_381 : i32 to vector<16xi32>
    %add3A_383 = arith.addi %add3A_382, %iota3A : vector<16xi32>
    %bitcast3A_384 = vector.bitcast %pack3A_380 : vector<32xbf16> to vector<16xi32>
    %lt3A = arith.constant 8 : i32
    %lt3A_385 = vector.broadcast %lt3A : i32 to vector<16xi32>
    %lt3A_386 = arith.cmpi slt, %iota3A, %lt3A_385 : vector<16xi32>
    tpu.vector_store_idx %arg12[%add3A_383], %bitcast3A_384 masked %lt3A_386 : memref<320xi32, #tpu.memory_space<vmem>>[vector<16xi32>], vector<16xi32>, vector<16xi1>
    %mul3A_387 = arith.constant 24 : i32
    %mul3A_388 = vector.broadcast %mul3A_387 : i32 to vector<16xi32>
    %mul3A_389 = arith.muli %iota3A, %mul3A_388 : vector<16xi32>
    %add3A_390 = arith.constant 2 : i32
    %add3A_391 = vector.broadcast %add3A_390 : i32 to vector<16xi32>
    %add3A_392 = arith.addi %mul3A_389, %add3A_391 : vector<16xi32>
    %gather3A_393 = tpu.vector_load_idx %arg11[%add3A_392] : memref<576xf32, #tpu.memory_space<vmem>>[vector<16xi32>], vector<16xf32>,
    %add3A_394 = arith.constant 1 : i32
    %add3A_395 = vector.broadcast %add3A_394 : i32 to vector<16xi32>
    %add3A_396 = arith.addi %add3A_392, %add3A_395 : vector<16xi32>
    %gather3A_397 = tpu.vector_load_idx %arg11[%add3A_396] : memref<576xf32, #tpu.memory_space<vmem>>[vector<16xi32>], vector<16xf32>,
    %pack3A_398 = tpu.pack_subelements %gather3A_393, %gather3A_397 {pack_format = #tpu.pack_format<interleaved>, positions = array<i32: 0, 1>} : vector<16xf32>, vector<16xf32> -> vector<32xbf16>
    %bitcast3A_399 = vector.bitcast %pack3A_398 : vector<32xbf16> to vector<16xi32>
    %swap3A_400 = arith.constant 24 : index
    %swap3A_401 = tpu.vector_load %arg12[%swap3A_400] {strides = array<i32>} : memref<320xi32, #tpu.memory_space<vmem>>, vector<16xi32>,
    tpu.vector_store %arg12[%swap3A_400], %bitcast3A_399 {strides = array<i32>} : memref<320xi32, #tpu.memory_space<vmem>>, vector<16xi32>,
    %add3A_402 = arith.constant 16 : i32
    %add3A_403 = vector.broadcast %add3A_402 : i32 to vector<16xi32>
    %add3A_404 = arith.addi %iota3A, %add3A_403 : vector<16xi32>
    %mul3A_405 = arith.constant 24 : i32
    %mul3A_406 = vector.broadcast %mul3A_405 : i32 to vector<16xi32>
    %mul3A_407 = arith.muli %add3A_404, %mul3A_406 : vector<16xi32>
    %add3A_408 = arith.constant 2 : i32
    %add3A_409 = vector.broadcast %add3A_408 : i32 to vector<16xi32>
    %add3A_410 = arith.addi %mul3A_407, %add3A_409 : vector<16xi32>
    %min3A_411 = arith.constant 575 : i32
    %min3A_412 = vector.broadcast %min3A_411 : i32 to vector<16xi32>
    %min3A_413 = arith.minsi %add3A_410, %min3A_412 : vector<16xi32>
    %gather3A_414 = tpu.vector_load_idx %arg11[%min3A_413] : memref<576xf32, #tpu.memory_space<vmem>>[vector<16xi32>], vector<16xf32>,
    %add3A_415 = arith.constant 1 : i32
    %add3A_416 = vector.broadcast %add3A_415 : i32 to vector<16xi32>
    %add3A_417 = arith.addi %min3A_413, %add3A_416 : vector<16xi32>
    %gather3A_418 = tpu.vector_load_idx %arg11[%add3A_417] : memref<576xf32, #tpu.memory_space<vmem>>[vector<16xi32>], vector<16xf32>,
    %pack3A_419 = tpu.pack_subelements %gather3A_414, %gather3A_418 {pack_format = #tpu.pack_format<interleaved>, positions = array<i32: 0, 1>} : vector<16xf32>, vector<16xf32> -> vector<32xbf16>
    %add3A_420 = arith.constant 40 : i32
    %add3A_421 = vector.broadcast %add3A_420 : i32 to vector<16xi32>
    %add3A_422 = arith.addi %add3A_421, %iota3A : vector<16xi32>
    %bitcast3A_423 = vector.bitcast %pack3A_419 : vector<32xbf16> to vector<16xi32>
    %lt3A_424 = arith.constant 8 : i32
    %lt3A_425 = vector.broadcast %lt3A_424 : i32 to vector<16xi32>
    %lt3A_426 = arith.cmpi slt, %iota3A, %lt3A_425 : vector<16xi32>
    tpu.vector_store_idx %arg12[%add3A_422], %bitcast3A_423 masked %lt3A_426 : memref<320xi32, #tpu.memory_space<vmem>>[vector<16xi32>], vector<16xi32>, vector<16xi1>
    %mul3A_427 = arith.constant 24 : i32
    %mul3A_428 = vector.broadcast %mul3A_427 : i32 to vector<16xi32>
    %mul3A_429 = arith.muli %iota3A, %mul3A_428 : vector<16xi32>
    %add3A_430 = arith.constant 4 : i32
    %add3A_431 = vector.broadcast %add3A_430 : i32 to vector<16xi32>
    %add3A_432 = arith.addi %mul3A_429, %add3A_431 : vector<16xi32>
    %gather3A_433 = tpu.vector_load_idx %arg11[%add3A_432] : memref<576xf32, #tpu.memory_space<vmem>>[vector<16xi32>], vector<16xf32>,
    %add3A_434 = arith.constant 1 : i32
    %add3A_435 = vector.broadcast %add3A_434 : i32 to vector<16xi32>
    %add3A_436 = arith.addi %add3A_432, %add3A_435 : vector<16xi32>
    %gather3A_437 = tpu.vector_load_idx %arg11[%add3A_436] : memref<576xf32, #tpu.memory_space<vmem>>[vector<16xi32>], vector<16xf32>,
    %pack3A_438 = tpu.pack_subelements %gather3A_433, %gather3A_437 {pack_format = #tpu.pack_format<interleaved>, positions = array<i32: 0, 1>} : vector<16xf32>, vector<16xf32> -> vector<32xbf16>
    %bitcast3A_439 = vector.bitcast %pack3A_438 : vector<32xbf16> to vector<16xi32>
    %swap3A_440 = arith.constant 48 : index
    %swap3A_441 = tpu.vector_load %arg12[%swap3A_440] {strides = array<i32>} : memref<320xi32, #tpu.memory_space<vmem>>, vector<16xi32>,
    tpu.vector_store %arg12[%swap3A_440], %bitcast3A_439 {strides = array<i32>} : memref<320xi32, #tpu.memory_space<vmem>>, vector<16xi32>,
    %add3A_442 = arith.constant 16 : i32
    %add3A_443 = vector.broadcast %add3A_442 : i32 to vector<16xi32>
    %add3A_444 = arith.addi %iota3A, %add3A_443 : vector<16xi32>
    %mul3A_445 = arith.constant 24 : i32
    %mul3A_446 = vector.broadcast %mul3A_445 : i32 to vector<16xi32>
    %mul3A_447 = arith.muli %add3A_444, %mul3A_446 : vector<16xi32>
    %add3A_448 = arith.constant 4 : i32
    %add3A_449 = vector.broadcast %add3A_448 : i32 to vector<16xi32>
    %add3A_450 = arith.addi %mul3A_447, %add3A_449 : vector<16xi32>
    %min3A_451 = arith.constant 575 : i32
    %min3A_452 = vector.broadcast %min3A_451 : i32 to vector<16xi32>
    %min3A_453 = arith.minsi %add3A_450, %min3A_452 : vector<16xi32>
    %gather3A_454 = tpu.vector_load_idx %arg11[%min3A_453] : memref<576xf32, #tpu.memory_space<vmem>>[vector<16xi32>], vector<16xf32>,
    %add3A_455 = arith.constant 1 : i32
    %add3A_456 = vector.broadcast %add3A_455 : i32 to vector<16xi32>
    %add3A_457 = arith.addi %min3A_453, %add3A_456 : vector<16xi32>
    %gather3A_458 = tpu.vector_load_idx %arg11[%add3A_457] : memref<576xf32, #tpu.memory_space<vmem>>[vector<16xi32>], vector<16xf32>,
    %pack3A_459 = tpu.pack_subelements %gather3A_454, %gather3A_458 {pack_format = #tpu.pack_format<interleaved>, positions = array<i32: 0, 1>} : vector<16xf32>, vector<16xf32> -> vector<32xbf16>
    %add3A_460 = arith.constant 64 : i32
    %add3A_461 = vector.broadcast %add3A_460 : i32 to vector<16xi32>
    %add3A_462 = arith.addi %add3A_461, %iota3A : vector<16xi32>
    %bitcast3A_463 = vector.bitcast %pack3A_459 : vector<32xbf16> to vector<16xi32>
    %lt3A_464 = arith.constant 8 : i32
    %lt3A_465 = vector.broadcast %lt3A_464 : i32 to vector<16xi32>
    %lt3A_466 = arith.cmpi slt, %iota3A, %lt3A_465 : vector<16xi32>
    tpu.vector_store_idx %arg12[%add3A_462], %bitcast3A_463 masked %lt3A_466 : memref<320xi32, #tpu.memory_space<vmem>>[vector<16xi32>], vector<16xi32>, vector<16xi1>
    %mul3A_467 = arith.constant 24 : i32
    %mul3A_468 = vector.broadcast %mul3A_467 : i32 to vector<16xi32>
    %mul3A_469 = arith.muli %iota3A, %mul3A_468 : vector<16xi32>
    %add3A_470 = arith.constant 6 : i32
    %add3A_471 = vector.broadcast %add3A_470 : i32 to vector<16xi32>
    %add3A_472 = arith.addi %mul3A_469, %add3A_471 : vector<16xi32>
    %gather3A_473 = tpu.vector_load_idx %arg11[%add3A_472] : memref<576xf32, #tpu.memory_space<vmem>>[vector<16xi32>], vector<16xf32>,
    %add3A_474 = arith.constant 1 : i32
    %add3A_475 = vector.broadcast %add3A_474 : i32 to vector<16xi32>
    %add3A_476 = arith.addi %add3A_472, %add3A_475 : vector<16xi32>
    %gather3A_477 = tpu.vector_load_idx %arg11[%add3A_476] : memref<576xf32, #tpu.memory_space<vmem>>[vector<16xi32>], vector<16xf32>,
    %pack3A_478 = tpu.pack_subelements %gather3A_473, %gather3A_477 {pack_format = #tpu.pack_format<interleaved>, positions = array<i32: 0, 1>} : vector<16xf32>, vector<16xf32> -> vector<32xbf16>
    %bitcast3A_479 = vector.bitcast %pack3A_478 : vector<32xbf16> to vector<16xi32>
    %swap3A_480 = arith.constant 72 : index
    %swap3A_481 = tpu.vector_load %arg12[%swap3A_480] {strides = array<i32>} : memref<320xi32, #tpu.memory_space<vmem>>, vector<16xi32>,
    tpu.vector_store %arg12[%swap3A_480], %bitcast3A_479 {strides = array<i32>} : memref<320xi32, #tpu.memory_space<vmem>>, vector<16xi32>,
    %add3A_482 = arith.constant 16 : i32
    %add3A_483 = vector.broadcast %add3A_482 : i32 to vector<16xi32>
    %add3A_484 = arith.addi %iota3A, %add3A_483 : vector<16xi32>
    %mul3A_485 = arith.constant 24 : i32
    %mul3A_486 = vector.broadcast %mul3A_485 : i32 to vector<16xi32>
    %mul3A_487 = arith.muli %add3A_484, %mul3A_486 : vector<16xi32>
    %add3A_488 = arith.constant 6 : i32
    %add3A_489 = vector.broadcast %add3A_488 : i32 to vector<16xi32>
    %add3A_490 = arith.addi %mul3A_487, %add3A_489 : vector<16xi32>
    %min3A_491 = arith.constant 575 : i32
    %min3A_492 = vector.broadcast %min3A_491 : i32 to vector<16xi32>
    %min3A_493 = arith.minsi %add3A_490, %min3A_492 : vector<16xi32>
    %gather3A_494 = tpu.vector_load_idx %arg11[%min3A_493] : memref<576xf32, #tpu.memory_space<vmem>>[vector<16xi32>], vector<16xf32>,
    %add3A_495 = arith.constant 1 : i32
    %add3A_496 = vector.broadcast %add3A_495 : i32 to vector<16xi32>
    %add3A_497 = arith.addi %min3A_493, %add3A_496 : vector<16xi32>
    %gather3A_498 = tpu.vector_load_idx %arg11[%add3A_497] : memref<576xf32, #tpu.memory_space<vmem>>[vector<16xi32>], vector<16xf32>,
    %pack3A_499 = tpu.pack_subelements %gather3A_494, %gather3A_498 {pack_format = #tpu.pack_format<interleaved>, positions = array<i32: 0, 1>} : vector<16xf32>, vector<16xf32> -> vector<32xbf16>
    %add3A_500 = arith.constant 88 : i32
    %add3A_501 = vector.broadcast %add3A_500 : i32 to vector<16xi32>
    %add3A_502 = arith.addi %add3A_501, %iota3A : vector<16xi32>
    %bitcast3A_503 = vector.bitcast %pack3A_499 : vector<32xbf16> to vector<16xi32>
    %lt3A_504 = arith.constant 8 : i32
    %lt3A_505 = vector.broadcast %lt3A_504 : i32 to vector<16xi32>
    %lt3A_506 = arith.cmpi slt, %iota3A, %lt3A_505 : vector<16xi32>
    tpu.vector_store_idx %arg12[%add3A_502], %bitcast3A_503 masked %lt3A_506 : memref<320xi32, #tpu.memory_space<vmem>>[vector<16xi32>], vector<16xi32>, vector<16xi1>
    %mul3A_507 = arith.constant 24 : i32
    %mul3A_508 = vector.broadcast %mul3A_507 : i32 to vector<16xi32>
    %mul3A_509 = arith.muli %iota3A, %mul3A_508 : vector<16xi32>
    %add3A_510 = arith.constant 8 : i32
    %add3A_511 = vector.broadcast %add3A_510 : i32 to vector<16xi32>
    %add3A_512 = arith.addi %mul3A_509, %add3A_511 : vector<16xi32>
    %gather3A_513 = tpu.vector_load_idx %arg11[%add3A_512] : memref<576xf32, #tpu.memory_space<vmem>>[vector<16xi32>], vector<16xf32>,
    %add3A_514 = arith.constant 1 : i32
    %add3A_515 = vector.broadcast %add3A_514 : i32 to vector<16xi32>
    %add3A_516 = arith.addi %add3A_512, %add3A_515 : vector<16xi32>
    %gather3A_517 = tpu.vector_load_idx %arg11[%add3A_516] : memref<576xf32, #tpu.memory_space<vmem>>[vector<16xi32>], vector<16xf32>,
    %pack3A_518 = tpu.pack_subelements %gather3A_513, %gather3A_517 {pack_format = #tpu.pack_format<interleaved>, positions = array<i32: 0, 1>} : vector<16xf32>, vector<16xf32> -> vector<32xbf16>
    %bitcast3A_519 = vector.bitcast %pack3A_518 : vector<32xbf16> to vector<16xi32>
    %swap3A_520 = arith.constant 96 : index
    %swap3A_521 = tpu.vector_load %arg12[%swap3A_520] {strides = array<i32>} : memref<320xi32, #tpu.memory_space<vmem>>, vector<16xi32>,
    tpu.vector_store %arg12[%swap3A_520], %bitcast3A_519 {strides = array<i32>} : memref<320xi32, #tpu.memory_space<vmem>>, vector<16xi32>,
    %add3A_522 = arith.constant 16 : i32
    %add3A_523 = vector.broadcast %add3A_522 : i32 to vector<16xi32>
    %add3A_524 = arith.addi %iota3A, %add3A_523 : vector<16xi32>
    %mul3A_525 = arith.constant 24 : i32
    %mul3A_526 = vector.broadcast %mul3A_525 : i32 to vector<16xi32>
    %mul3A_527 = arith.muli %add3A_524, %mul3A_526 : vector<16xi32>
    %add3A_528 = arith.constant 8 : i32
    %add3A_529 = vector.broadcast %add3A_528 : i32 to vector<16xi32>
    %add3A_530 = arith.addi %mul3A_527, %add3A_529 : vector<16xi32>
    %min3A_531 = arith.constant 575 : i32
    %min3A_532 = vector.broadcast %min3A_531 : i32 to vector<16xi32>
    %min3A_533 = arith.minsi %add3A_530, %min3A_532 : vector<16xi32>
    %gather3A_534 = tpu.vector_load_idx %arg11[%min3A_533] : memref<576xf32, #tpu.memory_space<vmem>>[vector<16xi32>], vector<16xf32>,
    %add3A_535 = arith.constant 1 : i32
    %add3A_536 = vector.broadcast %add3A_535 : i32 to vector<16xi32>
    %add3A_537 = arith.addi %min3A_533, %add3A_536 : vector<16xi32>
    %gather3A_538 = tpu.vector_load_idx %arg11[%add3A_537] : memref<576xf32, #tpu.memory_space<vmem>>[vector<16xi32>], vector<16xf32>,
    %pack3A_539 = tpu.pack_subelements %gather3A_534, %gather3A_538 {pack_format = #tpu.pack_format<interleaved>, positions = array<i32: 0, 1>} : vector<16xf32>, vector<16xf32> -> vector<32xbf16>
    %add3A_540 = arith.constant 112 : i32
    %add3A_541 = vector.broadcast %add3A_540 : i32 to vector<16xi32>
    %add3A_542 = arith.addi %add3A_541, %iota3A : vector<16xi32>
    %bitcast3A_543 = vector.bitcast %pack3A_539 : vector<32xbf16> to vector<16xi32>
    %lt3A_544 = arith.constant 8 : i32
    %lt3A_545 = vector.broadcast %lt3A_544 : i32 to vector<16xi32>
    %lt3A_546 = arith.cmpi slt, %iota3A, %lt3A_545 : vector<16xi32>
    tpu.vector_store_idx %arg12[%add3A_542], %bitcast3A_543 masked %lt3A_546 : memref<320xi32, #tpu.memory_space<vmem>>[vector<16xi32>], vector<16xi32>, vector<16xi1>
    %mul3A_547 = arith.constant 24 : i32
    %mul3A_548 = vector.broadcast %mul3A_547 : i32 to vector<16xi32>
    %mul3A_549 = arith.muli %iota3A, %mul3A_548 : vector<16xi32>
    %add3A_550 = arith.constant 10 : i32
    %add3A_551 = vector.broadcast %add3A_550 : i32 to vector<16xi32>
    %add3A_552 = arith.addi %mul3A_549, %add3A_551 : vector<16xi32>
    %gather3A_553 = tpu.vector_load_idx %arg11[%add3A_552] : memref<576xf32, #tpu.memory_space<vmem>>[vector<16xi32>], vector<16xf32>,
    %add3A_554 = arith.constant 1 : i32
    %add3A_555 = vector.broadcast %add3A_554 : i32 to vector<16xi32>
    %add3A_556 = arith.addi %add3A_552, %add3A_555 : vector<16xi32>
    %gather3A_557 = tpu.vector_load_idx %arg11[%add3A_556] : memref<576xf32, #tpu.memory_space<vmem>>[vector<16xi32>], vector<16xf32>,
    %pack3A_558 = tpu.pack_subelements %gather3A_553, %gather3A_557 {pack_format = #tpu.pack_format<interleaved>, positions = array<i32: 0, 1>} : vector<16xf32>, vector<16xf32> -> vector<32xbf16>
    %bitcast3A_559 = vector.bitcast %pack3A_558 : vector<32xbf16> to vector<16xi32>
    %swap3A_560 = arith.constant 120 : index
    %swap3A_561 = tpu.vector_load %arg12[%swap3A_560] {strides = array<i32>} : memref<320xi32, #tpu.memory_space<vmem>>, vector<16xi32>,
    tpu.vector_store %arg12[%swap3A_560], %bitcast3A_559 {strides = array<i32>} : memref<320xi32, #tpu.memory_space<vmem>>, vector<16xi32>,
    %add3A_562 = arith.constant 16 : i32
    %add3A_563 = vector.broadcast %add3A_562 : i32 to vector<16xi32>
    %add3A_564 = arith.addi %iota3A, %add3A_563 : vector<16xi32>
    %mul3A_565 = arith.constant 24 : i32
    %mul3A_566 = vector.broadcast %mul3A_565 : i32 to vector<16xi32>
    %mul3A_567 = arith.muli %add3A_564, %mul3A_566 : vector<16xi32>
    %add3A_568 = arith.constant 10 : i32
    %add3A_569 = vector.broadcast %add3A_568 : i32 to vector<16xi32>
    %add3A_570 = arith.addi %mul3A_567, %add3A_569 : vector<16xi32>
    %min3A_571 = arith.constant 575 : i32
    %min3A_572 = vector.broadcast %min3A_571 : i32 to vector<16xi32>
    %min3A_573 = arith.minsi %add3A_570, %min3A_572 : vector<16xi32>
    %gather3A_574 = tpu.vector_load_idx %arg11[%min3A_573] : memref<576xf32, #tpu.memory_space<vmem>>[vector<16xi32>], vector<16xf32>,
    %add3A_575 = arith.constant 1 : i32
    %add3A_576 = vector.broadcast %add3A_575 : i32 to vector<16xi32>
    %add3A_577 = arith.addi %min3A_573, %add3A_576 : vector<16xi32>
    %gather3A_578 = tpu.vector_load_idx %arg11[%add3A_577] : memref<576xf32, #tpu.memory_space<vmem>>[vector<16xi32>], vector<16xf32>,
    %pack3A_579 = tpu.pack_subelements %gather3A_574, %gather3A_578 {pack_format = #tpu.pack_format<interleaved>, positions = array<i32: 0, 1>} : vector<16xf32>, vector<16xf32> -> vector<32xbf16>
    %add3A_580 = arith.constant 136 : i32
    %add3A_581 = vector.broadcast %add3A_580 : i32 to vector<16xi32>
    %add3A_582 = arith.addi %add3A_581, %iota3A : vector<16xi32>
    %bitcast3A_583 = vector.bitcast %pack3A_579 : vector<32xbf16> to vector<16xi32>
    %lt3A_584 = arith.constant 8 : i32
    %lt3A_585 = vector.broadcast %lt3A_584 : i32 to vector<16xi32>
    %lt3A_586 = arith.cmpi slt, %iota3A, %lt3A_585 : vector<16xi32>
    tpu.vector_store_idx %arg12[%add3A_582], %bitcast3A_583 masked %lt3A_586 : memref<320xi32, #tpu.memory_space<vmem>>[vector<16xi32>], vector<16xi32>, vector<16xi1>
    %mul3A_587 = arith.constant 24 : i32
    %mul3A_588 = vector.broadcast %mul3A_587 : i32 to vector<16xi32>
    %mul3A_589 = arith.muli %iota3A, %mul3A_588 : vector<16xi32>
    %add3A_590 = arith.constant 12 : i32
    %add3A_591 = vector.broadcast %add3A_590 : i32 to vector<16xi32>
    %add3A_592 = arith.addi %mul3A_589, %add3A_591 : vector<16xi32>
    %gather3A_593 = tpu.vector_load_idx %arg11[%add3A_592] : memref<576xf32, #tpu.memory_space<vmem>>[vector<16xi32>], vector<16xf32>,
    %add3A_594 = arith.constant 1 : i32
    %add3A_595 = vector.broadcast %add3A_594 : i32 to vector<16xi32>
    %add3A_596 = arith.addi %add3A_592, %add3A_595 : vector<16xi32>
    %gather3A_597 = tpu.vector_load_idx %arg11[%add3A_596] : memref<576xf32, #tpu.memory_space<vmem>>[vector<16xi32>], vector<16xf32>,
    %pack3A_598 = tpu.pack_subelements %gather3A_593, %gather3A_597 {pack_format = #tpu.pack_format<interleaved>, positions = array<i32: 0, 1>} : vector<16xf32>, vector<16xf32> -> vector<32xbf16>
    %bitcast3A_599 = vector.bitcast %pack3A_598 : vector<32xbf16> to vector<16xi32>
    %swap3A_600 = arith.constant 144 : index
    %swap3A_601 = tpu.vector_load %arg12[%swap3A_600] {strides = array<i32>} : memref<320xi32, #tpu.memory_space<vmem>>, vector<16xi32>,
    tpu.vector_store %arg12[%swap3A_600], %bitcast3A_599 {strides = array<i32>} : memref<320xi32, #tpu.memory_space<vmem>>, vector<16xi32>,
    %add3A_602 = arith.constant 16 : i32
    %add3A_603 = vector.broadcast %add3A_602 : i32 to vector<16xi32>
    %add3A_604 = arith.addi %iota3A, %add3A_603 : vector<16xi32>
    %mul3A_605 = arith.constant 24 : i32
    %mul3A_606 = vector.broadcast %mul3A_605 : i32 to vector<16xi32>
    %mul3A_607 = arith.muli %add3A_604, %mul3A_606 : vector<16xi32>
    %add3A_608 = arith.constant 12 : i32
    %add3A_609 = vector.broadcast %add3A_608 : i32 to vector<16xi32>
    %add3A_610 = arith.addi %mul3A_607, %add3A_609 : vector<16xi32>
    %min3A_611 = arith.constant 575 : i32
    %min3A_612 = vector.broadcast %min3A_611 : i32 to vector<16xi32>
    %min3A_613 = arith.minsi %add3A_610, %min3A_612 : vector<16xi32>
    %gather3A_614 = tpu.vector_load_idx %arg11[%min3A_613] : memref<576xf32, #tpu.memory_space<vmem>>[vector<16xi32>], vector<16xf32>,
    %add3A_615 = arith.constant 1 : i32
    %add3A_616 = vector.broadcast %add3A_615 : i32 to vector<16xi32>
    %add3A_617 = arith.addi %min3A_613, %add3A_616 : vector<16xi32>
    %gather3A_618 = tpu.vector_load_idx %arg11[%add3A_617] : memref<576xf32, #tpu.memory_space<vmem>>[vector<16xi32>], vector<16xf32>,
    %pack3A_619 = tpu.pack_subelements %gather3A_614, %gather3A_618 {pack_format = #tpu.pack_format<interleaved>, positions = array<i32: 0, 1>} : vector<16xf32>, vector<16xf32> -> vector<32xbf16>
    %add3A_620 = arith.constant 160 : i32
    %add3A_621 = vector.broadcast %add3A_620 : i32 to vector<16xi32>
    %add3A_622 = arith.addi %add3A_621, %iota3A : vector<16xi32>
    %bitcast3A_623 = vector.bitcast %pack3A_619 : vector<32xbf16> to vector<16xi32>
    %lt3A_624 = arith.constant 8 : i32
    %lt3A_625 = vector.broadcast %lt3A_624 : i32 to vector<16xi32>
    %lt3A_626 = arith.cmpi slt, %iota3A, %lt3A_625 : vector<16xi32>
    tpu.vector_store_idx %arg12[%add3A_622], %bitcast3A_623 masked %lt3A_626 : memref<320xi32, #tpu.memory_space<vmem>>[vector<16xi32>], vector<16xi32>, vector<16xi1>
    %mul3A_627 = arith.constant 24 : i32
    %mul3A_628 = vector.broadcast %mul3A_627 : i32 to vector<16xi32>
    %mul3A_629 = arith.muli %iota3A, %mul3A_628 : vector<16xi32>
    %add3A_630 = arith.constant 14 : i32
    %add3A_631 = vector.broadcast %add3A_630 : i32 to vector<16xi32>
    %add3A_632 = arith.addi %mul3A_629, %add3A_631 : vector<16xi32>
    %gather3A_633 = tpu.vector_load_idx %arg11[%add3A_632] : memref<576xf32, #tpu.memory_space<vmem>>[vector<16xi32>], vector<16xf32>,
    %add3A_634 = arith.constant 1 : i32
    %add3A_635 = vector.broadcast %add3A_634 : i32 to vector<16xi32>
    %add3A_636 = arith.addi %add3A_632, %add3A_635 : vector<16xi32>
    %gather3A_637 = tpu.vector_load_idx %arg11[%add3A_636] : memref<576xf32, #tpu.memory_space<vmem>>[vector<16xi32>], vector<16xf32>,
    %pack3A_638 = tpu.pack_subelements %gather3A_633, %gather3A_637 {pack_format = #tpu.pack_format<interleaved>, positions = array<i32: 0, 1>} : vector<16xf32>, vector<16xf32> -> vector<32xbf16>
    %bitcast3A_639 = vector.bitcast %pack3A_638 : vector<32xbf16> to vector<16xi32>
    %swap3A_640 = arith.constant 168 : index
    %swap3A_641 = tpu.vector_load %arg12[%swap3A_640] {strides = array<i32>} : memref<320xi32, #tpu.memory_space<vmem>>, vector<16xi32>,
    tpu.vector_store %arg12[%swap3A_640], %bitcast3A_639 {strides = array<i32>} : memref<320xi32, #tpu.memory_space<vmem>>, vector<16xi32>,
    %add3A_642 = arith.constant 16 : i32
    %add3A_643 = vector.broadcast %add3A_642 : i32 to vector<16xi32>
    %add3A_644 = arith.addi %iota3A, %add3A_643 : vector<16xi32>
    %mul3A_645 = arith.constant 24 : i32
    %mul3A_646 = vector.broadcast %mul3A_645 : i32 to vector<16xi32>
    %mul3A_647 = arith.muli %add3A_644, %mul3A_646 : vector<16xi32>
    %add3A_648 = arith.constant 14 : i32
    %add3A_649 = vector.broadcast %add3A_648 : i32 to vector<16xi32>
    %add3A_650 = arith.addi %mul3A_647, %add3A_649 : vector<16xi32>
    %min3A_651 = arith.constant 575 : i32
    %min3A_652 = vector.broadcast %min3A_651 : i32 to vector<16xi32>
    %min3A_653 = arith.minsi %add3A_650, %min3A_652 : vector<16xi32>
    %gather3A_654 = tpu.vector_load_idx %arg11[%min3A_653] : memref<576xf32, #tpu.memory_space<vmem>>[vector<16xi32>], vector<16xf32>,
    %add3A_655 = arith.constant 1 : i32
    %add3A_656 = vector.broadcast %add3A_655 : i32 to vector<16xi32>
    %add3A_657 = arith.addi %min3A_653, %add3A_656 : vector<16xi32>
    %gather3A_658 = tpu.vector_load_idx %arg11[%add3A_657] : memref<576xf32, #tpu.memory_space<vmem>>[vector<16xi32>], vector<16xf32>,
    %pack3A_659 = tpu.pack_subelements %gather3A_654, %gather3A_658 {pack_format = #tpu.pack_format<interleaved>, positions = array<i32: 0, 1>} : vector<16xf32>, vector<16xf32> -> vector<32xbf16>
    %add3A_660 = arith.constant 184 : i32
    %add3A_661 = vector.broadcast %add3A_660 : i32 to vector<16xi32>
    %add3A_662 = arith.addi %add3A_661, %iota3A : vector<16xi32>
    %bitcast3A_663 = vector.bitcast %pack3A_659 : vector<32xbf16> to vector<16xi32>
    %lt3A_664 = arith.constant 8 : i32
    %lt3A_665 = vector.broadcast %lt3A_664 : i32 to vector<16xi32>
    %lt3A_666 = arith.cmpi slt, %iota3A, %lt3A_665 : vector<16xi32>
    tpu.vector_store_idx %arg12[%add3A_662], %bitcast3A_663 masked %lt3A_666 : memref<320xi32, #tpu.memory_space<vmem>>[vector<16xi32>], vector<16xi32>, vector<16xi1>
    %mul3A_667 = arith.constant 24 : i32
    %mul3A_668 = vector.broadcast %mul3A_667 : i32 to vector<16xi32>
    %mul3A_669 = arith.muli %iota3A, %mul3A_668 : vector<16xi32>
    %add3A_670 = arith.constant 16 : i32
    %add3A_671 = vector.broadcast %add3A_670 : i32 to vector<16xi32>
    %add3A_672 = arith.addi %mul3A_669, %add3A_671 : vector<16xi32>
    %gather3A_673 = tpu.vector_load_idx %arg11[%add3A_672] : memref<576xf32, #tpu.memory_space<vmem>>[vector<16xi32>], vector<16xf32>,
    %add3A_674 = arith.constant 1 : i32
    %add3A_675 = vector.broadcast %add3A_674 : i32 to vector<16xi32>
    %add3A_676 = arith.addi %add3A_672, %add3A_675 : vector<16xi32>
    %gather3A_677 = tpu.vector_load_idx %arg11[%add3A_676] : memref<576xf32, #tpu.memory_space<vmem>>[vector<16xi32>], vector<16xf32>,
    %pack3A_678 = tpu.pack_subelements %gather3A_673, %gather3A_677 {pack_format = #tpu.pack_format<interleaved>, positions = array<i32: 0, 1>} : vector<16xf32>, vector<16xf32> -> vector<32xbf16>
    %bitcast3A_679 = vector.bitcast %pack3A_678 : vector<32xbf16> to vector<16xi32>
    %swap3A_680 = arith.constant 192 : index
    %swap3A_681 = tpu.vector_load %arg12[%swap3A_680] {strides = array<i32>} : memref<320xi32, #tpu.memory_space<vmem>>, vector<16xi32>,
    tpu.vector_store %arg12[%swap3A_680], %bitcast3A_679 {strides = array<i32>} : memref<320xi32, #tpu.memory_space<vmem>>, vector<16xi32>,
    %add3A_682 = arith.constant 16 : i32
    %add3A_683 = vector.broadcast %add3A_682 : i32 to vector<16xi32>
    %add3A_684 = arith.addi %iota3A, %add3A_683 : vector<16xi32>
    %mul3A_685 = arith.constant 24 : i32
    %mul3A_686 = vector.broadcast %mul3A_685 : i32 to vector<16xi32>
    %mul3A_687 = arith.muli %add3A_684, %mul3A_686 : vector<16xi32>
    %add3A_688 = arith.constant 16 : i32
    %add3A_689 = vector.broadcast %add3A_688 : i32 to vector<16xi32>
    %add3A_690 = arith.addi %mul3A_687, %add3A_689 : vector<16xi32>
    %min3A_691 = arith.constant 575 : i32
    %min3A_692 = vector.broadcast %min3A_691 : i32 to vector<16xi32>
    %min3A_693 = arith.minsi %add3A_690, %min3A_692 : vector<16xi32>
    %gather3A_694 = tpu.vector_load_idx %arg11[%min3A_693] : memref<576xf32, #tpu.memory_space<vmem>>[vector<16xi32>], vector<16xf32>,
    %add3A_695 = arith.constant 1 : i32
    %add3A_696 = vector.broadcast %add3A_695 : i32 to vector<16xi32>
    %add3A_697 = arith.addi %min3A_693, %add3A_696 : vector<16xi32>
    %gather3A_698 = tpu.vector_load_idx %arg11[%add3A_697] : memref<576xf32, #tpu.memory_space<vmem>>[vector<16xi32>], vector<16xf32>,
    %pack3A_699 = tpu.pack_subelements %gather3A_694, %gather3A_698 {pack_format = #tpu.pack_format<interleaved>, positions = array<i32: 0, 1>} : vector<16xf32>, vector<16xf32> -> vector<32xbf16>
    %add3A_700 = arith.constant 208 : i32
    %add3A_701 = vector.broadcast %add3A_700 : i32 to vector<16xi32>
    %add3A_702 = arith.addi %add3A_701, %iota3A : vector<16xi32>
    %bitcast3A_703 = vector.bitcast %pack3A_699 : vector<32xbf16> to vector<16xi32>
    %lt3A_704 = arith.constant 8 : i32
    %lt3A_705 = vector.broadcast %lt3A_704 : i32 to vector<16xi32>
    %lt3A_706 = arith.cmpi slt, %iota3A, %lt3A_705 : vector<16xi32>
    tpu.vector_store_idx %arg12[%add3A_702], %bitcast3A_703 masked %lt3A_706 : memref<320xi32, #tpu.memory_space<vmem>>[vector<16xi32>], vector<16xi32>, vector<16xi1>
    %mul3A_707 = arith.constant 24 : i32
    %mul3A_708 = vector.broadcast %mul3A_707 : i32 to vector<16xi32>
    %mul3A_709 = arith.muli %iota3A, %mul3A_708 : vector<16xi32>
    %add3A_710 = arith.constant 18 : i32
    %add3A_711 = vector.broadcast %add3A_710 : i32 to vector<16xi32>
    %add3A_712 = arith.addi %mul3A_709, %add3A_711 : vector<16xi32>
    %gather3A_713 = tpu.vector_load_idx %arg11[%add3A_712] : memref<576xf32, #tpu.memory_space<vmem>>[vector<16xi32>], vector<16xf32>,
    %add3A_714 = arith.constant 1 : i32
    %add3A_715 = vector.broadcast %add3A_714 : i32 to vector<16xi32>
    %add3A_716 = arith.addi %add3A_712, %add3A_715 : vector<16xi32>
    %gather3A_717 = tpu.vector_load_idx %arg11[%add3A_716] : memref<576xf32, #tpu.memory_space<vmem>>[vector<16xi32>], vector<16xf32>,
    %pack3A_718 = tpu.pack_subelements %gather3A_713, %gather3A_717 {pack_format = #tpu.pack_format<interleaved>, positions = array<i32: 0, 1>} : vector<16xf32>, vector<16xf32> -> vector<32xbf16>
    %bitcast3A_719 = vector.bitcast %pack3A_718 : vector<32xbf16> to vector<16xi32>
    %swap3A_720 = arith.constant 216 : index
    %swap3A_721 = tpu.vector_load %arg12[%swap3A_720] {strides = array<i32>} : memref<320xi32, #tpu.memory_space<vmem>>, vector<16xi32>,
    tpu.vector_store %arg12[%swap3A_720], %bitcast3A_719 {strides = array<i32>} : memref<320xi32, #tpu.memory_space<vmem>>, vector<16xi32>,
    %add3A_722 = arith.constant 16 : i32
    %add3A_723 = vector.broadcast %add3A_722 : i32 to vector<16xi32>
    %add3A_724 = arith.addi %iota3A, %add3A_723 : vector<16xi32>
    %mul3A_725 = arith.constant 24 : i32
    %mul3A_726 = vector.broadcast %mul3A_725 : i32 to vector<16xi32>
    %mul3A_727 = arith.muli %add3A_724, %mul3A_726 : vector<16xi32>
    %add3A_728 = arith.constant 18 : i32
    %add3A_729 = vector.broadcast %add3A_728 : i32 to vector<16xi32>
    %add3A_730 = arith.addi %mul3A_727, %add3A_729 : vector<16xi32>
    %min3A_731 = arith.constant 575 : i32
    %min3A_732 = vector.broadcast %min3A_731 : i32 to vector<16xi32>
    %min3A_733 = arith.minsi %add3A_730, %min3A_732 : vector<16xi32>
    %gather3A_734 = tpu.vector_load_idx %arg11[%min3A_733] : memref<576xf32, #tpu.memory_space<vmem>>[vector<16xi32>], vector<16xf32>,
    %add3A_735 = arith.constant 1 : i32
    %add3A_736 = vector.broadcast %add3A_735 : i32 to vector<16xi32>
    %add3A_737 = arith.addi %min3A_733, %add3A_736 : vector<16xi32>
    %gather3A_738 = tpu.vector_load_idx %arg11[%add3A_737] : memref<576xf32, #tpu.memory_space<vmem>>[vector<16xi32>], vector<16xf32>,
    %pack3A_739 = tpu.pack_subelements %gather3A_734, %gather3A_738 {pack_format = #tpu.pack_format<interleaved>, positions = array<i32: 0, 1>} : vector<16xf32>, vector<16xf32> -> vector<32xbf16>
    %add3A_740 = arith.constant 232 : i32
    %add3A_741 = vector.broadcast %add3A_740 : i32 to vector<16xi32>
    %add3A_742 = arith.addi %add3A_741, %iota3A : vector<16xi32>
    %bitcast3A_743 = vector.bitcast %pack3A_739 : vector<32xbf16> to vector<16xi32>
    %lt3A_744 = arith.constant 8 : i32
    %lt3A_745 = vector.broadcast %lt3A_744 : i32 to vector<16xi32>
    %lt3A_746 = arith.cmpi slt, %iota3A, %lt3A_745 : vector<16xi32>
    tpu.vector_store_idx %arg12[%add3A_742], %bitcast3A_743 masked %lt3A_746 : memref<320xi32, #tpu.memory_space<vmem>>[vector<16xi32>], vector<16xi32>, vector<16xi1>
    %mul3A_747 = arith.constant 24 : i32
    %mul3A_748 = vector.broadcast %mul3A_747 : i32 to vector<16xi32>
    %mul3A_749 = arith.muli %iota3A, %mul3A_748 : vector<16xi32>
    %add3A_750 = arith.constant 20 : i32
    %add3A_751 = vector.broadcast %add3A_750 : i32 to vector<16xi32>
    %add3A_752 = arith.addi %mul3A_749, %add3A_751 : vector<16xi32>
    %gather3A_753 = tpu.vector_load_idx %arg11[%add3A_752] : memref<576xf32, #tpu.memory_space<vmem>>[vector<16xi32>], vector<16xf32>,
    %add3A_754 = arith.constant 1 : i32
    %add3A_755 = vector.broadcast %add3A_754 : i32 to vector<16xi32>
    %add3A_756 = arith.addi %add3A_752, %add3A_755 : vector<16xi32>
    %gather3A_757 = tpu.vector_load_idx %arg11[%add3A_756] : memref<576xf32, #tpu.memory_space<vmem>>[vector<16xi32>], vector<16xf32>,
    %pack3A_758 = tpu.pack_subelements %gather3A_753, %gather3A_757 {pack_format = #tpu.pack_format<interleaved>, positions = array<i32: 0, 1>} : vector<16xf32>, vector<16xf32> -> vector<32xbf16>
    %bitcast3A_759 = vector.bitcast %pack3A_758 : vector<32xbf16> to vector<16xi32>
    %swap3A_760 = arith.constant 240 : index
    %swap3A_761 = tpu.vector_load %arg12[%swap3A_760] {strides = array<i32>} : memref<320xi32, #tpu.memory_space<vmem>>, vector<16xi32>,
    tpu.vector_store %arg12[%swap3A_760], %bitcast3A_759 {strides = array<i32>} : memref<320xi32, #tpu.memory_space<vmem>>, vector<16xi32>,
    %add3A_762 = arith.constant 16 : i32
    %add3A_763 = vector.broadcast %add3A_762 : i32 to vector<16xi32>
    %add3A_764 = arith.addi %iota3A, %add3A_763 : vector<16xi32>
    %mul3A_765 = arith.constant 24 : i32
    %mul3A_766 = vector.broadcast %mul3A_765 : i32 to vector<16xi32>
    %mul3A_767 = arith.muli %add3A_764, %mul3A_766 : vector<16xi32>
    %add3A_768 = arith.constant 20 : i32
    %add3A_769 = vector.broadcast %add3A_768 : i32 to vector<16xi32>
    %add3A_770 = arith.addi %mul3A_767, %add3A_769 : vector<16xi32>
    %min3A_771 = arith.constant 575 : i32
    %min3A_772 = vector.broadcast %min3A_771 : i32 to vector<16xi32>
    %min3A_773 = arith.minsi %add3A_770, %min3A_772 : vector<16xi32>
    %gather3A_774 = tpu.vector_load_idx %arg11[%min3A_773] : memref<576xf32, #tpu.memory_space<vmem>>[vector<16xi32>], vector<16xf32>,
    %add3A_775 = arith.constant 1 : i32
    %add3A_776 = vector.broadcast %add3A_775 : i32 to vector<16xi32>
    %add3A_777 = arith.addi %min3A_773, %add3A_776 : vector<16xi32>
    %gather3A_778 = tpu.vector_load_idx %arg11[%add3A_777] : memref<576xf32, #tpu.memory_space<vmem>>[vector<16xi32>], vector<16xf32>,
    %pack3A_779 = tpu.pack_subelements %gather3A_774, %gather3A_778 {pack_format = #tpu.pack_format<interleaved>, positions = array<i32: 0, 1>} : vector<16xf32>, vector<16xf32> -> vector<32xbf16>
    %add3A_780 = arith.constant 256 : i32
    %add3A_781 = vector.broadcast %add3A_780 : i32 to vector<16xi32>
    %add3A_782 = arith.addi %add3A_781, %iota3A : vector<16xi32>
    %bitcast3A_783 = vector.bitcast %pack3A_779 : vector<32xbf16> to vector<16xi32>
    %lt3A_784 = arith.constant 8 : i32
    %lt3A_785 = vector.broadcast %lt3A_784 : i32 to vector<16xi32>
    %lt3A_786 = arith.cmpi slt, %iota3A, %lt3A_785 : vector<16xi32>
    tpu.vector_store_idx %arg12[%add3A_782], %bitcast3A_783 masked %lt3A_786 : memref<320xi32, #tpu.memory_space<vmem>>[vector<16xi32>], vector<16xi32>, vector<16xi1>
    %mul3A_787 = arith.constant 24 : i32
    %mul3A_788 = vector.broadcast %mul3A_787 : i32 to vector<16xi32>
    %mul3A_789 = arith.muli %iota3A, %mul3A_788 : vector<16xi32>
    %add3A_790 = arith.constant 22 : i32
    %add3A_791 = vector.broadcast %add3A_790 : i32 to vector<16xi32>
    %add3A_792 = arith.addi %mul3A_789, %add3A_791 : vector<16xi32>
    %gather3A_793 = tpu.vector_load_idx %arg11[%add3A_792] : memref<576xf32, #tpu.memory_space<vmem>>[vector<16xi32>], vector<16xf32>,
    %add3A_794 = arith.constant 1 : i32
    %add3A_795 = vector.broadcast %add3A_794 : i32 to vector<16xi32>
    %add3A_796 = arith.addi %add3A_792, %add3A_795 : vector<16xi32>
    %gather3A_797 = tpu.vector_load_idx %arg11[%add3A_796] : memref<576xf32, #tpu.memory_space<vmem>>[vector<16xi32>], vector<16xf32>,
    %pack3A_798 = tpu.pack_subelements %gather3A_793, %gather3A_797 {pack_format = #tpu.pack_format<interleaved>, positions = array<i32: 0, 1>} : vector<16xf32>, vector<16xf32> -> vector<32xbf16>
    %bitcast3A_799 = vector.bitcast %pack3A_798 : vector<32xbf16> to vector<16xi32>
    %swap3A_800 = arith.constant 264 : index
    %swap3A_801 = tpu.vector_load %arg12[%swap3A_800] {strides = array<i32>} : memref<320xi32, #tpu.memory_space<vmem>>, vector<16xi32>,
    tpu.vector_store %arg12[%swap3A_800], %bitcast3A_799 {strides = array<i32>} : memref<320xi32, #tpu.memory_space<vmem>>, vector<16xi32>,
    %add3A_802 = arith.constant 16 : i32
    %add3A_803 = vector.broadcast %add3A_802 : i32 to vector<16xi32>
    %add3A_804 = arith.addi %iota3A, %add3A_803 : vector<16xi32>
    %mul3A_805 = arith.constant 24 : i32
    %mul3A_806 = vector.broadcast %mul3A_805 : i32 to vector<16xi32>
    %mul3A_807 = arith.muli %add3A_804, %mul3A_806 : vector<16xi32>
    %add3A_808 = arith.constant 22 : i32
    %add3A_809 = vector.broadcast %add3A_808 : i32 to vector<16xi32>
    %add3A_810 = arith.addi %mul3A_807, %add3A_809 : vector<16xi32>
    %min3A_811 = arith.constant 575 : i32
    %min3A_812 = vector.broadcast %min3A_811 : i32 to vector<16xi32>
    %min3A_813 = arith.minsi %add3A_810, %min3A_812 : vector<16xi32>
    %gather3A_814 = tpu.vector_load_idx %arg11[%min3A_813] : memref<576xf32, #tpu.memory_space<vmem>>[vector<16xi32>], vector<16xf32>,
    %add3A_815 = arith.constant 1 : i32
    %add3A_816 = vector.broadcast %add3A_815 : i32 to vector<16xi32>
    %add3A_817 = arith.addi %min3A_813, %add3A_816 : vector<16xi32>
    %gather3A_818 = tpu.vector_load_idx %arg11[%add3A_817] : memref<576xf32, #tpu.memory_space<vmem>>[vector<16xi32>], vector<16xf32>,
    %pack3A_819 = tpu.pack_subelements %gather3A_814, %gather3A_818 {pack_format = #tpu.pack_format<interleaved>, positions = array<i32: 0, 1>} : vector<16xf32>, vector<16xf32> -> vector<32xbf16>
    %add3A_820 = arith.constant 280 : i32
    %add3A_821 = vector.broadcast %add3A_820 : i32 to vector<16xi32>
    %add3A_822 = arith.addi %add3A_821, %iota3A : vector<16xi32>
    %bitcast3A_823 = vector.bitcast %pack3A_819 : vector<32xbf16> to vector<16xi32>
    %lt3A_824 = arith.constant 8 : i32
    %lt3A_825 = vector.broadcast %lt3A_824 : i32 to vector<16xi32>
    %lt3A_826 = arith.cmpi slt, %iota3A, %lt3A_825 : vector<16xi32>
    tpu.vector_store_idx %arg12[%add3A_822], %bitcast3A_823 masked %lt3A_826 : memref<320xi32, #tpu.memory_space<vmem>>[vector<16xi32>], vector<16xi32>, vector<16xi1>
    %broadcast_in_dim3A = arith.constant 0.000000e+00 : f32
    %broadcast_in_dim3A_827 = vector.broadcast %broadcast_in_dim3A : f32 to vector<16xf32>
    %dma_wait3A = arith.constant 0 : i32
    %dma_wait3A_828 = arith.constant 0 : i32
    %dma_wait3A_829 = arith.constant 0 : i32
    %dma_wait3A_830 = tpu.memref_slice %arg7[%dma_wait3A, %dma_wait3A_828, %dma_wait3A_829] : memref<2x24x2048xf32, #tpu.memory_space<vmem>> -> memref<1x24x1024xf32, #tpu.memory_space<vmem>>
    %dma_wait3A_831 = arith.constant 0 : i32
    %dma_wait3A_832 = arith.constant 0 : i32
    %dma_wait3A_833 = tpu.memref_slice %arg2[%add3A_4, %dma_wait3A_831, %dma_wait3A_832] : memref<64x24x2048xf32, #tpu.memory_space<hbm>> -> memref<1x24x1024xf32, #tpu.memory_space<hbm>>
    %dma_wait3A_834 = arith.constant 0 : i32
    %dma_wait3A_835 = arith.constant 0 : i32
    %dma_wait3A_836 = arith.constant 0 : i32
    %dma_wait3A_837 = tpu.memref_slice %arg7[%dma_wait3A_834, %dma_wait3A_835, %dma_wait3A_836] : memref<2x24x2048xf32, #tpu.memory_space<vmem>> -> memref<1x24x1024xf32, #tpu.memory_space<vmem>>
    %dma_wait3A_838 = arith.constant 0 : i32
    %dma_wait3A_839 = arith.constant 0 : i32
    %dma_wait3A_840 = tpu.memref_slice %arg2[%add3A_4, %dma_wait3A_838, %dma_wait3A_839] : memref<64x24x2048xf32, #tpu.memory_space<hbm>> -> memref<1x24x1024xf32, #tpu.memory_space<hbm>>
    tpu.wait_dma2 semaphore(%arg16 : memref<!tpu.dma_semaphore, #tpu.memory_space<semaphore_mem>>) src(%dma_wait3A_840 : memref<1x24x1024xf32, #tpu.memory_space<hbm>>) dst(%dma_wait3A_837 : memref<1x24x1024xf32, #tpu.memory_space<vmem>>)
    %scan3A = arith.constant 0 : i32
    %scan3A_841 = arith.constant 64 : i32
    %scan3A_842 = arith.addi %scan3A, %scan3A_841 : i32
    %scan3A_843 = arith.constant 1 : i32
    %scan3A_844 = scf.for %scan3A_912 = %scan3A to %scan3A_842 step %scan3A_843 iter_args(%scan3A_913 = %broadcast_in_dim3A_827) -> (vector<16xf32>)  : i32 {
      %add3A_914 = arith.constant 0 : i32
      %add3A_915 = arith.addi %add3A_914, %scan3A_912 : i32
      %mul3A_916 = arith.constant 16 : i32
      %mul3A_917 = arith.muli %add3A_915, %mul3A_916 : i32
      %get3A_918 = arith.constant 0 : i32
      %get3A_919 = arith.index_cast %get3A_918 : i32 to index
      %get3A_920 = arith.index_cast %mul3A_917 : i32 to index
      %get3A_921 = tpu.vector_load %arg8[%get3A_919, %get3A_920] {strides = array<i32>} : memref<2x2048xi32, #tpu.memory_space<vmem>>, vector<16xi32>,
      %mul3A_922 = arith.constant 16 : i32
      %mul3A_923 = arith.muli %add3A_915, %mul3A_922 : i32
      %get3A_924 = arith.constant 0 : i32
      %get3A_925 = arith.index_cast %get3A_924 : i32 to index
      %get3A_926 = arith.index_cast %mul3A_923 : i32 to index
      %get3A_927 = tpu.vector_load %arg9[%get3A_925, %get3A_926] {strides = array<i32>} : memref<2x2048xf32, #tpu.memory_space<vmem>>, vector<16xf32>,
      %broadcast_in_dim3A_928 = arith.constant 0.000000e+00 : f32
      %broadcast_in_dim3A_929 = vector.broadcast %broadcast_in_dim3A_928 : f32 to vector<16xf32>
      %broadcast_in_dim3A_930 = arith.constant 0.000000e+00 : f32
      %broadcast_in_dim3A_931 = vector.broadcast %broadcast_in_dim3A_930 : f32 to vector<16xf32>
      %broadcast_in_dim3A_932 = arith.constant 0.000000e+00 : f32
      %broadcast_in_dim3A_933 = vector.broadcast %broadcast_in_dim3A_932 : f32 to vector<16xf32>
      %broadcast_in_dim3A_934 = arith.constant 0.000000e+00 : f32
      %broadcast_in_dim3A_935 = vector.broadcast %broadcast_in_dim3A_934 : f32 to vector<16xf32>
      %add3A_936 = arith.constant 0 : i32
      %add3A_937 = vector.broadcast %add3A_936 : i32 to vector<16xi32>
      %add3A_938 = arith.addi %get3A_921, %add3A_937 : vector<16xi32>
      %gather3A_939 = tpu.vector_load_idx %arg12[%add3A_938] : memref<320xi32, #tpu.memory_space<vmem>>[vector<16xi32>], vector<16xi32>,
      %bitcast3A_940 = vector.bitcast %gather3A_939 : vector<16xi32> to vector<32xbf16>
      %unpack3A = tpu.unpack_subelements %bitcast3A_940, 0 {pack_format = #tpu.pack_format<interleaved>} : vector<32xbf16> -> vector<16xf32>
      %unpack3A_941 = tpu.unpack_subelements %bitcast3A_940, 1 {pack_format = #tpu.pack_format<interleaved>} : vector<32xbf16> -> vector<16xf32>
      %mul3A_942 = arith.constant 16 : i32
      %mul3A_943 = arith.muli %add3A_915, %mul3A_942 : i32
      %get3A_944 = arith.constant 0 : i32
      %get3A_945 = arith.constant 0 : i32
      %get3A_946 = arith.index_cast %get3A_944 : i32 to index
      %get3A_947 = arith.index_cast %get3A_945 : i32 to index
      %get3A_948 = arith.index_cast %mul3A_943 : i32 to index
      %get3A_949 = tpu.vector_load %arg7[%get3A_946, %get3A_947, %get3A_948] {strides = array<i32>} : memref<2x24x2048xf32, #tpu.memory_space<vmem>>, vector<16xf32>,
      %mul3A_950 = arith.constant 16 : i32
      %mul3A_951 = arith.muli %add3A_915, %mul3A_950 : i32
      %get3A_952 = arith.constant 0 : i32
      %get3A_953 = arith.constant 1 : i32
      %get3A_954 = arith.index_cast %get3A_952 : i32 to index
      %get3A_955 = arith.index_cast %get3A_953 : i32 to index
      %get3A_956 = arith.index_cast %mul3A_951 : i32 to index
      %get3A_957 = tpu.vector_load %arg7[%get3A_954, %get3A_955, %get3A_956] {strides = array<i32>} : memref<2x24x2048xf32, #tpu.memory_space<vmem>>, vector<16xf32>,
      %mul3A_958 = arith.mulf %unpack3A, %get3A_949 : vector<16xf32>
      %add3A_959 = arith.addf %broadcast_in_dim3A_929, %mul3A_958 : vector<16xf32>
      %mul3A_960 = arith.mulf %unpack3A_941, %get3A_957 : vector<16xf32>
      %add3A_961 = arith.addf %broadcast_in_dim3A_931, %mul3A_960 : vector<16xf32>
      %add3A_962 = arith.constant 24 : i32
      %add3A_963 = vector.broadcast %add3A_962 : i32 to vector<16xi32>
      %add3A_964 = arith.addi %get3A_921, %add3A_963 : vector<16xi32>
      %gather3A_965 = tpu.vector_load_idx %arg12[%add3A_964] : memref<320xi32, #tpu.memory_space<vmem>>[vector<16xi32>], vector<16xi32>,
      %bitcast3A_966 = vector.bitcast %gather3A_965 : vector<16xi32> to vector<32xbf16>
      %unpack3A_967 = tpu.unpack_subelements %bitcast3A_966, 0 {pack_format = #tpu.pack_format<interleaved>} : vector<32xbf16> -> vector<16xf32>
      %unpack3A_968 = tpu.unpack_subelements %bitcast3A_966, 1 {pack_format = #tpu.pack_format<interleaved>} : vector<32xbf16> -> vector<16xf32>
      %mul3A_969 = arith.constant 16 : i32
      %mul3A_970 = arith.muli %add3A_915, %mul3A_969 : i32
      %get3A_971 = arith.constant 0 : i32
      %get3A_972 = arith.constant 2 : i32
      %get3A_973 = arith.index_cast %get3A_971 : i32 to index
      %get3A_974 = arith.index_cast %get3A_972 : i32 to index
      %get3A_975 = arith.index_cast %mul3A_970 : i32 to index
      %get3A_976 = tpu.vector_load %arg7[%get3A_973, %get3A_974, %get3A_975] {strides = array<i32>} : memref<2x24x2048xf32, #tpu.memory_space<vmem>>, vector<16xf32>,
      %mul3A_977 = arith.constant 16 : i32
      %mul3A_978 = arith.muli %add3A_915, %mul3A_977 : i32
      %get3A_979 = arith.constant 0 : i32
      %get3A_980 = arith.constant 3 : i32
      %get3A_981 = arith.index_cast %get3A_979 : i32 to index
      %get3A_982 = arith.index_cast %get3A_980 : i32 to index
      %get3A_983 = arith.index_cast %mul3A_978 : i32 to index
      %get3A_984 = tpu.vector_load %arg7[%get3A_981, %get3A_982, %get3A_983] {strides = array<i32>} : memref<2x24x2048xf32, #tpu.memory_space<vmem>>, vector<16xf32>,
      %mul3A_985 = arith.mulf %unpack3A_967, %get3A_976 : vector<16xf32>
      %add3A_986 = arith.addf %broadcast_in_dim3A_933, %mul3A_985 : vector<16xf32>
      %mul3A_987 = arith.mulf %unpack3A_968, %get3A_984 : vector<16xf32>
      %add3A_988 = arith.addf %broadcast_in_dim3A_935, %mul3A_987 : vector<16xf32>
      %add3A_989 = arith.constant 48 : i32
      %add3A_990 = vector.broadcast %add3A_989 : i32 to vector<16xi32>
      %add3A_991 = arith.addi %get3A_921, %add3A_990 : vector<16xi32>
      %gather3A_992 = tpu.vector_load_idx %arg12[%add3A_991] : memref<320xi32, #tpu.memory_space<vmem>>[vector<16xi32>], vector<16xi32>,
      %bitcast3A_993 = vector.bitcast %gather3A_992 : vector<16xi32> to vector<32xbf16>
      %unpack3A_994 = tpu.unpack_subelements %bitcast3A_993, 0 {pack_format = #tpu.pack_format<interleaved>} : vector<32xbf16> -> vector<16xf32>
      %unpack3A_995 = tpu.unpack_subelements %bitcast3A_993, 1 {pack_format = #tpu.pack_format<interleaved>} : vector<32xbf16> -> vector<16xf32>
      %mul3A_996 = arith.constant 16 : i32
      %mul3A_997 = arith.muli %add3A_915, %mul3A_996 : i32
      %get3A_998 = arith.constant 0 : i32
      %get3A_999 = arith.constant 4 : i32
      %get3A_1000 = arith.index_cast %get3A_998 : i32 to index
      %get3A_1001 = arith.index_cast %get3A_999 : i32 to index
      %get3A_1002 = arith.index_cast %mul3A_997 : i32 to index
      %get3A_1003 = tpu.vector_load %arg7[%get3A_1000, %get3A_1001, %get3A_1002] {strides = array<i32>} : memref<2x24x2048xf32, #tpu.memory_space<vmem>>, vector<16xf32>,
      %mul3A_1004 = arith.constant 16 : i32
      %mul3A_1005 = arith.muli %add3A_915, %mul3A_1004 : i32
      %get3A_1006 = arith.constant 0 : i32
      %get3A_1007 = arith.constant 5 : i32
      %get3A_1008 = arith.index_cast %get3A_1006 : i32 to index
      %get3A_1009 = arith.index_cast %get3A_1007 : i32 to index
      %get3A_1010 = arith.index_cast %mul3A_1005 : i32 to index
      %get3A_1011 = tpu.vector_load %arg7[%get3A_1008, %get3A_1009, %get3A_1010] {strides = array<i32>} : memref<2x24x2048xf32, #tpu.memory_space<vmem>>, vector<16xf32>,
      %mul3A_1012 = arith.mulf %unpack3A_994, %get3A_1003 : vector<16xf32>
      %add3A_1013 = arith.addf %add3A_959, %mul3A_1012 : vector<16xf32>
      %mul3A_1014 = arith.mulf %unpack3A_995, %get3A_1011 : vector<16xf32>
      %add3A_1015 = arith.addf %add3A_961, %mul3A_1014 : vector<16xf32>
      %add3A_1016 = arith.constant 72 : i32
      %add3A_1017 = vector.broadcast %add3A_1016 : i32 to vector<16xi32>
      %add3A_1018 = arith.addi %get3A_921, %add3A_1017 : vector<16xi32>
      %gather3A_1019 = tpu.vector_load_idx %arg12[%add3A_1018] : memref<320xi32, #tpu.memory_space<vmem>>[vector<16xi32>], vector<16xi32>,
      %bitcast3A_1020 = vector.bitcast %gather3A_1019 : vector<16xi32> to vector<32xbf16>
      %unpack3A_1021 = tpu.unpack_subelements %bitcast3A_1020, 0 {pack_format = #tpu.pack_format<interleaved>} : vector<32xbf16> -> vector<16xf32>
      %unpack3A_1022 = tpu.unpack_subelements %bitcast3A_1020, 1 {pack_format = #tpu.pack_format<interleaved>} : vector<32xbf16> -> vector<16xf32>
      %mul3A_1023 = arith.constant 16 : i32
      %mul3A_1024 = arith.muli %add3A_915, %mul3A_1023 : i32
      %get3A_1025 = arith.constant 0 : i32
      %get3A_1026 = arith.constant 6 : i32
      %get3A_1027 = arith.index_cast %get3A_1025 : i32 to index
      %get3A_1028 = arith.index_cast %get3A_1026 : i32 to index
      %get3A_1029 = arith.index_cast %mul3A_1024 : i32 to index
      %get3A_1030 = tpu.vector_load %arg7[%get3A_1027, %get3A_1028, %get3A_1029] {strides = array<i32>} : memref<2x24x2048xf32, #tpu.memory_space<vmem>>, vector<16xf32>,
      %mul3A_1031 = arith.constant 16 : i32
      %mul3A_1032 = arith.muli %add3A_915, %mul3A_1031 : i32
      %get3A_1033 = arith.constant 0 : i32
      %get3A_1034 = arith.constant 7 : i32
      %get3A_1035 = arith.index_cast %get3A_1033 : i32 to index
      %get3A_1036 = arith.index_cast %get3A_1034 : i32 to index
      %get3A_1037 = arith.index_cast %mul3A_1032 : i32 to index
      %get3A_1038 = tpu.vector_load %arg7[%get3A_1035, %get3A_1036, %get3A_1037] {strides = array<i32>} : memref<2x24x2048xf32, #tpu.memory_space<vmem>>, vector<16xf32>,
      %mul3A_1039 = arith.mulf %unpack3A_1021, %get3A_1030 : vector<16xf32>
      %add3A_1040 = arith.addf %add3A_986, %mul3A_1039 : vector<16xf32>
      %mul3A_1041 = arith.mulf %unpack3A_1022, %get3A_1038 : vector<16xf32>
      %add3A_1042 = arith.addf %add3A_988, %mul3A_1041 : vector<16xf32>
      %add3A_1043 = arith.constant 96 : i32
      %add3A_1044 = vector.broadcast %add3A_1043 : i32 to vector<16xi32>
      %add3A_1045 = arith.addi %get3A_921, %add3A_1044 : vector<16xi32>
      %gather3A_1046 = tpu.vector_load_idx %arg12[%add3A_1045] : memref<320xi32, #tpu.memory_space<vmem>>[vector<16xi32>], vector<16xi32>,
      %bitcast3A_1047 = vector.bitcast %gather3A_1046 : vector<16xi32> to vector<32xbf16>
      %unpack3A_1048 = tpu.unpack_subelements %bitcast3A_1047, 0 {pack_format = #tpu.pack_format<interleaved>} : vector<32xbf16> -> vector<16xf32>
      %unpack3A_1049 = tpu.unpack_subelements %bitcast3A_1047, 1 {pack_format = #tpu.pack_format<interleaved>} : vector<32xbf16> -> vector<16xf32>
      %mul3A_1050 = arith.constant 16 : i32
      %mul3A_1051 = arith.muli %add3A_915, %mul3A_1050 : i32
      %get3A_1052 = arith.constant 0 : i32
      %get3A_1053 = arith.constant 8 : i32
      %get3A_1054 = arith.index_cast %get3A_1052 : i32 to index
      %get3A_1055 = arith.index_cast %get3A_1053 : i32 to index
      %get3A_1056 = arith.index_cast %mul3A_1051 : i32 to index
      %get3A_1057 = tpu.vector_load %arg7[%get3A_1054, %get3A_1055, %get3A_1056] {strides = array<i32>} : memref<2x24x2048xf32, #tpu.memory_space<vmem>>, vector<16xf32>,
      %mul3A_1058 = arith.constant 16 : i32
      %mul3A_1059 = arith.muli %add3A_915, %mul3A_1058 : i32
      %get3A_1060 = arith.constant 0 : i32
      %get3A_1061 = arith.constant 9 : i32
      %get3A_1062 = arith.index_cast %get3A_1060 : i32 to index
      %get3A_1063 = arith.index_cast %get3A_1061 : i32 to index
      %get3A_1064 = arith.index_cast %mul3A_1059 : i32 to index
      %get3A_1065 = tpu.vector_load %arg7[%get3A_1062, %get3A_1063, %get3A_1064] {strides = array<i32>} : memref<2x24x2048xf32, #tpu.memory_space<vmem>>, vector<16xf32>,
      %mul3A_1066 = arith.mulf %unpack3A_1048, %get3A_1057 : vector<16xf32>
      %add3A_1067 = arith.addf %add3A_1013, %mul3A_1066 : vector<16xf32>
      %mul3A_1068 = arith.mulf %unpack3A_1049, %get3A_1065 : vector<16xf32>
      %add3A_1069 = arith.addf %add3A_1015, %mul3A_1068 : vector<16xf32>
      %add3A_1070 = arith.constant 120 : i32
      %add3A_1071 = vector.broadcast %add3A_1070 : i32 to vector<16xi32>
      %add3A_1072 = arith.addi %get3A_921, %add3A_1071 : vector<16xi32>
      %gather3A_1073 = tpu.vector_load_idx %arg12[%add3A_1072] : memref<320xi32, #tpu.memory_space<vmem>>[vector<16xi32>], vector<16xi32>,
      %bitcast3A_1074 = vector.bitcast %gather3A_1073 : vector<16xi32> to vector<32xbf16>
      %unpack3A_1075 = tpu.unpack_subelements %bitcast3A_1074, 0 {pack_format = #tpu.pack_format<interleaved>} : vector<32xbf16> -> vector<16xf32>
      %unpack3A_1076 = tpu.unpack_subelements %bitcast3A_1074, 1 {pack_format = #tpu.pack_format<interleaved>} : vector<32xbf16> -> vector<16xf32>
      %mul3A_1077 = arith.constant 16 : i32
      %mul3A_1078 = arith.muli %add3A_915, %mul3A_1077 : i32
      %get3A_1079 = arith.constant 0 : i32
      %get3A_1080 = arith.constant 10 : i32
      %get3A_1081 = arith.index_cast %get3A_1079 : i32 to index
      %get3A_1082 = arith.index_cast %get3A_1080 : i32 to index
      %get3A_1083 = arith.index_cast %mul3A_1078 : i32 to index
      %get3A_1084 = tpu.vector_load %arg7[%get3A_1081, %get3A_1082, %get3A_1083] {strides = array<i32>} : memref<2x24x2048xf32, #tpu.memory_space<vmem>>, vector<16xf32>,
      %mul3A_1085 = arith.constant 16 : i32
      %mul3A_1086 = arith.muli %add3A_915, %mul3A_1085 : i32
      %get3A_1087 = arith.constant 0 : i32
      %get3A_1088 = arith.constant 11 : i32
      %get3A_1089 = arith.index_cast %get3A_1087 : i32 to index
      %get3A_1090 = arith.index_cast %get3A_1088 : i32 to index
      %get3A_1091 = arith.index_cast %mul3A_1086 : i32 to index
      %get3A_1092 = tpu.vector_load %arg7[%get3A_1089, %get3A_1090, %get3A_1091] {strides = array<i32>} : memref<2x24x2048xf32, #tpu.memory_space<vmem>>, vector<16xf32>,
      %mul3A_1093 = arith.mulf %unpack3A_1075, %get3A_1084 : vector<16xf32>
      %add3A_1094 = arith.addf %add3A_1040, %mul3A_1093 : vector<16xf32>
      %mul3A_1095 = arith.mulf %unpack3A_1076, %get3A_1092 : vector<16xf32>
      %add3A_1096 = arith.addf %add3A_1042, %mul3A_1095 : vector<16xf32>
      %add3A_1097 = arith.constant 144 : i32
      %add3A_1098 = vector.broadcast %add3A_1097 : i32 to vector<16xi32>
      %add3A_1099 = arith.addi %get3A_921, %add3A_1098 : vector<16xi32>
      %gather3A_1100 = tpu.vector_load_idx %arg12[%add3A_1099] : memref<320xi32, #tpu.memory_space<vmem>>[vector<16xi32>], vector<16xi32>,
      %bitcast3A_1101 = vector.bitcast %gather3A_1100 : vector<16xi32> to vector<32xbf16>
      %unpack3A_1102 = tpu.unpack_subelements %bitcast3A_1101, 0 {pack_format = #tpu.pack_format<interleaved>} : vector<32xbf16> -> vector<16xf32>
      %unpack3A_1103 = tpu.unpack_subelements %bitcast3A_1101, 1 {pack_format = #tpu.pack_format<interleaved>} : vector<32xbf16> -> vector<16xf32>
      %mul3A_1104 = arith.constant 16 : i32
      %mul3A_1105 = arith.muli %add3A_915, %mul3A_1104 : i32
      %get3A_1106 = arith.constant 0 : i32
      %get3A_1107 = arith.constant 12 : i32
      %get3A_1108 = arith.index_cast %get3A_1106 : i32 to index
      %get3A_1109 = arith.index_cast %get3A_1107 : i32 to index
      %get3A_1110 = arith.index_cast %mul3A_1105 : i32 to index
      %get3A_1111 = tpu.vector_load %arg7[%get3A_1108, %get3A_1109, %get3A_1110] {strides = array<i32>} : memref<2x24x2048xf32, #tpu.memory_space<vmem>>, vector<16xf32>,
      %mul3A_1112 = arith.constant 16 : i32
      %mul3A_1113 = arith.muli %add3A_915, %mul3A_1112 : i32
      %get3A_1114 = arith.constant 0 : i32
      %get3A_1115 = arith.constant 13 : i32
      %get3A_1116 = arith.index_cast %get3A_1114 : i32 to index
      %get3A_1117 = arith.index_cast %get3A_1115 : i32 to index
      %get3A_1118 = arith.index_cast %mul3A_1113 : i32 to index
      %get3A_1119 = tpu.vector_load %arg7[%get3A_1116, %get3A_1117, %get3A_1118] {strides = array<i32>} : memref<2x24x2048xf32, #tpu.memory_space<vmem>>, vector<16xf32>,
      %mul3A_1120 = arith.mulf %unpack3A_1102, %get3A_1111 : vector<16xf32>
      %add3A_1121 = arith.addf %add3A_1067, %mul3A_1120 : vector<16xf32>
      %mul3A_1122 = arith.mulf %unpack3A_1103, %get3A_1119 : vector<16xf32>
      %add3A_1123 = arith.addf %add3A_1069, %mul3A_1122 : vector<16xf32>
      %add3A_1124 = arith.constant 168 : i32
      %add3A_1125 = vector.broadcast %add3A_1124 : i32 to vector<16xi32>
      %add3A_1126 = arith.addi %get3A_921, %add3A_1125 : vector<16xi32>
      %gather3A_1127 = tpu.vector_load_idx %arg12[%add3A_1126] : memref<320xi32, #tpu.memory_space<vmem>>[vector<16xi32>], vector<16xi32>,
      %bitcast3A_1128 = vector.bitcast %gather3A_1127 : vector<16xi32> to vector<32xbf16>
      %unpack3A_1129 = tpu.unpack_subelements %bitcast3A_1128, 0 {pack_format = #tpu.pack_format<interleaved>} : vector<32xbf16> -> vector<16xf32>
      %unpack3A_1130 = tpu.unpack_subelements %bitcast3A_1128, 1 {pack_format = #tpu.pack_format<interleaved>} : vector<32xbf16> -> vector<16xf32>
      %mul3A_1131 = arith.constant 16 : i32
      %mul3A_1132 = arith.muli %add3A_915, %mul3A_1131 : i32
      %get3A_1133 = arith.constant 0 : i32
      %get3A_1134 = arith.constant 14 : i32
      %get3A_1135 = arith.index_cast %get3A_1133 : i32 to index
      %get3A_1136 = arith.index_cast %get3A_1134 : i32 to index
      %get3A_1137 = arith.index_cast %mul3A_1132 : i32 to index
      %get3A_1138 = tpu.vector_load %arg7[%get3A_1135, %get3A_1136, %get3A_1137] {strides = array<i32>} : memref<2x24x2048xf32, #tpu.memory_space<vmem>>, vector<16xf32>,
      %mul3A_1139 = arith.constant 16 : i32
      %mul3A_1140 = arith.muli %add3A_915, %mul3A_1139 : i32
      %get3A_1141 = arith.constant 0 : i32
      %get3A_1142 = arith.constant 15 : i32
      %get3A_1143 = arith.index_cast %get3A_1141 : i32 to index
      %get3A_1144 = arith.index_cast %get3A_1142 : i32 to index
      %get3A_1145 = arith.index_cast %mul3A_1140 : i32 to index
      %get3A_1146 = tpu.vector_load %arg7[%get3A_1143, %get3A_1144, %get3A_1145] {strides = array<i32>} : memref<2x24x2048xf32, #tpu.memory_space<vmem>>, vector<16xf32>,
      %mul3A_1147 = arith.mulf %unpack3A_1129, %get3A_1138 : vector<16xf32>
      %add3A_1148 = arith.addf %add3A_1094, %mul3A_1147 : vector<16xf32>
      %mul3A_1149 = arith.mulf %unpack3A_1130, %get3A_1146 : vector<16xf32>
      %add3A_1150 = arith.addf %add3A_1096, %mul3A_1149 : vector<16xf32>
      %add3A_1151 = arith.constant 192 : i32
      %add3A_1152 = vector.broadcast %add3A_1151 : i32 to vector<16xi32>
      %add3A_1153 = arith.addi %get3A_921, %add3A_1152 : vector<16xi32>
      %gather3A_1154 = tpu.vector_load_idx %arg12[%add3A_1153] : memref<320xi32, #tpu.memory_space<vmem>>[vector<16xi32>], vector<16xi32>,
      %bitcast3A_1155 = vector.bitcast %gather3A_1154 : vector<16xi32> to vector<32xbf16>
      %unpack3A_1156 = tpu.unpack_subelements %bitcast3A_1155, 0 {pack_format = #tpu.pack_format<interleaved>} : vector<32xbf16> -> vector<16xf32>
      %unpack3A_1157 = tpu.unpack_subelements %bitcast3A_1155, 1 {pack_format = #tpu.pack_format<interleaved>} : vector<32xbf16> -> vector<16xf32>
      %mul3A_1158 = arith.constant 16 : i32
      %mul3A_1159 = arith.muli %add3A_915, %mul3A_1158 : i32
      %get3A_1160 = arith.constant 0 : i32
      %get3A_1161 = arith.constant 16 : i32
      %get3A_1162 = arith.index_cast %get3A_1160 : i32 to index
      %get3A_1163 = arith.index_cast %get3A_1161 : i32 to index
      %get3A_1164 = arith.index_cast %mul3A_1159 : i32 to index
      %get3A_1165 = tpu.vector_load %arg7[%get3A_1162, %get3A_1163, %get3A_1164] {strides = array<i32>} : memref<2x24x2048xf32, #tpu.memory_space<vmem>>, vector<16xf32>,
      %mul3A_1166 = arith.constant 16 : i32
      %mul3A_1167 = arith.muli %add3A_915, %mul3A_1166 : i32
      %get3A_1168 = arith.constant 0 : i32
      %get3A_1169 = arith.constant 17 : i32
      %get3A_1170 = arith.index_cast %get3A_1168 : i32 to index
      %get3A_1171 = arith.index_cast %get3A_1169 : i32 to index
      %get3A_1172 = arith.index_cast %mul3A_1167 : i32 to index
      %get3A_1173 = tpu.vector_load %arg7[%get3A_1170, %get3A_1171, %get3A_1172] {strides = array<i32>} : memref<2x24x2048xf32, #tpu.memory_space<vmem>>, vector<16xf32>,
      %mul3A_1174 = arith.mulf %unpack3A_1156, %get3A_1165 : vector<16xf32>
      %add3A_1175 = arith.addf %add3A_1121, %mul3A_1174 : vector<16xf32>
      %mul3A_1176 = arith.mulf %unpack3A_1157, %get3A_1173 : vector<16xf32>
      %add3A_1177 = arith.addf %add3A_1123, %mul3A_1176 : vector<16xf32>
      %add3A_1178 = arith.constant 216 : i32
      %add3A_1179 = vector.broadcast %add3A_1178 : i32 to vector<16xi32>
      %add3A_1180 = arith.addi %get3A_921, %add3A_1179 : vector<16xi32>
      %gather3A_1181 = tpu.vector_load_idx %arg12[%add3A_1180] : memref<320xi32, #tpu.memory_space<vmem>>[vector<16xi32>], vector<16xi32>,
      %bitcast3A_1182 = vector.bitcast %gather3A_1181 : vector<16xi32> to vector<32xbf16>
      %unpack3A_1183 = tpu.unpack_subelements %bitcast3A_1182, 0 {pack_format = #tpu.pack_format<interleaved>} : vector<32xbf16> -> vector<16xf32>
      %unpack3A_1184 = tpu.unpack_subelements %bitcast3A_1182, 1 {pack_format = #tpu.pack_format<interleaved>} : vector<32xbf16> -> vector<16xf32>
      %mul3A_1185 = arith.constant 16 : i32
      %mul3A_1186 = arith.muli %add3A_915, %mul3A_1185 : i32
      %get3A_1187 = arith.constant 0 : i32
      %get3A_1188 = arith.constant 18 : i32
      %get3A_1189 = arith.index_cast %get3A_1187 : i32 to index
      %get3A_1190 = arith.index_cast %get3A_1188 : i32 to index
      %get3A_1191 = arith.index_cast %mul3A_1186 : i32 to index
      %get3A_1192 = tpu.vector_load %arg7[%get3A_1189, %get3A_1190, %get3A_1191] {strides = array<i32>} : memref<2x24x2048xf32, #tpu.memory_space<vmem>>, vector<16xf32>,
      %mul3A_1193 = arith.constant 16 : i32
      %mul3A_1194 = arith.muli %add3A_915, %mul3A_1193 : i32
      %get3A_1195 = arith.constant 0 : i32
      %get3A_1196 = arith.constant 19 : i32
      %get3A_1197 = arith.index_cast %get3A_1195 : i32 to index
      %get3A_1198 = arith.index_cast %get3A_1196 : i32 to index
      %get3A_1199 = arith.index_cast %mul3A_1194 : i32 to index
      %get3A_1200 = tpu.vector_load %arg7[%get3A_1197, %get3A_1198, %get3A_1199] {strides = array<i32>} : memref<2x24x2048xf32, #tpu.memory_space<vmem>>, vector<16xf32>,
      %mul3A_1201 = arith.mulf %unpack3A_1183, %get3A_1192 : vector<16xf32>
      %add3A_1202 = arith.addf %add3A_1148, %mul3A_1201 : vector<16xf32>
      %mul3A_1203 = arith.mulf %unpack3A_1184, %get3A_1200 : vector<16xf32>
      %add3A_1204 = arith.addf %add3A_1150, %mul3A_1203 : vector<16xf32>
      %add3A_1205 = arith.constant 240 : i32
      %add3A_1206 = vector.broadcast %add3A_1205 : i32 to vector<16xi32>
      %add3A_1207 = arith.addi %get3A_921, %add3A_1206 : vector<16xi32>
      %gather3A_1208 = tpu.vector_load_idx %arg12[%add3A_1207] : memref<320xi32, #tpu.memory_space<vmem>>[vector<16xi32>], vector<16xi32>,
      %bitcast3A_1209 = vector.bitcast %gather3A_1208 : vector<16xi32> to vector<32xbf16>
      %unpack3A_1210 = tpu.unpack_subelements %bitcast3A_1209, 0 {pack_format = #tpu.pack_format<interleaved>} : vector<32xbf16> -> vector<16xf32>
      %unpack3A_1211 = tpu.unpack_subelements %bitcast3A_1209, 1 {pack_format = #tpu.pack_format<interleaved>} : vector<32xbf16> -> vector<16xf32>
      %mul3A_1212 = arith.constant 16 : i32
      %mul3A_1213 = arith.muli %add3A_915, %mul3A_1212 : i32
      %get3A_1214 = arith.constant 0 : i32
      %get3A_1215 = arith.constant 20 : i32
      %get3A_1216 = arith.index_cast %get3A_1214 : i32 to index
      %get3A_1217 = arith.index_cast %get3A_1215 : i32 to index
      %get3A_1218 = arith.index_cast %mul3A_1213 : i32 to index
      %get3A_1219 = tpu.vector_load %arg7[%get3A_1216, %get3A_1217, %get3A_1218] {strides = array<i32>} : memref<2x24x2048xf32, #tpu.memory_space<vmem>>, vector<16xf32>,
      %mul3A_1220 = arith.constant 16 : i32
      %mul3A_1221 = arith.muli %add3A_915, %mul3A_1220 : i32
      %get3A_1222 = arith.constant 0 : i32
      %get3A_1223 = arith.constant 21 : i32
      %get3A_1224 = arith.index_cast %get3A_1222 : i32 to index
      %get3A_1225 = arith.index_cast %get3A_1223 : i32 to index
      %get3A_1226 = arith.index_cast %mul3A_1221 : i32 to index
      %get3A_1227 = tpu.vector_load %arg7[%get3A_1224, %get3A_1225, %get3A_1226] {strides = array<i32>} : memref<2x24x2048xf32, #tpu.memory_space<vmem>>, vector<16xf32>,
      %mul3A_1228 = arith.mulf %unpack3A_1210, %get3A_1219 : vector<16xf32>
      %add3A_1229 = arith.addf %add3A_1175, %mul3A_1228 : vector<16xf32>
      %mul3A_1230 = arith.mulf %unpack3A_1211, %get3A_1227 : vector<16xf32>
      %add3A_1231 = arith.addf %add3A_1177, %mul3A_1230 : vector<16xf32>
      %add3A_1232 = arith.constant 264 : i32
      %add3A_1233 = vector.broadcast %add3A_1232 : i32 to vector<16xi32>
      %add3A_1234 = arith.addi %get3A_921, %add3A_1233 : vector<16xi32>
      %gather3A_1235 = tpu.vector_load_idx %arg12[%add3A_1234] : memref<320xi32, #tpu.memory_space<vmem>>[vector<16xi32>], vector<16xi32>,
      %bitcast3A_1236 = vector.bitcast %gather3A_1235 : vector<16xi32> to vector<32xbf16>
      %unpack3A_1237 = tpu.unpack_subelements %bitcast3A_1236, 0 {pack_format = #tpu.pack_format<interleaved>} : vector<32xbf16> -> vector<16xf32>
      %unpack3A_1238 = tpu.unpack_subelements %bitcast3A_1236, 1 {pack_format = #tpu.pack_format<interleaved>} : vector<32xbf16> -> vector<16xf32>
      %mul3A_1239 = arith.constant 16 : i32
      %mul3A_1240 = arith.muli %add3A_915, %mul3A_1239 : i32
      %get3A_1241 = arith.constant 0 : i32
      %get3A_1242 = arith.constant 22 : i32
      %get3A_1243 = arith.index_cast %get3A_1241 : i32 to index
      %get3A_1244 = arith.index_cast %get3A_1242 : i32 to index
      %get3A_1245 = arith.index_cast %mul3A_1240 : i32 to index
      %get3A_1246 = tpu.vector_load %arg7[%get3A_1243, %get3A_1244, %get3A_1245] {strides = array<i32>} : memref<2x24x2048xf32, #tpu.memory_space<vmem>>, vector<16xf32>,
      %mul3A_1247 = arith.constant 16 : i32
      %mul3A_1248 = arith.muli %add3A_915, %mul3A_1247 : i32
      %get3A_1249 = arith.constant 0 : i32
      %get3A_1250 = arith.constant 23 : i32
      %get3A_1251 = arith.index_cast %get3A_1249 : i32 to index
      %get3A_1252 = arith.index_cast %get3A_1250 : i32 to index
      %get3A_1253 = arith.index_cast %mul3A_1248 : i32 to index
      %get3A_1254 = tpu.vector_load %arg7[%get3A_1251, %get3A_1252, %get3A_1253] {strides = array<i32>} : memref<2x24x2048xf32, #tpu.memory_space<vmem>>, vector<16xf32>,
      %mul3A_1255 = arith.mulf %unpack3A_1237, %get3A_1246 : vector<16xf32>
      %add3A_1256 = arith.addf %add3A_1202, %mul3A_1255 : vector<16xf32>
      %mul3A_1257 = arith.mulf %unpack3A_1238, %get3A_1254 : vector<16xf32>
      %add3A_1258 = arith.addf %add3A_1204, %mul3A_1257 : vector<16xf32>
      %add3A_1259 = arith.addf %add3A_1229, %add3A_1231 : vector<16xf32>
      %add3A_1260 = arith.addf %add3A_1256, %add3A_1258 : vector<16xf32>
      %add3A_1261 = arith.addf %add3A_1259, %add3A_1260 : vector<16xf32>
      %mul3A_1262 = arith.mulf %add3A_1261, %get3A_927 : vector<16xf32>
      %add3A_1263 = arith.addf %scan3A_913, %mul3A_1262 : vector<16xf32>
      scf.yield %add3A_1263 : vector<16xf32>
    }
    %scan3A_845 = arith.constant 64 : i32
    %dma_wait3A_846 = arith.constant 0 : i32
    %dma_wait3A_847 = arith.constant 0 : i32
    %dma_wait3A_848 = arith.constant 1024 : i32
    %dma_wait3A_849 = tpu.memref_slice %arg7[%dma_wait3A_846, %dma_wait3A_847, %dma_wait3A_848] : memref<2x24x2048xf32, #tpu.memory_space<vmem>> -> memref<1x24x1024xf32, #tpu.memory_space<vmem>>
    %dma_wait3A_850 = arith.constant 0 : i32
    %dma_wait3A_851 = arith.constant 1024 : i32
    %dma_wait3A_852 = tpu.memref_slice %arg2[%add3A_19, %dma_wait3A_850, %dma_wait3A_851] : memref<64x24x2048xf32, #tpu.memory_space<hbm>> -> memref<1x24x1024xf32, #tpu.memory_space<hbm>>
    %dma_wait3A_853 = arith.constant 0 : i32
    %dma_wait3A_854 = arith.constant 0 : i32
    %dma_wait3A_855 = arith.constant 1024 : i32
    %dma_wait3A_856 = tpu.memref_slice %arg7[%dma_wait3A_853, %dma_wait3A_854, %dma_wait3A_855] : memref<2x24x2048xf32, #tpu.memory_space<vmem>> -> memref<1x24x1024xf32, #tpu.memory_space<vmem>>
    %dma_wait3A_857 = arith.constant 0 : i32
    %dma_wait3A_858 = arith.constant 1024 : i32
    %dma_wait3A_859 = tpu.memref_slice %arg2[%add3A_19, %dma_wait3A_857, %dma_wait3A_858] : memref<64x24x2048xf32, #tpu.memory_space<hbm>> -> memref<1x24x1024xf32, #tpu.memory_space<hbm>>
    tpu.wait_dma2 semaphore(%arg17 : memref<!tpu.dma_semaphore, #tpu.memory_space<semaphore_mem>>) src(%dma_wait3A_859 : memref<1x24x1024xf32, #tpu.memory_space<hbm>>) dst(%dma_wait3A_856 : memref<1x24x1024xf32, #tpu.memory_space<vmem>>)
    %scan3A_860 = arith.constant 0 : i32
    %scan3A_861 = arith.constant 64 : i32
    %scan3A_862 = arith.addi %scan3A_860, %scan3A_861 : i32
    %scan3A_863 = arith.constant 1 : i32
    %scan3A_864 = scf.for %scan3A_912 = %scan3A_860 to %scan3A_862 step %scan3A_863 iter_args(%scan3A_913 = %scan3A_844) -> (vector<16xf32>)  : i32 {
      %add3A_914 = arith.constant 64 : i32
      %add3A_915 = arith.addi %add3A_914, %scan3A_912 : i32
      %mul3A_916 = arith.constant 16 : i32
      %mul3A_917 = arith.muli %add3A_915, %mul3A_916 : i32
      %get3A_918 = arith.constant 0 : i32
      %get3A_919 = arith.index_cast %get3A_918 : i32 to index
      %get3A_920 = arith.index_cast %mul3A_917 : i32 to index
      %get3A_921 = tpu.vector_load %arg8[%get3A_919, %get3A_920] {strides = array<i32>} : memref<2x2048xi32, #tpu.memory_space<vmem>>, vector<16xi32>,
      %mul3A_922 = arith.constant 16 : i32
      %mul3A_923 = arith.muli %add3A_915, %mul3A_922 : i32
      %get3A_924 = arith.constant 0 : i32
      %get3A_925 = arith.index_cast %get3A_924 : i32 to index
      %get3A_926 = arith.index_cast %mul3A_923 : i32 to index
      %get3A_927 = tpu.vector_load %arg9[%get3A_925, %get3A_926] {strides = array<i32>} : memref<2x2048xf32, #tpu.memory_space<vmem>>, vector<16xf32>,
      %broadcast_in_dim3A_928 = arith.constant 0.000000e+00 : f32
      %broadcast_in_dim3A_929 = vector.broadcast %broadcast_in_dim3A_928 : f32 to vector<16xf32>
      %broadcast_in_dim3A_930 = arith.constant 0.000000e+00 : f32
      %broadcast_in_dim3A_931 = vector.broadcast %broadcast_in_dim3A_930 : f32 to vector<16xf32>
      %broadcast_in_dim3A_932 = arith.constant 0.000000e+00 : f32
      %broadcast_in_dim3A_933 = vector.broadcast %broadcast_in_dim3A_932 : f32 to vector<16xf32>
      %broadcast_in_dim3A_934 = arith.constant 0.000000e+00 : f32
      %broadcast_in_dim3A_935 = vector.broadcast %broadcast_in_dim3A_934 : f32 to vector<16xf32>
      %add3A_936 = arith.constant 0 : i32
      %add3A_937 = vector.broadcast %add3A_936 : i32 to vector<16xi32>
      %add3A_938 = arith.addi %get3A_921, %add3A_937 : vector<16xi32>
      %gather3A_939 = tpu.vector_load_idx %arg12[%add3A_938] : memref<320xi32, #tpu.memory_space<vmem>>[vector<16xi32>], vector<16xi32>,
      %bitcast3A_940 = vector.bitcast %gather3A_939 : vector<16xi32> to vector<32xbf16>
      %unpack3A = tpu.unpack_subelements %bitcast3A_940, 0 {pack_format = #tpu.pack_format<interleaved>} : vector<32xbf16> -> vector<16xf32>
      %unpack3A_941 = tpu.unpack_subelements %bitcast3A_940, 1 {pack_format = #tpu.pack_format<interleaved>} : vector<32xbf16> -> vector<16xf32>
      %mul3A_942 = arith.constant 16 : i32
      %mul3A_943 = arith.muli %add3A_915, %mul3A_942 : i32
      %get3A_944 = arith.constant 0 : i32
      %get3A_945 = arith.constant 0 : i32
      %get3A_946 = arith.index_cast %get3A_944 : i32 to index
      %get3A_947 = arith.index_cast %get3A_945 : i32 to index
      %get3A_948 = arith.index_cast %mul3A_943 : i32 to index
      %get3A_949 = tpu.vector_load %arg7[%get3A_946, %get3A_947, %get3A_948] {strides = array<i32>} : memref<2x24x2048xf32, #tpu.memory_space<vmem>>, vector<16xf32>,
      %mul3A_950 = arith.constant 16 : i32
      %mul3A_951 = arith.muli %add3A_915, %mul3A_950 : i32
      %get3A_952 = arith.constant 0 : i32
      %get3A_953 = arith.constant 1 : i32
      %get3A_954 = arith.index_cast %get3A_952 : i32 to index
      %get3A_955 = arith.index_cast %get3A_953 : i32 to index
      %get3A_956 = arith.index_cast %mul3A_951 : i32 to index
      %get3A_957 = tpu.vector_load %arg7[%get3A_954, %get3A_955, %get3A_956] {strides = array<i32>} : memref<2x24x2048xf32, #tpu.memory_space<vmem>>, vector<16xf32>,
      %mul3A_958 = arith.mulf %unpack3A, %get3A_949 : vector<16xf32>
      %add3A_959 = arith.addf %broadcast_in_dim3A_929, %mul3A_958 : vector<16xf32>
      %mul3A_960 = arith.mulf %unpack3A_941, %get3A_957 : vector<16xf32>
      %add3A_961 = arith.addf %broadcast_in_dim3A_931, %mul3A_960 : vector<16xf32>
      %add3A_962 = arith.constant 24 : i32
      %add3A_963 = vector.broadcast %add3A_962 : i32 to vector<16xi32>
      %add3A_964 = arith.addi %get3A_921, %add3A_963 : vector<16xi32>
      %gather3A_965 = tpu.vector_load_idx %arg12[%add3A_964] : memref<320xi32, #tpu.memory_space<vmem>>[vector<16xi32>], vector<16xi32>,
      %bitcast3A_966 = vector.bitcast %gather3A_965 : vector<16xi32> to vector<32xbf16>
      %unpack3A_967 = tpu.unpack_subelements %bitcast3A_966, 0 {pack_format = #tpu.pack_format<interleaved>} : vector<32xbf16> -> vector<16xf32>
      %unpack3A_968 = tpu.unpack_subelements %bitcast3A_966, 1 {pack_format = #tpu.pack_format<interleaved>} : vector<32xbf16> -> vector<16xf32>
      %mul3A_969 = arith.constant 16 : i32
      %mul3A_970 = arith.muli %add3A_915, %mul3A_969 : i32
      %get3A_971 = arith.constant 0 : i32
      %get3A_972 = arith.constant 2 : i32
      %get3A_973 = arith.index_cast %get3A_971 : i32 to index
      %get3A_974 = arith.index_cast %get3A_972 : i32 to index
      %get3A_975 = arith.index_cast %mul3A_970 : i32 to index
      %get3A_976 = tpu.vector_load %arg7[%get3A_973, %get3A_974, %get3A_975] {strides = array<i32>} : memref<2x24x2048xf32, #tpu.memory_space<vmem>>, vector<16xf32>,
      %mul3A_977 = arith.constant 16 : i32
      %mul3A_978 = arith.muli %add3A_915, %mul3A_977 : i32
      %get3A_979 = arith.constant 0 : i32
      %get3A_980 = arith.constant 3 : i32
      %get3A_981 = arith.index_cast %get3A_979 : i32 to index
      %get3A_982 = arith.index_cast %get3A_980 : i32 to index
      %get3A_983 = arith.index_cast %mul3A_978 : i32 to index
      %get3A_984 = tpu.vector_load %arg7[%get3A_981, %get3A_982, %get3A_983] {strides = array<i32>} : memref<2x24x2048xf32, #tpu.memory_space<vmem>>, vector<16xf32>,
      %mul3A_985 = arith.mulf %unpack3A_967, %get3A_976 : vector<16xf32>
      %add3A_986 = arith.addf %broadcast_in_dim3A_933, %mul3A_985 : vector<16xf32>
      %mul3A_987 = arith.mulf %unpack3A_968, %get3A_984 : vector<16xf32>
      %add3A_988 = arith.addf %broadcast_in_dim3A_935, %mul3A_987 : vector<16xf32>
      %add3A_989 = arith.constant 48 : i32
      %add3A_990 = vector.broadcast %add3A_989 : i32 to vector<16xi32>
      %add3A_991 = arith.addi %get3A_921, %add3A_990 : vector<16xi32>
      %gather3A_992 = tpu.vector_load_idx %arg12[%add3A_991] : memref<320xi32, #tpu.memory_space<vmem>>[vector<16xi32>], vector<16xi32>,
      %bitcast3A_993 = vector.bitcast %gather3A_992 : vector<16xi32> to vector<32xbf16>
      %unpack3A_994 = tpu.unpack_subelements %bitcast3A_993, 0 {pack_format = #tpu.pack_format<interleaved>} : vector<32xbf16> -> vector<16xf32>
      %unpack3A_995 = tpu.unpack_subelements %bitcast3A_993, 1 {pack_format = #tpu.pack_format<interleaved>} : vector<32xbf16> -> vector<16xf32>
      %mul3A_996 = arith.constant 16 : i32
      %mul3A_997 = arith.muli %add3A_915, %mul3A_996 : i32
      %get3A_998 = arith.constant 0 : i32
      %get3A_999 = arith.constant 4 : i32
      %get3A_1000 = arith.index_cast %get3A_998 : i32 to index
      %get3A_1001 = arith.index_cast %get3A_999 : i32 to index
      %get3A_1002 = arith.index_cast %mul3A_997 : i32 to index
      %get3A_1003 = tpu.vector_load %arg7[%get3A_1000, %get3A_1001, %get3A_1002] {strides = array<i32>} : memref<2x24x2048xf32, #tpu.memory_space<vmem>>, vector<16xf32>,
      %mul3A_1004 = arith.constant 16 : i32
      %mul3A_1005 = arith.muli %add3A_915, %mul3A_1004 : i32
      %get3A_1006 = arith.constant 0 : i32
      %get3A_1007 = arith.constant 5 : i32
      %get3A_1008 = arith.index_cast %get3A_1006 : i32 to index
      %get3A_1009 = arith.index_cast %get3A_1007 : i32 to index
      %get3A_1010 = arith.index_cast %mul3A_1005 : i32 to index
      %get3A_1011 = tpu.vector_load %arg7[%get3A_1008, %get3A_1009, %get3A_1010] {strides = array<i32>} : memref<2x24x2048xf32, #tpu.memory_space<vmem>>, vector<16xf32>,
      %mul3A_1012 = arith.mulf %unpack3A_994, %get3A_1003 : vector<16xf32>
      %add3A_1013 = arith.addf %add3A_959, %mul3A_1012 : vector<16xf32>
      %mul3A_1014 = arith.mulf %unpack3A_995, %get3A_1011 : vector<16xf32>
      %add3A_1015 = arith.addf %add3A_961, %mul3A_1014 : vector<16xf32>
      %add3A_1016 = arith.constant 72 : i32
      %add3A_1017 = vector.broadcast %add3A_1016 : i32 to vector<16xi32>
      %add3A_1018 = arith.addi %get3A_921, %add3A_1017 : vector<16xi32>
      %gather3A_1019 = tpu.vector_load_idx %arg12[%add3A_1018] : memref<320xi32, #tpu.memory_space<vmem>>[vector<16xi32>], vector<16xi32>,
      %bitcast3A_1020 = vector.bitcast %gather3A_1019 : vector<16xi32> to vector<32xbf16>
      %unpack3A_1021 = tpu.unpack_subelements %bitcast3A_1020, 0 {pack_format = #tpu.pack_format<interleaved>} : vector<32xbf16> -> vector<16xf32>
      %unpack3A_1022 = tpu.unpack_subelements %bitcast3A_1020, 1 {pack_format = #tpu.pack_format<interleaved>} : vector<32xbf16> -> vector<16xf32>
      %mul3A_1023 = arith.constant 16 : i32
      %mul3A_1024 = arith.muli %add3A_915, %mul3A_1023 : i32
      %get3A_1025 = arith.constant 0 : i32
      %get3A_1026 = arith.constant 6 : i32
      %get3A_1027 = arith.index_cast %get3A_1025 : i32 to index
      %get3A_1028 = arith.index_cast %get3A_1026 : i32 to index
      %get3A_1029 = arith.index_cast %mul3A_1024 : i32 to index
      %get3A_1030 = tpu.vector_load %arg7[%get3A_1027, %get3A_1028, %get3A_1029] {strides = array<i32>} : memref<2x24x2048xf32, #tpu.memory_space<vmem>>, vector<16xf32>,
      %mul3A_1031 = arith.constant 16 : i32
      %mul3A_1032 = arith.muli %add3A_915, %mul3A_1031 : i32
      %get3A_1033 = arith.constant 0 : i32
      %get3A_1034 = arith.constant 7 : i32
      %get3A_1035 = arith.index_cast %get3A_1033 : i32 to index
      %get3A_1036 = arith.index_cast %get3A_1034 : i32 to index
      %get3A_1037 = arith.index_cast %mul3A_1032 : i32 to index
      %get3A_1038 = tpu.vector_load %arg7[%get3A_1035, %get3A_1036, %get3A_1037] {strides = array<i32>} : memref<2x24x2048xf32, #tpu.memory_space<vmem>>, vector<16xf32>,
      %mul3A_1039 = arith.mulf %unpack3A_1021, %get3A_1030 : vector<16xf32>
      %add3A_1040 = arith.addf %add3A_986, %mul3A_1039 : vector<16xf32>
      %mul3A_1041 = arith.mulf %unpack3A_1022, %get3A_1038 : vector<16xf32>
      %add3A_1042 = arith.addf %add3A_988, %mul3A_1041 : vector<16xf32>
      %add3A_1043 = arith.constant 96 : i32
      %add3A_1044 = vector.broadcast %add3A_1043 : i32 to vector<16xi32>
      %add3A_1045 = arith.addi %get3A_921, %add3A_1044 : vector<16xi32>
      %gather3A_1046 = tpu.vector_load_idx %arg12[%add3A_1045] : memref<320xi32, #tpu.memory_space<vmem>>[vector<16xi32>], vector<16xi32>,
      %bitcast3A_1047 = vector.bitcast %gather3A_1046 : vector<16xi32> to vector<32xbf16>
      %unpack3A_1048 = tpu.unpack_subelements %bitcast3A_1047, 0 {pack_format = #tpu.pack_format<interleaved>} : vector<32xbf16> -> vector<16xf32>
      %unpack3A_1049 = tpu.unpack_subelements %bitcast3A_1047, 1 {pack_format = #tpu.pack_format<interleaved>} : vector<32xbf16> -> vector<16xf32>
      %mul3A_1050 = arith.constant 16 : i32
      %mul3A_1051 = arith.muli %add3A_915, %mul3A_1050 : i32
      %get3A_1052 = arith.constant 0 : i32
      %get3A_1053 = arith.constant 8 : i32
      %get3A_1054 = arith.index_cast %get3A_1052 : i32 to index
      %get3A_1055 = arith.index_cast %get3A_1053 : i32 to index
      %get3A_1056 = arith.index_cast %mul3A_1051 : i32 to index
      %get3A_1057 = tpu.vector_load %arg7[%get3A_1054, %get3A_1055, %get3A_1056] {strides = array<i32>} : memref<2x24x2048xf32, #tpu.memory_space<vmem>>, vector<16xf32>,
      %mul3A_1058 = arith.constant 16 : i32
      %mul3A_1059 = arith.muli %add3A_915, %mul3A_1058 : i32
      %get3A_1060 = arith.constant 0 : i32
      %get3A_1061 = arith.constant 9 : i32
      %get3A_1062 = arith.index_cast %get3A_1060 : i32 to index
      %get3A_1063 = arith.index_cast %get3A_1061 : i32 to index
      %get3A_1064 = arith.index_cast %mul3A_1059 : i32 to index
      %get3A_1065 = tpu.vector_load %arg7[%get3A_1062, %get3A_1063, %get3A_1064] {strides = array<i32>} : memref<2x24x2048xf32, #tpu.memory_space<vmem>>, vector<16xf32>,
      %mul3A_1066 = arith.mulf %unpack3A_1048, %get3A_1057 : vector<16xf32>
      %add3A_1067 = arith.addf %add3A_1013, %mul3A_1066 : vector<16xf32>
      %mul3A_1068 = arith.mulf %unpack3A_1049, %get3A_1065 : vector<16xf32>
      %add3A_1069 = arith.addf %add3A_1015, %mul3A_1068 : vector<16xf32>
      %add3A_1070 = arith.constant 120 : i32
      %add3A_1071 = vector.broadcast %add3A_1070 : i32 to vector<16xi32>
      %add3A_1072 = arith.addi %get3A_921, %add3A_1071 : vector<16xi32>
      %gather3A_1073 = tpu.vector_load_idx %arg12[%add3A_1072] : memref<320xi32, #tpu.memory_space<vmem>>[vector<16xi32>], vector<16xi32>,
      %bitcast3A_1074 = vector.bitcast %gather3A_1073 : vector<16xi32> to vector<32xbf16>
      %unpack3A_1075 = tpu.unpack_subelements %bitcast3A_1074, 0 {pack_format = #tpu.pack_format<interleaved>} : vector<32xbf16> -> vector<16xf32>
      %unpack3A_1076 = tpu.unpack_subelements %bitcast3A_1074, 1 {pack_format = #tpu.pack_format<interleaved>} : vector<32xbf16> -> vector<16xf32>
      %mul3A_1077 = arith.constant 16 : i32
      %mul3A_1078 = arith.muli %add3A_915, %mul3A_1077 : i32
      %get3A_1079 = arith.constant 0 : i32
      %get3A_1080 = arith.constant 10 : i32
      %get3A_1081 = arith.index_cast %get3A_1079 : i32 to index
      %get3A_1082 = arith.index_cast %get3A_1080 : i32 to index
      %get3A_1083 = arith.index_cast %mul3A_1078 : i32 to index
      %get3A_1084 = tpu.vector_load %arg7[%get3A_1081, %get3A_1082, %get3A_1083] {strides = array<i32>} : memref<2x24x2048xf32, #tpu.memory_space<vmem>>, vector<16xf32>,
      %mul3A_1085 = arith.constant 16 : i32
      %mul3A_1086 = arith.muli %add3A_915, %mul3A_1085 : i32
      %get3A_1087 = arith.constant 0 : i32
      %get3A_1088 = arith.constant 11 : i32
      %get3A_1089 = arith.index_cast %get3A_1087 : i32 to index
      %get3A_1090 = arith.index_cast %get3A_1088 : i32 to index
      %get3A_1091 = arith.index_cast %mul3A_1086 : i32 to index
      %get3A_1092 = tpu.vector_load %arg7[%get3A_1089, %get3A_1090, %get3A_1091] {strides = array<i32>} : memref<2x24x2048xf32, #tpu.memory_space<vmem>>, vector<16xf32>,
      %mul3A_1093 = arith.mulf %unpack3A_1075, %get3A_1084 : vector<16xf32>
      %add3A_1094 = arith.addf %add3A_1040, %mul3A_1093 : vector<16xf32>
      %mul3A_1095 = arith.mulf %unpack3A_1076, %get3A_1092 : vector<16xf32>
      %add3A_1096 = arith.addf %add3A_1042, %mul3A_1095 : vector<16xf32>
      %add3A_1097 = arith.constant 144 : i32
      %add3A_1098 = vector.broadcast %add3A_1097 : i32 to vector<16xi32>
      %add3A_1099 = arith.addi %get3A_921, %add3A_1098 : vector<16xi32>
      %gather3A_1100 = tpu.vector_load_idx %arg12[%add3A_1099] : memref<320xi32, #tpu.memory_space<vmem>>[vector<16xi32>], vector<16xi32>,
      %bitcast3A_1101 = vector.bitcast %gather3A_1100 : vector<16xi32> to vector<32xbf16>
      %unpack3A_1102 = tpu.unpack_subelements %bitcast3A_1101, 0 {pack_format = #tpu.pack_format<interleaved>} : vector<32xbf16> -> vector<16xf32>
      %unpack3A_1103 = tpu.unpack_subelements %bitcast3A_1101, 1 {pack_format = #tpu.pack_format<interleaved>} : vector<32xbf16> -> vector<16xf32>
      %mul3A_1104 = arith.constant 16 : i32
      %mul3A_1105 = arith.muli %add3A_915, %mul3A_1104 : i32
      %get3A_1106 = arith.constant 0 : i32
      %get3A_1107 = arith.constant 12 : i32
      %get3A_1108 = arith.index_cast %get3A_1106 : i32 to index
      %get3A_1109 = arith.index_cast %get3A_1107 : i32 to index
      %get3A_1110 = arith.index_cast %mul3A_1105 : i32 to index
      %get3A_1111 = tpu.vector_load %arg7[%get3A_1108, %get3A_1109, %get3A_1110] {strides = array<i32>} : memref<2x24x2048xf32, #tpu.memory_space<vmem>>, vector<16xf32>,
      %mul3A_1112 = arith.constant 16 : i32
      %mul3A_1113 = arith.muli %add3A_915, %mul3A_1112 : i32
      %get3A_1114 = arith.constant 0 : i32
      %get3A_1115 = arith.constant 13 : i32
      %get3A_1116 = arith.index_cast %get3A_1114 : i32 to index
      %get3A_1117 = arith.index_cast %get3A_1115 : i32 to index
      %get3A_1118 = arith.index_cast %mul3A_1113 : i32 to index
      %get3A_1119 = tpu.vector_load %arg7[%get3A_1116, %get3A_1117, %get3A_1118] {strides = array<i32>} : memref<2x24x2048xf32, #tpu.memory_space<vmem>>, vector<16xf32>,
      %mul3A_1120 = arith.mulf %unpack3A_1102, %get3A_1111 : vector<16xf32>
      %add3A_1121 = arith.addf %add3A_1067, %mul3A_1120 : vector<16xf32>
      %mul3A_1122 = arith.mulf %unpack3A_1103, %get3A_1119 : vector<16xf32>
      %add3A_1123 = arith.addf %add3A_1069, %mul3A_1122 : vector<16xf32>
      %add3A_1124 = arith.constant 168 : i32
      %add3A_1125 = vector.broadcast %add3A_1124 : i32 to vector<16xi32>
      %add3A_1126 = arith.addi %get3A_921, %add3A_1125 : vector<16xi32>
      %gather3A_1127 = tpu.vector_load_idx %arg12[%add3A_1126] : memref<320xi32, #tpu.memory_space<vmem>>[vector<16xi32>], vector<16xi32>,
      %bitcast3A_1128 = vector.bitcast %gather3A_1127 : vector<16xi32> to vector<32xbf16>
      %unpack3A_1129 = tpu.unpack_subelements %bitcast3A_1128, 0 {pack_format = #tpu.pack_format<interleaved>} : vector<32xbf16> -> vector<16xf32>
      %unpack3A_1130 = tpu.unpack_subelements %bitcast3A_1128, 1 {pack_format = #tpu.pack_format<interleaved>} : vector<32xbf16> -> vector<16xf32>
      %mul3A_1131 = arith.constant 16 : i32
      %mul3A_1132 = arith.muli %add3A_915, %mul3A_1131 : i32
      %get3A_1133 = arith.constant 0 : i32
      %get3A_1134 = arith.constant 14 : i32
      %get3A_1135 = arith.index_cast %get3A_1133 : i32 to index
      %get3A_1136 = arith.index_cast %get3A_1134 : i32 to index
      %get3A_1137 = arith.index_cast %mul3A_1132 : i32 to index
      %get3A_1138 = tpu.vector_load %arg7[%get3A_1135, %get3A_1136, %get3A_1137] {strides = array<i32>} : memref<2x24x2048xf32, #tpu.memory_space<vmem>>, vector<16xf32>,
      %mul3A_1139 = arith.constant 16 : i32
      %mul3A_1140 = arith.muli %add3A_915, %mul3A_1139 : i32
      %get3A_1141 = arith.constant 0 : i32
      %get3A_1142 = arith.constant 15 : i32
      %get3A_1143 = arith.index_cast %get3A_1141 : i32 to index
      %get3A_1144 = arith.index_cast %get3A_1142 : i32 to index
      %get3A_1145 = arith.index_cast %mul3A_1140 : i32 to index
      %get3A_1146 = tpu.vector_load %arg7[%get3A_1143, %get3A_1144, %get3A_1145] {strides = array<i32>} : memref<2x24x2048xf32, #tpu.memory_space<vmem>>, vector<16xf32>,
      %mul3A_1147 = arith.mulf %unpack3A_1129, %get3A_1138 : vector<16xf32>
      %add3A_1148 = arith.addf %add3A_1094, %mul3A_1147 : vector<16xf32>
      %mul3A_1149 = arith.mulf %unpack3A_1130, %get3A_1146 : vector<16xf32>
      %add3A_1150 = arith.addf %add3A_1096, %mul3A_1149 : vector<16xf32>
      %add3A_1151 = arith.constant 192 : i32
      %add3A_1152 = vector.broadcast %add3A_1151 : i32 to vector<16xi32>
      %add3A_1153 = arith.addi %get3A_921, %add3A_1152 : vector<16xi32>
      %gather3A_1154 = tpu.vector_load_idx %arg12[%add3A_1153] : memref<320xi32, #tpu.memory_space<vmem>>[vector<16xi32>], vector<16xi32>,
      %bitcast3A_1155 = vector.bitcast %gather3A_1154 : vector<16xi32> to vector<32xbf16>
      %unpack3A_1156 = tpu.unpack_subelements %bitcast3A_1155, 0 {pack_format = #tpu.pack_format<interleaved>} : vector<32xbf16> -> vector<16xf32>
      %unpack3A_1157 = tpu.unpack_subelements %bitcast3A_1155, 1 {pack_format = #tpu.pack_format<interleaved>} : vector<32xbf16> -> vector<16xf32>
      %mul3A_1158 = arith.constant 16 : i32
      %mul3A_1159 = arith.muli %add3A_915, %mul3A_1158 : i32
      %get3A_1160 = arith.constant 0 : i32
      %get3A_1161 = arith.constant 16 : i32
      %get3A_1162 = arith.index_cast %get3A_1160 : i32 to index
      %get3A_1163 = arith.index_cast %get3A_1161 : i32 to index
      %get3A_1164 = arith.index_cast %mul3A_1159 : i32 to index
      %get3A_1165 = tpu.vector_load %arg7[%get3A_1162, %get3A_1163, %get3A_1164] {strides = array<i32>} : memref<2x24x2048xf32, #tpu.memory_space<vmem>>, vector<16xf32>,
      %mul3A_1166 = arith.constant 16 : i32
      %mul3A_1167 = arith.muli %add3A_915, %mul3A_1166 : i32
      %get3A_1168 = arith.constant 0 : i32
      %get3A_1169 = arith.constant 17 : i32
      %get3A_1170 = arith.index_cast %get3A_1168 : i32 to index
      %get3A_1171 = arith.index_cast %get3A_1169 : i32 to index
      %get3A_1172 = arith.index_cast %mul3A_1167 : i32 to index
      %get3A_1173 = tpu.vector_load %arg7[%get3A_1170, %get3A_1171, %get3A_1172] {strides = array<i32>} : memref<2x24x2048xf32, #tpu.memory_space<vmem>>, vector<16xf32>,
      %mul3A_1174 = arith.mulf %unpack3A_1156, %get3A_1165 : vector<16xf32>
      %add3A_1175 = arith.addf %add3A_1121, %mul3A_1174 : vector<16xf32>
      %mul3A_1176 = arith.mulf %unpack3A_1157, %get3A_1173 : vector<16xf32>
      %add3A_1177 = arith.addf %add3A_1123, %mul3A_1176 : vector<16xf32>
      %add3A_1178 = arith.constant 216 : i32
      %add3A_1179 = vector.broadcast %add3A_1178 : i32 to vector<16xi32>
      %add3A_1180 = arith.addi %get3A_921, %add3A_1179 : vector<16xi32>
      %gather3A_1181 = tpu.vector_load_idx %arg12[%add3A_1180] : memref<320xi32, #tpu.memory_space<vmem>>[vector<16xi32>], vector<16xi32>,
      %bitcast3A_1182 = vector.bitcast %gather3A_1181 : vector<16xi32> to vector<32xbf16>
      %unpack3A_1183 = tpu.unpack_subelements %bitcast3A_1182, 0 {pack_format = #tpu.pack_format<interleaved>} : vector<32xbf16> -> vector<16xf32>
      %unpack3A_1184 = tpu.unpack_subelements %bitcast3A_1182, 1 {pack_format = #tpu.pack_format<interleaved>} : vector<32xbf16> -> vector<16xf32>
      %mul3A_1185 = arith.constant 16 : i32
      %mul3A_1186 = arith.muli %add3A_915, %mul3A_1185 : i32
      %get3A_1187 = arith.constant 0 : i32
      %get3A_1188 = arith.constant 18 : i32
      %get3A_1189 = arith.index_cast %get3A_1187 : i32 to index
      %get3A_1190 = arith.index_cast %get3A_1188 : i32 to index
      %get3A_1191 = arith.index_cast %mul3A_1186 : i32 to index
      %get3A_1192 = tpu.vector_load %arg7[%get3A_1189, %get3A_1190, %get3A_1191] {strides = array<i32>} : memref<2x24x2048xf32, #tpu.memory_space<vmem>>, vector<16xf32>,
      %mul3A_1193 = arith.constant 16 : i32
      %mul3A_1194 = arith.muli %add3A_915, %mul3A_1193 : i32
      %get3A_1195 = arith.constant 0 : i32
      %get3A_1196 = arith.constant 19 : i32
      %get3A_1197 = arith.index_cast %get3A_1195 : i32 to index
      %get3A_1198 = arith.index_cast %get3A_1196 : i32 to index
      %get3A_1199 = arith.index_cast %mul3A_1194 : i32 to index
      %get3A_1200 = tpu.vector_load %arg7[%get3A_1197, %get3A_1198, %get3A_1199] {strides = array<i32>} : memref<2x24x2048xf32, #tpu.memory_space<vmem>>, vector<16xf32>,
      %mul3A_1201 = arith.mulf %unpack3A_1183, %get3A_1192 : vector<16xf32>
      %add3A_1202 = arith.addf %add3A_1148, %mul3A_1201 : vector<16xf32>
      %mul3A_1203 = arith.mulf %unpack3A_1184, %get3A_1200 : vector<16xf32>
      %add3A_1204 = arith.addf %add3A_1150, %mul3A_1203 : vector<16xf32>
      %add3A_1205 = arith.constant 240 : i32
      %add3A_1206 = vector.broadcast %add3A_1205 : i32 to vector<16xi32>
      %add3A_1207 = arith.addi %get3A_921, %add3A_1206 : vector<16xi32>
      %gather3A_1208 = tpu.vector_load_idx %arg12[%add3A_1207] : memref<320xi32, #tpu.memory_space<vmem>>[vector<16xi32>], vector<16xi32>,
      %bitcast3A_1209 = vector.bitcast %gather3A_1208 : vector<16xi32> to vector<32xbf16>
      %unpack3A_1210 = tpu.unpack_subelements %bitcast3A_1209, 0 {pack_format = #tpu.pack_format<interleaved>} : vector<32xbf16> -> vector<16xf32>
      %unpack3A_1211 = tpu.unpack_subelements %bitcast3A_1209, 1 {pack_format = #tpu.pack_format<interleaved>} : vector<32xbf16> -> vector<16xf32>
      %mul3A_1212 = arith.constant 16 : i32
      %mul3A_1213 = arith.muli %add3A_915, %mul3A_1212 : i32
      %get3A_1214 = arith.constant 0 : i32
      %get3A_1215 = arith.constant 20 : i32
      %get3A_1216 = arith.index_cast %get3A_1214 : i32 to index
      %get3A_1217 = arith.index_cast %get3A_1215 : i32 to index
      %get3A_1218 = arith.index_cast %mul3A_1213 : i32 to index
      %get3A_1219 = tpu.vector_load %arg7[%get3A_1216, %get3A_1217, %get3A_1218] {strides = array<i32>} : memref<2x24x2048xf32, #tpu.memory_space<vmem>>, vector<16xf32>,
      %mul3A_1220 = arith.constant 16 : i32
      %mul3A_1221 = arith.muli %add3A_915, %mul3A_1220 : i32
      %get3A_1222 = arith.constant 0 : i32
      %get3A_1223 = arith.constant 21 : i32
      %get3A_1224 = arith.index_cast %get3A_1222 : i32 to index
      %get3A_1225 = arith.index_cast %get3A_1223 : i32 to index
      %get3A_1226 = arith.index_cast %mul3A_1221 : i32 to index
      %get3A_1227 = tpu.vector_load %arg7[%get3A_1224, %get3A_1225, %get3A_1226] {strides = array<i32>} : memref<2x24x2048xf32, #tpu.memory_space<vmem>>, vector<16xf32>,
      %mul3A_1228 = arith.mulf %unpack3A_1210, %get3A_1219 : vector<16xf32>
      %add3A_1229 = arith.addf %add3A_1175, %mul3A_1228 : vector<16xf32>
      %mul3A_1230 = arith.mulf %unpack3A_1211, %get3A_1227 : vector<16xf32>
      %add3A_1231 = arith.addf %add3A_1177, %mul3A_1230 : vector<16xf32>
      %add3A_1232 = arith.constant 264 : i32
      %add3A_1233 = vector.broadcast %add3A_1232 : i32 to vector<16xi32>
      %add3A_1234 = arith.addi %get3A_921, %add3A_1233 : vector<16xi32>
      %gather3A_1235 = tpu.vector_load_idx %arg12[%add3A_1234] : memref<320xi32, #tpu.memory_space<vmem>>[vector<16xi32>], vector<16xi32>,
      %bitcast3A_1236 = vector.bitcast %gather3A_1235 : vector<16xi32> to vector<32xbf16>
      %unpack3A_1237 = tpu.unpack_subelements %bitcast3A_1236, 0 {pack_format = #tpu.pack_format<interleaved>} : vector<32xbf16> -> vector<16xf32>
      %unpack3A_1238 = tpu.unpack_subelements %bitcast3A_1236, 1 {pack_format = #tpu.pack_format<interleaved>} : vector<32xbf16> -> vector<16xf32>
      %mul3A_1239 = arith.constant 16 : i32
      %mul3A_1240 = arith.muli %add3A_915, %mul3A_1239 : i32
      %get3A_1241 = arith.constant 0 : i32
      %get3A_1242 = arith.constant 22 : i32
      %get3A_1243 = arith.index_cast %get3A_1241 : i32 to index
      %get3A_1244 = arith.index_cast %get3A_1242 : i32 to index
      %get3A_1245 = arith.index_cast %mul3A_1240 : i32 to index
      %get3A_1246 = tpu.vector_load %arg7[%get3A_1243, %get3A_1244, %get3A_1245] {strides = array<i32>} : memref<2x24x2048xf32, #tpu.memory_space<vmem>>, vector<16xf32>,
      %mul3A_1247 = arith.constant 16 : i32
      %mul3A_1248 = arith.muli %add3A_915, %mul3A_1247 : i32
      %get3A_1249 = arith.constant 0 : i32
      %get3A_1250 = arith.constant 23 : i32
      %get3A_1251 = arith.index_cast %get3A_1249 : i32 to index
      %get3A_1252 = arith.index_cast %get3A_1250 : i32 to index
      %get3A_1253 = arith.index_cast %mul3A_1248 : i32 to index
      %get3A_1254 = tpu.vector_load %arg7[%get3A_1251, %get3A_1252, %get3A_1253] {strides = array<i32>} : memref<2x24x2048xf32, #tpu.memory_space<vmem>>, vector<16xf32>,
      %mul3A_1255 = arith.mulf %unpack3A_1237, %get3A_1246 : vector<16xf32>
      %add3A_1256 = arith.addf %add3A_1202, %mul3A_1255 : vector<16xf32>
      %mul3A_1257 = arith.mulf %unpack3A_1238, %get3A_1254 : vector<16xf32>
      %add3A_1258 = arith.addf %add3A_1204, %mul3A_1257 : vector<16xf32>
      %add3A_1259 = arith.addf %add3A_1229, %add3A_1231 : vector<16xf32>
      %add3A_1260 = arith.addf %add3A_1256, %add3A_1258 : vector<16xf32>
      %add3A_1261 = arith.addf %add3A_1259, %add3A_1260 : vector<16xf32>
      %mul3A_1262 = arith.mulf %add3A_1261, %get3A_927 : vector<16xf32>
      %add3A_1263 = arith.addf %scan3A_913, %mul3A_1262 : vector<16xf32>
      scf.yield %add3A_1263 : vector<16xf32>
    }
    %scan3A_865 = arith.constant 64 : i32
    %dma_wait3A_866 = arith.constant 1 : i32
    %dma_wait3A_867 = arith.constant 0 : i32
    %dma_wait3A_868 = arith.constant 0 : i32
    %dma_wait3A_869 = tpu.memref_slice %arg7[%dma_wait3A_866, %dma_wait3A_867, %dma_wait3A_868] : memref<2x24x2048xf32, #tpu.memory_space<vmem>> -> memref<1x24x1024xf32, #tpu.memory_space<vmem>>
    %dma_wait3A_870 = arith.constant 0 : i32
    %dma_wait3A_871 = arith.constant 0 : i32
    %dma_wait3A_872 = tpu.memref_slice %arg2[%add3A_35, %dma_wait3A_870, %dma_wait3A_871] : memref<64x24x2048xf32, #tpu.memory_space<hbm>> -> memref<1x24x1024xf32, #tpu.memory_space<hbm>>
    %dma_wait3A_873 = arith.constant 1 : i32
    %dma_wait3A_874 = arith.constant 0 : i32
    %dma_wait3A_875 = arith.constant 0 : i32
    %dma_wait3A_876 = tpu.memref_slice %arg7[%dma_wait3A_873, %dma_wait3A_874, %dma_wait3A_875] : memref<2x24x2048xf32, #tpu.memory_space<vmem>> -> memref<1x24x1024xf32, #tpu.memory_space<vmem>>
    %dma_wait3A_877 = arith.constant 0 : i32
    %dma_wait3A_878 = arith.constant 0 : i32
    %dma_wait3A_879 = tpu.memref_slice %arg2[%add3A_35, %dma_wait3A_877, %dma_wait3A_878] : memref<64x24x2048xf32, #tpu.memory_space<hbm>> -> memref<1x24x1024xf32, #tpu.memory_space<hbm>>
    tpu.wait_dma2 semaphore(%arg18 : memref<!tpu.dma_semaphore, #tpu.memory_space<semaphore_mem>>) src(%dma_wait3A_879 : memref<1x24x1024xf32, #tpu.memory_space<hbm>>) dst(%dma_wait3A_876 : memref<1x24x1024xf32, #tpu.memory_space<vmem>>)
    %scan3A_880 = arith.constant 0 : i32
    %scan3A_881 = arith.constant 64 : i32
    %scan3A_882 = arith.addi %scan3A_880, %scan3A_881 : i32
    %scan3A_883 = arith.constant 1 : i32
    %scan3A_884 = scf.for %scan3A_912 = %scan3A_880 to %scan3A_882 step %scan3A_883 iter_args(%scan3A_913 = %scan3A_864) -> (vector<16xf32>)  : i32 {
      %add3A_914 = arith.constant 0 : i32
      %add3A_915 = arith.addi %add3A_914, %scan3A_912 : i32
      %mul3A_916 = arith.constant 16 : i32
      %mul3A_917 = arith.muli %add3A_915, %mul3A_916 : i32
      %get3A_918 = arith.constant 1 : i32
      %get3A_919 = arith.index_cast %get3A_918 : i32 to index
      %get3A_920 = arith.index_cast %mul3A_917 : i32 to index
      %get3A_921 = tpu.vector_load %arg8[%get3A_919, %get3A_920] {strides = array<i32>} : memref<2x2048xi32, #tpu.memory_space<vmem>>, vector<16xi32>,
      %mul3A_922 = arith.constant 16 : i32
      %mul3A_923 = arith.muli %add3A_915, %mul3A_922 : i32
      %get3A_924 = arith.constant 1 : i32
      %get3A_925 = arith.index_cast %get3A_924 : i32 to index
      %get3A_926 = arith.index_cast %mul3A_923 : i32 to index
      %get3A_927 = tpu.vector_load %arg9[%get3A_925, %get3A_926] {strides = array<i32>} : memref<2x2048xf32, #tpu.memory_space<vmem>>, vector<16xf32>,
      %broadcast_in_dim3A_928 = arith.constant 0.000000e+00 : f32
      %broadcast_in_dim3A_929 = vector.broadcast %broadcast_in_dim3A_928 : f32 to vector<16xf32>
      %broadcast_in_dim3A_930 = arith.constant 0.000000e+00 : f32
      %broadcast_in_dim3A_931 = vector.broadcast %broadcast_in_dim3A_930 : f32 to vector<16xf32>
      %broadcast_in_dim3A_932 = arith.constant 0.000000e+00 : f32
      %broadcast_in_dim3A_933 = vector.broadcast %broadcast_in_dim3A_932 : f32 to vector<16xf32>
      %broadcast_in_dim3A_934 = arith.constant 0.000000e+00 : f32
      %broadcast_in_dim3A_935 = vector.broadcast %broadcast_in_dim3A_934 : f32 to vector<16xf32>
      %add3A_936 = arith.constant 0 : i32
      %add3A_937 = vector.broadcast %add3A_936 : i32 to vector<16xi32>
      %add3A_938 = arith.addi %get3A_921, %add3A_937 : vector<16xi32>
      %gather3A_939 = tpu.vector_load_idx %arg12[%add3A_938] : memref<320xi32, #tpu.memory_space<vmem>>[vector<16xi32>], vector<16xi32>,
      %bitcast3A_940 = vector.bitcast %gather3A_939 : vector<16xi32> to vector<32xbf16>
      %unpack3A = tpu.unpack_subelements %bitcast3A_940, 0 {pack_format = #tpu.pack_format<interleaved>} : vector<32xbf16> -> vector<16xf32>
      %unpack3A_941 = tpu.unpack_subelements %bitcast3A_940, 1 {pack_format = #tpu.pack_format<interleaved>} : vector<32xbf16> -> vector<16xf32>
      %mul3A_942 = arith.constant 16 : i32
      %mul3A_943 = arith.muli %add3A_915, %mul3A_942 : i32
      %get3A_944 = arith.constant 1 : i32
      %get3A_945 = arith.constant 0 : i32
      %get3A_946 = arith.index_cast %get3A_944 : i32 to index
      %get3A_947 = arith.index_cast %get3A_945 : i32 to index
      %get3A_948 = arith.index_cast %mul3A_943 : i32 to index
      %get3A_949 = tpu.vector_load %arg7[%get3A_946, %get3A_947, %get3A_948] {strides = array<i32>} : memref<2x24x2048xf32, #tpu.memory_space<vmem>>, vector<16xf32>,
      %mul3A_950 = arith.constant 16 : i32
      %mul3A_951 = arith.muli %add3A_915, %mul3A_950 : i32
      %get3A_952 = arith.constant 1 : i32
      %get3A_953 = arith.constant 1 : i32
      %get3A_954 = arith.index_cast %get3A_952 : i32 to index
      %get3A_955 = arith.index_cast %get3A_953 : i32 to index
      %get3A_956 = arith.index_cast %mul3A_951 : i32 to index
      %get3A_957 = tpu.vector_load %arg7[%get3A_954, %get3A_955, %get3A_956] {strides = array<i32>} : memref<2x24x2048xf32, #tpu.memory_space<vmem>>, vector<16xf32>,
      %mul3A_958 = arith.mulf %unpack3A, %get3A_949 : vector<16xf32>
      %add3A_959 = arith.addf %broadcast_in_dim3A_929, %mul3A_958 : vector<16xf32>
      %mul3A_960 = arith.mulf %unpack3A_941, %get3A_957 : vector<16xf32>
      %add3A_961 = arith.addf %broadcast_in_dim3A_931, %mul3A_960 : vector<16xf32>
      %add3A_962 = arith.constant 24 : i32
      %add3A_963 = vector.broadcast %add3A_962 : i32 to vector<16xi32>
      %add3A_964 = arith.addi %get3A_921, %add3A_963 : vector<16xi32>
      %gather3A_965 = tpu.vector_load_idx %arg12[%add3A_964] : memref<320xi32, #tpu.memory_space<vmem>>[vector<16xi32>], vector<16xi32>,
      %bitcast3A_966 = vector.bitcast %gather3A_965 : vector<16xi32> to vector<32xbf16>
      %unpack3A_967 = tpu.unpack_subelements %bitcast3A_966, 0 {pack_format = #tpu.pack_format<interleaved>} : vector<32xbf16> -> vector<16xf32>
      %unpack3A_968 = tpu.unpack_subelements %bitcast3A_966, 1 {pack_format = #tpu.pack_format<interleaved>} : vector<32xbf16> -> vector<16xf32>
      %mul3A_969 = arith.constant 16 : i32
      %mul3A_970 = arith.muli %add3A_915, %mul3A_969 : i32
      %get3A_971 = arith.constant 1 : i32
      %get3A_972 = arith.constant 2 : i32
      %get3A_973 = arith.index_cast %get3A_971 : i32 to index
      %get3A_974 = arith.index_cast %get3A_972 : i32 to index
      %get3A_975 = arith.index_cast %mul3A_970 : i32 to index
      %get3A_976 = tpu.vector_load %arg7[%get3A_973, %get3A_974, %get3A_975] {strides = array<i32>} : memref<2x24x2048xf32, #tpu.memory_space<vmem>>, vector<16xf32>,
      %mul3A_977 = arith.constant 16 : i32
      %mul3A_978 = arith.muli %add3A_915, %mul3A_977 : i32
      %get3A_979 = arith.constant 1 : i32
      %get3A_980 = arith.constant 3 : i32
      %get3A_981 = arith.index_cast %get3A_979 : i32 to index
      %get3A_982 = arith.index_cast %get3A_980 : i32 to index
      %get3A_983 = arith.index_cast %mul3A_978 : i32 to index
      %get3A_984 = tpu.vector_load %arg7[%get3A_981, %get3A_982, %get3A_983] {strides = array<i32>} : memref<2x24x2048xf32, #tpu.memory_space<vmem>>, vector<16xf32>,
      %mul3A_985 = arith.mulf %unpack3A_967, %get3A_976 : vector<16xf32>
      %add3A_986 = arith.addf %broadcast_in_dim3A_933, %mul3A_985 : vector<16xf32>
      %mul3A_987 = arith.mulf %unpack3A_968, %get3A_984 : vector<16xf32>
      %add3A_988 = arith.addf %broadcast_in_dim3A_935, %mul3A_987 : vector<16xf32>
      %add3A_989 = arith.constant 48 : i32
      %add3A_990 = vector.broadcast %add3A_989 : i32 to vector<16xi32>
      %add3A_991 = arith.addi %get3A_921, %add3A_990 : vector<16xi32>
      %gather3A_992 = tpu.vector_load_idx %arg12[%add3A_991] : memref<320xi32, #tpu.memory_space<vmem>>[vector<16xi32>], vector<16xi32>,
      %bitcast3A_993 = vector.bitcast %gather3A_992 : vector<16xi32> to vector<32xbf16>
      %unpack3A_994 = tpu.unpack_subelements %bitcast3A_993, 0 {pack_format = #tpu.pack_format<interleaved>} : vector<32xbf16> -> vector<16xf32>
      %unpack3A_995 = tpu.unpack_subelements %bitcast3A_993, 1 {pack_format = #tpu.pack_format<interleaved>} : vector<32xbf16> -> vector<16xf32>
      %mul3A_996 = arith.constant 16 : i32
      %mul3A_997 = arith.muli %add3A_915, %mul3A_996 : i32
      %get3A_998 = arith.constant 1 : i32
      %get3A_999 = arith.constant 4 : i32
      %get3A_1000 = arith.index_cast %get3A_998 : i32 to index
      %get3A_1001 = arith.index_cast %get3A_999 : i32 to index
      %get3A_1002 = arith.index_cast %mul3A_997 : i32 to index
      %get3A_1003 = tpu.vector_load %arg7[%get3A_1000, %get3A_1001, %get3A_1002] {strides = array<i32>} : memref<2x24x2048xf32, #tpu.memory_space<vmem>>, vector<16xf32>,
      %mul3A_1004 = arith.constant 16 : i32
      %mul3A_1005 = arith.muli %add3A_915, %mul3A_1004 : i32
      %get3A_1006 = arith.constant 1 : i32
      %get3A_1007 = arith.constant 5 : i32
      %get3A_1008 = arith.index_cast %get3A_1006 : i32 to index
      %get3A_1009 = arith.index_cast %get3A_1007 : i32 to index
      %get3A_1010 = arith.index_cast %mul3A_1005 : i32 to index
      %get3A_1011 = tpu.vector_load %arg7[%get3A_1008, %get3A_1009, %get3A_1010] {strides = array<i32>} : memref<2x24x2048xf32, #tpu.memory_space<vmem>>, vector<16xf32>,
      %mul3A_1012 = arith.mulf %unpack3A_994, %get3A_1003 : vector<16xf32>
      %add3A_1013 = arith.addf %add3A_959, %mul3A_1012 : vector<16xf32>
      %mul3A_1014 = arith.mulf %unpack3A_995, %get3A_1011 : vector<16xf32>
      %add3A_1015 = arith.addf %add3A_961, %mul3A_1014 : vector<16xf32>
      %add3A_1016 = arith.constant 72 : i32
      %add3A_1017 = vector.broadcast %add3A_1016 : i32 to vector<16xi32>
      %add3A_1018 = arith.addi %get3A_921, %add3A_1017 : vector<16xi32>
      %gather3A_1019 = tpu.vector_load_idx %arg12[%add3A_1018] : memref<320xi32, #tpu.memory_space<vmem>>[vector<16xi32>], vector<16xi32>,
      %bitcast3A_1020 = vector.bitcast %gather3A_1019 : vector<16xi32> to vector<32xbf16>
      %unpack3A_1021 = tpu.unpack_subelements %bitcast3A_1020, 0 {pack_format = #tpu.pack_format<interleaved>} : vector<32xbf16> -> vector<16xf32>
      %unpack3A_1022 = tpu.unpack_subelements %bitcast3A_1020, 1 {pack_format = #tpu.pack_format<interleaved>} : vector<32xbf16> -> vector<16xf32>
      %mul3A_1023 = arith.constant 16 : i32
      %mul3A_1024 = arith.muli %add3A_915, %mul3A_1023 : i32
      %get3A_1025 = arith.constant 1 : i32
      %get3A_1026 = arith.constant 6 : i32
      %get3A_1027 = arith.index_cast %get3A_1025 : i32 to index
      %get3A_1028 = arith.index_cast %get3A_1026 : i32 to index
      %get3A_1029 = arith.index_cast %mul3A_1024 : i32 to index
      %get3A_1030 = tpu.vector_load %arg7[%get3A_1027, %get3A_1028, %get3A_1029] {strides = array<i32>} : memref<2x24x2048xf32, #tpu.memory_space<vmem>>, vector<16xf32>,
      %mul3A_1031 = arith.constant 16 : i32
      %mul3A_1032 = arith.muli %add3A_915, %mul3A_1031 : i32
      %get3A_1033 = arith.constant 1 : i32
      %get3A_1034 = arith.constant 7 : i32
      %get3A_1035 = arith.index_cast %get3A_1033 : i32 to index
      %get3A_1036 = arith.index_cast %get3A_1034 : i32 to index
      %get3A_1037 = arith.index_cast %mul3A_1032 : i32 to index
      %get3A_1038 = tpu.vector_load %arg7[%get3A_1035, %get3A_1036, %get3A_1037] {strides = array<i32>} : memref<2x24x2048xf32, #tpu.memory_space<vmem>>, vector<16xf32>,
      %mul3A_1039 = arith.mulf %unpack3A_1021, %get3A_1030 : vector<16xf32>
      %add3A_1040 = arith.addf %add3A_986, %mul3A_1039 : vector<16xf32>
      %mul3A_1041 = arith.mulf %unpack3A_1022, %get3A_1038 : vector<16xf32>
      %add3A_1042 = arith.addf %add3A_988, %mul3A_1041 : vector<16xf32>
      %add3A_1043 = arith.constant 96 : i32
      %add3A_1044 = vector.broadcast %add3A_1043 : i32 to vector<16xi32>
      %add3A_1045 = arith.addi %get3A_921, %add3A_1044 : vector<16xi32>
      %gather3A_1046 = tpu.vector_load_idx %arg12[%add3A_1045] : memref<320xi32, #tpu.memory_space<vmem>>[vector<16xi32>], vector<16xi32>,
      %bitcast3A_1047 = vector.bitcast %gather3A_1046 : vector<16xi32> to vector<32xbf16>
      %unpack3A_1048 = tpu.unpack_subelements %bitcast3A_1047, 0 {pack_format = #tpu.pack_format<interleaved>} : vector<32xbf16> -> vector<16xf32>
      %unpack3A_1049 = tpu.unpack_subelements %bitcast3A_1047, 1 {pack_format = #tpu.pack_format<interleaved>} : vector<32xbf16> -> vector<16xf32>
      %mul3A_1050 = arith.constant 16 : i32
      %mul3A_1051 = arith.muli %add3A_915, %mul3A_1050 : i32
      %get3A_1052 = arith.constant 1 : i32
      %get3A_1053 = arith.constant 8 : i32
      %get3A_1054 = arith.index_cast %get3A_1052 : i32 to index
      %get3A_1055 = arith.index_cast %get3A_1053 : i32 to index
      %get3A_1056 = arith.index_cast %mul3A_1051 : i32 to index
      %get3A_1057 = tpu.vector_load %arg7[%get3A_1054, %get3A_1055, %get3A_1056] {strides = array<i32>} : memref<2x24x2048xf32, #tpu.memory_space<vmem>>, vector<16xf32>,
      %mul3A_1058 = arith.constant 16 : i32
      %mul3A_1059 = arith.muli %add3A_915, %mul3A_1058 : i32
      %get3A_1060 = arith.constant 1 : i32
      %get3A_1061 = arith.constant 9 : i32
      %get3A_1062 = arith.index_cast %get3A_1060 : i32 to index
      %get3A_1063 = arith.index_cast %get3A_1061 : i32 to index
      %get3A_1064 = arith.index_cast %mul3A_1059 : i32 to index
      %get3A_1065 = tpu.vector_load %arg7[%get3A_1062, %get3A_1063, %get3A_1064] {strides = array<i32>} : memref<2x24x2048xf32, #tpu.memory_space<vmem>>, vector<16xf32>,
      %mul3A_1066 = arith.mulf %unpack3A_1048, %get3A_1057 : vector<16xf32>
      %add3A_1067 = arith.addf %add3A_1013, %mul3A_1066 : vector<16xf32>
      %mul3A_1068 = arith.mulf %unpack3A_1049, %get3A_1065 : vector<16xf32>
      %add3A_1069 = arith.addf %add3A_1015, %mul3A_1068 : vector<16xf32>
      %add3A_1070 = arith.constant 120 : i32
      %add3A_1071 = vector.broadcast %add3A_1070 : i32 to vector<16xi32>
      %add3A_1072 = arith.addi %get3A_921, %add3A_1071 : vector<16xi32>
      %gather3A_1073 = tpu.vector_load_idx %arg12[%add3A_1072] : memref<320xi32, #tpu.memory_space<vmem>>[vector<16xi32>], vector<16xi32>,
      %bitcast3A_1074 = vector.bitcast %gather3A_1073 : vector<16xi32> to vector<32xbf16>
      %unpack3A_1075 = tpu.unpack_subelements %bitcast3A_1074, 0 {pack_format = #tpu.pack_format<interleaved>} : vector<32xbf16> -> vector<16xf32>
      %unpack3A_1076 = tpu.unpack_subelements %bitcast3A_1074, 1 {pack_format = #tpu.pack_format<interleaved>} : vector<32xbf16> -> vector<16xf32>
      %mul3A_1077 = arith.constant 16 : i32
      %mul3A_1078 = arith.muli %add3A_915, %mul3A_1077 : i32
      %get3A_1079 = arith.constant 1 : i32
      %get3A_1080 = arith.constant 10 : i32
      %get3A_1081 = arith.index_cast %get3A_1079 : i32 to index
      %get3A_1082 = arith.index_cast %get3A_1080 : i32 to index
      %get3A_1083 = arith.index_cast %mul3A_1078 : i32 to index
      %get3A_1084 = tpu.vector_load %arg7[%get3A_1081, %get3A_1082, %get3A_1083] {strides = array<i32>} : memref<2x24x2048xf32, #tpu.memory_space<vmem>>, vector<16xf32>,
      %mul3A_1085 = arith.constant 16 : i32
      %mul3A_1086 = arith.muli %add3A_915, %mul3A_1085 : i32
      %get3A_1087 = arith.constant 1 : i32
      %get3A_1088 = arith.constant 11 : i32
      %get3A_1089 = arith.index_cast %get3A_1087 : i32 to index
      %get3A_1090 = arith.index_cast %get3A_1088 : i32 to index
      %get3A_1091 = arith.index_cast %mul3A_1086 : i32 to index
      %get3A_1092 = tpu.vector_load %arg7[%get3A_1089, %get3A_1090, %get3A_1091] {strides = array<i32>} : memref<2x24x2048xf32, #tpu.memory_space<vmem>>, vector<16xf32>,
      %mul3A_1093 = arith.mulf %unpack3A_1075, %get3A_1084 : vector<16xf32>
      %add3A_1094 = arith.addf %add3A_1040, %mul3A_1093 : vector<16xf32>
      %mul3A_1095 = arith.mulf %unpack3A_1076, %get3A_1092 : vector<16xf32>
      %add3A_1096 = arith.addf %add3A_1042, %mul3A_1095 : vector<16xf32>
      %add3A_1097 = arith.constant 144 : i32
      %add3A_1098 = vector.broadcast %add3A_1097 : i32 to vector<16xi32>
      %add3A_1099 = arith.addi %get3A_921, %add3A_1098 : vector<16xi32>
      %gather3A_1100 = tpu.vector_load_idx %arg12[%add3A_1099] : memref<320xi32, #tpu.memory_space<vmem>>[vector<16xi32>], vector<16xi32>,
      %bitcast3A_1101 = vector.bitcast %gather3A_1100 : vector<16xi32> to vector<32xbf16>
      %unpack3A_1102 = tpu.unpack_subelements %bitcast3A_1101, 0 {pack_format = #tpu.pack_format<interleaved>} : vector<32xbf16> -> vector<16xf32>
      %unpack3A_1103 = tpu.unpack_subelements %bitcast3A_1101, 1 {pack_format = #tpu.pack_format<interleaved>} : vector<32xbf16> -> vector<16xf32>
      %mul3A_1104 = arith.constant 16 : i32
      %mul3A_1105 = arith.muli %add3A_915, %mul3A_1104 : i32
      %get3A_1106 = arith.constant 1 : i32
      %get3A_1107 = arith.constant 12 : i32
      %get3A_1108 = arith.index_cast %get3A_1106 : i32 to index
      %get3A_1109 = arith.index_cast %get3A_1107 : i32 to index
      %get3A_1110 = arith.index_cast %mul3A_1105 : i32 to index
      %get3A_1111 = tpu.vector_load %arg7[%get3A_1108, %get3A_1109, %get3A_1110] {strides = array<i32>} : memref<2x24x2048xf32, #tpu.memory_space<vmem>>, vector<16xf32>,
      %mul3A_1112 = arith.constant 16 : i32
      %mul3A_1113 = arith.muli %add3A_915, %mul3A_1112 : i32
      %get3A_1114 = arith.constant 1 : i32
      %get3A_1115 = arith.constant 13 : i32
      %get3A_1116 = arith.index_cast %get3A_1114 : i32 to index
      %get3A_1117 = arith.index_cast %get3A_1115 : i32 to index
      %get3A_1118 = arith.index_cast %mul3A_1113 : i32 to index
      %get3A_1119 = tpu.vector_load %arg7[%get3A_1116, %get3A_1117, %get3A_1118] {strides = array<i32>} : memref<2x24x2048xf32, #tpu.memory_space<vmem>>, vector<16xf32>,
      %mul3A_1120 = arith.mulf %unpack3A_1102, %get3A_1111 : vector<16xf32>
      %add3A_1121 = arith.addf %add3A_1067, %mul3A_1120 : vector<16xf32>
      %mul3A_1122 = arith.mulf %unpack3A_1103, %get3A_1119 : vector<16xf32>
      %add3A_1123 = arith.addf %add3A_1069, %mul3A_1122 : vector<16xf32>
      %add3A_1124 = arith.constant 168 : i32
      %add3A_1125 = vector.broadcast %add3A_1124 : i32 to vector<16xi32>
      %add3A_1126 = arith.addi %get3A_921, %add3A_1125 : vector<16xi32>
      %gather3A_1127 = tpu.vector_load_idx %arg12[%add3A_1126] : memref<320xi32, #tpu.memory_space<vmem>>[vector<16xi32>], vector<16xi32>,
      %bitcast3A_1128 = vector.bitcast %gather3A_1127 : vector<16xi32> to vector<32xbf16>
      %unpack3A_1129 = tpu.unpack_subelements %bitcast3A_1128, 0 {pack_format = #tpu.pack_format<interleaved>} : vector<32xbf16> -> vector<16xf32>
      %unpack3A_1130 = tpu.unpack_subelements %bitcast3A_1128, 1 {pack_format = #tpu.pack_format<interleaved>} : vector<32xbf16> -> vector<16xf32>
      %mul3A_1131 = arith.constant 16 : i32
      %mul3A_1132 = arith.muli %add3A_915, %mul3A_1131 : i32
      %get3A_1133 = arith.constant 1 : i32
      %get3A_1134 = arith.constant 14 : i32
      %get3A_1135 = arith.index_cast %get3A_1133 : i32 to index
      %get3A_1136 = arith.index_cast %get3A_1134 : i32 to index
      %get3A_1137 = arith.index_cast %mul3A_1132 : i32 to index
      %get3A_1138 = tpu.vector_load %arg7[%get3A_1135, %get3A_1136, %get3A_1137] {strides = array<i32>} : memref<2x24x2048xf32, #tpu.memory_space<vmem>>, vector<16xf32>,
      %mul3A_1139 = arith.constant 16 : i32
      %mul3A_1140 = arith.muli %add3A_915, %mul3A_1139 : i32
      %get3A_1141 = arith.constant 1 : i32
      %get3A_1142 = arith.constant 15 : i32
      %get3A_1143 = arith.index_cast %get3A_1141 : i32 to index
      %get3A_1144 = arith.index_cast %get3A_1142 : i32 to index
      %get3A_1145 = arith.index_cast %mul3A_1140 : i32 to index
      %get3A_1146 = tpu.vector_load %arg7[%get3A_1143, %get3A_1144, %get3A_1145] {strides = array<i32>} : memref<2x24x2048xf32, #tpu.memory_space<vmem>>, vector<16xf32>,
      %mul3A_1147 = arith.mulf %unpack3A_1129, %get3A_1138 : vector<16xf32>
      %add3A_1148 = arith.addf %add3A_1094, %mul3A_1147 : vector<16xf32>
      %mul3A_1149 = arith.mulf %unpack3A_1130, %get3A_1146 : vector<16xf32>
      %add3A_1150 = arith.addf %add3A_1096, %mul3A_1149 : vector<16xf32>
      %add3A_1151 = arith.constant 192 : i32
      %add3A_1152 = vector.broadcast %add3A_1151 : i32 to vector<16xi32>
      %add3A_1153 = arith.addi %get3A_921, %add3A_1152 : vector<16xi32>
      %gather3A_1154 = tpu.vector_load_idx %arg12[%add3A_1153] : memref<320xi32, #tpu.memory_space<vmem>>[vector<16xi32>], vector<16xi32>,
      %bitcast3A_1155 = vector.bitcast %gather3A_1154 : vector<16xi32> to vector<32xbf16>
      %unpack3A_1156 = tpu.unpack_subelements %bitcast3A_1155, 0 {pack_format = #tpu.pack_format<interleaved>} : vector<32xbf16> -> vector<16xf32>
      %unpack3A_1157 = tpu.unpack_subelements %bitcast3A_1155, 1 {pack_format = #tpu.pack_format<interleaved>} : vector<32xbf16> -> vector<16xf32>
      %mul3A_1158 = arith.constant 16 : i32
      %mul3A_1159 = arith.muli %add3A_915, %mul3A_1158 : i32
      %get3A_1160 = arith.constant 1 : i32
      %get3A_1161 = arith.constant 16 : i32
      %get3A_1162 = arith.index_cast %get3A_1160 : i32 to index
      %get3A_1163 = arith.index_cast %get3A_1161 : i32 to index
      %get3A_1164 = arith.index_cast %mul3A_1159 : i32 to index
      %get3A_1165 = tpu.vector_load %arg7[%get3A_1162, %get3A_1163, %get3A_1164] {strides = array<i32>} : memref<2x24x2048xf32, #tpu.memory_space<vmem>>, vector<16xf32>,
      %mul3A_1166 = arith.constant 16 : i32
      %mul3A_1167 = arith.muli %add3A_915, %mul3A_1166 : i32
      %get3A_1168 = arith.constant 1 : i32
      %get3A_1169 = arith.constant 17 : i32
      %get3A_1170 = arith.index_cast %get3A_1168 : i32 to index
      %get3A_1171 = arith.index_cast %get3A_1169 : i32 to index
      %get3A_1172 = arith.index_cast %mul3A_1167 : i32 to index
      %get3A_1173 = tpu.vector_load %arg7[%get3A_1170, %get3A_1171, %get3A_1172] {strides = array<i32>} : memref<2x24x2048xf32, #tpu.memory_space<vmem>>, vector<16xf32>,
      %mul3A_1174 = arith.mulf %unpack3A_1156, %get3A_1165 : vector<16xf32>
      %add3A_1175 = arith.addf %add3A_1121, %mul3A_1174 : vector<16xf32>
      %mul3A_1176 = arith.mulf %unpack3A_1157, %get3A_1173 : vector<16xf32>
      %add3A_1177 = arith.addf %add3A_1123, %mul3A_1176 : vector<16xf32>
      %add3A_1178 = arith.constant 216 : i32
      %add3A_1179 = vector.broadcast %add3A_1178 : i32 to vector<16xi32>
      %add3A_1180 = arith.addi %get3A_921, %add3A_1179 : vector<16xi32>
      %gather3A_1181 = tpu.vector_load_idx %arg12[%add3A_1180] : memref<320xi32, #tpu.memory_space<vmem>>[vector<16xi32>], vector<16xi32>,
      %bitcast3A_1182 = vector.bitcast %gather3A_1181 : vector<16xi32> to vector<32xbf16>
      %unpack3A_1183 = tpu.unpack_subelements %bitcast3A_1182, 0 {pack_format = #tpu.pack_format<interleaved>} : vector<32xbf16> -> vector<16xf32>
      %unpack3A_1184 = tpu.unpack_subelements %bitcast3A_1182, 1 {pack_format = #tpu.pack_format<interleaved>} : vector<32xbf16> -> vector<16xf32>
      %mul3A_1185 = arith.constant 16 : i32
      %mul3A_1186 = arith.muli %add3A_915, %mul3A_1185 : i32
      %get3A_1187 = arith.constant 1 : i32
      %get3A_1188 = arith.constant 18 : i32
      %get3A_1189 = arith.index_cast %get3A_1187 : i32 to index
      %get3A_1190 = arith.index_cast %get3A_1188 : i32 to index
      %get3A_1191 = arith.index_cast %mul3A_1186 : i32 to index
      %get3A_1192 = tpu.vector_load %arg7[%get3A_1189, %get3A_1190, %get3A_1191] {strides = array<i32>} : memref<2x24x2048xf32, #tpu.memory_space<vmem>>, vector<16xf32>,
      %mul3A_1193 = arith.constant 16 : i32
      %mul3A_1194 = arith.muli %add3A_915, %mul3A_1193 : i32
      %get3A_1195 = arith.constant 1 : i32
      %get3A_1196 = arith.constant 19 : i32
      %get3A_1197 = arith.index_cast %get3A_1195 : i32 to index
      %get3A_1198 = arith.index_cast %get3A_1196 : i32 to index
      %get3A_1199 = arith.index_cast %mul3A_1194 : i32 to index
      %get3A_1200 = tpu.vector_load %arg7[%get3A_1197, %get3A_1198, %get3A_1199] {strides = array<i32>} : memref<2x24x2048xf32, #tpu.memory_space<vmem>>, vector<16xf32>,
      %mul3A_1201 = arith.mulf %unpack3A_1183, %get3A_1192 : vector<16xf32>
      %add3A_1202 = arith.addf %add3A_1148, %mul3A_1201 : vector<16xf32>
      %mul3A_1203 = arith.mulf %unpack3A_1184, %get3A_1200 : vector<16xf32>
      %add3A_1204 = arith.addf %add3A_1150, %mul3A_1203 : vector<16xf32>
      %add3A_1205 = arith.constant 240 : i32
      %add3A_1206 = vector.broadcast %add3A_1205 : i32 to vector<16xi32>
      %add3A_1207 = arith.addi %get3A_921, %add3A_1206 : vector<16xi32>
      %gather3A_1208 = tpu.vector_load_idx %arg12[%add3A_1207] : memref<320xi32, #tpu.memory_space<vmem>>[vector<16xi32>], vector<16xi32>,
      %bitcast3A_1209 = vector.bitcast %gather3A_1208 : vector<16xi32> to vector<32xbf16>
      %unpack3A_1210 = tpu.unpack_subelements %bitcast3A_1209, 0 {pack_format = #tpu.pack_format<interleaved>} : vector<32xbf16> -> vector<16xf32>
      %unpack3A_1211 = tpu.unpack_subelements %bitcast3A_1209, 1 {pack_format = #tpu.pack_format<interleaved>} : vector<32xbf16> -> vector<16xf32>
      %mul3A_1212 = arith.constant 16 : i32
      %mul3A_1213 = arith.muli %add3A_915, %mul3A_1212 : i32
      %get3A_1214 = arith.constant 1 : i32
      %get3A_1215 = arith.constant 20 : i32
      %get3A_1216 = arith.index_cast %get3A_1214 : i32 to index
      %get3A_1217 = arith.index_cast %get3A_1215 : i32 to index
      %get3A_1218 = arith.index_cast %mul3A_1213 : i32 to index
      %get3A_1219 = tpu.vector_load %arg7[%get3A_1216, %get3A_1217, %get3A_1218] {strides = array<i32>} : memref<2x24x2048xf32, #tpu.memory_space<vmem>>, vector<16xf32>,
      %mul3A_1220 = arith.constant 16 : i32
      %mul3A_1221 = arith.muli %add3A_915, %mul3A_1220 : i32
      %get3A_1222 = arith.constant 1 : i32
      %get3A_1223 = arith.constant 21 : i32
      %get3A_1224 = arith.index_cast %get3A_1222 : i32 to index
      %get3A_1225 = arith.index_cast %get3A_1223 : i32 to index
      %get3A_1226 = arith.index_cast %mul3A_1221 : i32 to index
      %get3A_1227 = tpu.vector_load %arg7[%get3A_1224, %get3A_1225, %get3A_1226] {strides = array<i32>} : memref<2x24x2048xf32, #tpu.memory_space<vmem>>, vector<16xf32>,
      %mul3A_1228 = arith.mulf %unpack3A_1210, %get3A_1219 : vector<16xf32>
      %add3A_1229 = arith.addf %add3A_1175, %mul3A_1228 : vector<16xf32>
      %mul3A_1230 = arith.mulf %unpack3A_1211, %get3A_1227 : vector<16xf32>
      %add3A_1231 = arith.addf %add3A_1177, %mul3A_1230 : vector<16xf32>
      %add3A_1232 = arith.constant 264 : i32
      %add3A_1233 = vector.broadcast %add3A_1232 : i32 to vector<16xi32>
      %add3A_1234 = arith.addi %get3A_921, %add3A_1233 : vector<16xi32>
      %gather3A_1235 = tpu.vector_load_idx %arg12[%add3A_1234] : memref<320xi32, #tpu.memory_space<vmem>>[vector<16xi32>], vector<16xi32>,
      %bitcast3A_1236 = vector.bitcast %gather3A_1235 : vector<16xi32> to vector<32xbf16>
      %unpack3A_1237 = tpu.unpack_subelements %bitcast3A_1236, 0 {pack_format = #tpu.pack_format<interleaved>} : vector<32xbf16> -> vector<16xf32>
      %unpack3A_1238 = tpu.unpack_subelements %bitcast3A_1236, 1 {pack_format = #tpu.pack_format<interleaved>} : vector<32xbf16> -> vector<16xf32>
      %mul3A_1239 = arith.constant 16 : i32
      %mul3A_1240 = arith.muli %add3A_915, %mul3A_1239 : i32
      %get3A_1241 = arith.constant 1 : i32
      %get3A_1242 = arith.constant 22 : i32
      %get3A_1243 = arith.index_cast %get3A_1241 : i32 to index
      %get3A_1244 = arith.index_cast %get3A_1242 : i32 to index
      %get3A_1245 = arith.index_cast %mul3A_1240 : i32 to index
      %get3A_1246 = tpu.vector_load %arg7[%get3A_1243, %get3A_1244, %get3A_1245] {strides = array<i32>} : memref<2x24x2048xf32, #tpu.memory_space<vmem>>, vector<16xf32>,
      %mul3A_1247 = arith.constant 16 : i32
      %mul3A_1248 = arith.muli %add3A_915, %mul3A_1247 : i32
      %get3A_1249 = arith.constant 1 : i32
      %get3A_1250 = arith.constant 23 : i32
      %get3A_1251 = arith.index_cast %get3A_1249 : i32 to index
      %get3A_1252 = arith.index_cast %get3A_1250 : i32 to index
      %get3A_1253 = arith.index_cast %mul3A_1248 : i32 to index
      %get3A_1254 = tpu.vector_load %arg7[%get3A_1251, %get3A_1252, %get3A_1253] {strides = array<i32>} : memref<2x24x2048xf32, #tpu.memory_space<vmem>>, vector<16xf32>,
      %mul3A_1255 = arith.mulf %unpack3A_1237, %get3A_1246 : vector<16xf32>
      %add3A_1256 = arith.addf %add3A_1202, %mul3A_1255 : vector<16xf32>
      %mul3A_1257 = arith.mulf %unpack3A_1238, %get3A_1254 : vector<16xf32>
      %add3A_1258 = arith.addf %add3A_1204, %mul3A_1257 : vector<16xf32>
      %add3A_1259 = arith.addf %add3A_1229, %add3A_1231 : vector<16xf32>
      %add3A_1260 = arith.addf %add3A_1256, %add3A_1258 : vector<16xf32>
      %add3A_1261 = arith.addf %add3A_1259, %add3A_1260 : vector<16xf32>
      %mul3A_1262 = arith.mulf %add3A_1261, %get3A_927 : vector<16xf32>
      %add3A_1263 = arith.addf %scan3A_913, %mul3A_1262 : vector<16xf32>
      scf.yield %add3A_1263 : vector<16xf32>
    }
    %scan3A_885 = arith.constant 64 : i32
    %dma_wait3A_886 = arith.constant 1 : i32
    %dma_wait3A_887 = arith.constant 0 : i32
    %dma_wait3A_888 = arith.constant 1024 : i32
    %dma_wait3A_889 = tpu.memref_slice %arg7[%dma_wait3A_886, %dma_wait3A_887, %dma_wait3A_888] : memref<2x24x2048xf32, #tpu.memory_space<vmem>> -> memref<1x24x1024xf32, #tpu.memory_space<vmem>>
    %dma_wait3A_890 = arith.constant 0 : i32
    %dma_wait3A_891 = arith.constant 1024 : i32
    %dma_wait3A_892 = tpu.memref_slice %arg2[%add3A_51, %dma_wait3A_890, %dma_wait3A_891] : memref<64x24x2048xf32, #tpu.memory_space<hbm>> -> memref<1x24x1024xf32, #tpu.memory_space<hbm>>
    %dma_wait3A_893 = arith.constant 1 : i32
    %dma_wait3A_894 = arith.constant 0 : i32
    %dma_wait3A_895 = arith.constant 1024 : i32
    %dma_wait3A_896 = tpu.memref_slice %arg7[%dma_wait3A_893, %dma_wait3A_894, %dma_wait3A_895] : memref<2x24x2048xf32, #tpu.memory_space<vmem>> -> memref<1x24x1024xf32, #tpu.memory_space<vmem>>
    %dma_wait3A_897 = arith.constant 0 : i32
    %dma_wait3A_898 = arith.constant 1024 : i32
    %dma_wait3A_899 = tpu.memref_slice %arg2[%add3A_51, %dma_wait3A_897, %dma_wait3A_898] : memref<64x24x2048xf32, #tpu.memory_space<hbm>> -> memref<1x24x1024xf32, #tpu.memory_space<hbm>>
    tpu.wait_dma2 semaphore(%arg19 : memref<!tpu.dma_semaphore, #tpu.memory_space<semaphore_mem>>) src(%dma_wait3A_899 : memref<1x24x1024xf32, #tpu.memory_space<hbm>>) dst(%dma_wait3A_896 : memref<1x24x1024xf32, #tpu.memory_space<vmem>>)
    %scan3A_900 = arith.constant 0 : i32
    %scan3A_901 = arith.constant 64 : i32
    %scan3A_902 = arith.addi %scan3A_900, %scan3A_901 : i32
    %scan3A_903 = arith.constant 1 : i32
    %scan3A_904 = scf.for %scan3A_912 = %scan3A_900 to %scan3A_902 step %scan3A_903 iter_args(%scan3A_913 = %scan3A_884) -> (vector<16xf32>)  : i32 {
      %add3A_914 = arith.constant 64 : i32
      %add3A_915 = arith.addi %add3A_914, %scan3A_912 : i32
      %mul3A_916 = arith.constant 16 : i32
      %mul3A_917 = arith.muli %add3A_915, %mul3A_916 : i32
      %get3A_918 = arith.constant 1 : i32
      %get3A_919 = arith.index_cast %get3A_918 : i32 to index
      %get3A_920 = arith.index_cast %mul3A_917 : i32 to index
      %get3A_921 = tpu.vector_load %arg8[%get3A_919, %get3A_920] {strides = array<i32>} : memref<2x2048xi32, #tpu.memory_space<vmem>>, vector<16xi32>,
      %mul3A_922 = arith.constant 16 : i32
      %mul3A_923 = arith.muli %add3A_915, %mul3A_922 : i32
      %get3A_924 = arith.constant 1 : i32
      %get3A_925 = arith.index_cast %get3A_924 : i32 to index
      %get3A_926 = arith.index_cast %mul3A_923 : i32 to index
      %get3A_927 = tpu.vector_load %arg9[%get3A_925, %get3A_926] {strides = array<i32>} : memref<2x2048xf32, #tpu.memory_space<vmem>>, vector<16xf32>,
      %broadcast_in_dim3A_928 = arith.constant 0.000000e+00 : f32
      %broadcast_in_dim3A_929 = vector.broadcast %broadcast_in_dim3A_928 : f32 to vector<16xf32>
      %broadcast_in_dim3A_930 = arith.constant 0.000000e+00 : f32
      %broadcast_in_dim3A_931 = vector.broadcast %broadcast_in_dim3A_930 : f32 to vector<16xf32>
      %broadcast_in_dim3A_932 = arith.constant 0.000000e+00 : f32
      %broadcast_in_dim3A_933 = vector.broadcast %broadcast_in_dim3A_932 : f32 to vector<16xf32>
      %broadcast_in_dim3A_934 = arith.constant 0.000000e+00 : f32
      %broadcast_in_dim3A_935 = vector.broadcast %broadcast_in_dim3A_934 : f32 to vector<16xf32>
      %add3A_936 = arith.constant 0 : i32
      %add3A_937 = vector.broadcast %add3A_936 : i32 to vector<16xi32>
      %add3A_938 = arith.addi %get3A_921, %add3A_937 : vector<16xi32>
      %gather3A_939 = tpu.vector_load_idx %arg12[%add3A_938] : memref<320xi32, #tpu.memory_space<vmem>>[vector<16xi32>], vector<16xi32>,
      %bitcast3A_940 = vector.bitcast %gather3A_939 : vector<16xi32> to vector<32xbf16>
      %unpack3A = tpu.unpack_subelements %bitcast3A_940, 0 {pack_format = #tpu.pack_format<interleaved>} : vector<32xbf16> -> vector<16xf32>
      %unpack3A_941 = tpu.unpack_subelements %bitcast3A_940, 1 {pack_format = #tpu.pack_format<interleaved>} : vector<32xbf16> -> vector<16xf32>
      %mul3A_942 = arith.constant 16 : i32
      %mul3A_943 = arith.muli %add3A_915, %mul3A_942 : i32
      %get3A_944 = arith.constant 1 : i32
      %get3A_945 = arith.constant 0 : i32
      %get3A_946 = arith.index_cast %get3A_944 : i32 to index
      %get3A_947 = arith.index_cast %get3A_945 : i32 to index
      %get3A_948 = arith.index_cast %mul3A_943 : i32 to index
      %get3A_949 = tpu.vector_load %arg7[%get3A_946, %get3A_947, %get3A_948] {strides = array<i32>} : memref<2x24x2048xf32, #tpu.memory_space<vmem>>, vector<16xf32>,
      %mul3A_950 = arith.constant 16 : i32
      %mul3A_951 = arith.muli %add3A_915, %mul3A_950 : i32
      %get3A_952 = arith.constant 1 : i32
      %get3A_953 = arith.constant 1 : i32
      %get3A_954 = arith.index_cast %get3A_952 : i32 to index
      %get3A_955 = arith.index_cast %get3A_953 : i32 to index
      %get3A_956 = arith.index_cast %mul3A_951 : i32 to index
      %get3A_957 = tpu.vector_load %arg7[%get3A_954, %get3A_955, %get3A_956] {strides = array<i32>} : memref<2x24x2048xf32, #tpu.memory_space<vmem>>, vector<16xf32>,
      %mul3A_958 = arith.mulf %unpack3A, %get3A_949 : vector<16xf32>
      %add3A_959 = arith.addf %broadcast_in_dim3A_929, %mul3A_958 : vector<16xf32>
      %mul3A_960 = arith.mulf %unpack3A_941, %get3A_957 : vector<16xf32>
      %add3A_961 = arith.addf %broadcast_in_dim3A_931, %mul3A_960 : vector<16xf32>
      %add3A_962 = arith.constant 24 : i32
      %add3A_963 = vector.broadcast %add3A_962 : i32 to vector<16xi32>
      %add3A_964 = arith.addi %get3A_921, %add3A_963 : vector<16xi32>
      %gather3A_965 = tpu.vector_load_idx %arg12[%add3A_964] : memref<320xi32, #tpu.memory_space<vmem>>[vector<16xi32>], vector<16xi32>,
      %bitcast3A_966 = vector.bitcast %gather3A_965 : vector<16xi32> to vector<32xbf16>
      %unpack3A_967 = tpu.unpack_subelements %bitcast3A_966, 0 {pack_format = #tpu.pack_format<interleaved>} : vector<32xbf16> -> vector<16xf32>
      %unpack3A_968 = tpu.unpack_subelements %bitcast3A_966, 1 {pack_format = #tpu.pack_format<interleaved>} : vector<32xbf16> -> vector<16xf32>
      %mul3A_969 = arith.constant 16 : i32
      %mul3A_970 = arith.muli %add3A_915, %mul3A_969 : i32
      %get3A_971 = arith.constant 1 : i32
      %get3A_972 = arith.constant 2 : i32
      %get3A_973 = arith.index_cast %get3A_971 : i32 to index
      %get3A_974 = arith.index_cast %get3A_972 : i32 to index
      %get3A_975 = arith.index_cast %mul3A_970 : i32 to index
      %get3A_976 = tpu.vector_load %arg7[%get3A_973, %get3A_974, %get3A_975] {strides = array<i32>} : memref<2x24x2048xf32, #tpu.memory_space<vmem>>, vector<16xf32>,
      %mul3A_977 = arith.constant 16 : i32
      %mul3A_978 = arith.muli %add3A_915, %mul3A_977 : i32
      %get3A_979 = arith.constant 1 : i32
      %get3A_980 = arith.constant 3 : i32
      %get3A_981 = arith.index_cast %get3A_979 : i32 to index
      %get3A_982 = arith.index_cast %get3A_980 : i32 to index
      %get3A_983 = arith.index_cast %mul3A_978 : i32 to index
      %get3A_984 = tpu.vector_load %arg7[%get3A_981, %get3A_982, %get3A_983] {strides = array<i32>} : memref<2x24x2048xf32, #tpu.memory_space<vmem>>, vector<16xf32>,
      %mul3A_985 = arith.mulf %unpack3A_967, %get3A_976 : vector<16xf32>
      %add3A_986 = arith.addf %broadcast_in_dim3A_933, %mul3A_985 : vector<16xf32>
      %mul3A_987 = arith.mulf %unpack3A_968, %get3A_984 : vector<16xf32>
      %add3A_988 = arith.addf %broadcast_in_dim3A_935, %mul3A_987 : vector<16xf32>
      %add3A_989 = arith.constant 48 : i32
      %add3A_990 = vector.broadcast %add3A_989 : i32 to vector<16xi32>
      %add3A_991 = arith.addi %get3A_921, %add3A_990 : vector<16xi32>
      %gather3A_992 = tpu.vector_load_idx %arg12[%add3A_991] : memref<320xi32, #tpu.memory_space<vmem>>[vector<16xi32>], vector<16xi32>,
      %bitcast3A_993 = vector.bitcast %gather3A_992 : vector<16xi32> to vector<32xbf16>
      %unpack3A_994 = tpu.unpack_subelements %bitcast3A_993, 0 {pack_format = #tpu.pack_format<interleaved>} : vector<32xbf16> -> vector<16xf32>
      %unpack3A_995 = tpu.unpack_subelements %bitcast3A_993, 1 {pack_format = #tpu.pack_format<interleaved>} : vector<32xbf16> -> vector<16xf32>
      %mul3A_996 = arith.constant 16 : i32
      %mul3A_997 = arith.muli %add3A_915, %mul3A_996 : i32
      %get3A_998 = arith.constant 1 : i32
      %get3A_999 = arith.constant 4 : i32
      %get3A_1000 = arith.index_cast %get3A_998 : i32 to index
      %get3A_1001 = arith.index_cast %get3A_999 : i32 to index
      %get3A_1002 = arith.index_cast %mul3A_997 : i32 to index
      %get3A_1003 = tpu.vector_load %arg7[%get3A_1000, %get3A_1001, %get3A_1002] {strides = array<i32>} : memref<2x24x2048xf32, #tpu.memory_space<vmem>>, vector<16xf32>,
      %mul3A_1004 = arith.constant 16 : i32
      %mul3A_1005 = arith.muli %add3A_915, %mul3A_1004 : i32
      %get3A_1006 = arith.constant 1 : i32
      %get3A_1007 = arith.constant 5 : i32
      %get3A_1008 = arith.index_cast %get3A_1006 : i32 to index
      %get3A_1009 = arith.index_cast %get3A_1007 : i32 to index
      %get3A_1010 = arith.index_cast %mul3A_1005 : i32 to index
      %get3A_1011 = tpu.vector_load %arg7[%get3A_1008, %get3A_1009, %get3A_1010] {strides = array<i32>} : memref<2x24x2048xf32, #tpu.memory_space<vmem>>, vector<16xf32>,
      %mul3A_1012 = arith.mulf %unpack3A_994, %get3A_1003 : vector<16xf32>
      %add3A_1013 = arith.addf %add3A_959, %mul3A_1012 : vector<16xf32>
      %mul3A_1014 = arith.mulf %unpack3A_995, %get3A_1011 : vector<16xf32>
      %add3A_1015 = arith.addf %add3A_961, %mul3A_1014 : vector<16xf32>
      %add3A_1016 = arith.constant 72 : i32
      %add3A_1017 = vector.broadcast %add3A_1016 : i32 to vector<16xi32>
      %add3A_1018 = arith.addi %get3A_921, %add3A_1017 : vector<16xi32>
      %gather3A_1019 = tpu.vector_load_idx %arg12[%add3A_1018] : memref<320xi32, #tpu.memory_space<vmem>>[vector<16xi32>], vector<16xi32>,
      %bitcast3A_1020 = vector.bitcast %gather3A_1019 : vector<16xi32> to vector<32xbf16>
      %unpack3A_1021 = tpu.unpack_subelements %bitcast3A_1020, 0 {pack_format = #tpu.pack_format<interleaved>} : vector<32xbf16> -> vector<16xf32>
      %unpack3A_1022 = tpu.unpack_subelements %bitcast3A_1020, 1 {pack_format = #tpu.pack_format<interleaved>} : vector<32xbf16> -> vector<16xf32>
      %mul3A_1023 = arith.constant 16 : i32
      %mul3A_1024 = arith.muli %add3A_915, %mul3A_1023 : i32
      %get3A_1025 = arith.constant 1 : i32
      %get3A_1026 = arith.constant 6 : i32
      %get3A_1027 = arith.index_cast %get3A_1025 : i32 to index
      %get3A_1028 = arith.index_cast %get3A_1026 : i32 to index
      %get3A_1029 = arith.index_cast %mul3A_1024 : i32 to index
      %get3A_1030 = tpu.vector_load %arg7[%get3A_1027, %get3A_1028, %get3A_1029] {strides = array<i32>} : memref<2x24x2048xf32, #tpu.memory_space<vmem>>, vector<16xf32>,
      %mul3A_1031 = arith.constant 16 : i32
      %mul3A_1032 = arith.muli %add3A_915, %mul3A_1031 : i32
      %get3A_1033 = arith.constant 1 : i32
      %get3A_1034 = arith.constant 7 : i32
      %get3A_1035 = arith.index_cast %get3A_1033 : i32 to index
      %get3A_1036 = arith.index_cast %get3A_1034 : i32 to index
      %get3A_1037 = arith.index_cast %mul3A_1032 : i32 to index
      %get3A_1038 = tpu.vector_load %arg7[%get3A_1035, %get3A_1036, %get3A_1037] {strides = array<i32>} : memref<2x24x2048xf32, #tpu.memory_space<vmem>>, vector<16xf32>,
      %mul3A_1039 = arith.mulf %unpack3A_1021, %get3A_1030 : vector<16xf32>
      %add3A_1040 = arith.addf %add3A_986, %mul3A_1039 : vector<16xf32>
      %mul3A_1041 = arith.mulf %unpack3A_1022, %get3A_1038 : vector<16xf32>
      %add3A_1042 = arith.addf %add3A_988, %mul3A_1041 : vector<16xf32>
      %add3A_1043 = arith.constant 96 : i32
      %add3A_1044 = vector.broadcast %add3A_1043 : i32 to vector<16xi32>
      %add3A_1045 = arith.addi %get3A_921, %add3A_1044 : vector<16xi32>
      %gather3A_1046 = tpu.vector_load_idx %arg12[%add3A_1045] : memref<320xi32, #tpu.memory_space<vmem>>[vector<16xi32>], vector<16xi32>,
      %bitcast3A_1047 = vector.bitcast %gather3A_1046 : vector<16xi32> to vector<32xbf16>
      %unpack3A_1048 = tpu.unpack_subelements %bitcast3A_1047, 0 {pack_format = #tpu.pack_format<interleaved>} : vector<32xbf16> -> vector<16xf32>
      %unpack3A_1049 = tpu.unpack_subelements %bitcast3A_1047, 1 {pack_format = #tpu.pack_format<interleaved>} : vector<32xbf16> -> vector<16xf32>
      %mul3A_1050 = arith.constant 16 : i32
      %mul3A_1051 = arith.muli %add3A_915, %mul3A_1050 : i32
      %get3A_1052 = arith.constant 1 : i32
      %get3A_1053 = arith.constant 8 : i32
      %get3A_1054 = arith.index_cast %get3A_1052 : i32 to index
      %get3A_1055 = arith.index_cast %get3A_1053 : i32 to index
      %get3A_1056 = arith.index_cast %mul3A_1051 : i32 to index
      %get3A_1057 = tpu.vector_load %arg7[%get3A_1054, %get3A_1055, %get3A_1056] {strides = array<i32>} : memref<2x24x2048xf32, #tpu.memory_space<vmem>>, vector<16xf32>,
      %mul3A_1058 = arith.constant 16 : i32
      %mul3A_1059 = arith.muli %add3A_915, %mul3A_1058 : i32
      %get3A_1060 = arith.constant 1 : i32
      %get3A_1061 = arith.constant 9 : i32
      %get3A_1062 = arith.index_cast %get3A_1060 : i32 to index
      %get3A_1063 = arith.index_cast %get3A_1061 : i32 to index
      %get3A_1064 = arith.index_cast %mul3A_1059 : i32 to index
      %get3A_1065 = tpu.vector_load %arg7[%get3A_1062, %get3A_1063, %get3A_1064] {strides = array<i32>} : memref<2x24x2048xf32, #tpu.memory_space<vmem>>, vector<16xf32>,
      %mul3A_1066 = arith.mulf %unpack3A_1048, %get3A_1057 : vector<16xf32>
      %add3A_1067 = arith.addf %add3A_1013, %mul3A_1066 : vector<16xf32>
      %mul3A_1068 = arith.mulf %unpack3A_1049, %get3A_1065 : vector<16xf32>
      %add3A_1069 = arith.addf %add3A_1015, %mul3A_1068 : vector<16xf32>
      %add3A_1070 = arith.constant 120 : i32
      %add3A_1071 = vector.broadcast %add3A_1070 : i32 to vector<16xi32>
      %add3A_1072 = arith.addi %get3A_921, %add3A_1071 : vector<16xi32>
      %gather3A_1073 = tpu.vector_load_idx %arg12[%add3A_1072] : memref<320xi32, #tpu.memory_space<vmem>>[vector<16xi32>], vector<16xi32>,
      %bitcast3A_1074 = vector.bitcast %gather3A_1073 : vector<16xi32> to vector<32xbf16>
      %unpack3A_1075 = tpu.unpack_subelements %bitcast3A_1074, 0 {pack_format = #tpu.pack_format<interleaved>} : vector<32xbf16> -> vector<16xf32>
      %unpack3A_1076 = tpu.unpack_subelements %bitcast3A_1074, 1 {pack_format = #tpu.pack_format<interleaved>} : vector<32xbf16> -> vector<16xf32>
      %mul3A_1077 = arith.constant 16 : i32
      %mul3A_1078 = arith.muli %add3A_915, %mul3A_1077 : i32
      %get3A_1079 = arith.constant 1 : i32
      %get3A_1080 = arith.constant 10 : i32
      %get3A_1081 = arith.index_cast %get3A_1079 : i32 to index
      %get3A_1082 = arith.index_cast %get3A_1080 : i32 to index
      %get3A_1083 = arith.index_cast %mul3A_1078 : i32 to index
      %get3A_1084 = tpu.vector_load %arg7[%get3A_1081, %get3A_1082, %get3A_1083] {strides = array<i32>} : memref<2x24x2048xf32, #tpu.memory_space<vmem>>, vector<16xf32>,
      %mul3A_1085 = arith.constant 16 : i32
      %mul3A_1086 = arith.muli %add3A_915, %mul3A_1085 : i32
      %get3A_1087 = arith.constant 1 : i32
      %get3A_1088 = arith.constant 11 : i32
      %get3A_1089 = arith.index_cast %get3A_1087 : i32 to index
      %get3A_1090 = arith.index_cast %get3A_1088 : i32 to index
      %get3A_1091 = arith.index_cast %mul3A_1086 : i32 to index
      %get3A_1092 = tpu.vector_load %arg7[%get3A_1089, %get3A_1090, %get3A_1091] {strides = array<i32>} : memref<2x24x2048xf32, #tpu.memory_space<vmem>>, vector<16xf32>,
      %mul3A_1093 = arith.mulf %unpack3A_1075, %get3A_1084 : vector<16xf32>
      %add3A_1094 = arith.addf %add3A_1040, %mul3A_1093 : vector<16xf32>
      %mul3A_1095 = arith.mulf %unpack3A_1076, %get3A_1092 : vector<16xf32>
      %add3A_1096 = arith.addf %add3A_1042, %mul3A_1095 : vector<16xf32>
      %add3A_1097 = arith.constant 144 : i32
      %add3A_1098 = vector.broadcast %add3A_1097 : i32 to vector<16xi32>
      %add3A_1099 = arith.addi %get3A_921, %add3A_1098 : vector<16xi32>
      %gather3A_1100 = tpu.vector_load_idx %arg12[%add3A_1099] : memref<320xi32, #tpu.memory_space<vmem>>[vector<16xi32>], vector<16xi32>,
      %bitcast3A_1101 = vector.bitcast %gather3A_1100 : vector<16xi32> to vector<32xbf16>
      %unpack3A_1102 = tpu.unpack_subelements %bitcast3A_1101, 0 {pack_format = #tpu.pack_format<interleaved>} : vector<32xbf16> -> vector<16xf32>
      %unpack3A_1103 = tpu.unpack_subelements %bitcast3A_1101, 1 {pack_format = #tpu.pack_format<interleaved>} : vector<32xbf16> -> vector<16xf32>
      %mul3A_1104 = arith.constant 16 : i32
      %mul3A_1105 = arith.muli %add3A_915, %mul3A_1104 : i32
      %get3A_1106 = arith.constant 1 : i32
      %get3A_1107 = arith.constant 12 : i32
      %get3A_1108 = arith.index_cast %get3A_1106 : i32 to index
      %get3A_1109 = arith.index_cast %get3A_1107 : i32 to index
      %get3A_1110 = arith.index_cast %mul3A_1105 : i32 to index
      %get3A_1111 = tpu.vector_load %arg7[%get3A_1108, %get3A_1109, %get3A_1110] {strides = array<i32>} : memref<2x24x2048xf32, #tpu.memory_space<vmem>>, vector<16xf32>,
      %mul3A_1112 = arith.constant 16 : i32
      %mul3A_1113 = arith.muli %add3A_915, %mul3A_1112 : i32
      %get3A_1114 = arith.constant 1 : i32
      %get3A_1115 = arith.constant 13 : i32
      %get3A_1116 = arith.index_cast %get3A_1114 : i32 to index
      %get3A_1117 = arith.index_cast %get3A_1115 : i32 to index
      %get3A_1118 = arith.index_cast %mul3A_1113 : i32 to index
      %get3A_1119 = tpu.vector_load %arg7[%get3A_1116, %get3A_1117, %get3A_1118] {strides = array<i32>} : memref<2x24x2048xf32, #tpu.memory_space<vmem>>, vector<16xf32>,
      %mul3A_1120 = arith.mulf %unpack3A_1102, %get3A_1111 : vector<16xf32>
      %add3A_1121 = arith.addf %add3A_1067, %mul3A_1120 : vector<16xf32>
      %mul3A_1122 = arith.mulf %unpack3A_1103, %get3A_1119 : vector<16xf32>
      %add3A_1123 = arith.addf %add3A_1069, %mul3A_1122 : vector<16xf32>
      %add3A_1124 = arith.constant 168 : i32
      %add3A_1125 = vector.broadcast %add3A_1124 : i32 to vector<16xi32>
      %add3A_1126 = arith.addi %get3A_921, %add3A_1125 : vector<16xi32>
      %gather3A_1127 = tpu.vector_load_idx %arg12[%add3A_1126] : memref<320xi32, #tpu.memory_space<vmem>>[vector<16xi32>], vector<16xi32>,
      %bitcast3A_1128 = vector.bitcast %gather3A_1127 : vector<16xi32> to vector<32xbf16>
      %unpack3A_1129 = tpu.unpack_subelements %bitcast3A_1128, 0 {pack_format = #tpu.pack_format<interleaved>} : vector<32xbf16> -> vector<16xf32>
      %unpack3A_1130 = tpu.unpack_subelements %bitcast3A_1128, 1 {pack_format = #tpu.pack_format<interleaved>} : vector<32xbf16> -> vector<16xf32>
      %mul3A_1131 = arith.constant 16 : i32
      %mul3A_1132 = arith.muli %add3A_915, %mul3A_1131 : i32
      %get3A_1133 = arith.constant 1 : i32
      %get3A_1134 = arith.constant 14 : i32
      %get3A_1135 = arith.index_cast %get3A_1133 : i32 to index
      %get3A_1136 = arith.index_cast %get3A_1134 : i32 to index
      %get3A_1137 = arith.index_cast %mul3A_1132 : i32 to index
      %get3A_1138 = tpu.vector_load %arg7[%get3A_1135, %get3A_1136, %get3A_1137] {strides = array<i32>} : memref<2x24x2048xf32, #tpu.memory_space<vmem>>, vector<16xf32>,
      %mul3A_1139 = arith.constant 16 : i32
      %mul3A_1140 = arith.muli %add3A_915, %mul3A_1139 : i32
      %get3A_1141 = arith.constant 1 : i32
      %get3A_1142 = arith.constant 15 : i32
      %get3A_1143 = arith.index_cast %get3A_1141 : i32 to index
      %get3A_1144 = arith.index_cast %get3A_1142 : i32 to index
      %get3A_1145 = arith.index_cast %mul3A_1140 : i32 to index
      %get3A_1146 = tpu.vector_load %arg7[%get3A_1143, %get3A_1144, %get3A_1145] {strides = array<i32>} : memref<2x24x2048xf32, #tpu.memory_space<vmem>>, vector<16xf32>,
      %mul3A_1147 = arith.mulf %unpack3A_1129, %get3A_1138 : vector<16xf32>
      %add3A_1148 = arith.addf %add3A_1094, %mul3A_1147 : vector<16xf32>
      %mul3A_1149 = arith.mulf %unpack3A_1130, %get3A_1146 : vector<16xf32>
      %add3A_1150 = arith.addf %add3A_1096, %mul3A_1149 : vector<16xf32>
      %add3A_1151 = arith.constant 192 : i32
      %add3A_1152 = vector.broadcast %add3A_1151 : i32 to vector<16xi32>
      %add3A_1153 = arith.addi %get3A_921, %add3A_1152 : vector<16xi32>
      %gather3A_1154 = tpu.vector_load_idx %arg12[%add3A_1153] : memref<320xi32, #tpu.memory_space<vmem>>[vector<16xi32>], vector<16xi32>,
      %bitcast3A_1155 = vector.bitcast %gather3A_1154 : vector<16xi32> to vector<32xbf16>
      %unpack3A_1156 = tpu.unpack_subelements %bitcast3A_1155, 0 {pack_format = #tpu.pack_format<interleaved>} : vector<32xbf16> -> vector<16xf32>
      %unpack3A_1157 = tpu.unpack_subelements %bitcast3A_1155, 1 {pack_format = #tpu.pack_format<interleaved>} : vector<32xbf16> -> vector<16xf32>
      %mul3A_1158 = arith.constant 16 : i32
      %mul3A_1159 = arith.muli %add3A_915, %mul3A_1158 : i32
      %get3A_1160 = arith.constant 1 : i32
      %get3A_1161 = arith.constant 16 : i32
      %get3A_1162 = arith.index_cast %get3A_1160 : i32 to index
      %get3A_1163 = arith.index_cast %get3A_1161 : i32 to index
      %get3A_1164 = arith.index_cast %mul3A_1159 : i32 to index
      %get3A_1165 = tpu.vector_load %arg7[%get3A_1162, %get3A_1163, %get3A_1164] {strides = array<i32>} : memref<2x24x2048xf32, #tpu.memory_space<vmem>>, vector<16xf32>,
      %mul3A_1166 = arith.constant 16 : i32
      %mul3A_1167 = arith.muli %add3A_915, %mul3A_1166 : i32
      %get3A_1168 = arith.constant 1 : i32
      %get3A_1169 = arith.constant 17 : i32
      %get3A_1170 = arith.index_cast %get3A_1168 : i32 to index
      %get3A_1171 = arith.index_cast %get3A_1169 : i32 to index
      %get3A_1172 = arith.index_cast %mul3A_1167 : i32 to index
      %get3A_1173 = tpu.vector_load %arg7[%get3A_1170, %get3A_1171, %get3A_1172] {strides = array<i32>} : memref<2x24x2048xf32, #tpu.memory_space<vmem>>, vector<16xf32>,
      %mul3A_1174 = arith.mulf %unpack3A_1156, %get3A_1165 : vector<16xf32>
      %add3A_1175 = arith.addf %add3A_1121, %mul3A_1174 : vector<16xf32>
      %mul3A_1176 = arith.mulf %unpack3A_1157, %get3A_1173 : vector<16xf32>
      %add3A_1177 = arith.addf %add3A_1123, %mul3A_1176 : vector<16xf32>
      %add3A_1178 = arith.constant 216 : i32
      %add3A_1179 = vector.broadcast %add3A_1178 : i32 to vector<16xi32>
      %add3A_1180 = arith.addi %get3A_921, %add3A_1179 : vector<16xi32>
      %gather3A_1181 = tpu.vector_load_idx %arg12[%add3A_1180] : memref<320xi32, #tpu.memory_space<vmem>>[vector<16xi32>], vector<16xi32>,
      %bitcast3A_1182 = vector.bitcast %gather3A_1181 : vector<16xi32> to vector<32xbf16>
      %unpack3A_1183 = tpu.unpack_subelements %bitcast3A_1182, 0 {pack_format = #tpu.pack_format<interleaved>} : vector<32xbf16> -> vector<16xf32>
      %unpack3A_1184 = tpu.unpack_subelements %bitcast3A_1182, 1 {pack_format = #tpu.pack_format<interleaved>} : vector<32xbf16> -> vector<16xf32>
      %mul3A_1185 = arith.constant 16 : i32
      %mul3A_1186 = arith.muli %add3A_915, %mul3A_1185 : i32
      %get3A_1187 = arith.constant 1 : i32
      %get3A_1188 = arith.constant 18 : i32
      %get3A_1189 = arith.index_cast %get3A_1187 : i32 to index
      %get3A_1190 = arith.index_cast %get3A_1188 : i32 to index
      %get3A_1191 = arith.index_cast %mul3A_1186 : i32 to index
      %get3A_1192 = tpu.vector_load %arg7[%get3A_1189, %get3A_1190, %get3A_1191] {strides = array<i32>} : memref<2x24x2048xf32, #tpu.memory_space<vmem>>, vector<16xf32>,
      %mul3A_1193 = arith.constant 16 : i32
      %mul3A_1194 = arith.muli %add3A_915, %mul3A_1193 : i32
      %get3A_1195 = arith.constant 1 : i32
      %get3A_1196 = arith.constant 19 : i32
      %get3A_1197 = arith.index_cast %get3A_1195 : i32 to index
      %get3A_1198 = arith.index_cast %get3A_1196 : i32 to index
      %get3A_1199 = arith.index_cast %mul3A_1194 : i32 to index
      %get3A_1200 = tpu.vector_load %arg7[%get3A_1197, %get3A_1198, %get3A_1199] {strides = array<i32>} : memref<2x24x2048xf32, #tpu.memory_space<vmem>>, vector<16xf32>,
      %mul3A_1201 = arith.mulf %unpack3A_1183, %get3A_1192 : vector<16xf32>
      %add3A_1202 = arith.addf %add3A_1148, %mul3A_1201 : vector<16xf32>
      %mul3A_1203 = arith.mulf %unpack3A_1184, %get3A_1200 : vector<16xf32>
      %add3A_1204 = arith.addf %add3A_1150, %mul3A_1203 : vector<16xf32>
      %add3A_1205 = arith.constant 240 : i32
      %add3A_1206 = vector.broadcast %add3A_1205 : i32 to vector<16xi32>
      %add3A_1207 = arith.addi %get3A_921, %add3A_1206 : vector<16xi32>
      %gather3A_1208 = tpu.vector_load_idx %arg12[%add3A_1207] : memref<320xi32, #tpu.memory_space<vmem>>[vector<16xi32>], vector<16xi32>,
      %bitcast3A_1209 = vector.bitcast %gather3A_1208 : vector<16xi32> to vector<32xbf16>
      %unpack3A_1210 = tpu.unpack_subelements %bitcast3A_1209, 0 {pack_format = #tpu.pack_format<interleaved>} : vector<32xbf16> -> vector<16xf32>
      %unpack3A_1211 = tpu.unpack_subelements %bitcast3A_1209, 1 {pack_format = #tpu.pack_format<interleaved>} : vector<32xbf16> -> vector<16xf32>
      %mul3A_1212 = arith.constant 16 : i32
      %mul3A_1213 = arith.muli %add3A_915, %mul3A_1212 : i32
      %get3A_1214 = arith.constant 1 : i32
      %get3A_1215 = arith.constant 20 : i32
      %get3A_1216 = arith.index_cast %get3A_1214 : i32 to index
      %get3A_1217 = arith.index_cast %get3A_1215 : i32 to index
      %get3A_1218 = arith.index_cast %mul3A_1213 : i32 to index
      %get3A_1219 = tpu.vector_load %arg7[%get3A_1216, %get3A_1217, %get3A_1218] {strides = array<i32>} : memref<2x24x2048xf32, #tpu.memory_space<vmem>>, vector<16xf32>,
      %mul3A_1220 = arith.constant 16 : i32
      %mul3A_1221 = arith.muli %add3A_915, %mul3A_1220 : i32
      %get3A_1222 = arith.constant 1 : i32
      %get3A_1223 = arith.constant 21 : i32
      %get3A_1224 = arith.index_cast %get3A_1222 : i32 to index
      %get3A_1225 = arith.index_cast %get3A_1223 : i32 to index
      %get3A_1226 = arith.index_cast %mul3A_1221 : i32 to index
      %get3A_1227 = tpu.vector_load %arg7[%get3A_1224, %get3A_1225, %get3A_1226] {strides = array<i32>} : memref<2x24x2048xf32, #tpu.memory_space<vmem>>, vector<16xf32>,
      %mul3A_1228 = arith.mulf %unpack3A_1210, %get3A_1219 : vector<16xf32>
      %add3A_1229 = arith.addf %add3A_1175, %mul3A_1228 : vector<16xf32>
      %mul3A_1230 = arith.mulf %unpack3A_1211, %get3A_1227 : vector<16xf32>
      %add3A_1231 = arith.addf %add3A_1177, %mul3A_1230 : vector<16xf32>
      %add3A_1232 = arith.constant 264 : i32
      %add3A_1233 = vector.broadcast %add3A_1232 : i32 to vector<16xi32>
      %add3A_1234 = arith.addi %get3A_921, %add3A_1233 : vector<16xi32>
      %gather3A_1235 = tpu.vector_load_idx %arg12[%add3A_1234] : memref<320xi32, #tpu.memory_space<vmem>>[vector<16xi32>], vector<16xi32>,
      %bitcast3A_1236 = vector.bitcast %gather3A_1235 : vector<16xi32> to vector<32xbf16>
      %unpack3A_1237 = tpu.unpack_subelements %bitcast3A_1236, 0 {pack_format = #tpu.pack_format<interleaved>} : vector<32xbf16> -> vector<16xf32>
      %unpack3A_1238 = tpu.unpack_subelements %bitcast3A_1236, 1 {pack_format = #tpu.pack_format<interleaved>} : vector<32xbf16> -> vector<16xf32>
      %mul3A_1239 = arith.constant 16 : i32
      %mul3A_1240 = arith.muli %add3A_915, %mul3A_1239 : i32
      %get3A_1241 = arith.constant 1 : i32
      %get3A_1242 = arith.constant 22 : i32
      %get3A_1243 = arith.index_cast %get3A_1241 : i32 to index
      %get3A_1244 = arith.index_cast %get3A_1242 : i32 to index
      %get3A_1245 = arith.index_cast %mul3A_1240 : i32 to index
      %get3A_1246 = tpu.vector_load %arg7[%get3A_1243, %get3A_1244, %get3A_1245] {strides = array<i32>} : memref<2x24x2048xf32, #tpu.memory_space<vmem>>, vector<16xf32>,
      %mul3A_1247 = arith.constant 16 : i32
      %mul3A_1248 = arith.muli %add3A_915, %mul3A_1247 : i32
      %get3A_1249 = arith.constant 1 : i32
      %get3A_1250 = arith.constant 23 : i32
      %get3A_1251 = arith.index_cast %get3A_1249 : i32 to index
      %get3A_1252 = arith.index_cast %get3A_1250 : i32 to index
      %get3A_1253 = arith.index_cast %mul3A_1248 : i32 to index
      %get3A_1254 = tpu.vector_load %arg7[%get3A_1251, %get3A_1252, %get3A_1253] {strides = array<i32>} : memref<2x24x2048xf32, #tpu.memory_space<vmem>>, vector<16xf32>,
      %mul3A_1255 = arith.mulf %unpack3A_1237, %get3A_1246 : vector<16xf32>
      %add3A_1256 = arith.addf %add3A_1202, %mul3A_1255 : vector<16xf32>
      %mul3A_1257 = arith.mulf %unpack3A_1238, %get3A_1254 : vector<16xf32>
      %add3A_1258 = arith.addf %add3A_1204, %mul3A_1257 : vector<16xf32>
      %add3A_1259 = arith.addf %add3A_1229, %add3A_1231 : vector<16xf32>
      %add3A_1260 = arith.addf %add3A_1256, %add3A_1258 : vector<16xf32>
      %add3A_1261 = arith.addf %add3A_1259, %add3A_1260 : vector<16xf32>
      %mul3A_1262 = arith.mulf %add3A_1261, %get3A_927 : vector<16xf32>
      %add3A_1263 = arith.addf %scan3A_913, %mul3A_1262 : vector<16xf32>
      scf.yield %add3A_1263 : vector<16xf32>
    }
    %scan3A_905 = arith.constant 64 : i32
    %swap3A_906 = arith.constant 0 : index
    %swap3A_907 = tpu.vector_load %arg13[%swap3A_906] {strides = array<i32>} : memref<16xf32, #tpu.memory_space<vmem>>, vector<16xf32>,
    tpu.vector_store %arg13[%swap3A_906], %scan3A_904 {strides = array<i32>} : memref<16xf32, #tpu.memory_space<vmem>>, vector<16xf32>,
    %add3A_908 = arith.constant 32 : i32
    %add3A_909 = arith.addi %add3A_908, %arg1 : i32
    "tpu.region"() ({
      %run_scoped3A = tpu.sem_alloc : memref<!tpu.dma_semaphore, #tpu.memory_space<semaphore_mem>>
      %dma_start3A_912 = arith.constant 0 : i32
      %dma_start3A_913 = tpu.memref_slice %arg15[%add3A_909, %dma_start3A_912] : memref<48x16xf32, #tpu.memory_space<vmem_shared>> -> memref<1x16xf32, #tpu.memory_space<vmem_shared>>
      %dma_start3A_914 = tpu.memref_squeeze %dma_start3A_913 : memref<1x16xf32, #tpu.memory_space<vmem_shared>> -> memref<16xf32, #tpu.memory_space<vmem_shared>>
      %dma_start3A_915 = arith.constant 0 : i32
      %dma_start3A_916 = tpu.memref_slice %arg15[%add3A_909, %dma_start3A_915] : memref<48x16xf32, #tpu.memory_space<vmem_shared>> -> memref<1x16xf32, #tpu.memory_space<vmem_shared>>
      %dma_start3A_917 = tpu.memref_squeeze %dma_start3A_916 : memref<1x16xf32, #tpu.memory_space<vmem_shared>> -> memref<16xf32, #tpu.memory_space<vmem_shared>>
      tpu.enqueue_dma source(%arg13 : memref<16xf32, #tpu.memory_space<vmem>>) target(%dma_start3A_917 : memref<16xf32, #tpu.memory_space<vmem_shared>>) target_semaphore(%run_scoped3A : memref<!tpu.dma_semaphore, #tpu.memory_space<semaphore_mem>>)
      %dma_wait3A_918 = arith.constant 0 : i32
      %dma_wait3A_919 = tpu.memref_slice %arg15[%add3A_909, %dma_wait3A_918] : memref<48x16xf32, #tpu.memory_space<vmem_shared>> -> memref<1x16xf32, #tpu.memory_space<vmem_shared>>
      %dma_wait3A_920 = tpu.memref_squeeze %dma_wait3A_919 : memref<1x16xf32, #tpu.memory_space<vmem_shared>> -> memref<16xf32, #tpu.memory_space<vmem_shared>>
      %dma_wait3A_921 = arith.constant 0 : i32
      %dma_wait3A_922 = tpu.memref_slice %arg15[%add3A_909, %dma_wait3A_921] : memref<48x16xf32, #tpu.memory_space<vmem_shared>> -> memref<1x16xf32, #tpu.memory_space<vmem_shared>>
      %dma_wait3A_923 = tpu.memref_squeeze %dma_wait3A_922 : memref<1x16xf32, #tpu.memory_space<vmem_shared>> -> memref<16xf32, #tpu.memory_space<vmem_shared>>
      tpu.wait_dma2 semaphore(%run_scoped3A : memref<!tpu.dma_semaphore, #tpu.memory_space<semaphore_mem>>) src(%arg13 : memref<16xf32, #tpu.memory_space<vmem>>) dst(%dma_wait3A_923 : memref<16xf32, #tpu.memory_space<vmem_shared>>)
      tpu.yield
    }) : () -> ()
    %barrier3A = arith.constant 0 : index
    tpu.barrier barrier_id(%barrier3A)
    %eq3A = arith.constant 0 : i32
    %eq3A_910 = arith.cmpi eq, %arg1, %eq3A : i32
    %convert_element_type3A = arith.extui %eq3A_910 : i1 to i32
    %cond3A = arith.constant 0 : i32
    %cond3A_911 = arith.cmpi ne, %convert_element_type3A, %cond3A : i32
    scf.if %cond3A_911 {
      "tpu.region"() ({
        %run_scoped3A = tpu.sem_alloc : memref<!tpu.dma_semaphore, #tpu.memory_space<semaphore_mem>>
        %dma_start3A_1003 = arith.constant 32 : i32
        %dma_start3A_1004 = arith.constant 0 : i32
        %dma_start3A_1005 = tpu.memref_slice %arg15[%dma_start3A_1003, %dma_start3A_1004] : memref<48x16xf32, #tpu.memory_space<vmem_shared>> -> memref<16x16xf32, #tpu.memory_space<vmem_shared>>
        %dma_start3A_1006 = arith.constant 32 : i32
        %dma_start3A_1007 = arith.constant 0 : i32
        %dma_start3A_1008 = tpu.memref_slice %arg15[%dma_start3A_1006, %dma_start3A_1007] : memref<48x16xf32, #tpu.memory_space<vmem_shared>> -> memref<16x16xf32, #tpu.memory_space<vmem_shared>>
        tpu.enqueue_dma source(%dma_start3A_1008 : memref<16x16xf32, #tpu.memory_space<vmem_shared>>) target(%arg14 : memref<16x16xf32, #tpu.memory_space<vmem>>) target_semaphore(%run_scoped3A : memref<!tpu.dma_semaphore, #tpu.memory_space<semaphore_mem>>)
        %dma_wait3A_1009 = arith.constant 32 : i32
        %dma_wait3A_1010 = arith.constant 0 : i32
        %dma_wait3A_1011 = tpu.memref_slice %arg15[%dma_wait3A_1009, %dma_wait3A_1010] : memref<48x16xf32, #tpu.memory_space<vmem_shared>> -> memref<16x16xf32, #tpu.memory_space<vmem_shared>>
        %dma_wait3A_1012 = arith.constant 32 : i32
        %dma_wait3A_1013 = arith.constant 0 : i32
        %dma_wait3A_1014 = tpu.memref_slice %arg15[%dma_wait3A_1012, %dma_wait3A_1013] : memref<48x16xf32, #tpu.memory_space<vmem_shared>> -> memref<16x16xf32, #tpu.memory_space<vmem_shared>>
        tpu.wait_dma2 semaphore(%run_scoped3A : memref<!tpu.dma_semaphore, #tpu.memory_space<semaphore_mem>>) src(%dma_wait3A_1014 : memref<16x16xf32, #tpu.memory_space<vmem_shared>>) dst(%arg14 : memref<16x16xf32, #tpu.memory_space<vmem>>)
        tpu.yield
      }) : () -> ()
      %broadcast_in_dim3A_912 = arith.constant 0.000000e+00 : f32
      %broadcast_in_dim3A_913 = vector.broadcast %broadcast_in_dim3A_912 : f32 to vector<16xf32>
      %get3A_914 = arith.constant 0 : i32
      %get3A_915 = arith.index_cast %get3A_914 : i32 to index
      %get3A_916 = arith.constant 0 : index
      %get3A_917 = tpu.vector_load %arg14[%get3A_915, %get3A_916] {strides = array<i32>} : memref<16x16xf32, #tpu.memory_space<vmem>>, vector<16xf32>,
      %add3A_918 = arith.addf %broadcast_in_dim3A_913, %get3A_917 : vector<16xf32>
      %get3A_919 = arith.constant 1 : i32
      %get3A_920 = arith.index_cast %get3A_919 : i32 to index
      %get3A_921 = arith.constant 0 : index
      %get3A_922 = tpu.vector_load %arg14[%get3A_920, %get3A_921] {strides = array<i32>} : memref<16x16xf32, #tpu.memory_space<vmem>>, vector<16xf32>,
      %add3A_923 = arith.addf %add3A_918, %get3A_922 : vector<16xf32>
      %get3A_924 = arith.constant 2 : i32
      %get3A_925 = arith.index_cast %get3A_924 : i32 to index
      %get3A_926 = arith.constant 0 : index
      %get3A_927 = tpu.vector_load %arg14[%get3A_925, %get3A_926] {strides = array<i32>} : memref<16x16xf32, #tpu.memory_space<vmem>>, vector<16xf32>,
      %add3A_928 = arith.addf %add3A_923, %get3A_927 : vector<16xf32>
      %get3A_929 = arith.constant 3 : i32
      %get3A_930 = arith.index_cast %get3A_929 : i32 to index
      %get3A_931 = arith.constant 0 : index
      %get3A_932 = tpu.vector_load %arg14[%get3A_930, %get3A_931] {strides = array<i32>} : memref<16x16xf32, #tpu.memory_space<vmem>>, vector<16xf32>,
      %add3A_933 = arith.addf %add3A_928, %get3A_932 : vector<16xf32>
      %get3A_934 = arith.constant 4 : i32
      %get3A_935 = arith.index_cast %get3A_934 : i32 to index
      %get3A_936 = arith.constant 0 : index
      %get3A_937 = tpu.vector_load %arg14[%get3A_935, %get3A_936] {strides = array<i32>} : memref<16x16xf32, #tpu.memory_space<vmem>>, vector<16xf32>,
      %add3A_938 = arith.addf %add3A_933, %get3A_937 : vector<16xf32>
      %get3A_939 = arith.constant 5 : i32
      %get3A_940 = arith.index_cast %get3A_939 : i32 to index
      %get3A_941 = arith.constant 0 : index
      %get3A_942 = tpu.vector_load %arg14[%get3A_940, %get3A_941] {strides = array<i32>} : memref<16x16xf32, #tpu.memory_space<vmem>>, vector<16xf32>,
      %add3A_943 = arith.addf %add3A_938, %get3A_942 : vector<16xf32>
      %get3A_944 = arith.constant 6 : i32
      %get3A_945 = arith.index_cast %get3A_944 : i32 to index
      %get3A_946 = arith.constant 0 : index
      %get3A_947 = tpu.vector_load %arg14[%get3A_945, %get3A_946] {strides = array<i32>} : memref<16x16xf32, #tpu.memory_space<vmem>>, vector<16xf32>,
      %add3A_948 = arith.addf %add3A_943, %get3A_947 : vector<16xf32>
      %get3A_949 = arith.constant 7 : i32
      %get3A_950 = arith.index_cast %get3A_949 : i32 to index
      %get3A_951 = arith.constant 0 : index
      %get3A_952 = tpu.vector_load %arg14[%get3A_950, %get3A_951] {strides = array<i32>} : memref<16x16xf32, #tpu.memory_space<vmem>>, vector<16xf32>,
      %add3A_953 = arith.addf %add3A_948, %get3A_952 : vector<16xf32>
      %get3A_954 = arith.constant 8 : i32
      %get3A_955 = arith.index_cast %get3A_954 : i32 to index
      %get3A_956 = arith.constant 0 : index
      %get3A_957 = tpu.vector_load %arg14[%get3A_955, %get3A_956] {strides = array<i32>} : memref<16x16xf32, #tpu.memory_space<vmem>>, vector<16xf32>,
      %add3A_958 = arith.addf %add3A_953, %get3A_957 : vector<16xf32>
      %get3A_959 = arith.constant 9 : i32
      %get3A_960 = arith.index_cast %get3A_959 : i32 to index
      %get3A_961 = arith.constant 0 : index
      %get3A_962 = tpu.vector_load %arg14[%get3A_960, %get3A_961] {strides = array<i32>} : memref<16x16xf32, #tpu.memory_space<vmem>>, vector<16xf32>,
      %add3A_963 = arith.addf %add3A_958, %get3A_962 : vector<16xf32>
      %get3A_964 = arith.constant 10 : i32
      %get3A_965 = arith.index_cast %get3A_964 : i32 to index
      %get3A_966 = arith.constant 0 : index
      %get3A_967 = tpu.vector_load %arg14[%get3A_965, %get3A_966] {strides = array<i32>} : memref<16x16xf32, #tpu.memory_space<vmem>>, vector<16xf32>,
      %add3A_968 = arith.addf %add3A_963, %get3A_967 : vector<16xf32>
      %get3A_969 = arith.constant 11 : i32
      %get3A_970 = arith.index_cast %get3A_969 : i32 to index
      %get3A_971 = arith.constant 0 : index
      %get3A_972 = tpu.vector_load %arg14[%get3A_970, %get3A_971] {strides = array<i32>} : memref<16x16xf32, #tpu.memory_space<vmem>>, vector<16xf32>,
      %add3A_973 = arith.addf %add3A_968, %get3A_972 : vector<16xf32>
      %get3A_974 = arith.constant 12 : i32
      %get3A_975 = arith.index_cast %get3A_974 : i32 to index
      %get3A_976 = arith.constant 0 : index
      %get3A_977 = tpu.vector_load %arg14[%get3A_975, %get3A_976] {strides = array<i32>} : memref<16x16xf32, #tpu.memory_space<vmem>>, vector<16xf32>,
      %add3A_978 = arith.addf %add3A_973, %get3A_977 : vector<16xf32>
      %get3A_979 = arith.constant 13 : i32
      %get3A_980 = arith.index_cast %get3A_979 : i32 to index
      %get3A_981 = arith.constant 0 : index
      %get3A_982 = tpu.vector_load %arg14[%get3A_980, %get3A_981] {strides = array<i32>} : memref<16x16xf32, #tpu.memory_space<vmem>>, vector<16xf32>,
      %add3A_983 = arith.addf %add3A_978, %get3A_982 : vector<16xf32>
      %get3A_984 = arith.constant 14 : i32
      %get3A_985 = arith.index_cast %get3A_984 : i32 to index
      %get3A_986 = arith.constant 0 : index
      %get3A_987 = tpu.vector_load %arg14[%get3A_985, %get3A_986] {strides = array<i32>} : memref<16x16xf32, #tpu.memory_space<vmem>>, vector<16xf32>,
      %add3A_988 = arith.addf %add3A_983, %get3A_987 : vector<16xf32>
      %get3A_989 = arith.constant 15 : i32
      %get3A_990 = arith.index_cast %get3A_989 : i32 to index
      %get3A_991 = arith.constant 0 : index
      %get3A_992 = tpu.vector_load %arg14[%get3A_990, %get3A_991] {strides = array<i32>} : memref<16x16xf32, #tpu.memory_space<vmem>>, vector<16xf32>,
      %add3A_993 = arith.addf %add3A_988, %get3A_992 : vector<16xf32>
      %reduce_sum3A = arith.constant true
      %reduce_sum3A_994 = vector.broadcast %reduce_sum3A : i1 to vector<16xi1>
      %reduce_sum3A_995 = tpu.scan <sum>, %add3A_993 masked %reduce_sum3A_994 : vector<16xf32>, vector<16xi1> -> vector<16xf32>
      %reduce_sum3A_996 = vector.extract %reduce_sum3A_995[15] : f32 from vector<16xf32>
      %broadcast_in_dim3A_997 = arith.constant 0.000000e+00 : f32
      %broadcast_in_dim3A_998 = vector.broadcast %broadcast_in_dim3A_997 : f32 to vector<16xf32>
      %add3A_999 = vector.broadcast %reduce_sum3A_996 : f32 to vector<16xf32>
      %add3A_1000 = arith.addf %broadcast_in_dim3A_998, %add3A_999 : vector<16xf32>
      %swap3A_1001 = arith.constant 0 : index
      %swap3A_1002 = tpu.vector_load %arg13[%swap3A_1001] {strides = array<i32>} : memref<16xf32, #tpu.memory_space<vmem>>, vector<16xf32>,
      tpu.vector_store %arg13[%swap3A_1001], %add3A_1000 {strides = array<i32>} : memref<16xf32, #tpu.memory_space<vmem>>, vector<16xf32>,
      "tpu.region"() ({
        %run_scoped3A = tpu.sem_alloc : memref<!tpu.dma_semaphore, #tpu.memory_space<semaphore_mem>>
        %dma_start3A_1003 = arith.constant 0 : i32
        %dma_start3A_1004 = tpu.memref_slice %arg6[%arg0, %dma_start3A_1003] : memref<2x16xf32, #tpu.memory_space<hbm>> -> memref<1x16xf32, #tpu.memory_space<hbm>>
        %dma_start3A_1005 = tpu.memref_squeeze %dma_start3A_1004 : memref<1x16xf32, #tpu.memory_space<hbm>> -> memref<16xf32, #tpu.memory_space<hbm>>
        %dma_start3A_1006 = arith.constant 0 : i32
        %dma_start3A_1007 = tpu.memref_slice %arg6[%arg0, %dma_start3A_1006] : memref<2x16xf32, #tpu.memory_space<hbm>> -> memref<1x16xf32, #tpu.memory_space<hbm>>
        %dma_start3A_1008 = tpu.memref_squeeze %dma_start3A_1007 : memref<1x16xf32, #tpu.memory_space<hbm>> -> memref<16xf32, #tpu.memory_space<hbm>>
        tpu.enqueue_dma source(%arg13 : memref<16xf32, #tpu.memory_space<vmem>>) target(%dma_start3A_1008 : memref<16xf32, #tpu.memory_space<hbm>>) target_semaphore(%run_scoped3A : memref<!tpu.dma_semaphore, #tpu.memory_space<semaphore_mem>>)
        %dma_wait3A_1009 = arith.constant 0 : i32
        %dma_wait3A_1010 = tpu.memref_slice %arg6[%arg0, %dma_wait3A_1009] : memref<2x16xf32, #tpu.memory_space<hbm>> -> memref<1x16xf32, #tpu.memory_space<hbm>>
        %dma_wait3A_1011 = tpu.memref_squeeze %dma_wait3A_1010 : memref<1x16xf32, #tpu.memory_space<hbm>> -> memref<16xf32, #tpu.memory_space<hbm>>
        %dma_wait3A_1012 = arith.constant 0 : i32
        %dma_wait3A_1013 = tpu.memref_slice %arg6[%arg0, %dma_wait3A_1012] : memref<2x16xf32, #tpu.memory_space<hbm>> -> memref<1x16xf32, #tpu.memory_space<hbm>>
        %dma_wait3A_1014 = tpu.memref_squeeze %dma_wait3A_1013 : memref<1x16xf32, #tpu.memory_space<hbm>> -> memref<16xf32, #tpu.memory_space<hbm>>
        tpu.wait_dma2 semaphore(%run_scoped3A : memref<!tpu.dma_semaphore, #tpu.memory_space<semaphore_mem>>) src(%arg13 : memref<16xf32, #tpu.memory_space<vmem>>) dst(%dma_wait3A_1014 : memref<16xf32, #tpu.memory_space<hbm>>)
        tpu.yield
      }) : () -> ()
    } else {
    }
    return
  }
}

</mosaic_0001>

<sc_bundles>
// kernel: _sc_call.3.cloned.1.call-start
scs
__scs_entry_jumppad:
0x0: {  	(pc) =	sbr.rel $0x88, $3  }
0x1: {  	(tag) =	ssettag $0x0;
	lr =	simm.s32 $0x1  }
0x2: {  	[smem:$0x3F9D] =	sst lr;
	_ =	strace $0xD0000000  }
0x3: {  	_ = 	snop  }
0x4: {  	_ = 	snop  }
0x5: {  	_ = 	snop  }
0x6: {  	_ = 	snop  }
0x7: {  	_ = 	snop  }
__scs_overlays_trampoline_lowered:
0x8: {  	[smem:$0x3FAC] =	sst s0  }
0x9: {  	[smem:$0x3FAD] =	sst s1  }
0xa: {  	[smem:$0x3FAE] =	sst s2  }
0xb: {  	[smem:$0x3FAF] =	sst s3  }
0xc: {  	[smem:$0x3FB0] =	sst s4  }
0xd: {  	[smem:$0x3FB1] =	sst s5  }
0xe: {  	[smem:$0x3FB2] =	sst s6  }
0xf: {  	[smem:$0x3FB3] =	sst s7  }
0x10: {  	[smem:$0x3FB4] =	sst s8  }
0x11: {  	[smem:$0x3FB5] =	sst s9;
	s0 =	simm.s32 @!p0 $0x0  }
0x12: {  	s1 =	sld [smem:$0x3F9B];
	s0 =	simm.s32 @p0 $0x1  }
0x13: {  	[smem:$0x3FB6] =	sst s0;
	s0 =	simm.s32 @!p1 $0x0  }
0x14: {  	s2 =	sld [smem:$0x3F9A];
	s0 =	simm.s32 @p1 $0x1  }
0x15: {  	[smem:$0x3FB7] =	sst s0;
	s0 =	simm.s32 @!p2 $0x0  }
0x16: {  	s3 =	sld [smem:$0x3FDB];
	s0 =	simm.s32 @p2 $0x1  }
0x17: {  	s4 =	simm.s32 $0x1BF5;
	[smem:$0x3FB9] =	sst s0  }
0x18: {  	s0 =	sld [smem:$0x3F9C];
	_ =	swait.ge [sflag:s4], $0x0  }
0x19: {  	s7 =	sld [smem:$0x3F9D]  }
0x1a: {  	s8 =	sadd.s32 $0xFFFFE003, lr  }
0x1b: {  	s9 =	sadd.s32 $0xFFFFFEF7, lr;
	s5 =	simm.s32 $0xFFFFFFFF;
	p2 =	slt.u32 s8, $0xFFFFF086  }
0x1c: {  	p1 =	slt.u32 s9, $0xF7A;
	s5 =	simm.s32 @!p2 $0x0  }
0x1d: {  	s5 =	simm.s32 @p1 $0x1;
	p0 =	seq.s32 s7, s2  }
0x1e: {  	s7 =	smul.u32 @!p0 $0xF7A, s2;
	p2 =	seq.s32 @!p0 s5, $0x0  }
0x1f: {  	s9 =	smul.u32 $0xF7A, s1;
	s8 =	simm.s32 @!p0 $0x1BF5;
	p2 =	por !p2, p0  }
0x20: {  	[sflag:s8] =	ssyncset.s32 @!p0 $0xFFFFF086;
	s6 =	sadd.s32 @!p0 s3, s7;
	s7 =	simm.s32 @!p0 $0x108  }
0x21: {  	s3 =	sadd.s32 s3, s9;
	s6 =	sadd.s32 @!p0 $0x88, s6;
	s7 =	simm.s32 @p2 $0x1082  }
0x22: {  	[simem:s7], [sflag:s8] =	dma.local @!p0 [hbm:s6], $0xF7A  }
0x23: {  	s9 =	sor.u32 $0xD0000000, s2;
	s6 =	simm.s32 $0x108;
	_ =	swait.ge @!p0 [sflag:s8], $0x0  }
0x24: {  	s3 =	sadd.s32 $0x88, s3;
	s6 =	simm.s32 @!p1 $0x1082;
	[sflag:s4] =	ssyncset.s32 $0xFFFFF086  }
0x25: {  	[simem:s6], [sflag:s4] =	dma.local [hbm:s3], $0xF7A  }
0x26: {  	[smem:$0x3F9D] =	sst s1;
	(tag) =	ssettag s2;
	_ =	strace s9  }
0x27: {  	s1 =	sld [smem:$0x3FAD]  }
0x28: {  	s2 =	sld [smem:$0x3FAE]  }
0x29: {  	s4 =	sld [smem:$0x3FB0]  }
0x2a: {  	p0 =	seq.s32 s5, $0x0;
	s5 =	sld [smem:$0x3FB1]  }
0x2b: {  	s6 =	sld [smem:$0x3FB2]  }
0x2c: {  	s7 =	sld [smem:$0x3FB3]  }
0x2d: {  	s3 =	simm.s32 $0x108;
	s8 =	sld [smem:$0x3FB4]  }
0x2e: {  	s3 =	simm.s32 @!p0 $0x1082;
	s9 =	sld [smem:$0x3FB5]  }
0x2f: {  	lr =	sadd.s32 s0, s3;
	s0 =	sld [smem:$0x3FAC]  }
0x30: {  	s3 =	sld [smem:$0x3FAF]  }
0x31: {  	[smem:$0x3FB8] =	sst s10  }
0x32: {  	s10 =	sld [smem:$0x3FB6];
	_ =	sdelay $0x3  }
0x33: {  	p0 =	seq.s32 s10, $0x1;
	s10 =	sld [smem:$0x3FB8];
	_ =	sdelay $0x3  }
0x34: {  	[smem:$0x3FB8] =	sst s10  }
0x35: {  	s10 =	sld [smem:$0x3FB7];
	_ =	sdelay $0x3  }
0x36: {  	p1 =	seq.s32 s10, $0x1;
	s10 =	sld [smem:$0x3FB8];
	_ =	sdelay $0x3  }
0x37: {  	[smem:$0x3FB8] =	sst s10  }
0x38: {  	s10 =	sld [smem:$0x3FB9]  }
0x39: {  	_ = 	snop;
	(pc) =	sbr.ind lr, $3  }
0x3a: {  	_ = 	snop  }
0x3b: {  	_ = 	snop  }
0x3c: {  	p2 =	seq.s32 s10, $0x1;
	s10 =	sld [smem:$0x3FB8]  }
0x3d: {  	_ =	shalt  }
0x3e: {  	_ =	shalt  }
0x3f: {  	_ =	shalt  }
0x40: {  	_ =	shalt  }
0x41: {  	_ =	shalt  }
0x42: {  	_ =	shalt  }
0x43: {  	_ =	shalt  }
0x44: {  	_ =	shalt  }
0x45: {  	_ =	shalt  }
0x46: {  	_ =	shalt  }
0x47: {  	_ =	shalt  }
0x48: {  	_ =	shalt  }
0x49: {  	_ =	shalt  }
0x4a: {  	_ =	shalt  }
0x4b: {  	_ =	shalt  }
0x4c: {  	_ =	shalt  }
0x4d: {  	_ =	shalt  }
0x4e: {  	_ =	shalt  }
0x4f: {  	_ =	shalt  }
0x50: {  	_ =	shalt  }
0x51: {  	_ =	shalt  }
0x52: {  	_ =	shalt  }
0x53: {  	_ =	shalt  }
0x54: {  	_ =	shalt  }
0x55: {  	_ =	shalt  }
0x56: {  	_ =	shalt  }
0x57: {  	_ =	shalt  }
0x58: {  	_ =	shalt  }
0x59: {  	_ =	shalt  }
0x5a: {  	_ =	shalt  }
0x5b: {  	_ =	shalt  }
0x5c: {  	_ =	shalt  }
0x5d: {  	_ =	shalt  }
0x5e: {  	_ =	shalt  }
0x5f: {  	_ =	shalt  }
0x60: {  	_ =	shalt  }
0x61: {  	_ =	shalt  }
0x62: {  	_ =	shalt  }
0x63: {  	_ =	shalt  }
0x64: {  	_ =	shalt  }
0x65: {  	_ =	shalt  }
0x66: {  	_ =	shalt  }
0x67: {  	_ =	shalt  }
0x68: {  	_ =	shalt  }
0x69: {  	_ =	shalt  }
0x6a: {  	_ =	shalt  }
0x6b: {  	_ =	shalt  }
0x6c: {  	_ =	shalt  }
0x6d: {  	_ =	shalt  }
0x6e: {  	_ =	shalt  }
0x6f: {  	_ =	shalt  }
0x70: {  	_ =	shalt  }
0x71: {  	_ =	shalt  }
0x72: {  	_ =	shalt  }
0x73: {  	_ =	shalt  }
0x74: {  	_ =	shalt  }
0x75: {  	_ =	shalt  }
0x76: {  	_ =	shalt  }
0x77: {  	_ =	shalt  }
0x78: {  	_ =	shalt  }
0x79: {  	_ =	shalt  }
0x7a: {  	_ =	shalt  }
0x7b: {  	_ =	shalt  }
0x7c: {  	_ =	shalt  }
0x7d: {  	_ =	shalt  }
0x7e: {  	_ =	shalt  }
0x7f: {  	_ =	shalt  }
0x80: {  	_ =	shalt  }
0x81: {  	_ =	shalt  }
0x82: {  	_ =	shalt  }
0x83: {  	_ =	shalt  }
0x84: {  	_ =	shalt  }
0x85: {  	_ =	shalt  }
0x86: {  	_ =	shalt  }
0x87: {  	_ =	shalt  }
.Lfunc_end0:
.L_simem_size_0:
called_computation_lowered:
.L_overlay_start_0:
0x88: {  	s2 =	sld [smem:$0x3FD9]  }
0x89: {  	s3 =	sld [smem:$0x3FFE];
	_ =	sdelay $0x1  }
0x8a: {  	s1 =	srdreg.scid  }
0x8b: {  	s0 =	sand.u32 $0x1, s1  }
0x8c: {  	s18 =	sshll.u32 s0, $0xA;
	s2 =	sadd.s32 s3, s2  }
0x8d: {  	s2 =	sadd.s32 s2, s18  }
0x8e: {  	[smem:$0x3FC4] =	sst s2  }
0x8f: {  	_ = 	snop  }
0x90: {  	s2 =	sld [smem:$0x3FC9]  }
0x91: {  	s19 =	sld [smem:$0x3FC8]  }
0x92: {  	s4 =	sld [smem:$0x3FC7]  }
0x93: {  	s5 =	sld [smem:$0x3FC6]  }
0x94: {  	s6 =	sld [smem:$0x3FD0];
	(tm) =	ssettm $0x1  }
0x95: {  	s7 =	sld [smem:$0x3FFB];
	_ =	sdelay $0x3  }
0x96: {  	_ =	strace s7  }
0x97: {  	s7 =	sld [smem:$0x3FFC];
	_ =	sdelay $0x3  }
0x98: {  	_ =	strace s7  }
0x99: {  	s7 =	sld [smem:$0x3FFD];
	_ =	sdelay $0x3  }
0x9a: {  	_ =	strace s7  }
0x9b: {  	_ =	strace $0x8FFFFFFF  }
0x9c: {  	s20 =	sld [smem:$0x3FDB];
	_ =	sdelay $0x1  }
0x9d: {  	s8 =	simm.s32 $_scs_section_size  }
0x9e: {  	s9 =	simm.s32 $_size__tile_overlayer_lowered;
	s10 =	simm.s32 $_tile_overlayer_lowered  }
0x9f: {  	s23 =	simm.s32 $0x1BFF;
	s22 =	sshll.u32 s10, $0x1;
	s7 =	sadd.s32 s8, s20  }
0xa0: {  	s11 =	simm.s32 $0x0;
	s21 =	sshll.u32 s9, $0x1;
	s9 =	sadd.s32 s22, s7  }
0xa1: {  	[timem:s11], [sflag:s23] =	dma.local [hbm:s9], s21  }
0xa2: {  	_ =	swait.ge [sflag:s23], s21  }
0xa3: {  	s8 =	ssub.s32 $0x0, s21;
	[sflag:s23] =	ssyncset.done $0x0  }
0xa4: {  	[sflag:s23] =	ssyncadd.s32 s8;
	_ =	sdelay $0x1  }
0xa5: {  	s24 =	simm.s32 $0x1B8B  }
0xa6: {  	_ =	swait.ge [sflag:s24], $0x1  }
0xa7: {  	[sflag:s24] =	ssyncset.done $0x0  }
0xa8: {  	s25 =	simm.s32 $0x1B8E;
	[sflag:s24] =	ssyncadd.s32 $0xFFFFFFFF  }
0xa9: {  	s26 =	simm.s32 $execute0_lowered;
	[smem:$0x3FD2] =	sst s25  }
0xaa: {  	s8 =	sshll.u32 s26, $0x1;
	_ =	strace $0x80000046;
	[dreg:$0x1] =	wrdreg $0xFFFFFFFF  }
0xab: {  	s28 =	simm.s32 $_size_execute0_lowered;
	s7 =	sadd.s32 s7, s8;
	[dreg:$0x0] =	wrdreg $0x0  }
0xac: {  	s8 =	sshll.u32 s28, $0x1;
	[dreg:$0x2] =	wrdreg s7  }
0xad: {  	[dreg:$0x3] =	wrdreg s8  }
0xae: {  	[dreg:$0x4] =	wrdreg $0xC0  }
0xaf: {  	_ =	task [dreg:s11], $0x5FFFF  }
0xb0: {  	[dreg:$0x1] =	wrdreg $0xFFFFFFFF  }
0xb1: {  	[dreg:$0x0] =	wrdreg $0x60  }
0xb2: {  	[dreg:$0x2] =	wrdreg s2  }
0xb3: {  	[dreg:$0x3] =	wrdreg s19  }
0xb4: {  	[dreg:$0x4] =	wrdreg s4  }
0xb5: {  	[dreg:$0x5] =	wrdreg s5  }
0xb6: {  	[dreg:$0x6] =	wrdreg s6  }
0xb7: {  	[dreg:$0x7] =	wrdreg $0x1B8800  }
0xb8: {  	[dreg:$0x8] =	wrdreg $0x9  }
0xb9: {  	_ =	task.clear_ibuf [dreg:s11], $0x9FFFF;
	_ =	strace $0x90000046  }
0xba: {  	s29 =	simm.s32 $0x9;
	_ =	strace $0x80000048  }
0xbb: {  	_ =	swait.ge [sflag:s29], $0x1  }
0xbc: {  	[sflag:s29] =	ssyncadd.s32 $0xFFFFFFFF  }
0xbd: {  	_ =	strace $0x90000048  }
0xbe: {  	_ =	sfence  }
0xbf: {  	s30 =	sld [smem:$0x0];
	_ =	sdelay $0x2  }
0xc0: {  	s31 =	sshll.u32 s1, $0xD;
	s1 =	sshrl.u32 s1, $0x2  }
0xc1: {  	s3 =	sand.u32 $0x4000, s31;
	s1 =	sadd.s32 s1, s30  }
0xc2: {  	s0 =	sor.u32 s3, s0;
	s1 =	sshll.u32 s1, $0x11  }
0xc3: {  	s0 =	sor.u32 s1, s0  }
0xc4: {  	s0 =	sadd.s32 $0x8F2B, s0  }
0xc5: {  	[sflag:s0] =	ssyncadd.remote.s32 $0x1  }
0xc6: {  	_ =	sfence.sel $0xFFFF  }
0xc7: {  	[dreg:$0x0] =	wrdreg $0xFFFFFFFF;
	(pc) =	sbr.abs _section_cstart, $3  }
0xc8: {  	[dreg:$0x1] =	wrdreg $0xFFFFFFFF  }
0xc9: {  	_ =	task.clear_ibuf [dreg:s11], $0x2FFFF;
	_ =	strace $0x9FFFFFFF  }
0xca: {  	(tm) =	ssettm $0x7FFFFFFF  }
0xcb: {  	_ =	shalt  }
tec
execute0_lowered:
.L_overlay_start_1:
0x0: {  	(tag) =	ssettag $0x1  }
0x1: {  	vm7 =	vcmask $0x300;
	v53 =	vimm.s32 $0x23F  }
0x2: {  	v59 =	vlaneseq.u32;
	vm6 =	vcmask $0x704;
	vm5 =	vcmask $0xB08  }
0x3: {  	vm4 =	vcmask $0xF0C;
	v54 =	vimm.s32 $0x240;
	v1 =	vsel vm7, $0x180, v53  }
0x4: {  	vm3 =	vcmask $0x1310;
	vm1 =	vcmask $0x1714;
	v1 =	vsel vm6, $0x198, v1  }
0x5: {  	vm0 =	vcmask $0x1B18;
	v2 =	vsel vm7, $0x181, v54;
	v1 =	vsel vm5, $0x1B0, v1  }
0x6: {  	v0 =	vmul.u32 $0x18, v59;
	v2 =	vsel vm6, $0x199, v2;
	v1 =	vsel vm4, $0x1C8, v1  }
0x7: {  	vm2 =	vcmask $0x1F1C;
	v2 =	vsel vm5, $0x1B1, v2;
	v1 =	vsel vm3, $0x1E0, v1  }
0x8: {  	v3 =	vor.u32 $0x1, v0;
	v2 =	vsel vm4, $0x1C9, v2;
	v1 =	vsel vm1, $0x1F8, v1  }
0x9: {  	[tilespmem:$0x1FDF0] =	vst v3;
	v3 =	vsel vm7, $0x182, v53;
	v2 =	vsel vm3, $0x1E1, v2;
	v1 =	vsel vm0, $0x210, v1  }
0xa: {  	v3 =	vsel vm6, $0x19A, v3;
	v2 =	vsel vm1, $0x1F9, v2;
	v1 =	vsel vm2, $0x228, v1  }
0xb: {  	v3 =	vsel vm5, $0x1B2, v3;
	[tilespmem:$0x1FE00] =	vst v1;
	v1 =	vsel vm0, $0x211, v2  }
0xc: {  	v2 =	vsel vm4, $0x1CA, v3;
	v1 =	vsel vm2, $0x229, v1  }
0xd: {  	[tilespmem:$0x1FE10] =	vst v1;
	v1 =	vsel vm3, $0x1E2, v2  }
0xe: {  	v2 =	vsel vm7, $0x183, v54;
	v1 =	vsel vm1, $0x1FA, v1  }
0xf: {  	v2 =	vsel vm6, $0x19B, v2;
	v1 =	vsel vm0, $0x212, v1  }
0x10: {  	v2 =	vsel vm5, $0x1B3, v2;
	v1 =	vsel vm2, $0x22A, v1  }
0x11: {  	v3 =	vor.u32 $0x10, v59;
	[tilespmem:$0x1FE50] =	vst v1;
	v1 =	vsel vm4, $0x1CB, v2  }
0x12: {  	[tilespmem:$0x1FE20] =	vst v3;
	v3 =	vor.u32 $0x2, v0;
	v1 =	vsel vm3, $0x1E3, v1  }
0x13: {  	[tilespmem:$0x1FE30] =	vst v3;
	v3 =	vor.u32 $0x3, v0;
	v2 =	vsel vm7, $0x184, v53;
	v1 =	vsel vm1, $0x1FB, v1  }
0x14: {  	[tilespmem:$0x1FE40] =	vst v3;
	v3 =	vsel vm7, $0x185, v54;
	v2 =	vsel vm6, $0x19C, v2;
	v1 =	vsel vm0, $0x213, v1  }
0x15: {  	v3 =	vsel vm6, $0x19D, v3;
	v2 =	vsel vm5, $0x1B4, v2;
	v1 =	vsel vm2, $0x22B, v1  }
0x16: {  	v3 =	vsel vm5, $0x1B5, v3;
	[tilespmem:$0x1FE60] =	vst v1;
	v1 =	vsel vm4, $0x1CC, v2  }
0x17: {  	v2 =	vsel vm4, $0x1CD, v3;
	v1 =	vsel vm3, $0x1E4, v1  }
0x18: {  	v2 =	vsel vm3, $0x1E5, v2;
	v1 =	vsel vm1, $0x1FC, v1  }
0x19: {  	v2 =	vsel vm1, $0x1FD, v2;
	v1 =	vsel vm0, $0x214, v1  }
0x1a: {  	v2 =	vsel vm0, $0x215, v2;
	v1 =	vsel vm2, $0x22C, v1  }
0x1b: {  	[tilespmem:$0x1FEA0] =	vst v1;
	v1 =	vsel vm2, $0x22D, v2  }
0x1c: {  	v3 =	vadd.s32 $0x28, v59;
	[tilespmem:$0x1FEB0] =	vst v1;
	v1 =	vsel vm7, $0x186, v53  }
0x1d: {  	[tilespmem:$0x1FE70] =	vst v3;
	v2 =	vor.u32 $0x40, v59;
	v1 =	vsel vm6, $0x19E, v1  }
0x1e: {  	v3 =	vor.u32 $0x4, v0;
	[tilespmem:$0x1FEC0] =	vst v2;
	v2 =	vsel vm7, $0x187, v54;
	v1 =	vsel vm5, $0x1B6, v1  }
0x1f: {  	[tilespmem:$0x1FE80] =	vst v3;
	v3 =	vor.u32 $0x5, v0;
	v2 =	vsel vm6, $0x19F, v2;
	v1 =	vsel vm4, $0x1CE, v1  }
0x20: {  	[tilespmem:$0x1FE90] =	vst v3;
	v3 =	vor.u32 $0x6, v0;
	v2 =	vsel vm5, $0x1B7, v2;
	v1 =	vsel vm3, $0x1E6, v1  }
0x21: {  	[tilespmem:$0x1FED0] =	vst v3;
	v3 =	vor.u32 $0x7, v0;
	v2 =	vsel vm4, $0x1CF, v2;
	v1 =	vsel vm1, $0x1FE, v1  }
0x22: {  	[tilespmem:$0x1FEE0] =	vst v3;
	v3 =	vsel vm7, $0x188, v53;
	v2 =	vsel vm3, $0x1E7, v2;
	v1 =	vsel vm0, $0x216, v1  }
0x23: {  	v3 =	vsel vm6, $0x1A0, v3;
	v2 =	vsel vm1, $0x1FF, v2;
	v1 =	vsel vm2, $0x22E, v1  }
0x24: {  	v3 =	vsel vm5, $0x1B8, v3;
	[tilespmem:$0x1FEF0] =	vst v1;
	v1 =	vsel vm0, $0x217, v2  }
0x25: {  	v2 =	vsel vm4, $0x1D0, v3;
	v1 =	vsel vm2, $0x22F, v1  }
0x26: {  	[tilespmem:$0x1FF00] =	vst v1;
	v1 =	vsel vm3, $0x1E8, v2  }
0x27: {  	v2 =	vsel vm7, $0x189, v54;
	v1 =	vsel vm1, $0x200, v1  }
0x28: {  	v2 =	vsel vm6, $0x1A1, v2;
	v1 =	vsel vm0, $0x218, v1  }
0x29: {  	v2 =	vsel vm5, $0x1B9, v2;
	v1 =	vsel vm2, $0x230, v1  }
0x2a: {  	v3 =	vadd.s32 $0x58, v59;
	[tilespmem:$0x1FF40] =	vst v1;
	v1 =	vsel vm4, $0x1D1, v2  }
0x2b: {  	[tilespmem:$0x1FF10] =	vst v3;
	v3 =	vadd.s32 $0x8, v0;
	v1 =	vsel vm3, $0x1E9, v1  }
0x2c: {  	[tilespmem:$0x1FF20] =	vst v3;
	v3 =	vadd.s32 $0x9, v0;
	v2 =	vsel vm7, $0x18A, v53;
	v1 =	vsel vm1, $0x201, v1  }
0x2d: {  	[tilespmem:$0x1FF30] =	vst v3;
	v3 =	vsel vm7, $0x18B, v54;
	v2 =	vsel vm6, $0x1A2, v2;
	v1 =	vsel vm0, $0x219, v1  }
0x2e: {  	v3 =	vsel vm6, $0x1A3, v3;
	v2 =	vsel vm5, $0x1BA, v2;
	v1 =	vsel vm2, $0x231, v1  }
0x2f: {  	v3 =	vsel vm5, $0x1BB, v3;
	[tilespmem:$0x1FF50] =	vst v1;
	v1 =	vsel vm4, $0x1D2, v2  }
0x30: {  	v2 =	vsel vm4, $0x1D3, v3;
	v1 =	vsel vm3, $0x1EA, v1  }
0x31: {  	v2 =	vsel vm3, $0x1EB, v2;
	v1 =	vsel vm1, $0x202, v1  }
0x32: {  	v2 =	vsel vm1, $0x203, v2;
	v1 =	vsel vm0, $0x21A, v1  }
0x33: {  	v2 =	vsel vm0, $0x21B, v2;
	v1 =	vsel vm2, $0x232, v1  }
0x34: {  	[tilespmem:$0x1FF90] =	vst v1;
	v1 =	vsel vm2, $0x233, v2  }
0x35: {  	v3 =	vor.u32 $0x70, v59;
	[tilespmem:$0x1FFA0] =	vst v1;
	v1 =	vsel vm7, $0x18C, v53  }
0x36: {  	[tilespmem:$0x1FF60] =	vst v3;
	v2 =	vadd.s32 $0x88, v59;
	v1 =	vsel vm6, $0x1A4, v1  }
0x37: {  	v3 =	vadd.s32 $0xA, v0;
	[tilespmem:$0x1FFB0] =	vst v2;
	v2 =	vsel vm7, $0x18D, v54;
	v1 =	vsel vm5, $0x1BC, v1  }
0x38: {  	[tilespmem:$0x1FF70] =	vst v3;
	v3 =	vadd.s32 $0xB, v0;
	v2 =	vsel vm6, $0x1A5, v2;
	v1 =	vsel vm4, $0x1D4, v1  }
0x39: {  	[tilespmem:$0x1FF80] =	vst v3;
	v3 =	vadd.s32 $0xC, v0;
	v2 =	vsel vm5, $0x1BD, v2;
	v1 =	vsel vm3, $0x1EC, v1  }
0x3a: {  	[tilespmem:$0x1FFC0] =	vst v3;
	v3 =	vadd.s32 $0xD, v0;
	v2 =	vsel vm4, $0x1D5, v2;
	v1 =	vsel vm1, $0x204, v1  }
0x3b: {  	[tilespmem:$0x1FFD0] =	vst v3;
	v3 =	vsel vm7, $0x18E, v53;
	v2 =	vsel vm3, $0x1ED, v2;
	v1 =	vsel vm0, $0x21C, v1  }
0x3c: {  	v3 =	vsel vm6, $0x1A6, v3;
	v2 =	vsel vm1, $0x205, v2;
	v1 =	vsel vm2, $0x234, v1  }
0x3d: {  	v3 =	vsel vm5, $0x1BE, v3;
	[tilespmem:$0x1FFE0] =	vst v1;
	v1 =	vsel vm0, $0x21D, v2  }
0x3e: {  	v2 =	vsel vm4, $0x1D6, v3;
	v1 =	vsel vm2, $0x235, v1  }
0x3f: {  	[tilespmem:$0x1FFF0] =	vst v1;
	v1 =	vsel vm3, $0x1EE, v2;
	v2 =	vsel vm7, $0x18F, v54  }
0x40: {  	v34 =	vor.u32 $0xA0, v59;
	v1 =	vsel vm1, $0x206, v1;
	v2 =	vsel vm6, $0x1A7, v2  }
0x41: {  	v39 =	vadd.s32 $0xB8, v59;
	v1 =	vsel vm0, $0x21E, v1;
	v2 =	vsel vm5, $0x1BF, v2  }
0x42: {  	v44 =	vor.u32 $0xD0, v59;
	v37 =	vsel vm2, $0x236, v1;
	v1 =	vsel vm4, $0x1D7, v2  }
0x43: {  	v49 =	vadd.s32 $0xE8, v59;
	v2 =	vsel vm7, $0x190, v53;
	v1 =	vsel vm3, $0x1EF, v1  }
0x44: {  	v3 =	vsel vm7, $0x191, v54;
	v2 =	vsel vm6, $0x1A8, v2;
	v1 =	vsel vm1, $0x207, v1  }
0x45: {  	v3 =	vsel vm6, $0x1A9, v3;
	v2 =	vsel vm5, $0x1C0, v2;
	v1 =	vsel vm0, $0x21F, v1  }
0x46: {  	v3 =	vsel vm5, $0x1C1, v3;
	v38 =	vsel vm2, $0x237, v1;
	v1 =	vsel vm4, $0x1D8, v2  }
0x47: {  	v35 =	vadd.s32 $0xE, v0;
	v2 =	vsel vm4, $0x1D9, v3;
	v1 =	vsel vm3, $0x1F0, v1  }
0x48: {  	s3 =	rddreg [dreg:$0x0];
	v36 =	vadd.s32 $0xF, v0;
	v2 =	vsel vm3, $0x1F1, v2;
	v1 =	vsel vm1, $0x208, v1  }
0x49: {  	s4 =	rddreg [dreg:$0x1];
	v40 =	vadd.s32 $0x10, v0;
	v2 =	vsel vm1, $0x209, v2;
	v1 =	vsel vm0, $0x220, v1  }
0x4a: {  	s1 =	rddreg [dreg:$0x2];
	v2 =	vsel vm0, $0x221, v2;
	v42 =	vsel vm2, $0x238, v1;
	v1 =	vsel vm7, $0x192, v53  }
0x4b: {  	s2 =	srdreg.scid;
	s11 =	rddreg [dreg:$0x4];
	v43 =	vsel vm2, $0x239, v2;
	v2 =	vsel vm7, $0x193, v54;
	v1 =	vsel vm6, $0x1AA, v1  }
0x4c: {  	s0 =	stileid.u32;
	s8 =	rddreg [dreg:$0x5];
	s28 =	simm.s32 $0x1AE80;
	v41 =	vadd.s32 $0x11, v0;
	v2 =	vsel vm6, $0x1AB, v2;
	v1 =	vsel vm5, $0x1C2, v1  }
0x4d: {  	s29 =	simm.s32 $0x1;
	s30 =	simm.s32 $0x2;
	s31 =	simm.s32 $0x3;
	v45 =	vadd.s32 $0x12, v0;
	v2 =	vsel vm5, $0x1C3, v2;
	v1 =	vsel vm4, $0x1DA, v1  }
0x4e: {  	s5 =	sand.u32 $0x1, s2;
	s19 =	sshll.u32 s0, $0x2;
	s2 =	simm.s32 $0x0;
	v3 =	vsel vm7, $0x194, v53;
	v2 =	vsel vm4, $0x1DB, v2;
	v1 =	vsel vm3, $0x1F2, v1  }
0x4f: {  	s20 =	sshll.u32 s0, $0xA;
	s25 =	sshll.u32 s0, $0x7;
	s8 =	sadd.s32 $0x1000, s8;
	v3 =	vsel vm6, $0x1AC, v3;
	v2 =	vsel vm3, $0x1F3, v2;
	v1 =	vsel vm1, $0x20A, v1  }
0x50: {  	p0 =	sne.s32 s0, $0x0;
	s0 =	simm.s32 $0x100;
	s6 =	sshll.u32 s5, $0x1;
	v3 =	vsel vm5, $0x1C4, v3;
	v2 =	vsel vm1, $0x20B, v2;
	v1 =	vsel vm0, $0x222, v1  }
0x51: {  	[smem:$0x7FF] =	sst s2;
	s9 =	ssub.s32 $0x2, s5;
	s6 =	sor.u32 s6, s19;
	v47 =	vsel vm2, $0x23A, v1;
	v1 =	vsel vm0, $0x223, v2;
	v2 =	vsel vm4, $0x1DC, v3  }
0x52: {  	s26 =	sshll.u32 s5, $0x4;
	s10 =	sshrl.u32 s9, $0x1;
	s7 =	smul.u32 $0xC000, s6;
	v48 =	vsel vm2, $0x23B, v1;
	v1 =	vsel vm3, $0x1F4, v2;
	v2 =	vsel vm7, $0x195, v54  }
0x53: {  	v46 =	vadd.s32 $0x13, v0;
	s11 =	sadd.s32 s11, s26;
	s26 =	simm.s32 $0x1AC00;
	s6 =	sshll.u32 s6, $0x4;
	v1 =	vsel vm1, $0x20C, v1;
	v2 =	vsel vm6, $0x1AD, v2  }
0x54: {  	v50 =	vadd.s32 $0x14, v0;
	s12 =	ssub.s32 s9, s10;
	s10 =	sadd.s32 s25, s8;
	s7 =	sshrl.u32 s7, $0x3;
	v1 =	vsel vm0, $0x224, v1;
	v2 =	vsel vm5, $0x1C5, v2  }
0x55: {  	v51 =	vadd.s32 $0x15, v0;
	s12 =	smax.u32 s12, $0x1;
	s3 =	sadd.s32 s3, s7;
	s7 =	sor.u32 s20, s6;
	v52 =	vsel vm2, $0x23C, v1;
	v1 =	vsel vm4, $0x1DD, v2  }
0x56: {  	s21 =	sadd.s32 $0x400, s3;
	s22 =	sadd.s32 $0x1800, s3;
	s23 =	sadd.s32 $0x1C00, s3;
	v3 =	vsel vm7, $0x197, v54;
	v2 =	vsel vm7, $0x196, v53;
	v1 =	vsel vm3, $0x1F5, v1  }
0x57: {  	s24 =	sand.u32 $0x3860, s7;
	s13 =	sadd.s32 $0x800, s3;
	s14 =	sadd.s32 $0x1000, s3;
	v3 =	vsel vm6, $0x1AF, v3;
	v2 =	vsel vm6, $0x1AE, v2;
	v1 =	vsel vm1, $0x20D, v1  }
0x58: {  	s15 =	sadd.s32 $0xC00, s3;
	_ =	strace $0x80000047;
	[dreg:$0x7] =	wrdreg s21;
	v3 =	vsel vm5, $0x1C7, v3;
	v2 =	vsel vm5, $0x1C6, v2;
	v1 =	vsel vm0, $0x225, v1  }
0x59: {  	s16 =	sadd.s32 $0x1400, s3;
	s17 =	sadd.s32 $0x2000, s3;
	[dreg:$0x8] =	wrdreg s22;
	v53 =	vsel vm2, $0x23D, v1;
	v1 =	vsel vm4, $0x1DE, v2;
	v2 =	vsel vm4, $0x1DF, v3  }
0x5a: {  	v55 =	vadd.s32 $0x16, v0;
	s18 =	sadd.s32 $0x2800, s3;
	s4 =	sadd.s32 s4, s24;
	[dreg:$0x9] =	wrdreg s23;
	v1 =	vsel vm3, $0x1F6, v1;
	v2 =	vsel vm3, $0x1F7, v2  }
0x5b: {  	v56 =	vadd.s32 $0x17, v0;
	s19 =	sadd.s32 $0x2400, s3;
	s1 =	sadd.s32 s1, s24;
	[dreg:$0xa] =	wrdreg s4;
	v1 =	vsel vm1, $0x20E, v1;
	v2 =	vsel vm1, $0x20F, v2  }
0x5c: {  	s20 =	sadd.s32 $0x2C00, s3;
	s24 =	simm.s32 $0x0;
	[dreg:$0xb] =	wrdreg s1;
	v54 =	vor.u32 $0x100, v59;
	v1 =	vsel vm0, $0x226, v1;
	v2 =	vsel vm0, $0x227, v2  }
0x5d: {  	s21 =	simm.s32 $0x400;
	s23 =	simm.s32 $0x5;
	s1 =	simm.s32 $0x4;
	v59 =	vadd.s32 $0x118, v59;
	v57 =	vsel vm2, $0x23E, v1;
	v58 =	vsel vm2, $0x23F, v2  }
.LBB2_1:
0x5e: {  	[tilespmem:s2], [sflag:$0x1] =	stream.linear.gather [hbm4b:s3+s2], $0x2000, $0x38;
	[tilespmem:$0x1B8B0] =	vst v63  }
0x5f: {  	s4 =	simm.s32 $0x4000  }
0x60: {  	[tilespmem:s4], [sflag:$0x1] =	stream.linear.gather [hbm4b:s13+s2], $0x2000, $0x38;
	[tilespmem:$0x1B8B0] =	vst v63  }
0x61: {  	s7 =	simm.s32 $0x8000  }
0x62: {  	[tilespmem:s7], [sflag:$0x1] =	stream.linear.gather [hbm4b:s14+s2], $0x2000, $0x38;
	[tilespmem:$0x1B8B0] =	vst v63  }
0x63: {  	s9 =	rddreg [dreg:$0x7];
	s5 =	simm.s32 $0x2000  }
0x64: {  	[tilespmem:s5], [sflag:$0x2] =	stream.linear.gather [hbm4b:s9+s2], $0x2000, $0x38;
	[tilespmem:$0x1B8B0] =	vst v63  }
0x65: {  	s22 =	simm.s32 $0x6000  }
0x66: {  	[tilespmem:s22], [sflag:$0x2] =	stream.linear.gather [hbm4b:s15+s2], $0x2000, $0x38;
	[tilespmem:$0x1B8B0] =	vst v63  }
0x67: {  	s25 =	simm.s32 $0xA000  }
0x68: {  	[tilespmem:s25], [sflag:$0x2] =	stream.linear.gather [hbm4b:s16+s2], $0x2000, $0x38;
	[tilespmem:$0x1B8B0] =	vst v63  }
0x69: {  	s6 =	simm.s32 $0xC000;
	s5 =	rddreg [dreg:$0x8]  }
0x6a: {  	[tilespmem:s6], [sflag:$0x3] =	stream.linear.gather [hbm4b:s5+s2], $0x2000, $0x38;
	[tilespmem:$0x1B8B0] =	vst v63  }
0x6b: {  	s7 =	simm.s32 $0x10000  }
0x6c: {  	[tilespmem:s7], [sflag:$0x3] =	stream.linear.gather [hbm4b:s17+s2], $0x2000, $0x38;
	[tilespmem:$0x1B8B0] =	vst v63  }
0x6d: {  	s9 =	simm.s32 $0x14000  }
0x6e: {  	[tilespmem:s9], [sflag:$0x3] =	stream.linear.gather [hbm4b:s18+s2], $0x2000, $0x38;
	[tilespmem:$0x1B8B0] =	vst v63  }
0x6f: {  	s22 =	rddreg [dreg:$0x9];
	s25 =	simm.s32 $0xE000  }
0x70: {  	[tilespmem:s25], [sflag:$0x4] =	stream.linear.gather [hbm4b:s22+s2], $0x2000, $0x38;
	[tilespmem:$0x1B8B0] =	vst v63  }
0x71: {  	s5 =	simm.s32 $0x12000  }
0x72: {  	[tilespmem:s5], [sflag:$0x4] =	stream.linear.gather [hbm4b:s19+s2], $0x2000, $0x38;
	[tilespmem:$0x1B8B0] =	vst v63  }
0x73: {  	s6 =	simm.s32 $0x16000  }
0x74: {  	[tilespmem:s6], [sflag:$0x4] =	stream.linear.gather [hbm4b:s20+s2], $0x2000, $0x38;
	[tilespmem:$0x1B8B0] =	vst v63  }
0x75: {  	s7 =	rddreg [dreg:$0xa];
	s9 =	simm.s32 $0x18000  }
0x76: {  	[tilespmem:s9], [sflag:$0x5] =	stream.strided.gather [hbm4b:s7+s0], $0x1000, s21, s0, $0x38;
	[tilespmem:$0x1B8B0] =	vst v63  }
0x77: {  	_ =	swait.ge [sflag:s23], $0x1000  }
0x78: {  	[sflag:s23] =	ssyncset.done $0x0  }
0x79: {  	s25 =	simm.s32 $0x19000;
	s22 =	rddreg [dreg:$0xb];
	[sflag:s23] =	ssyncadd.s32 $0xFFFFF000  }
0x7a: {  	[tilespmem:s25], [sflag:$0x5] =	stream.strided.gather [hbm4b:s22+s0], $0x1000, s21, s0, $0x38;
	[tilespmem:$0x1B8B0] =	vst v63  }
0x7b: {  	_ =	swait.ge [sflag:s23], $0x1000  }
0x7c: {  	[sflag:s23] =	ssyncset.done $0x0  }
0x7d: {  	[sflag:s23] =	ssyncadd.s32 $0xFFFFF000  }
0x7e: {  	s6 =	simm.s32 $0x1A000;
	s5 =	rddreg [dreg:$0x3]  }
0x7f: {  	[tilespmem:s6], [sflag:$0x5] =	stream.linear.gather [hbm4b:s5+s2], $0xC00, $0x38;
	[tilespmem:$0x1B8B0] =	vst v63  }
0x80: {  	_ =	swait.ge [sflag:s23], $0xC00  }
0x81: {  	[sflag:s23] =	ssyncset.done $0x0  }
0x82: {  	[sflag:s23] =	ssyncadd.s32 $0xFFFFF400  }
0x83: {  	v1 =	vld [tilespmem:$0x1A000]  }
0x84: {  	v2 =	vld [tilespmem:$0x1A008]  }
0x85: {  	v3 =	vld [tilespmem:$0x1A080]  }
0x86: {  	v4 =	vld [tilespmem:$0x1A088]  }
0x87: {  	v5 =	vld [tilespmem:$0x1A100]  }
0x88: {  	[tilespmem:$0x1AC00] =	vst v1;
	v1 =	vld [tilespmem:$0x1A108]  }
0x89: {  	[tilespmem:$0x1AC08] =	vst v2;
	v2 =	vld [tilespmem:$0x1A180]  }
0x8a: {  	[tilespmem:$0x1AC18] =	vst v3;
	v3 =	vld [tilespmem:$0x1A188]  }
0x8b: {  	[tilespmem:$0x1AC20] =	vst v4;
	v4 =	vld [tilespmem:$0x1A200]  }
0x8c: {  	[tilespmem:$0x1AC30] =	vst v5;
	v5 =	vld [tilespmem:$0x1A208]  }
0x8d: {  	[tilespmem:$0x1AC38] =	vst v1;
	v1 =	vld [tilespmem:$0x1A280]  }
0x8e: {  	[tilespmem:$0x1AC48] =	vst v2;
	v2 =	vld [tilespmem:$0x1A288]  }
0x8f: {  	[tilespmem:$0x1AC50] =	vst v3;
	v3 =	vld [tilespmem:$0x1A300]  }
0x90: {  	[tilespmem:$0x1AC60] =	vst v4;
	v4 =	vld [tilespmem:$0x1A308]  }
0x91: {  	[tilespmem:$0x1AC68] =	vst v5;
	v5 =	vld [tilespmem:$0x1A380]  }
0x92: {  	[tilespmem:$0x1AC78] =	vst v1;
	v1 =	vld [tilespmem:$0x1A388]  }
0x93: {  	[tilespmem:$0x1AC80] =	vst v2;
	v2 =	vld [tilespmem:$0x1A400]  }
0x94: {  	[tilespmem:$0x1AC90] =	vst v3;
	v3 =	vld [tilespmem:$0x1A408]  }
0x95: {  	[tilespmem:$0x1AC98] =	vst v4;
	v4 =	vld [tilespmem:$0x1A480]  }
0x96: {  	[tilespmem:$0x1ACA8] =	vst v5;
	v5 =	vld [tilespmem:$0x1A488]  }
0x97: {  	[tilespmem:$0x1ACB0] =	vst v1;
	v1 =	vld [tilespmem:$0x1A500]  }
0x98: {  	[tilespmem:$0x1ACC0] =	vst v2;
	v2 =	vld [tilespmem:$0x1A508]  }
0x99: {  	[tilespmem:$0x1ACC8] =	vst v3;
	v3 =	vld [tilespmem:$0x1A580]  }
0x9a: {  	[tilespmem:$0x1ACD8] =	vst v4;
	v4 =	vld [tilespmem:$0x1A588]  }
0x9b: {  	[tilespmem:$0x1ACE0] =	vst v5;
	v5 =	vld [tilespmem:$0x1A600]  }
0x9c: {  	[tilespmem:$0x1ACF0] =	vst v1;
	v1 =	vld [tilespmem:$0x1A608]  }
0x9d: {  	[tilespmem:$0x1ACF8] =	vst v2;
	v2 =	vld [tilespmem:$0x1A680]  }
0x9e: {  	[tilespmem:$0x1AD08] =	vst v3  }
0x9f: {  	[tilespmem:$0x1AD10] =	vst v4;
	v4 =	vld [tilespmem:$0x1A700]  }
0xa0: {  	[tilespmem:$0x1AD20] =	vst v5;
	v5 =	vld [tilespmem:$0x1A708]  }
0xa1: {  	[tilespmem:$0x1AD28] =	vst v1;
	v1 =	vld [tilespmem:$0x1A780]  }
0xa2: {  	[tilespmem:$0x1AD38] =	vst v2;
	v2 =	vld [tilespmem:$0x1A788]  }
0xa3: {  	v3 =	vld [tilespmem:$0x1A688]  }
0xa4: {  	[tilespmem:$0x1AD50] =	vst v4  }
0xa5: {  	[tilespmem:$0x1AD58] =	vst v5;
	v5 =	vld [tilespmem:$0x1A880]  }
0xa6: {  	[tilespmem:$0x1AD68] =	vst v1;
	v1 =	vld [tilespmem:$0x1A888]  }
0xa7: {  	[tilespmem:$0x1AD70] =	vst v2;
	v2 =	vld [tilespmem:$0x1A900]  }
0xa8: {  	[tilespmem:$0x1AD40] =	vst v3;
	v3 =	vld [tilespmem:$0x1A800]  }
0xa9: {  	v4 =	vld [tilespmem:$0x1A808]  }
0xaa: {  	[tilespmem:$0x1AD98] =	vst v5  }
0xab: {  	[tilespmem:$0x1ADA0] =	vst v1;
	v1 =	vld [tilespmem:$0x1AA00]  }
0xac: {  	[tilespmem:$0x1ADB0] =	vst v2;
	v2 =	vld [tilespmem:$0x1AA08]  }
0xad: {  	[tilespmem:$0x1AD80] =	vst v3;
	v3 =	vld [tilespmem:$0x1A908]  }
0xae: {  	[tilespmem:$0x1AD88] =	vst v4;
	v4 =	vld [tilespmem:$0x1A980]  }
0xaf: {  	v5 =	vld [tilespmem:$0x1A988]  }
0xb0: {  	[tilespmem:$0x1ADE0] =	vst v1  }
0xb1: {  	[tilespmem:$0x1ADE8] =	vst v2;
	v2 =	vld [tilespmem:$0x1AB80]  }
0xb2: {  	[tilespmem:$0x1ADB8] =	vst v3;
	v3 =	vld [tilespmem:$0x1AA80]  }
0xb3: {  	[tilespmem:$0x1ADC8] =	vst v4;
	v4 =	vld [tilespmem:$0x1AA88]  }
0xb4: {  	[tilespmem:$0x1ADD0] =	vst v5;
	v5 =	vld [tilespmem:$0x1AB00]  }
0xb5: {  	v1 =	vld [tilespmem:$0x1AB08]  }
0xb6: {  	[tilespmem:$0x1AE28] =	vst v2;
	v2 =	vld [tilespmem:$0x1FDF0]  }
0xb7: {  	[tilespmem:$0x1ADF8] =	vst v3;
	v3 =	vld [tilespmem:$0x1AB88];
	_ =	sdelay $0x1  }
0xb8: {  	[tilespmem:$0x1AE00] =	vst v4  }
0xb9: {  	[tilespmem:$0x1AE10] =	vst v5  }
0xba: {  	[tilespmem:$0x1AE18] =	vst v1  }
0xbb: {  	[tilespmem:$0x1AE30] =	vst v3  }
0xbc: {  	v1 =	vld.idx.msk [tilespmem:v0+s26+$0x0], $0xffff  }
0xbd: {  	v2 =	vld.idx.msk [tilespmem:v2+s26+$0x0], $0xffff;
	_ =	sdelay $0x4  }
0xbe: {  	v1 =	vpack.i.f32.bf16 v2, v1;
	v2 =	vld [tilespmem:$0x1FE10]  }
0xbf: {  	[tilespmem:$0x1AE80] =	vst v1;
	v1 =	vld [tilespmem:$0x1FE00];
	_ =	sdelay $0x6  }
0xc0: {  	v2 =	vld.idx.msk [tilespmem:v2+s26+$0x0], $0xffff  }
0xc1: {  	v1 =	vld.idx.msk [tilespmem:v1+s26+$0x0], $0xffff;
	_ =	sdelay $0x4  }
0xc2: {  	v1 =	vpack.i.f32.bf16 v2, v1;
	v2 =	vld [tilespmem:$0x1FE20];
	_ =	sdelay $0x7  }
0xc3: {  	[tilespmem:v2+s28+$0x0] =	vst.idx.msk $0xff, v1;
	v1 =	vld [tilespmem:$0x1FE30]  }
0xc4: {  	v2 =	vld [tilespmem:$0x1FE40];
	_ =	sdelay $0x6  }
0xc5: {  	v1 =	vld.idx.msk [tilespmem:v1+s26+$0x0], $0xffff  }
0xc6: {  	v2 =	vld.idx.msk [tilespmem:v2+s26+$0x0], $0xffff;
	_ =	sdelay $0x4  }
0xc7: {  	v1 =	vpack.i.f32.bf16 v2, v1;
	v2 =	vld [tilespmem:$0x1FE60]  }
0xc8: {  	[tilespmem:$0x1AE98] =	vst v1;
	v1 =	vld [tilespmem:$0x1FE50];
	_ =	sdelay $0x6  }
0xc9: {  	v2 =	vld.idx.msk [tilespmem:v2+s26+$0x0], $0xffff  }
0xca: {  	v1 =	vld.idx.msk [tilespmem:v1+s26+$0x0], $0xffff;
	_ =	sdelay $0x4  }
0xcb: {  	v1 =	vpack.i.f32.bf16 v2, v1;
	v2 =	vld [tilespmem:$0x1FE70];
	_ =	sdelay $0x7  }
0xcc: {  	[tilespmem:v2+s28+$0x0] =	vst.idx.msk $0xff, v1;
	v1 =	vld [tilespmem:$0x1FE80]  }
0xcd: {  	v2 =	vld [tilespmem:$0x1FE90];
	_ =	sdelay $0x6  }
0xce: {  	v1 =	vld.idx.msk [tilespmem:v1+s26+$0x0], $0xffff  }
0xcf: {  	v2 =	vld.idx.msk [tilespmem:v2+s26+$0x0], $0xffff;
	_ =	sdelay $0x4  }
0xd0: {  	v1 =	vpack.i.f32.bf16 v2, v1;
	v2 =	vld [tilespmem:$0x1FEB0]  }
0xd1: {  	[tilespmem:$0x1AEB0] =	vst v1;
	v1 =	vld [tilespmem:$0x1FEA0];
	_ =	sdelay $0x6  }
0xd2: {  	v2 =	vld.idx.msk [tilespmem:v2+s26+$0x0], $0xffff  }
0xd3: {  	v1 =	vld.idx.msk [tilespmem:v1+s26+$0x0], $0xffff;
	_ =	sdelay $0x4  }
0xd4: {  	v1 =	vpack.i.f32.bf16 v2, v1;
	v2 =	vld [tilespmem:$0x1FEC0];
	_ =	sdelay $0x7  }
0xd5: {  	[tilespmem:v2+s28+$0x0] =	vst.idx.msk $0xff, v1;
	v1 =	vld [tilespmem:$0x1FED0]  }
0xd6: {  	v2 =	vld [tilespmem:$0x1FEE0];
	_ =	sdelay $0x6  }
0xd7: {  	v1 =	vld.idx.msk [tilespmem:v1+s26+$0x0], $0xffff  }
0xd8: {  	v2 =	vld.idx.msk [tilespmem:v2+s26+$0x0], $0xffff;
	_ =	sdelay $0x4  }
0xd9: {  	v1 =	vpack.i.f32.bf16 v2, v1;
	v2 =	vld [tilespmem:$0x1FF00]  }
0xda: {  	[tilespmem:$0x1AEC8] =	vst v1;
	v1 =	vld [tilespmem:$0x1FEF0];
	_ =	sdelay $0x6  }
0xdb: {  	v2 =	vld.idx.msk [tilespmem:v2+s26+$0x0], $0xffff  }
0xdc: {  	v1 =	vld.idx.msk [tilespmem:v1+s26+$0x0], $0xffff;
	_ =	sdelay $0x4  }
0xdd: {  	v1 =	vpack.i.f32.bf16 v2, v1;
	v2 =	vld [tilespmem:$0x1FF10];
	_ =	sdelay $0x7  }
0xde: {  	[tilespmem:v2+s28+$0x0] =	vst.idx.msk $0xff, v1;
	v1 =	vld [tilespmem:$0x1FF20]  }
0xdf: {  	v2 =	vld [tilespmem:$0x1FF30];
	_ =	sdelay $0x6  }
0xe0: {  	v1 =	vld.idx.msk [tilespmem:v1+s26+$0x0], $0xffff  }
0xe1: {  	v2 =	vld.idx.msk [tilespmem:v2+s26+$0x0], $0xffff;
	_ =	sdelay $0x4  }
0xe2: {  	v1 =	vpack.i.f32.bf16 v2, v1;
	v2 =	vld [tilespmem:$0x1FF50]  }
0xe3: {  	[tilespmem:$0x1AEE0] =	vst v1;
	v1 =	vld [tilespmem:$0x1FF40];
	_ =	sdelay $0x6  }
0xe4: {  	v2 =	vld.idx.msk [tilespmem:v2+s26+$0x0], $0xffff  }
0xe5: {  	v1 =	vld.idx.msk [tilespmem:v1+s26+$0x0], $0xffff;
	_ =	sdelay $0x4  }
0xe6: {  	v1 =	vpack.i.f32.bf16 v2, v1;
	v2 =	vld [tilespmem:$0x1FF60];
	_ =	sdelay $0x7  }
0xe7: {  	[tilespmem:v2+s28+$0x0] =	vst.idx.msk $0xff, v1;
	v1 =	vld [tilespmem:$0x1FF70]  }
0xe8: {  	v2 =	vld [tilespmem:$0x1FF80];
	_ =	sdelay $0x6  }
0xe9: {  	v1 =	vld.idx.msk [tilespmem:v1+s26+$0x0], $0xffff  }
0xea: {  	v2 =	vld.idx.msk [tilespmem:v2+s26+$0x0], $0xffff;
	_ =	sdelay $0x4  }
0xeb: {  	v1 =	vpack.i.f32.bf16 v2, v1;
	v2 =	vld [tilespmem:$0x1FFA0]  }
0xec: {  	[tilespmem:$0x1AEF8] =	vst v1;
	v1 =	vld [tilespmem:$0x1FF90];
	_ =	sdelay $0x6  }
0xed: {  	v2 =	vld.idx.msk [tilespmem:v2+s26+$0x0], $0xffff  }
0xee: {  	v1 =	vld.idx.msk [tilespmem:v1+s26+$0x0], $0xffff;
	_ =	sdelay $0x4  }
0xef: {  	v1 =	vpack.i.f32.bf16 v2, v1;
	v2 =	vld [tilespmem:$0x1FFB0];
	_ =	sdelay $0x7  }
0xf0: {  	[tilespmem:v2+s28+$0x0] =	vst.idx.msk $0xff, v1;
	v1 =	vld [tilespmem:$0x1FFC0]  }
0xf1: {  	v2 =	vld [tilespmem:$0x1FFD0];
	_ =	sdelay $0x6  }
0xf2: {  	v1 =	vld.idx.msk [tilespmem:v1+s26+$0x0], $0xffff  }
0xf3: {  	v2 =	vld.idx.msk [tilespmem:v2+s26+$0x0], $0xffff;
	_ =	sdelay $0x4  }
0xf4: {  	v1 =	vpack.i.f32.bf16 v2, v1;
	v2 =	vld [tilespmem:$0x1FFF0]  }
0xf5: {  	[tilespmem:$0x1AF10] =	vst v1;
	v1 =	vld [tilespmem:$0x1FFE0];
	_ =	sdelay $0x6  }
0xf6: {  	v2 =	vld.idx.msk [tilespmem:v2+s26+$0x0], $0xffff  }
0xf7: {  	v1 =	vld.idx.msk [tilespmem:v1+s26+$0x0], $0xffff;
	_ =	sdelay $0x4  }
0xf8: {  	v1 =	vpack.i.f32.bf16 v2, v1  }
0xf9: {  	[tilespmem:v34+s28+$0x0] =	vst.idx.msk $0xff, v1  }
0xfa: {  	v1 =	vld.idx.msk [tilespmem:v35+s26+$0x0], $0xffff  }
0xfb: {  	v2 =	vld.idx.msk [tilespmem:v36+s26+$0x0], $0xffff;
	_ =	sdelay $0x4  }
0xfc: {  	v1 =	vpack.i.f32.bf16 v2, v1  }
0xfd: {  	[tilespmem:$0x1AF28] =	vst v1  }
0xfe: {  	v1 =	vld.idx.msk [tilespmem:v37+s26+$0x0], $0xffff  }
0xff: {  	v2 =	vld.idx.msk [tilespmem:v38+s26+$0x0], $0xffff;
	_ =	sdelay $0x4  }
0x100: {  	v1 =	vpack.i.f32.bf16 v2, v1  }
0x101: {  	[tilespmem:v39+s28+$0x0] =	vst.idx.msk $0xff, v1  }
0x102: {  	v1 =	vld.idx.msk [tilespmem:v40+s26+$0x0], $0xffff  }
0x103: {  	v2 =	vld.idx.msk [tilespmem:v41+s26+$0x0], $0xffff;
	_ =	sdelay $0x4  }
0x104: {  	v1 =	vpack.i.f32.bf16 v2, v1  }
0x105: {  	[tilespmem:$0x1AF40] =	vst v1  }
0x106: {  	v1 =	vld.idx.msk [tilespmem:v42+s26+$0x0], $0xffff  }
0x107: {  	v2 =	vld.idx.msk [tilespmem:v43+s26+$0x0], $0xffff;
	_ =	sdelay $0x4  }
0x108: {  	v1 =	vpack.i.f32.bf16 v2, v1  }
0x109: {  	[tilespmem:v44+s28+$0x0] =	vst.idx.msk $0xff, v1  }
0x10a: {  	v1 =	vld.idx.msk [tilespmem:v45+s26+$0x0], $0xffff  }
0x10b: {  	v2 =	vld.idx.msk [tilespmem:v46+s26+$0x0], $0xffff;
	_ =	sdelay $0x4  }
0x10c: {  	v1 =	vpack.i.f32.bf16 v2, v1  }
0x10d: {  	[tilespmem:$0x1AF58] =	vst v1  }
0x10e: {  	v1 =	vld.idx.msk [tilespmem:v47+s26+$0x0], $0xffff  }
0x10f: {  	v2 =	vld.idx.msk [tilespmem:v48+s26+$0x0], $0xffff;
	_ =	sdelay $0x4  }
0x110: {  	v1 =	vpack.i.f32.bf16 v2, v1  }
0x111: {  	[tilespmem:v49+s28+$0x0] =	vst.idx.msk $0xff, v1  }
0x112: {  	v1 =	vld.idx.msk [tilespmem:v50+s26+$0x0], $0xffff  }
0x113: {  	v2 =	vld.idx.msk [tilespmem:v51+s26+$0x0], $0xffff;
	_ =	sdelay $0x4  }
0x114: {  	v1 =	vpack.i.f32.bf16 v2, v1  }
0x115: {  	[tilespmem:$0x1AF70] =	vst v1  }
0x116: {  	v1 =	vld.idx.msk [tilespmem:v52+s26+$0x0], $0xffff  }
0x117: {  	v2 =	vld.idx.msk [tilespmem:v53+s26+$0x0], $0xffff;
	_ =	sdelay $0x4  }
0x118: {  	v1 =	vpack.i.f32.bf16 v2, v1  }
0x119: {  	[tilespmem:v54+s28+$0x0] =	vst.idx.msk $0xff, v1  }
0x11a: {  	v1 =	vld.idx.msk [tilespmem:v55+s26+$0x0], $0xffff  }
0x11b: {  	v2 =	vld.idx.msk [tilespmem:v56+s26+$0x0], $0xffff;
	_ =	sdelay $0x4  }
0x11c: {  	v1 =	vpack.i.f32.bf16 v2, v1  }
0x11d: {  	[tilespmem:$0x1AF88] =	vst v1  }
0x11e: {  	v1 =	vld.idx.msk [tilespmem:v57+s26+$0x0], $0xffff  }
0x11f: {  	v2 =	vld.idx.msk [tilespmem:v58+s26+$0x0], $0xffff;
	_ =	sdelay $0x4  }
0x120: {  	v1 =	vpack.i.f32.bf16 v2, v1  }
0x121: {  	[tilespmem:v59+s28+$0x0] =	vst.idx.msk $0xff, v1  }
0x122: {  	s7 =	simm.s32 $0x0;
	_ =	swait.ge [sflag:s29], $0x6000  }
0x123: {  	s9 =	sand.u32 $0x70, s2;
	s4 =	sand.u32 $0x3FFFFC00, s7;
	[sflag:s29] =	ssyncset.done $0x0  }
0x124: {  	s25 =	simm.s32 $0x0;
	s22 =	sor.u32 s9, s4;
	[sflag:s29] =	ssyncadd.s32 $0xFFFFA000  }
0x125: {  	s6 =	sand.u32 $0xFFFFFF00, s25;
	v1 =	vld [tilespmem:s22+$0x8200]  }
0x126: {  	s5 =	sor.u32 s9, s6;
	v2 =	vld [tilespmem:s22+$0x8280]  }
0x127: {  	v3 =	vld [tilespmem:s5+$0x18000]  }
0x128: {  	v4 =	vld [tilespmem:s22+$0x8000]  }
0x129: {  	v5 =	vld [tilespmem:s22+$0x8080]  }
0x12a: {  	v6 =	vld [tilespmem:s22+$0x4200]  }
0x12b: {  	v7 =	vld [tilespmem:s22+$0x4280]  }
0x12c: {  	v8 =	vld [tilespmem:s22+$0x4000]  }
0x12d: {  	v10 =	vld [tilespmem:s22+$0x4080];
	v9 =	vadd.s32 $0xF0, v3  }
0x12e: {  	v12 =	vld [tilespmem:s22+$0x0];
	v11 =	vadd.s32 $0xC0, v3  }
0x12f: {  	v14 =	vld [tilespmem:s22+$0x80];
	v61 =	vadd.s32 $0x78, v3  }
0x130: {  	v20 =	vld [tilespmem:s22+$0x200];
	v16 =	vadd.s32 $0x18, v3  }
0x131: {  	v63 =	vadd.s32 $0x48, v3;
	v60 =	vld.idx.msk [tilespmem:v3+s28+$0x0], $0xffff  }
0x132: {  	v9 =	vld.idx.msk [tilespmem:v9+s28+$0x0], $0xffff  }
0x133: {  	v13 =	vadd.s32 $0x90, v3;
	v11 =	vld.idx.msk [tilespmem:v11+s28+$0x0], $0xffff  }
0x134: {  	v61 =	vld.idx.msk [tilespmem:v61+s28+$0x0], $0xffff  }
0x135: {  	v15 =	vadd.s32 $0x60, v3;
	v16 =	vld.idx.msk [tilespmem:v16+s28+$0x0], $0xffff  }
0x136: {  	v62 =	vadd.s32 $0x30, v3;
	v63 =	vld.idx.msk [tilespmem:v63+s28+$0x0], $0xffff  }
0x137: {  	v21 =	vld [tilespmem:s22+$0x280];
	v17 =	vadd.s32 $0x108, v3;
	v19 =	vunpack.i.u.bf16.f32 v60;
	v60 =	vunpack.i.l.bf16.f32 v60  }
0x138: {  	v18 =	vadd.s32 $0xD8, v3;
	v3 =	vadd.s32 $0xA8, v3;
	v13 =	vld.idx.msk [tilespmem:v13+s28+$0x0], $0xffff;
	v12 =	vmul.f32 v12, v60  }
0x139: {  	v33 =	vld [tilespmem:s22+$0x300];
	v14 =	vmul.f32 v14, v19;
	v31 =	vunpack.i.u.bf16.f32 v9;
	v9 =	vunpack.i.l.bf16.f32 v9  }
0x13a: {  	v15 =	vld.idx.msk [tilespmem:v15+s28+$0x0], $0xffff;
	v32 =	vunpack.i.u.bf16.f32 v11;
	v11 =	vunpack.i.l.bf16.f32 v11;
	v23 =	vunpack.i.l.bf16.f32 v16  }
0x13b: {  	v62 =	vld.idx.msk [tilespmem:v62+s28+$0x0], $0xffff;
	v16 =	vunpack.i.u.bf16.f32 v16;
	v24 =	vunpack.i.l.bf16.f32 v63;
	v26 =	vunpack.i.l.bf16.f32 v61  }
0x13c: {  	v27 =	vunpack.i.u.bf16.f32 v63;
	v30 =	vunpack.i.u.bf16.f32 v61;
	v4 =	vmul.f32 v4, v11;
	v11 =	vld [tilespmem:s22+$0x100]  }
0x13d: {  	v9 =	vmul.f32 v1, v9;
	v1 =	vunpack.i.l.bf16.f32 v13;
	v19 =	vmul.f32 v2, v31;
	v2 =	vld [tilespmem:s22+$0x180]  }
0x13e: {  	v17 =	vld.idx.msk [tilespmem:v17+s28+$0x0], $0xffff;
	v13 =	vunpack.i.u.bf16.f32 v13;
	v5 =	vmul.f32 v5, v32;
	v12 =	vadd.f32 $0.0e+00, v12  }
0x13f: {  	v28 =	vld [tilespmem:s22+$0x4300];
	v1 =	vmul.f32 v6, v1;
	v6 =	vunpack.i.u.bf16.f32 v15;
	v15 =	vunpack.i.l.bf16.f32 v15  }
0x140: {  	v7 =	vmul.f32 v7, v13;
	v13 =	vld [tilespmem:s22+$0x380];
	v8 =	vmul.f32 v8, v15;
	v15 =	vunpack.i.u.bf16.f32 v62  }
0x141: {  	v14 =	vadd.f32 $0.0e+00, v14;
	v6 =	vmul.f32 v10, v6;
	v10 =	vld [tilespmem:s22+$0x4100];
	v15 =	vmul.f32 v21, v15  }
0x142: {  	v62 =	vunpack.i.l.bf16.f32 v62;
	v11 =	vmul.f32 v11, v23;
	v2 =	vmul.f32 v2, v16;
	v16 =	vld [tilespmem:s22+$0x4180]  }
0x143: {  	v3 =	vld.idx.msk [tilespmem:v3+s28+$0x0], $0xffff;
	v25 =	vmul.f32 v33, v24;
	v31 =	vunpack.i.u.bf16.f32 v17;
	v20 =	vmul.f32 v20, v62  }
0x144: {  	v29 =	vld [tilespmem:s22+$0x4380];
	v17 =	vunpack.i.l.bf16.f32 v17;
	v14 =	vadd.f32 v15, v14;
	v11 =	vadd.f32 $0.0e+00, v11  }
0x145: {  	v12 =	vadd.f32 v20, v12;
	v15 =	vld.idx.msk [tilespmem:v18+s28+$0x0], $0xffff;
	v13 =	vmul.f32 v13, v27;
	v2 =	vadd.f32 $0.0e+00, v2  }
0x146: {  	v10 =	vmul.f32 v10, v26;
	v6 =	vadd.f32 v6, v14;
	v14 =	vld [tilespmem:s22+$0x8180];
	v11 =	vadd.f32 v25, v11  }
0x147: {  	v8 =	vadd.f32 v8, v12;
	v2 =	vadd.f32 v13, v2;
	v13 =	vmul.f32 v16, v30;
	v16 =	vld [tilespmem:s22+$0x8100]  }
0x148: {  	s7 =	simm.s32 $0x80;
	s4 =	simm.s32 $0x10;
	v12 =	vunpack.i.l.bf16.f32 v3;
	v3 =	vunpack.i.u.bf16.f32 v3;
	v10 =	vadd.f32 v10, v11;
	v11 =	vld [tilespmem:s22+$0x8300]  }
0x149: {  	s6 =	sand.u32 $0x70, s4;
	s9 =	sand.u32 $0x3FFFFC00, s7;
	v32 =	vld [tilespmem:s22+$0x8380];
	v12 =	vmul.f32 v28, v12;
	v3 =	vmul.f32 v29, v3;
	v6 =	vadd.f32 v7, v6  }
0x14a: {  	s25 =	simm.s32 $0x20;
	v33 =	vld [tilespmem:s5+$0x19000];
	v8 =	vadd.f32 v1, v8;
	v1 =	vunpack.i.l.bf16.f32 v15;
	s22 =	sor.u32 s6, s9;
	v13 =	vadd.f32 v13, v2  }
0x14b: {  	s5 =	sand.u32 $0xFFFFFF00, s25;
	v7 =	vunpack.i.u.bf16.f32 v15;
	v6 =	vadd.f32 v5, v6;
	v2 =	vld [tilespmem:s22+$0x8200];
	v10 =	vadd.f32 v12, v10  }
0x14c: {  	s25 =	sor.u32 s6, s5;
	v5 =	vld [tilespmem:s22+$0x8000];
	v12 =	vmul.f32 v14, v7;
	v3 =	vadd.f32 v3, v13;
	v15 =	vmul.f32 v16, v1  }
0x14d: {  	v4 =	vadd.f32 v4, v8;
	v7 =	vld [tilespmem:s25+$0x18000];
	v8 =	vmul.f32 v11, v17  }
0x14e: {  	v61 =	vld [tilespmem:s22+$0x4200];
	v11 =	vadd.f32 v12, v3;
	v12 =	vmul.f32 v32, v31;
	v10 =	vadd.f32 v15, v10  }
0x14f: {  	v63 =	vld [tilespmem:s22+$0x4000];
	v4 =	vadd.f32 v9, v4;
	v9 =	vadd.f32 v19, v6  }
0x150: {  	v6 =	vld [tilespmem:s22+$0x4280];
	v8 =	vadd.f32 v8, v10;
	v10 =	vadd.f32 v12, v11  }
0x151: {  	v1 =	vld [tilespmem:s22+$0x8280]  }
0x152: {  	v9 =	vadd.f32 v9, v4;
	v4 =	vld [tilespmem:s22+$0x4080];
	v12 =	vadd.s32 $0xF0, v7;
	v10 =	vadd.f32 v10, v8  }
0x153: {  	v3 =	vld [tilespmem:s22+$0x8080];
	v14 =	vadd.s32 $0x108, v7  }
0x154: {  	v11 =	vadd.s32 $0xC0, v7;
	v8 =	vld [tilespmem:s22+$0x0];
	v15 =	vadd.f32 v10, v9  }
0x155: {  	v13 =	vadd.s32 $0xD8, v7;
	v9 =	vld [tilespmem:s22+$0x80]  }
0x156: {  	v60 =	vimm.f32 $0.0e+00;
	s5 =	simm.s32 $0x2;
	v10 =	vld.idx.msk [tilespmem:v7+s28+$0x0], $0xffff;
	v62 =	vmul.f32 v15, v33;
	v15 =	vadd.s32 $0x90, v7  }
.LBB2_2:
0x157: {  	p1 =	sne.s32 s5, $0x3F;
	v16 =	vadd.s32 $0xA8, v7;
	v12 =	vld.idx.msk [tilespmem:v12+s28+$0x0], $0xffff  }
0x158: {  	v17 =	vadd.s32 $0x60, v7;
	v14 =	vld.idx.msk [tilespmem:v14+s28+$0x0], $0xffff;
	v60 =	vadd.f32 v62, v60  }
0x159: {  	v18 =	vadd.s32 $0x78, v7;
	v11 =	vld.idx.msk [tilespmem:v11+s28+$0x0], $0xffff  }
0x15a: {  	v19 =	vadd.s32 $0x30, v7;
	v13 =	vld.idx.msk [tilespmem:v13+s28+$0x0], $0xffff  }
0x15b: {  	v20 =	vadd.s32 $0x48, v7;
	v15 =	vld.idx.msk [tilespmem:v15+s28+$0x0], $0xffff  }
0x15c: {  	v16 =	vld.idx.msk [tilespmem:v16+s28+$0x0], $0xffff  }
0x15d: {  	v7 =	vadd.s32 $0x18, v7;
	v17 =	vld.idx.msk [tilespmem:v17+s28+$0x0], $0xffff  }
0x15e: {  	v21 =	vunpack.i.u.bf16.f32 v10;
	v10 =	vunpack.i.l.bf16.f32 v10;
	v18 =	vld.idx.msk [tilespmem:v18+s28+$0x0], $0xffff  }
0x15f: {  	v8 =	vmul.f32 v8, v10;
	v9 =	vmul.f32 v9, v21;
	v10 =	vld.idx.msk [tilespmem:v19+s28+$0x0], $0xffff;
	v19 =	vunpack.i.u.bf16.f32 v12  }
0x160: {  	v21 =	vunpack.i.u.bf16.f32 v14;
	v14 =	vunpack.i.l.bf16.f32 v14;
	v12 =	vunpack.i.l.bf16.f32 v12;
	v20 =	vld.idx.msk [tilespmem:v20+s28+$0x0], $0xffff  }
0x161: {  	v22 =	vunpack.i.u.bf16.f32 v11;
	v11 =	vunpack.i.l.bf16.f32 v11;
	v23 =	vunpack.i.u.bf16.f32 v13;
	v62 =	vld [tilespmem:s22+$0x200]  }
0x162: {  	v13 =	vunpack.i.l.bf16.f32 v13;
	v24 =	vunpack.i.u.bf16.f32 v15;
	v15 =	vunpack.i.l.bf16.f32 v15;
	v7 =	vld.idx.msk [tilespmem:v7+s28+$0x0], $0xffff  }
0x163: {  	v27 =	vunpack.i.u.bf16.f32 v16;
	v16 =	vunpack.i.l.bf16.f32 v16;
	v26 =	vunpack.i.u.bf16.f32 v17;
	v25 =	vld [tilespmem:s22+$0x280]  }
0x164: {  	v17 =	vunpack.i.l.bf16.f32 v17;
	v29 =	vunpack.i.u.bf16.f32 v18;
	v18 =	vunpack.i.l.bf16.f32 v18;
	v28 =	vld [tilespmem:s22+$0x100]  }
0x165: {  	v12 =	vmul.f32 v2, v12;
	v31 =	vunpack.i.u.bf16.f32 v10;
	v10 =	vunpack.i.l.bf16.f32 v10;
	v30 =	vld [tilespmem:s22+$0x180]  }
0x166: {  	v5 =	vmul.f32 v5, v11;
	v11 =	vmul.f32 v1, v19;
	v2 =	vunpack.i.u.bf16.f32 v20;
	v32 =	vld [tilespmem:s22+$0x300]  }
0x167: {  	v3 =	vmul.f32 v3, v22;
	v15 =	vmul.f32 v61, v15;
	v1 =	vunpack.i.l.bf16.f32 v20;
	v19 =	vld [tilespmem:s22+$0x380]  }
0x168: {  	v6 =	vmul.f32 v6, v24;
	v17 =	vmul.f32 v63, v17;
	v20 =	vunpack.i.u.bf16.f32 v7;
	v22 =	vld [tilespmem:s22+$0x4100]  }
0x169: {  	v4 =	vmul.f32 v4, v26;
	v10 =	vmul.f32 v62, v10;
	v7 =	vunpack.i.l.bf16.f32 v7;
	v24 =	vld [tilespmem:s22+$0x4180]  }
0x16a: {  	v8 =	vadd.f32 $0.0e+00, v8;
	v7 =	vmul.f32 v28, v7;
	v20 =	vmul.f32 v30, v20;
	v26 =	vld [tilespmem:s22+$0x4300]  }
0x16b: {  	v9 =	vadd.f32 $0.0e+00, v9;
	v25 =	vmul.f32 v25, v31;
	v1 =	vmul.f32 v32, v1;
	v28 =	vld [tilespmem:s22+$0x4380]  }
0x16c: {  	v7 =	vadd.f32 $0.0e+00, v7;
	v20 =	vadd.f32 $0.0e+00, v20;
	v2 =	vmul.f32 v19, v2;
	v19 =	vld [tilespmem:s22+$0x8100]  }
0x16d: {  	v8 =	vadd.f32 v10, v8;
	v9 =	vadd.f32 v25, v9;
	v10 =	vmul.f32 v22, v18;
	v18 =	vld [tilespmem:s22+$0x8180]  }
0x16e: {  	s6 =	sshll.u32 s5, $0x7;
	s4 =	sadd.s32 $0x10, s4;
	v1 =	vadd.f32 v1, v7;
	v2 =	vadd.f32 v2, v20;
	v7 =	vmul.f32 v24, v29;
	v20 =	vld [tilespmem:s22+$0x8300]  }
0x16f: {  	s7 =	sand.u32 $0x70, s4;
	s6 =	sand.u32 $0x3FFFFC00, s6;
	v8 =	vadd.f32 v17, v8;
	v4 =	vadd.f32 v4, v9;
	v9 =	vmul.f32 v26, v16;
	v16 =	vld [tilespmem:s22+$0x8380]  }
0x170: {  	s9 =	sshll.u32 s5, $0x5;
	s22 =	sor.u32 s7, s6;
	v10 =	vadd.f32 v10, v1;
	v17 =	vld [tilespmem:s25+$0x19000];
	v7 =	vadd.f32 v7, v2;
	v22 =	vmul.f32 v28, v27  }
0x171: {  	v8 =	vadd.f32 v15, v8;
	v4 =	vadd.f32 v6, v4;
	s6 =	sand.u32 $0xFFFFFF00, s9;
	v2 =	vld [tilespmem:s22+$0x8200];
	v6 =	vmul.f32 v19, v13  }
0x172: {  	s25 =	sor.u32 s7, s6;
	v9 =	vadd.f32 v9, v10;
	v1 =	vld [tilespmem:s22+$0x8280];
	v10 =	vadd.f32 v22, v7;
	v13 =	vmul.f32 v18, v23  }
0x173: {  	v8 =	vadd.f32 v5, v8;
	v4 =	vadd.f32 v3, v4;
	v7 =	vld [tilespmem:s25+$0x18000];
	v14 =	vmul.f32 v20, v14  }
0x174: {  	v6 =	vadd.f32 v6, v9;
	v5 =	vld [tilespmem:s22+$0x8000];
	v9 =	vadd.f32 v13, v10;
	v10 =	vmul.f32 v16, v21  }
0x175: {  	v8 =	vadd.f32 v12, v8;
	v4 =	vadd.f32 v11, v4;
	v3 =	vld [tilespmem:s22+$0x8080]  }
0x176: {  	v11 =	vadd.f32 v14, v6;
	v61 =	vld [tilespmem:s22+$0x4200];
	v9 =	vadd.f32 v10, v9  }
0x177: {  	v6 =	vld [tilespmem:s22+$0x4280]  }
.Ltmp0:
0x178: {  	v10 =	vadd.f32 v4, v8;
	v63 =	vld [tilespmem:s22+$0x4000];
	v12 =	vadd.s32 $0xF0, v7;
	v9 =	vadd.f32 v9, v11;
	(pc) =	sbr.rel @p1 .LBB2_2-.Ltmp0, $4  }
0x179: {  	v14 =	vadd.s32 $0x108, v7;
	v4 =	vld [tilespmem:s22+$0x4080]  }
0x17a: {  	v11 =	vadd.s32 $0xC0, v7;
	v8 =	vld [tilespmem:s22+$0x0];
	v16 =	vadd.f32 v9, v10  }
0x17b: {  	v13 =	vadd.s32 $0xD8, v7;
	v9 =	vld [tilespmem:s22+$0x80]  }
0x17c: {  	s5 =	sadd.s32 $0x1, s5;
	v15 =	vadd.s32 $0x90, v7;
	v10 =	vld.idx.msk [tilespmem:v7+s28+$0x0], $0xffff;
	v62 =	vmul.f32 v16, v17  }
0x17d: {  	_ =	sdelay $0x3  }
0x17e: {  	v12 =	vld.idx.msk [tilespmem:v12+s28+$0x0], $0xffff  }
0x17f: {  	v14 =	vld.idx.msk [tilespmem:v14+s28+$0x0], $0xffff  }
0x180: {  	v11 =	vld.idx.msk [tilespmem:v11+s28+$0x0], $0xffff  }
0x181: {  	v13 =	vld.idx.msk [tilespmem:v13+s28+$0x0], $0xffff  }
0x182: {  	v15 =	vld.idx.msk [tilespmem:v15+s28+$0x0], $0xffff  }
0x183: {  	v21 =	vld [tilespmem:s22+$0x200]  }
0x184: {  	v22 =	vld [tilespmem:s22+$0x280]  }
0x185: {  	v23 =	vld [tilespmem:s22+$0x100]  }
0x186: {  	v24 =	vld [tilespmem:s22+$0x180]  }
0x187: {  	v25 =	vld [tilespmem:s22+$0x300]  }
0x188: {  	v16 =	vadd.s32 $0xA8, v7;
	v26 =	vld [tilespmem:s22+$0x380]  }
0x189: {  	v17 =	vadd.s32 $0x60, v7;
	v27 =	vld [tilespmem:s22+$0x4100]  }
0x18a: {  	v18 =	vadd.s32 $0x78, v7;
	v28 =	vld [tilespmem:s22+$0x4180]  }
0x18b: {  	v19 =	vadd.s32 $0x30, v7;
	v30 =	vld [tilespmem:s22+$0x4300]  }
0x18c: {  	v20 =	vadd.s32 $0x48, v7;
	v32 =	vld [tilespmem:s22+$0x8100]  }
0x18d: {  	v16 =	vld.idx.msk [tilespmem:v16+s28+$0x0], $0xffff  }
0x18e: {  	v7 =	vadd.s32 $0x18, v7;
	v29 =	vunpack.i.u.bf16.f32 v10;
	v10 =	vunpack.i.l.bf16.f32 v10;
	v17 =	vld.idx.msk [tilespmem:v17+s28+$0x0], $0xffff  }
0x18f: {  	v18 =	vld.idx.msk [tilespmem:v18+s28+$0x0], $0xffff;
	v8 =	vmul.f32 v8, v10;
	v9 =	vmul.f32 v9, v29;
	v29 =	vunpack.i.u.bf16.f32 v12  }
0x190: {  	v19 =	vld.idx.msk [tilespmem:v19+s28+$0x0], $0xffff;
	v12 =	vunpack.i.l.bf16.f32 v12;
	v31 =	vunpack.i.l.bf16.f32 v11;
	v11 =	vunpack.i.u.bf16.f32 v11  }
0x191: {  	v20 =	vld.idx.msk [tilespmem:v20+s28+$0x0], $0xffff;
	v2 =	vmul.f32 v2, v12;
	v5 =	vmul.f32 v5, v31;
	v31 =	vunpack.i.u.bf16.f32 v15  }
0x192: {  	v15 =	vunpack.i.l.bf16.f32 v15;
	v1 =	vmul.f32 v1, v29;
	v29 =	vld [tilespmem:s22+$0x8300];
	v3 =	vmul.f32 v3, v11  }
0x193: {  	v7 =	vld.idx.msk [tilespmem:v7+s28+$0x0], $0xffff;
	v15 =	vmul.f32 v61, v15;
	v6 =	vmul.f32 v6, v31  }
0x194: {  	v10 =	vld [tilespmem:s22+$0x4380];
	v31 =	vunpack.i.u.bf16.f32 v14;
	v14 =	vunpack.i.l.bf16.f32 v14;
	v8 =	vadd.f32 $0.0e+00, v8  }
0x195: {  	v12 =	vld [tilespmem:s22+$0x8180];
	v9 =	vadd.f32 $0.0e+00, v9;
	v33 =	vunpack.i.l.bf16.f32 v17;
	v17 =	vunpack.i.u.bf16.f32 v17  }
0x196: {  	s4 =	simm.s32 $0x0;
	s5 =	simm.s32 $0x0;
	v11 =	vld [tilespmem:s22+$0x8380];
	v61 =	vmul.f32 v63, v33;
	v33 =	vunpack.i.l.bf16.f32 v19;
	v4 =	vmul.f32 v4, v17  }
0x197: {  	s4 =	sor.u32 $0x8, s4;
	s6 =	sand.u32 $0x70, s5;
	v63 =	vld [tilespmem:s25+$0x19000];
	_ =	swait.ge [sflag:s30], $0x6000;
	v19 =	vunpack.i.u.bf16.f32 v19;
	v14 =	vmul.f32 v29, v14;
	v21 =	vmul.f32 v21, v33  }
0x198: {  	s7 =	sshll.u32 s4, $0x8;
	s4 =	sshll.u32 s4, $0xA;
	v33 =	vunpack.i.l.bf16.f32 v7;
	[sflag:s30] =	ssyncset.done $0x0;
	v7 =	vunpack.i.u.bf16.f32 v7;
	v19 =	vmul.f32 v22, v19  }
0x199: {  	s5 =	sor.u32 s6, s7;
	s4 =	sand.u32 $0x3FFFFC00, s4;
	v17 =	vmul.f32 v23, v33;
	v23 =	vunpack.i.u.bf16.f32 v13;
	v13 =	vunpack.i.l.bf16.f32 v13;
	[sflag:s30] =	ssyncadd.s32 $0xFFFFA000  }
0x19a: {  	s22 =	sor.u32 s6, s4;
	v7 =	vmul.f32 v24, v7;
	v33 =	vunpack.i.l.bf16.f32 v20;
	v20 =	vunpack.i.u.bf16.f32 v20;
	v22 =	vld [tilespmem:s5+$0x18000]  }
0x19b: {  	v24 =	vmul.f32 v25, v33;
	v25 =	vld [tilespmem:s22+$0x8200];
	v20 =	vmul.f32 v26, v20;
	v8 =	vadd.f32 v21, v8  }
0x19c: {  	v21 =	vld [tilespmem:s22+$0x8280];
	v33 =	vunpack.i.l.bf16.f32 v18;
	v9 =	vadd.f32 v19, v9;
	v18 =	vunpack.i.u.bf16.f32 v18  }
0x19d: {  	v19 =	vld [tilespmem:s22+$0x8000];
	v13 =	vmul.f32 v32, v13;
	v17 =	vadd.f32 $0.0e+00, v17;
	v7 =	vadd.f32 $0.0e+00, v7  }
0x19e: {  	v29 =	vld [tilespmem:s22+$0x280];
	v26 =	vmul.f32 v27, v33;
	v27 =	vunpack.i.u.bf16.f32 v16;
	v16 =	vunpack.i.l.bf16.f32 v16  }
0x19f: {  	v18 =	vmul.f32 v28, v18;
	v8 =	vadd.f32 v61, v8;
	v4 =	vadd.f32 v4, v9;
	v9 =	vld [tilespmem:s22+$0x4280]  }
0x1a0: {  	v16 =	vmul.f32 v30, v16;
	v17 =	vadd.f32 v24, v17;
	v24 =	vld [tilespmem:s22+$0x8080];
	v7 =	vadd.f32 v20, v7  }
0x1a1: {  	v10 =	vmul.f32 v10, v27;
	v20 =	vld [tilespmem:s22+$0x4200];
	v8 =	vadd.f32 v15, v8;
	v4 =	vadd.f32 v6, v4  }
0x1a2: {  	v6 =	vld [tilespmem:s22+$0x0];
	v17 =	vadd.f32 v26, v17;
	v33 =	vadd.s32 $0xF0, v22;
	v7 =	vadd.f32 v18, v7  }
0x1a3: {  	v26 =	vld [tilespmem:s22+$0x4000];
	v27 =	vadd.s32 $0x108, v22;
	v15 =	vadd.s32 $0xC0, v22;
	v61 =	vadd.s32 $0xD8, v22  }
0x1a4: {  	v18 =	vld [tilespmem:s22+$0x4080];
	v16 =	vadd.f32 v16, v17;
	v7 =	vadd.f32 v10, v7;
	v10 =	vmul.f32 v12, v23  }
0x1a5: {  	v32 =	vadd.s32 $0x90, v22;
	v5 =	vadd.f32 v5, v8;
	v3 =	vadd.f32 v3, v4;
	v17 =	vld [tilespmem:s22+$0x80]  }
0x1a6: {  	v12 =	vld.idx.msk [tilespmem:v22+s28+$0x0], $0xffff;
	v13 =	vadd.f32 v13, v16;
	v7 =	vadd.f32 v10, v7;
	v10 =	vmul.f32 v11, v31  }
0x1a7: {  	v4 =	vadd.s32 $0xA8, v22;
	v2 =	vadd.f32 v2, v5;
	v1 =	vadd.f32 v1, v3;
	v8 =	vld.idx.msk [tilespmem:v33+s28+$0x0], $0xffff  }
0x1a8: {  	v27 =	vld.idx.msk [tilespmem:v27+s28+$0x0], $0xffff;
	v13 =	vadd.f32 v14, v13;
	v7 =	vadd.f32 v10, v7  }
0x1a9: {  	v3 =	vadd.s32 $0x30, v22;
	v15 =	vld.idx.msk [tilespmem:v15+s28+$0x0], $0xffff  }
0x1aa: {  	v5 =	vld.idx.msk [tilespmem:v61+s28+$0x0], $0xffff;
	v1 =	vadd.f32 v1, v2;
	v2 =	vadd.f32 v7, v13  }
0x1ab: {  	v11 =	vadd.s32 $0x78, v22;
	v33 =	vadd.s32 $0x60, v22;
	v14 =	vld.idx.msk [tilespmem:v32+s28+$0x0], $0xffff  }
0x1ac: {  	v10 =	vadd.s32 $0x48, v22;
	v4 =	vld.idx.msk [tilespmem:v4+s28+$0x0], $0xffff;
	v7 =	vadd.s32 $0x18, v22;
	v16 =	vadd.f32 v2, v1  }
0x1ad: {  	v32 =	vld [tilespmem:s22+$0x100];
	v1 =	vunpack.i.u.bf16.f32 v12;
	v2 =	vunpack.i.l.bf16.f32 v12;
	v12 =	vunpack.i.u.bf16.f32 v27  }
0x1ae: {  	v3 =	vld.idx.msk [tilespmem:v3+s28+$0x0], $0xffff;
	v23 =	vunpack.i.u.bf16.f32 v15;
	v15 =	vunpack.i.l.bf16.f32 v15;
	v2 =	vmul.f32 v6, v2  }
0x1af: {  	v22 =	vld [tilespmem:s22+$0x200];
	v1 =	vmul.f32 v17, v1;
	v6 =	vunpack.i.u.bf16.f32 v8;
	v8 =	vunpack.i.l.bf16.f32 v8  }
0x1b0: {  	v11 =	vld.idx.msk [tilespmem:v11+s28+$0x0], $0xffff;
	v17 =	vunpack.i.l.bf16.f32 v27;
	v27 =	vunpack.i.u.bf16.f32 v5;
	v28 =	vunpack.i.u.bf16.f32 v14  }
0x1b1: {  	v13 =	vld.idx.msk [tilespmem:v33+s28+$0x0], $0xffff;
	v14 =	vunpack.i.l.bf16.f32 v14;
	v5 =	vunpack.i.l.bf16.f32 v5;
	v15 =	vmul.f32 v19, v15  }
0x1b2: {  	v10 =	vld.idx.msk [tilespmem:v10+s28+$0x0], $0xffff;
	v31 =	vunpack.i.u.bf16.f32 v4;
	v23 =	vmul.f32 v24, v23;
	v25 =	vmul.f32 v25, v8  }
0x1b3: {  	v4 =	vunpack.i.l.bf16.f32 v4;
	v6 =	vmul.f32 v21, v6;
	v14 =	vmul.f32 v20, v14;
	v7 =	vld.idx.msk [tilespmem:v7+s28+$0x0], $0xffff  }
0x1b4: {  	v8 =	vld [tilespmem:s22+$0x180];
	v9 =	vmul.f32 v9, v28;
	v21 =	vunpack.i.u.bf16.f32 v3;
	v3 =	vunpack.i.l.bf16.f32 v3  }
0x1b5: {  	v19 =	vld [tilespmem:s22+$0x300];
	v2 =	vadd.f32 $0.0e+00, v2;
	v1 =	vadd.f32 $0.0e+00, v1;
	v33 =	vunpack.i.u.bf16.f32 v11  }
0x1b6: {  	v20 =	vld [tilespmem:s22+$0x380];
	v3 =	vmul.f32 v22, v3;
	v61 =	vunpack.i.u.bf16.f32 v13;
	v13 =	vunpack.i.l.bf16.f32 v13  }
0x1b7: {  	v21 =	vmul.f32 v29, v21;
	v24 =	vunpack.i.u.bf16.f32 v10;
	v13 =	vmul.f32 v26, v13;
	v26 =	vld [tilespmem:s22+$0x4100]  }
0x1b8: {  	v22 =	vld [tilespmem:s22+$0x4180];
	v18 =	vmul.f32 v18, v61;
	v28 =	vunpack.i.u.bf16.f32 v7;
	v7 =	vunpack.i.l.bf16.f32 v7  }
0x1b9: {  	v10 =	vunpack.i.l.bf16.f32 v10;
	v61 =	vld [tilespmem:s22+$0x4300];
	v7 =	vmul.f32 v32, v7;
	v8 =	vmul.f32 v8, v28  }
0x1ba: {  	s9 =	simm.s32 $0x0;
	v11 =	vunpack.i.l.bf16.f32 v11;
	v1 =	vadd.f32 v21, v1;
	v10 =	vmul.f32 v19, v10;
	v28 =	vld [tilespmem:s22+$0x4380]  }
0x1bb: {  	s25 =	sor.u32 $0x8, s9;
	v29 =	vld [tilespmem:s22+$0x8100];
	v20 =	vmul.f32 v20, v24;
	v7 =	vadd.f32 $0.0e+00, v7;
	v8 =	vadd.f32 $0.0e+00, v8  }
0x1bc: {  	s4 =	simm.s32 $0x10;
	s6 =	sshll.u32 s25, $0xA;
	v2 =	vadd.f32 v3, v2;
	v1 =	vadd.f32 v18, v1;
	v32 =	vld [tilespmem:s22+$0x8180];
	v3 =	vmul.f32 v26, v11  }
0x1bd: {  	s7 =	sand.u32 $0x70, s4;
	s6 =	sand.u32 $0x3FFFFC00, s6;
	v11 =	vld [tilespmem:s22+$0x8300];
	v7 =	vadd.f32 v10, v7;
	v8 =	vadd.f32 v20, v8;
	v10 =	vmul.f32 v22, v33  }
0x1be: {  	s9 =	sshll.u32 s25, $0x8;
	s25 =	sor.u32 s7, s6;
	v2 =	vadd.f32 v13, v2;
	v9 =	vadd.f32 v9, v1;
	v4 =	vmul.f32 v61, v4;
	v33 =	vld [tilespmem:s22+$0x8380]  }
0x1bf: {  	v1 =	vld [tilespmem:s25+$0x8200];
	v3 =	vadd.f32 v3, v7;
	v7 =	vadd.f32 v10, v8;
	v10 =	vmul.f32 v28, v31  }
0x1c0: {  	v5 =	vmul.f32 v29, v5;
	v13 =	vadd.f32 v14, v2;
	v2 =	vld [tilespmem:s25+$0x8280];
	v14 =	vmul.f32 v16, v63  }
0x1c1: {  	v63 =	vld [tilespmem:s25+$0x4080];
	s22 =	sor.u32 s7, s9;
	v3 =	vadd.f32 v4, v3;
	v7 =	vadd.f32 v10, v7;
	v10 =	vmul.f32 v32, v27  }
0x1c2: {  	v13 =	vadd.f32 v15, v13;
	v9 =	vadd.f32 v23, v9;
	v8 =	vld [tilespmem:s22+$0x18000];
	v11 =	vmul.f32 v11, v17  }
0x1c3: {  	v61 =	vld [tilespmem:s5+$0x19000];
	v5 =	vadd.f32 v5, v3;
	v7 =	vadd.f32 v10, v7;
	v10 =	vmul.f32 v33, v12  }
0x1c4: {  	v9 =	vadd.f32 v6, v9;
	v6 =	vld [tilespmem:s25+$0x4200];
	v12 =	vadd.f32 v25, v13  }
0x1c5: {  	v4 =	vld [tilespmem:s25+$0x8000];
	v11 =	vadd.f32 v11, v5;
	v10 =	vadd.f32 v10, v7  }
0x1c6: {  	v3 =	vld [tilespmem:s25+$0x8080];
	v13 =	vadd.f32 v62, v60  }
0x1c7: {  	v5 =	vld [tilespmem:s25+$0x4280];
	v15 =	vadd.f32 v9, v12;
	v10 =	vadd.f32 v10, v11;
	v11 =	vadd.s32 $0xF0, v8  }
0x1c8: {  	v7 =	vld [tilespmem:s25+$0x4000];
	v60 =	vadd.f32 v14, v13;
	v13 =	vadd.s32 $0x108, v8  }
0x1c9: {  	v9 =	vld [tilespmem:s25+$0x0];
	v12 =	vadd.s32 $0xC0, v8;
	v62 =	vadd.f32 v10, v15  }
0x1ca: {  	s5 =	simm.s32 $0x2;
	v14 =	vadd.s32 $0xD8, v8;
	v10 =	vld [tilespmem:s25+$0x80]  }
.LBB2_4:
0x1cb: {  	p1 =	sne.s32 s5, $0x3F;
	v15 =	vld.idx.msk [tilespmem:v8+s28+$0x0], $0xffff;
	v16 =	vadd.s32 $0x90, v8;
	v17 =	vmul.f32 v62, v61  }
0x1cc: {  	v18 =	vadd.s32 $0xA8, v8;
	v11 =	vld.idx.msk [tilespmem:v11+s28+$0x0], $0xffff  }
0x1cd: {  	v19 =	vadd.s32 $0x60, v8;
	v13 =	vld.idx.msk [tilespmem:v13+s28+$0x0], $0xffff;
	v60 =	vadd.f32 v17, v60  }
0x1ce: {  	v17 =	vadd.s32 $0x78, v8;
	v12 =	vld.idx.msk [tilespmem:v12+s28+$0x0], $0xffff  }
0x1cf: {  	v20 =	vadd.s32 $0x30, v8;
	v14 =	vld.idx.msk [tilespmem:v14+s28+$0x0], $0xffff  }
0x1d0: {  	v21 =	vadd.s32 $0x48, v8;
	v16 =	vld.idx.msk [tilespmem:v16+s28+$0x0], $0xffff  }
0x1d1: {  	v18 =	vld.idx.msk [tilespmem:v18+s28+$0x0], $0xffff  }
0x1d2: {  	v8 =	vadd.s32 $0x18, v8;
	v19 =	vld.idx.msk [tilespmem:v19+s28+$0x0], $0xffff  }
0x1d3: {  	v22 =	vunpack.i.u.bf16.f32 v15;
	v15 =	vunpack.i.l.bf16.f32 v15;
	v17 =	vld.idx.msk [tilespmem:v17+s28+$0x0], $0xffff  }
0x1d4: {  	v9 =	vmul.f32 v9, v15;
	v10 =	vmul.f32 v10, v22;
	v15 =	vld.idx.msk [tilespmem:v20+s28+$0x0], $0xffff;
	v20 =	vunpack.i.u.bf16.f32 v11  }
0x1d5: {  	v22 =	vunpack.i.u.bf16.f32 v13;
	v13 =	vunpack.i.l.bf16.f32 v13;
	v11 =	vunpack.i.l.bf16.f32 v11;
	v21 =	vld.idx.msk [tilespmem:v21+s28+$0x0], $0xffff  }
0x1d6: {  	v24 =	vunpack.i.u.bf16.f32 v12;
	v12 =	vunpack.i.l.bf16.f32 v12;
	v25 =	vunpack.i.u.bf16.f32 v14;
	v23 =	vld [tilespmem:s25+$0x200]  }
0x1d7: {  	v14 =	vunpack.i.l.bf16.f32 v14;
	v26 =	vunpack.i.u.bf16.f32 v16;
	v16 =	vunpack.i.l.bf16.f32 v16;
	v8 =	vld.idx.msk [tilespmem:v8+s28+$0x0], $0xffff  }
0x1d8: {  	v29 =	vunpack.i.u.bf16.f32 v18;
	v18 =	vunpack.i.l.bf16.f32 v18;
	v28 =	vunpack.i.u.bf16.f32 v19;
	v27 =	vld [tilespmem:s25+$0x280]  }
0x1d9: {  	v19 =	vunpack.i.l.bf16.f32 v19;
	v31 =	vunpack.i.u.bf16.f32 v17;
	v17 =	vunpack.i.l.bf16.f32 v17;
	v30 =	vld [tilespmem:s25+$0x100]  }
0x1da: {  	v11 =	vmul.f32 v1, v11;
	v33 =	vunpack.i.u.bf16.f32 v15;
	v15 =	vunpack.i.l.bf16.f32 v15;
	v32 =	vld [tilespmem:s25+$0x180]  }
0x1db: {  	v4 =	vmul.f32 v4, v12;
	v12 =	vmul.f32 v2, v20;
	v1 =	vunpack.i.u.bf16.f32 v21;
	v61 =	vld [tilespmem:s25+$0x300]  }
0x1dc: {  	v3 =	vmul.f32 v3, v24;
	v6 =	vmul.f32 v6, v16;
	v2 =	vunpack.i.l.bf16.f32 v21;
	v20 =	vld [tilespmem:s25+$0x380]  }
0x1dd: {  	v5 =	vmul.f32 v5, v26;
	v7 =	vmul.f32 v7, v19;
	v16 =	vunpack.i.u.bf16.f32 v8;
	v19 =	vld [tilespmem:s25+$0x4100]  }
0x1de: {  	v21 =	vmul.f32 v63, v28;
	v15 =	vmul.f32 v23, v15;
	v8 =	vunpack.i.l.bf16.f32 v8;
	v23 =	vld [tilespmem:s25+$0x4180]  }
0x1df: {  	v9 =	vadd.f32 $0.0e+00, v9;
	v8 =	vmul.f32 v30, v8;
	v16 =	vmul.f32 v32, v16;
	v24 =	vld [tilespmem:s25+$0x4300]  }
0x1e0: {  	v10 =	vadd.f32 $0.0e+00, v10;
	v26 =	vmul.f32 v27, v33;
	v2 =	vmul.f32 v61, v2;
	v27 =	vld [tilespmem:s25+$0x4380]  }
0x1e1: {  	v8 =	vadd.f32 $0.0e+00, v8;
	v16 =	vadd.f32 $0.0e+00, v16;
	v1 =	vmul.f32 v20, v1;
	v20 =	vld [tilespmem:s25+$0x8100]  }
0x1e2: {  	s6 =	sshrl.u32 s5, $0x3;
	v9 =	vadd.f32 v15, v9;
	v10 =	vadd.f32 v26, v10;
	v15 =	vmul.f32 v19, v17;
	v17 =	vld [tilespmem:s25+$0x8180]  }
0x1e3: {  	s4 =	sadd.s32 $0x10, s4;
	s6 =	sor.u32 $0x8, s6;
	v2 =	vadd.f32 v2, v8;
	v1 =	vadd.f32 v1, v16;
	v8 =	vmul.f32 v23, v31;
	v16 =	vld [tilespmem:s25+$0x8300]  }
0x1e4: {  	s7 =	sand.u32 $0x70, s4;
	s9 =	sshll.u32 s6, $0x8;
	s6 =	sshll.u32 s6, $0xA;
	v7 =	vadd.f32 v7, v9;
	v9 =	vadd.f32 v21, v10;
	v10 =	vmul.f32 v24, v18;
	v18 =	vld [tilespmem:s25+$0x8380]  }
0x1e5: {  	s6 =	sand.u32 $0x3FFFFC00, s6;
	v2 =	vadd.f32 v15, v2;
	v61 =	vld [tilespmem:s22+$0x19000];
	s22 =	sor.u32 s7, s9;
	v15 =	vadd.f32 v8, v1;
	v19 =	vmul.f32 v27, v29  }
0x1e6: {  	v6 =	vadd.f32 v6, v7;
	v5 =	vadd.f32 v5, v9;
	s25 =	sor.u32 s7, s6;
	v8 =	vld [tilespmem:s22+$0x18000];
	v7 =	vmul.f32 v20, v14  }
0x1e7: {  	v9 =	vadd.f32 v10, v2;
	v1 =	vld [tilespmem:s25+$0x8200];
	v10 =	vadd.f32 v19, v15;
	v14 =	vmul.f32 v17, v25  }
0x1e8: {  	v6 =	vadd.f32 v4, v6;
	v5 =	vadd.f32 v3, v5;
	v2 =	vld [tilespmem:s25+$0x8280];
	v13 =	vmul.f32 v16, v13  }
0x1e9: {  	v7 =	vadd.f32 v7, v9;
	v4 =	vld [tilespmem:s25+$0x8000];
	v9 =	vadd.f32 v14, v10;
	v10 =	vmul.f32 v18, v22  }
0x1ea: {  	v12 =	vadd.f32 v12, v5;
	v14 =	vadd.f32 v11, v6;
	v3 =	vld [tilespmem:s25+$0x8080]  }
0x1eb: {  	v13 =	vadd.f32 v13, v7;
	v6 =	vld [tilespmem:s25+$0x4200];
	v9 =	vadd.f32 v10, v9  }
.Ltmp1:
0x1ec: {  	v5 =	vld [tilespmem:s25+$0x4280];
	(pc) =	sbr.rel @p1 .LBB2_4-.Ltmp1, $4  }
0x1ed: {  	v11 =	vadd.s32 $0xF0, v8;
	v10 =	vadd.f32 v12, v14;
	v7 =	vld [tilespmem:s25+$0x4000];
	v14 =	vadd.f32 v9, v13  }
0x1ee: {  	v13 =	vadd.s32 $0x108, v8;
	v63 =	vld [tilespmem:s25+$0x4080]  }
0x1ef: {  	v12 =	vadd.s32 $0xC0, v8;
	v9 =	vld [tilespmem:s25+$0x0];
	v62 =	vadd.f32 v14, v10  }
0x1f0: {  	s5 =	sadd.s32 $0x1, s5;
	v14 =	vadd.s32 $0xD8, v8;
	v10 =	vld [tilespmem:s25+$0x80]  }
0x1f1: {  	_ =	sdelay $0x3  }
0x1f2: {  	v15 =	vld.idx.msk [tilespmem:v8+s28+$0x0], $0xffff  }
0x1f3: {  	v11 =	vld.idx.msk [tilespmem:v11+s28+$0x0], $0xffff  }
0x1f4: {  	v13 =	vld.idx.msk [tilespmem:v13+s28+$0x0], $0xffff  }
0x1f5: {  	v12 =	vld.idx.msk [tilespmem:v12+s28+$0x0], $0xffff  }
0x1f6: {  	v14 =	vld.idx.msk [tilespmem:v14+s28+$0x0], $0xffff  }
0x1f7: {  	v22 =	vld [tilespmem:s25+$0x200]  }
0x1f8: {  	v23 =	vld [tilespmem:s25+$0x280]  }
0x1f9: {  	v24 =	vld [tilespmem:s25+$0x100]  }
0x1fa: {  	v16 =	vadd.s32 $0x90, v8;
	v25 =	vld [tilespmem:s25+$0x180]  }
0x1fb: {  	v17 =	vadd.s32 $0xA8, v8;
	v26 =	vld [tilespmem:s25+$0x300]  }
0x1fc: {  	v18 =	vadd.s32 $0x60, v8;
	v27 =	vld [tilespmem:s25+$0x380]  }
0x1fd: {  	v19 =	vadd.s32 $0x78, v8;
	v29 =	vld [tilespmem:s25+$0x4100]  }
0x1fe: {  	v20 =	vadd.s32 $0x30, v8;
	v31 =	vld [tilespmem:s25+$0x4300]  }
0x1ff: {  	v21 =	vadd.s32 $0x48, v8;
	v16 =	vld.idx.msk [tilespmem:v16+s28+$0x0], $0xffff  }
0x200: {  	v8 =	vadd.s32 $0x18, v8;
	v17 =	vld.idx.msk [tilespmem:v17+s28+$0x0], $0xffff  }
0x201: {  	v18 =	vld.idx.msk [tilespmem:v18+s28+$0x0], $0xffff  }
0x202: {  	v19 =	vld.idx.msk [tilespmem:v19+s28+$0x0], $0xffff  }
0x203: {  	v20 =	vld.idx.msk [tilespmem:v20+s28+$0x0], $0xffff;
	v28 =	vunpack.i.u.bf16.f32 v15  }
0x204: {  	v21 =	vld.idx.msk [tilespmem:v21+s28+$0x0], $0xffff;
	v15 =	vunpack.i.l.bf16.f32 v15;
	v30 =	vunpack.i.u.bf16.f32 v12;
	v12 =	vunpack.i.l.bf16.f32 v12  }
0x205: {  	v8 =	vld.idx.msk [tilespmem:v8+s28+$0x0], $0xffff;
	v9 =	vmul.f32 v9, v15;
	v10 =	vmul.f32 v10, v28;
	v28 =	vunpack.i.u.bf16.f32 v11  }
0x206: {  	v15 =	vld [tilespmem:s25+$0x4180];
	v11 =	vunpack.i.l.bf16.f32 v11;
	v4 =	vmul.f32 v4, v12;
	v3 =	vmul.f32 v3, v30  }
0x207: {  	v12 =	vld [tilespmem:s25+$0x8100];
	v1 =	vmul.f32 v1, v11;
	v2 =	vmul.f32 v2, v28  }
0x208: {  	v11 =	vld [tilespmem:s25+$0x4380];
	v9 =	vadd.f32 $0.0e+00, v9;
	v32 =	vunpack.i.u.bf16.f32 v16;
	v16 =	vunpack.i.l.bf16.f32 v16  }
0x209: {  	v28 =	vunpack.i.u.bf16.f32 v18;
	v18 =	vunpack.i.l.bf16.f32 v18;
	v6 =	vmul.f32 v6, v16;
	v16 =	vld [tilespmem:s25+$0x8180]  }
0x20a: {  	v10 =	vadd.f32 $0.0e+00, v10;
	v30 =	vunpack.i.l.bf16.f32 v20;
	v7 =	vmul.f32 v7, v18;
	v18 =	vld [tilespmem:s25+$0x8300]  }
0x20b: {  	v20 =	vunpack.i.u.bf16.f32 v20;
	v33 =	vunpack.i.l.bf16.f32 v21;
	v22 =	vmul.f32 v22, v30;
	v30 =	vld [tilespmem:s25+$0x8380]  }
0x20c: {  	s4 =	simm.s32 $0x0;
	s5 =	simm.s32 $0x0;
	v21 =	vunpack.i.u.bf16.f32 v21;
	v5 =	vmul.f32 v5, v32;
	v28 =	vmul.f32 v63, v28;
	v63 =	vld [tilespmem:s22+$0x19000];
	_ =	swait.ge [sflag:s31], $0x6000  }
0x20d: {  	s4 =	sand.u32 $0x70, s4;
	s5 =	sand.u32 $0x3FFFFC00, s5;
	v32 =	vunpack.i.l.bf16.f32 v8;
	v8 =	vunpack.i.u.bf16.f32 v8;
	v20 =	vmul.f32 v23, v20;
	[sflag:s31] =	ssyncset.done $0x0  }
0x20e: {  	s6 =	simm.s32 $0x0;
	s5 =	sor.u32 s4, s5;
	v23 =	vmul.f32 v26, v33;
	v21 =	vmul.f32 v27, v21;
	v33 =	vunpack.i.l.bf16.f32 v19;
	[sflag:s31] =	ssyncadd.s32 $0xFFFFA000  }
0x20f: {  	s6 =	sand.u32 $0xFFFFFF00, s6;
	v19 =	vunpack.i.u.bf16.f32 v19;
	v24 =	vmul.f32 v24, v32;
	v32 =	vunpack.i.u.bf16.f32 v13;
	v26 =	vld [tilespmem:s5+$0x14200]  }
0x210: {  	s25 =	sor.u32 s4, s6;
	v13 =	vunpack.i.l.bf16.f32 v13;
	v8 =	vmul.f32 v25, v8;
	v9 =	vadd.f32 v22, v9;
	v22 =	vld [tilespmem:s5+$0x14280]  }
0x211: {  	v27 =	vmul.f32 v29, v33;
	v29 =	vunpack.i.u.bf16.f32 v17;
	v10 =	vadd.f32 v20, v10;
	v20 =	vld [tilespmem:s25+$0x18080]  }
0x212: {  	v25 =	vunpack.i.u.bf16.f32 v14;
	v11 =	vmul.f32 v11, v29;
	v24 =	vadd.f32 $0.0e+00, v24;
	v29 =	vld [tilespmem:s5+$0xC280]  }
0x213: {  	v14 =	vunpack.i.l.bf16.f32 v14;
	v8 =	vadd.f32 $0.0e+00, v8;
	v7 =	vadd.f32 v7, v9;
	v9 =	vld [tilespmem:s5+$0x10200]  }
0x214: {  	v17 =	vunpack.i.l.bf16.f32 v17;
	v15 =	vmul.f32 v15, v19;
	v23 =	vadd.f32 v23, v24;
	v24 =	vld [tilespmem:s5+$0x14000]  }
0x215: {  	v17 =	vmul.f32 v31, v17;
	v12 =	vmul.f32 v12, v14;
	v8 =	vadd.f32 v21, v8;
	v21 =	vld [tilespmem:s5+$0x14080]  }
0x216: {  	v10 =	vadd.f32 v28, v10;
	v13 =	vmul.f32 v18, v13;
	v6 =	vadd.f32 v6, v7;
	v7 =	vld [tilespmem:s5+$0x10080]  }
0x217: {  	v33 =	vadd.f32 v27, v23;
	v23 =	vld [tilespmem:s5+$0x10280];
	v8 =	vadd.f32 v15, v8;
	v31 =	vadd.s32 $0xF0, v20  }
0x218: {  	v5 =	vadd.f32 v5, v10;
	v15 =	vld [tilespmem:s5+$0x10000];
	v10 =	vadd.s32 $0x108, v20;
	v19 =	vadd.s32 $0xC0, v20  }
0x219: {  	v14 =	vadd.f32 v17, v33;
	v17 =	vld [tilespmem:s5+$0xC000];
	v8 =	vadd.f32 v11, v8;
	v11 =	vmul.f32 v16, v25  }
0x21a: {  	v4 =	vadd.f32 v4, v6;
	v3 =	vadd.f32 v3, v5;
	v6 =	vadd.s32 $0x90, v20;
	v16 =	vld [tilespmem:s5+$0xC080]  }
0x21b: {  	v5 =	vld.idx.msk [tilespmem:v20+s28+$0x0], $0xffff;
	v12 =	vadd.f32 v12, v14;
	v8 =	vadd.f32 v11, v8;
	v11 =	vmul.f32 v30, v32  }
0x21c: {  	v25 =	vadd.s32 $0xD8, v20;
	v1 =	vadd.f32 v1, v4;
	v2 =	vadd.f32 v2, v3;
	v33 =	vld.idx.msk [tilespmem:v31+s28+$0x0], $0xffff  }
0x21d: {  	v3 =	vadd.s32 $0x78, v20;
	v10 =	vld.idx.msk [tilespmem:v10+s28+$0x0], $0xffff;
	v12 =	vadd.f32 v13, v12;
	v8 =	vadd.f32 v11, v8  }
0x21e: {  	v4 =	vld.idx.msk [tilespmem:v19+s28+$0x0], $0xffff;
	v11 =	vadd.s32 $0x30, v20  }
0x21f: {  	v14 =	vadd.s32 $0xA8, v20;
	v1 =	vadd.f32 v2, v1;
	v6 =	vld.idx.msk [tilespmem:v6+s28+$0x0], $0xffff;
	v2 =	vadd.f32 v8, v12  }
0x220: {  	v32 =	vadd.s32 $0x48, v20;
	v31 =	vadd.s32 $0x60, v20;
	v19 =	vld [tilespmem:s5+$0xC200];
	v12 =	vadd.s32 $0x18, v20  }
0x221: {  	v13 =	vld.idx.msk [tilespmem:v25+s28+$0x0], $0xffff;
	v20 =	vadd.f32 v2, v1;
	v1 =	vunpack.i.u.bf16.f32 v5;
	v2 =	vunpack.i.l.bf16.f32 v5  }
0x222: {  	v3 =	vld.idx.msk [tilespmem:v3+s28+$0x0], $0xffff;
	v2 =	vmul.f32 v17, v2;
	v1 =	vmul.f32 v16, v1  }
0x223: {  	v5 =	vld.idx.msk [tilespmem:v11+s28+$0x0], $0xffff;
	v11 =	vunpack.i.u.bf16.f32 v33;
	v17 =	vunpack.i.l.bf16.f32 v33;
	v18 =	vunpack.i.u.bf16.f32 v10  }
0x224: {  	v8 =	vld.idx.msk [tilespmem:v14+s28+$0x0], $0xffff;
	v10 =	vunpack.i.l.bf16.f32 v10;
	v25 =	vunpack.i.u.bf16.f32 v4;
	v4 =	vunpack.i.l.bf16.f32 v4  }
0x225: {  	v14 =	vld.idx.msk [tilespmem:v31+s28+$0x0], $0xffff;
	v28 =	vunpack.i.u.bf16.f32 v6;
	v6 =	vunpack.i.l.bf16.f32 v6;
	v17 =	vmul.f32 v26, v17  }
0x226: {  	v16 =	vld.idx.msk [tilespmem:v32+s28+$0x0], $0xffff;
	v27 =	vunpack.i.u.bf16.f32 v13;
	v4 =	vmul.f32 v24, v4;
	v11 =	vmul.f32 v22, v11  }
0x227: {  	v13 =	vunpack.i.l.bf16.f32 v13;
	v6 =	vmul.f32 v9, v6;
	v21 =	vmul.f32 v21, v25;
	v12 =	vld.idx.msk [tilespmem:v12+s28+$0x0], $0xffff  }
0x228: {  	v32 =	vld [tilespmem:s5+$0xC100];
	v23 =	vmul.f32 v23, v28;
	v26 =	vunpack.i.u.bf16.f32 v3;
	v3 =	vunpack.i.l.bf16.f32 v3  }
0x229: {  	v24 =	vld [tilespmem:s5+$0xC180];
	v2 =	vadd.f32 $0.0e+00, v2;
	v1 =	vadd.f32 $0.0e+00, v1;
	v31 =	vunpack.i.u.bf16.f32 v8  }
0x22a: {  	v9 =	vld [tilespmem:s5+$0xC300];
	v8 =	vunpack.i.l.bf16.f32 v8;
	v30 =	vunpack.i.u.bf16.f32 v14;
	v14 =	vunpack.i.l.bf16.f32 v14  }
0x22b: {  	v22 =	vunpack.i.u.bf16.f32 v5;
	v5 =	vunpack.i.l.bf16.f32 v5;
	v14 =	vmul.f32 v15, v14;
	v15 =	vld [tilespmem:s5+$0xC380]  }
0x22c: {  	v28 =	vld [tilespmem:s5+$0x10100];
	v5 =	vmul.f32 v19, v5;
	v33 =	vunpack.i.u.bf16.f32 v12;
	v12 =	vunpack.i.l.bf16.f32 v12  }
0x22d: {  	v25 =	vunpack.i.u.bf16.f32 v16;
	v7 =	vmul.f32 v7, v30;
	v30 =	vld [tilespmem:s5+$0x10180];
	v12 =	vmul.f32 v32, v12  }
0x22e: {  	v16 =	vunpack.i.l.bf16.f32 v16;
	v19 =	vmul.f32 v24, v33;
	v33 =	vld [tilespmem:s5+$0x10300];
	v2 =	vadd.f32 v5, v2  }
0x22f: {  	v22 =	vmul.f32 v29, v22;
	v9 =	vmul.f32 v9, v16;
	v16 =	vld [tilespmem:s5+$0x10380];
	v12 =	vadd.f32 $0.0e+00, v12  }
0x230: {  	v29 =	vld [tilespmem:s5+$0x14100];
	v19 =	vadd.f32 $0.0e+00, v19;
	v2 =	vadd.f32 v14, v2;
	v15 =	vmul.f32 v15, v25  }
0x231: {  	s22 =	simm.s32 $0x80;
	s4 =	simm.s32 $0x10;
	v3 =	vmul.f32 v28, v3;
	v1 =	vadd.f32 v22, v1;
	v5 =	vld [tilespmem:s5+$0x14180];
	v9 =	vadd.f32 v9, v12  }
0x232: {  	s7 =	sand.u32 $0x70, s4;
	s6 =	sand.u32 $0x3FFFFC00, s22;
	v32 =	vld [tilespmem:s5+$0x14300];
	v6 =	vadd.f32 v6, v2;
	v12 =	vadd.f32 v15, v19;
	v15 =	vmul.f32 v30, v26  }
0x233: {  	s22 =	sor.u32 s7, s6;
	v7 =	vadd.f32 v7, v1;
	v14 =	vld [tilespmem:s5+$0x14380];
	v8 =	vmul.f32 v33, v8;
	v3 =	vadd.f32 v3, v9  }
0x234: {  	s9 =	simm.s32 $0x20;
	v1 =	vld [tilespmem:s22+$0x14200];
	v6 =	vadd.f32 v4, v6;
	v9 =	vadd.f32 v15, v12;
	v12 =	vmul.f32 v16, v31  }
0x235: {  	s5 =	sand.u32 $0xFFFFFF00, s9;
	v13 =	vmul.f32 v29, v13;
	v2 =	vld [tilespmem:s22+$0x14280];
	v15 =	vadd.f32 v23, v7;
	v3 =	vadd.f32 v8, v3  }
0x236: {  	v33 =	vld [tilespmem:s25+$0x19080];
	s25 =	sor.u32 s7, s5;
	v5 =	vmul.f32 v5, v27;
	v6 =	vadd.f32 v17, v6;
	v8 =	vadd.f32 v12, v9  }
0x237: {  	v10 =	vmul.f32 v32, v10;
	v7 =	vld [tilespmem:s25+$0x18080];
	v9 =	vadd.f32 v21, v15;
	v12 =	vadd.f32 v13, v3  }
0x238: {  	v4 =	vld [tilespmem:s22+$0x14000];
	v13 =	vmul.f32 v62, v61;
	v5 =	vadd.f32 v5, v8;
	v8 =	vmul.f32 v14, v18  }
0x239: {  	v3 =	vld [tilespmem:s22+$0x14080];
	v9 =	vadd.f32 v11, v9;
	v10 =	vadd.f32 v10, v12  }
0x23a: {  	v62 =	vld [tilespmem:s22+$0x10200];
	v11 =	vadd.f32 v13, v60;
	v12 =	vmul.f32 v20, v63;
	v8 =	vadd.f32 v8, v5  }
0x23b: {  	v63 =	vld [tilespmem:s22+$0x10000];
	v9 =	vadd.f32 v9, v6  }
0x23c: {  	v5 =	vld [tilespmem:s22+$0x10280];
	v60 =	vadd.f32 v12, v11;
	v12 =	vadd.s32 $0xF0, v7;
	v10 =	vadd.f32 v8, v10  }
0x23d: {  	v15 =	vadd.s32 $0x108, v7;
	v6 =	vld [tilespmem:s22+$0x10080]  }
0x23e: {  	v11 =	vadd.s32 $0xC0, v7;
	v8 =	vld [tilespmem:s22+$0xC000];
	v16 =	vadd.f32 v10, v9  }
0x23f: {  	v13 =	vadd.s32 $0xD8, v7;
	v9 =	vld [tilespmem:s22+$0xC080]  }
0x240: {  	s5 =	simm.s32 $0x2;
	v14 =	vadd.s32 $0x90, v7;
	v10 =	vld.idx.msk [tilespmem:v7+s28+$0x0], $0xffff;
	v61 =	vmul.f32 v16, v33  }
.LBB2_6:
0x241: {  	p1 =	sne.s32 s5, $0x3F;
	v16 =	vadd.s32 $0xA8, v7;
	v12 =	vld.idx.msk [tilespmem:v12+s28+$0x0], $0xffff  }
0x242: {  	v17 =	vadd.s32 $0x60, v7;
	v15 =	vld.idx.msk [tilespmem:v15+s28+$0x0], $0xffff;
	v60 =	vadd.f32 v61, v60  }
0x243: {  	v18 =	vadd.s32 $0x78, v7;
	v11 =	vld.idx.msk [tilespmem:v11+s28+$0x0], $0xffff  }
0x244: {  	v19 =	vadd.s32 $0x30, v7;
	v13 =	vld.idx.msk [tilespmem:v13+s28+$0x0], $0xffff  }
0x245: {  	v20 =	vadd.s32 $0x48, v7;
	v14 =	vld.idx.msk [tilespmem:v14+s28+$0x0], $0xffff  }
0x246: {  	v16 =	vld.idx.msk [tilespmem:v16+s28+$0x0], $0xffff  }
0x247: {  	v7 =	vadd.s32 $0x18, v7;
	v17 =	vld.idx.msk [tilespmem:v17+s28+$0x0], $0xffff  }
0x248: {  	v21 =	vunpack.i.u.bf16.f32 v10;
	v10 =	vunpack.i.l.bf16.f32 v10;
	v18 =	vld.idx.msk [tilespmem:v18+s28+$0x0], $0xffff  }
0x249: {  	v8 =	vmul.f32 v8, v10;
	v9 =	vmul.f32 v9, v21;
	v10 =	vld.idx.msk [tilespmem:v19+s28+$0x0], $0xffff;
	v19 =	vunpack.i.u.bf16.f32 v12  }
0x24a: {  	v21 =	vunpack.i.u.bf16.f32 v15;
	v15 =	vunpack.i.l.bf16.f32 v15;
	v12 =	vunpack.i.l.bf16.f32 v12;
	v20 =	vld.idx.msk [tilespmem:v20+s28+$0x0], $0xffff  }
0x24b: {  	v23 =	vunpack.i.u.bf16.f32 v11;
	v11 =	vunpack.i.l.bf16.f32 v11;
	v24 =	vunpack.i.u.bf16.f32 v13;
	v22 =	vld [tilespmem:s22+$0xC200]  }
0x24c: {  	v13 =	vunpack.i.l.bf16.f32 v13;
	v25 =	vunpack.i.u.bf16.f32 v14;
	v14 =	vunpack.i.l.bf16.f32 v14;
	v7 =	vld.idx.msk [tilespmem:v7+s28+$0x0], $0xffff  }
0x24d: {  	v28 =	vunpack.i.u.bf16.f32 v16;
	v16 =	vunpack.i.l.bf16.f32 v16;
	v27 =	vunpack.i.u.bf16.f32 v17;
	v26 =	vld [tilespmem:s22+$0xC280]  }
0x24e: {  	v17 =	vunpack.i.l.bf16.f32 v17;
	v30 =	vunpack.i.u.bf16.f32 v18;
	v18 =	vunpack.i.l.bf16.f32 v18;
	v29 =	vld [tilespmem:s22+$0xC100]  }
0x24f: {  	v12 =	vmul.f32 v1, v12;
	v32 =	vunpack.i.u.bf16.f32 v10;
	v10 =	vunpack.i.l.bf16.f32 v10;
	v31 =	vld [tilespmem:s22+$0xC180]  }
0x250: {  	v4 =	vmul.f32 v4, v11;
	v11 =	vmul.f32 v2, v19;
	v1 =	vunpack.i.u.bf16.f32 v20;
	v33 =	vld [tilespmem:s22+$0xC300]  }
0x251: {  	v3 =	vmul.f32 v3, v23;
	v14 =	vmul.f32 v62, v14;
	v2 =	vunpack.i.l.bf16.f32 v20;
	v19 =	vld [tilespmem:s22+$0xC380]  }
0x252: {  	v5 =	vmul.f32 v5, v25;
	v17 =	vmul.f32 v63, v17;
	v20 =	vunpack.i.u.bf16.f32 v7;
	v23 =	vld [tilespmem:s22+$0x10100]  }
0x253: {  	v6 =	vmul.f32 v6, v27;
	v10 =	vmul.f32 v22, v10;
	v7 =	vunpack.i.l.bf16.f32 v7;
	v22 =	vld [tilespmem:s22+$0x10180]  }
0x254: {  	v8 =	vadd.f32 $0.0e+00, v8;
	v7 =	vmul.f32 v29, v7;
	v20 =	vmul.f32 v31, v20;
	v25 =	vld [tilespmem:s22+$0x10300]  }
0x255: {  	v9 =	vadd.f32 $0.0e+00, v9;
	v26 =	vmul.f32 v26, v32;
	v2 =	vmul.f32 v33, v2;
	v27 =	vld [tilespmem:s22+$0x10380]  }
0x256: {  	v7 =	vadd.f32 $0.0e+00, v7;
	v20 =	vadd.f32 $0.0e+00, v20;
	v1 =	vmul.f32 v19, v1;
	v19 =	vld [tilespmem:s22+$0x14100]  }
0x257: {  	v8 =	vadd.f32 v10, v8;
	v9 =	vadd.f32 v26, v9;
	v10 =	vmul.f32 v23, v18;
	v18 =	vld [tilespmem:s22+$0x14180]  }
0x258: {  	s6 =	sshll.u32 s5, $0x7;
	s4 =	sadd.s32 $0x10, s4;
	v2 =	vadd.f32 v2, v7;
	v1 =	vadd.f32 v1, v20;
	v7 =	vmul.f32 v22, v30;
	v20 =	vld [tilespmem:s22+$0x14300]  }
0x259: {  	s7 =	sand.u32 $0x70, s4;
	s6 =	sand.u32 $0x3FFFFC00, s6;
	v8 =	vadd.f32 v17, v8;
	v6 =	vadd.f32 v6, v9;
	v9 =	vmul.f32 v25, v16;
	v16 =	vld [tilespmem:s22+$0x14380]  }
0x25a: {  	s9 =	sshll.u32 s5, $0x5;
	s22 =	sor.u32 s7, s6;
	v10 =	vadd.f32 v10, v2;
	v17 =	vld [tilespmem:s25+$0x19080];
	v7 =	vadd.f32 v7, v1;
	v22 =	vmul.f32 v27, v28  }
0x25b: {  	v8 =	vadd.f32 v14, v8;
	v5 =	vadd.f32 v5, v6;
	s6 =	sand.u32 $0xFFFFFF00, s9;
	v1 =	vld [tilespmem:s22+$0x14200];
	v6 =	vmul.f32 v19, v13  }
0x25c: {  	s25 =	sor.u32 s7, s6;
	v9 =	vadd.f32 v9, v10;
	v2 =	vld [tilespmem:s22+$0x14280];
	v10 =	vadd.f32 v22, v7;
	v13 =	vmul.f32 v18, v24  }
0x25d: {  	v8 =	vadd.f32 v4, v8;
	v5 =	vadd.f32 v3, v5;
	v7 =	vld [tilespmem:s25+$0x18080];
	v14 =	vmul.f32 v20, v15  }
0x25e: {  	v6 =	vadd.f32 v6, v9;
	v4 =	vld [tilespmem:s22+$0x14000];
	v9 =	vadd.f32 v13, v10;
	v10 =	vmul.f32 v16, v21  }
0x25f: {  	v8 =	vadd.f32 v12, v8;
	v11 =	vadd.f32 v11, v5;
	v3 =	vld [tilespmem:s22+$0x14080]  }
0x260: {  	v6 =	vadd.f32 v14, v6;
	v62 =	vld [tilespmem:s22+$0x10200];
	v9 =	vadd.f32 v10, v9  }
0x261: {  	v5 =	vld [tilespmem:s22+$0x10280]  }
.Ltmp2:
0x262: {  	v10 =	vadd.f32 v11, v8;
	v63 =	vld [tilespmem:s22+$0x10000];
	v12 =	vadd.s32 $0xF0, v7;
	v9 =	vadd.f32 v9, v6;
	(pc) =	sbr.rel @p1 .LBB2_6-.Ltmp2, $4  }
0x263: {  	v15 =	vadd.s32 $0x108, v7;
	v6 =	vld [tilespmem:s22+$0x10080]  }
0x264: {  	v11 =	vadd.s32 $0xC0, v7;
	v8 =	vld [tilespmem:s22+$0xC000];
	v16 =	vadd.f32 v9, v10  }
0x265: {  	v13 =	vadd.s32 $0xD8, v7;
	v9 =	vld [tilespmem:s22+$0xC080]  }
0x266: {  	s5 =	sadd.s32 $0x1, s5;
	v14 =	vadd.s32 $0x90, v7;
	v10 =	vld.idx.msk [tilespmem:v7+s28+$0x0], $0xffff;
	v61 =	vmul.f32 v16, v17  }
0x267: {  	_ =	sdelay $0x3  }
0x268: {  	v12 =	vld.idx.msk [tilespmem:v12+s28+$0x0], $0xffff  }
0x269: {  	v15 =	vld.idx.msk [tilespmem:v15+s28+$0x0], $0xffff  }
0x26a: {  	v11 =	vld.idx.msk [tilespmem:v11+s28+$0x0], $0xffff  }
0x26b: {  	v13 =	vld.idx.msk [tilespmem:v13+s28+$0x0], $0xffff  }
0x26c: {  	v14 =	vld.idx.msk [tilespmem:v14+s28+$0x0], $0xffff  }
0x26d: {  	v21 =	vld [tilespmem:s22+$0xC200]  }
0x26e: {  	v22 =	vld [tilespmem:s22+$0xC280]  }
0x26f: {  	v23 =	vld [tilespmem:s22+$0xC100]  }
0x270: {  	v24 =	vld [tilespmem:s22+$0xC180]  }
0x271: {  	v25 =	vld [tilespmem:s22+$0xC300]  }
0x272: {  	v16 =	vadd.s32 $0xA8, v7;
	v26 =	vld [tilespmem:s22+$0xC380]  }
0x273: {  	v17 =	vadd.s32 $0x60, v7;
	v27 =	vld [tilespmem:s22+$0x10100]  }
0x274: {  	v18 =	vadd.s32 $0x78, v7;
	v28 =	vld [tilespmem:s22+$0x10180]  }
0x275: {  	v19 =	vadd.s32 $0x30, v7;
	v30 =	vld [tilespmem:s22+$0x10300]  }
0x276: {  	v20 =	vadd.s32 $0x48, v7;
	v32 =	vld [tilespmem:s22+$0x14100]  }
0x277: {  	v7 =	vadd.s32 $0x18, v7;
	v16 =	vld.idx.msk [tilespmem:v16+s28+$0x0], $0xffff  }
0x278: {  	v17 =	vld.idx.msk [tilespmem:v17+s28+$0x0], $0xffff  }
0x279: {  	v29 =	vunpack.i.u.bf16.f32 v10;
	v10 =	vunpack.i.l.bf16.f32 v10;
	v18 =	vld.idx.msk [tilespmem:v18+s28+$0x0], $0xffff  }
0x27a: {  	v19 =	vld.idx.msk [tilespmem:v19+s28+$0x0], $0xffff;
	v8 =	vmul.f32 v8, v10;
	v9 =	vmul.f32 v9, v29;
	v29 =	vunpack.i.u.bf16.f32 v12  }
0x27b: {  	v20 =	vld.idx.msk [tilespmem:v20+s28+$0x0], $0xffff;
	v12 =	vunpack.i.l.bf16.f32 v12;
	v31 =	vunpack.i.l.bf16.f32 v11;
	v11 =	vunpack.i.u.bf16.f32 v11  }
0x27c: {  	v7 =	vld.idx.msk [tilespmem:v7+s28+$0x0], $0xffff;
	v1 =	vmul.f32 v1, v12;
	v4 =	vmul.f32 v4, v31;
	v31 =	vunpack.i.u.bf16.f32 v14  }
0x27d: {  	v10 =	vld [tilespmem:s22+$0x10380];
	v14 =	vunpack.i.l.bf16.f32 v14;
	v2 =	vmul.f32 v2, v29;
	v3 =	vmul.f32 v3, v11  }
0x27e: {  	v29 =	vld [tilespmem:s22+$0x14300];
	v14 =	vmul.f32 v62, v14;
	v5 =	vmul.f32 v5, v31;
	v31 =	vunpack.i.u.bf16.f32 v15  }
0x27f: {  	v12 =	vld [tilespmem:s22+$0x14180];
	v15 =	vunpack.i.l.bf16.f32 v15;
	v8 =	vadd.f32 $0.0e+00, v8;
	v9 =	vadd.f32 $0.0e+00, v9  }
0x280: {  	s4 =	simm.s32 $0x0;
	s5 =	simm.s32 $0x0;
	v11 =	vld [tilespmem:s22+$0x14380];
	v33 =	vunpack.i.l.bf16.f32 v17;
	v62 =	vunpack.i.l.bf16.f32 v19;
	v17 =	vunpack.i.u.bf16.f32 v17  }
0x281: {  	s4 =	sor.u32 $0x8, s4;
	s6 =	sand.u32 $0x70, s5;
	v19 =	vunpack.i.u.bf16.f32 v19;
	v33 =	vmul.f32 v63, v33;
	v63 =	vld [tilespmem:s25+$0x19080];
	v21 =	vmul.f32 v21, v62;
	_ =	swait.ge [sflag:s1], $0x6000  }
0x282: {  	s7 =	sshll.u32 s4, $0x8;
	s4 =	sshll.u32 s4, $0xA;
	v6 =	vmul.f32 v6, v17;
	v62 =	vunpack.i.l.bf16.f32 v7;
	v19 =	vmul.f32 v22, v19;
	[sflag:s1] =	ssyncset.done $0x0  }
0x283: {  	s5 =	sor.u32 s6, s7;
	s4 =	sand.u32 $0x3FFFFC00, s4;
	v7 =	vunpack.i.u.bf16.f32 v7;
	v15 =	vmul.f32 v29, v15;
	v17 =	vmul.f32 v23, v62;
	[sflag:s1] =	ssyncadd.s32 $0xFFFFA000  }
0x284: {  	s22 =	sor.u32 s6, s4;
	v23 =	vunpack.i.u.bf16.f32 v13;
	v13 =	vunpack.i.l.bf16.f32 v13;
	v62 =	vunpack.i.l.bf16.f32 v20;
	v22 =	vld [tilespmem:s5+$0x18080]  }
0x285: {  	v7 =	vmul.f32 v24, v7;
	v20 =	vunpack.i.u.bf16.f32 v20;
	v24 =	vmul.f32 v25, v62;
	v25 =	vld [tilespmem:s22+$0x14200]  }
0x286: {  	v20 =	vmul.f32 v26, v20;
	v8 =	vadd.f32 v21, v8;
	v62 =	vunpack.i.l.bf16.f32 v18;
	v21 =	vld [tilespmem:s22+$0x14280]  }
0x287: {  	v9 =	vadd.f32 v19, v9;
	v18 =	vunpack.i.u.bf16.f32 v18;
	v13 =	vmul.f32 v32, v13;
	v19 =	vld [tilespmem:s22+$0x14000]  }
0x288: {  	v17 =	vadd.f32 $0.0e+00, v17;
	v7 =	vadd.f32 $0.0e+00, v7;
	v26 =	vmul.f32 v27, v62;
	v29 =	vld [tilespmem:s22+$0xC280]  }
0x289: {  	v62 =	vunpack.i.u.bf16.f32 v16;
	v16 =	vunpack.i.l.bf16.f32 v16;
	v6 =	vadd.f32 v6, v9;
	v9 =	vld [tilespmem:s22+$0x10280]  }
0x28a: {  	v18 =	vmul.f32 v28, v18;
	v8 =	vadd.f32 v33, v8;
	v17 =	vadd.f32 v24, v17;
	v24 =	vld [tilespmem:s22+$0x14080]  }
0x28b: {  	v16 =	vmul.f32 v30, v16;
	v10 =	vmul.f32 v10, v62;
	v7 =	vadd.f32 v20, v7;
	v20 =	vld [tilespmem:s22+$0x10200]  }
0x28c: {  	v8 =	vadd.f32 v14, v8;
	v5 =	vadd.f32 v5, v6;
	v6 =	vld [tilespmem:s22+$0xC000];
	v33 =	vadd.s32 $0xF0, v22  }
0x28d: {  	v17 =	vadd.f32 v26, v17;
	v26 =	vld [tilespmem:s22+$0x10000];
	v7 =	vadd.f32 v18, v7;
	v27 =	vadd.s32 $0x108, v22  }
0x28e: {  	v18 =	vld [tilespmem:s22+$0x10080];
	v14 =	vadd.s32 $0xC0, v22;
	v62 =	vadd.s32 $0xD8, v22;
	v32 =	vadd.s32 $0x90, v22  }
0x28f: {  	v16 =	vadd.f32 v16, v17;
	v17 =	vld [tilespmem:s22+$0xC080];
	v7 =	vadd.f32 v10, v7;
	v10 =	vmul.f32 v12, v23  }
0x290: {  	v4 =	vadd.f32 v4, v8;
	v3 =	vadd.f32 v3, v5;
	v5 =	vadd.s32 $0xA8, v22;
	v12 =	vld.idx.msk [tilespmem:v22+s28+$0x0], $0xffff  }
0x291: {  	v13 =	vadd.f32 v13, v16;
	v7 =	vadd.f32 v10, v7;
	v10 =	vmul.f32 v11, v31;
	v8 =	vld.idx.msk [tilespmem:v33+s28+$0x0], $0xffff  }
0x292: {  	v1 =	vadd.f32 v1, v4;
	v2 =	vadd.f32 v2, v3;
	v27 =	vld.idx.msk [tilespmem:v27+s28+$0x0], $0xffff  }
0x293: {  	v3 =	vadd.s32 $0x30, v22;
	v14 =	vld.idx.msk [tilespmem:v14+s28+$0x0], $0xffff;
	v13 =	vadd.f32 v15, v13;
	v7 =	vadd.f32 v10, v7  }
0x294: {  	v4 =	vld.idx.msk [tilespmem:v62+s28+$0x0], $0xffff  }
0x295: {  	v11 =	vadd.s32 $0x78, v22;
	v1 =	vadd.f32 v2, v1;
	v15 =	vld.idx.msk [tilespmem:v32+s28+$0x0], $0xffff;
	v2 =	vadd.f32 v7, v13  }
0x296: {  	v33 =	vadd.s32 $0x60, v22;
	v10 =	vadd.s32 $0x48, v22;
	v5 =	vld.idx.msk [tilespmem:v5+s28+$0x0], $0xffff;
	v7 =	vadd.s32 $0x18, v22  }
0x297: {  	v32 =	vld [tilespmem:s22+$0xC100];
	v16 =	vadd.f32 v2, v1;
	v1 =	vunpack.i.u.bf16.f32 v12;
	v2 =	vunpack.i.l.bf16.f32 v12  }
0x298: {  	v3 =	vld.idx.msk [tilespmem:v3+s28+$0x0], $0xffff;
	v2 =	vmul.f32 v6, v2;
	v1 =	vmul.f32 v17, v1;
	v6 =	vunpack.i.u.bf16.f32 v8  }
0x299: {  	v22 =	vld [tilespmem:s22+$0xC200];
	v8 =	vunpack.i.l.bf16.f32 v8;
	v12 =	vunpack.i.u.bf16.f32 v27;
	v17 =	vunpack.i.l.bf16.f32 v27  }
0x29a: {  	v11 =	vld.idx.msk [tilespmem:v11+s28+$0x0], $0xffff;
	v23 =	vunpack.i.u.bf16.f32 v14;
	v14 =	vunpack.i.l.bf16.f32 v14;
	v27 =	vunpack.i.u.bf16.f32 v4  }
0x29b: {  	v13 =	vld.idx.msk [tilespmem:v33+s28+$0x0], $0xffff;
	v28 =	vunpack.i.u.bf16.f32 v15;
	v15 =	vunpack.i.l.bf16.f32 v15;
	v4 =	vunpack.i.l.bf16.f32 v4  }
0x29c: {  	v10 =	vld.idx.msk [tilespmem:v10+s28+$0x0], $0xffff;
	v31 =	vunpack.i.u.bf16.f32 v5;
	v8 =	vmul.f32 v25, v8;
	v14 =	vmul.f32 v19, v14  }
0x29d: {  	v5 =	vunpack.i.l.bf16.f32 v5;
	v6 =	vmul.f32 v21, v6;
	v15 =	vmul.f32 v20, v15;
	v7 =	vld.idx.msk [tilespmem:v7+s28+$0x0], $0xffff  }
0x29e: {  	v25 =	vld [tilespmem:s22+$0xC180];
	v23 =	vmul.f32 v24, v23;
	v9 =	vmul.f32 v9, v28;
	v21 =	vunpack.i.u.bf16.f32 v3  }
0x29f: {  	v19 =	vld [tilespmem:s22+$0xC300];
	v3 =	vunpack.i.l.bf16.f32 v3;
	v2 =	vadd.f32 $0.0e+00, v2;
	v1 =	vadd.f32 $0.0e+00, v1  }
0x2a0: {  	v20 =	vld [tilespmem:s22+$0xC380];
	v33 =	vunpack.i.u.bf16.f32 v11;
	v62 =	vunpack.i.u.bf16.f32 v13;
	v13 =	vunpack.i.l.bf16.f32 v13  }
0x2a1: {  	v3 =	vmul.f32 v22, v3;
	v22 =	vld [tilespmem:s22+$0x10180];
	v24 =	vunpack.i.u.bf16.f32 v10;
	v13 =	vmul.f32 v26, v13  }
0x2a2: {  	v26 =	vld [tilespmem:s22+$0x10100];
	v18 =	vmul.f32 v18, v62;
	v28 =	vunpack.i.u.bf16.f32 v7;
	v7 =	vunpack.i.l.bf16.f32 v7  }
0x2a3: {  	v10 =	vunpack.i.l.bf16.f32 v10;
	v62 =	vld [tilespmem:s22+$0x10300];
	v7 =	vmul.f32 v32, v7;
	v25 =	vmul.f32 v25, v28  }
0x2a4: {  	v11 =	vunpack.i.l.bf16.f32 v11;
	v21 =	vmul.f32 v29, v21;
	v10 =	vmul.f32 v19, v10;
	v28 =	vld [tilespmem:s22+$0x10380]  }
0x2a5: {  	s9 =	simm.s32 $0x0;
	v19 =	vld [tilespmem:s22+$0x14100];
	v20 =	vmul.f32 v20, v24;
	v7 =	vadd.f32 $0.0e+00, v7;
	v25 =	vadd.f32 $0.0e+00, v25  }
0x2a6: {  	s25 =	sor.u32 $0x8, s9;
	v2 =	vadd.f32 v3, v2;
	v1 =	vadd.f32 v21, v1;
	v24 =	vld [tilespmem:s22+$0x14180];
	v29 =	vmul.f32 v22, v33  }
0x2a7: {  	s4 =	simm.s32 $0x10;
	s6 =	sshll.u32 s25, $0xA;
	v3 =	vmul.f32 v26, v11;
	v11 =	vld [tilespmem:s22+$0x14300];
	v7 =	vadd.f32 v10, v7;
	v10 =	vadd.f32 v20, v25  }
0x2a8: {  	s7 =	sand.u32 $0x70, s4;
	s6 =	sand.u32 $0x3FFFFC00, s6;
	v32 =	vld [tilespmem:s22+$0x14380];
	v2 =	vadd.f32 v13, v2;
	v1 =	vadd.f32 v18, v1;
	v5 =	vmul.f32 v62, v5  }
0x2a9: {  	v62 =	vld [tilespmem:s5+$0x19080];
	s22 =	sor.u32 s7, s6;
	v13 =	vmul.f32 v28, v31;
	v3 =	vadd.f32 v3, v7;
	v10 =	vadd.f32 v29, v10  }
0x2aa: {  	s9 =	sshll.u32 s25, $0x8;
	v15 =	vadd.f32 v15, v2;
	v9 =	vadd.f32 v9, v1;
	v33 =	vmul.f32 v19, v4;
	v2 =	vld [tilespmem:s22+$0x14200]  }
0x2ab: {  	s25 =	sor.u32 s7, s9;
	v1 =	vld [tilespmem:s22+$0x14280];
	v3 =	vadd.f32 v5, v3;
	v5 =	vadd.f32 v13, v10;
	v10 =	vmul.f32 v24, v27  }
0x2ac: {  	v9 =	vadd.f32 v23, v9;
	v7 =	vld [tilespmem:s25+$0x18080];
	v13 =	vadd.f32 v14, v15;
	v11 =	vmul.f32 v11, v17  }
0x2ad: {  	v4 =	vld [tilespmem:s22+$0x14000];
	v14 =	vadd.f32 v33, v3;
	v5 =	vadd.f32 v10, v5;
	v10 =	vmul.f32 v32, v12  }
0x2ae: {  	v9 =	vadd.f32 v6, v9;
	v6 =	vld [tilespmem:s22+$0x10200];
	v8 =	vadd.f32 v8, v13  }
0x2af: {  	v3 =	vld [tilespmem:s22+$0x14080];
	v11 =	vadd.f32 v11, v14;
	v10 =	vadd.f32 v10, v5  }
0x2b0: {  	v12 =	vadd.f32 v61, v60;
	v13 =	vmul.f32 v16, v63;
	v63 =	vld [tilespmem:s22+$0x10000]  }
0x2b1: {  	v61 =	vld [tilespmem:s22+$0x10080];
	v8 =	vadd.f32 v9, v8;
	v10 =	vadd.f32 v10, v11;
	v11 =	vadd.s32 $0xF0, v7  }
0x2b2: {  	v5 =	vld [tilespmem:s22+$0x10280];
	v60 =	vadd.f32 v13, v12;
	v13 =	vadd.s32 $0x108, v7  }
0x2b3: {  	v9 =	vld [tilespmem:s22+$0xC000];
	v12 =	vadd.s32 $0xC0, v7;
	v8 =	vadd.f32 v10, v8  }
0x2b4: {  	s5 =	simm.s32 $0x2;
	v14 =	vadd.s32 $0xD8, v7;
	v10 =	vld [tilespmem:s22+$0xC080]  }
.LBB2_8:
0x2b5: {  	p1 =	sne.s32 s5, $0x3F;
	v15 =	vld.idx.msk [tilespmem:v7+s28+$0x0], $0xffff;
	v16 =	vadd.s32 $0x90, v7;
	v8 =	vmul.f32 v8, v62  }
0x2b6: {  	v17 =	vadd.s32 $0xA8, v7;
	v11 =	vld.idx.msk [tilespmem:v11+s28+$0x0], $0xffff  }
0x2b7: {  	v18 =	vadd.s32 $0x60, v7;
	v13 =	vld.idx.msk [tilespmem:v13+s28+$0x0], $0xffff;
	v60 =	vadd.f32 v8, v60  }
0x2b8: {  	v8 =	vadd.s32 $0x78, v7;
	v12 =	vld.idx.msk [tilespmem:v12+s28+$0x0], $0xffff  }
0x2b9: {  	v19 =	vadd.s32 $0x30, v7;
	v14 =	vld.idx.msk [tilespmem:v14+s28+$0x0], $0xffff  }
0x2ba: {  	v20 =	vadd.s32 $0x48, v7;
	v16 =	vld.idx.msk [tilespmem:v16+s28+$0x0], $0xffff  }
0x2bb: {  	v17 =	vld.idx.msk [tilespmem:v17+s28+$0x0], $0xffff  }
0x2bc: {  	v7 =	vadd.s32 $0x18, v7;
	v18 =	vld.idx.msk [tilespmem:v18+s28+$0x0], $0xffff  }
0x2bd: {  	v21 =	vunpack.i.u.bf16.f32 v15;
	v15 =	vunpack.i.l.bf16.f32 v15;
	v8 =	vld.idx.msk [tilespmem:v8+s28+$0x0], $0xffff  }
0x2be: {  	v9 =	vmul.f32 v9, v15;
	v10 =	vmul.f32 v10, v21;
	v15 =	vld.idx.msk [tilespmem:v19+s28+$0x0], $0xffff;
	v19 =	vunpack.i.u.bf16.f32 v11  }
0x2bf: {  	v21 =	vunpack.i.u.bf16.f32 v13;
	v13 =	vunpack.i.l.bf16.f32 v13;
	v11 =	vunpack.i.l.bf16.f32 v11;
	v20 =	vld.idx.msk [tilespmem:v20+s28+$0x0], $0xffff  }
0x2c0: {  	v23 =	vunpack.i.u.bf16.f32 v12;
	v12 =	vunpack.i.l.bf16.f32 v12;
	v24 =	vunpack.i.u.bf16.f32 v14;
	v22 =	vld [tilespmem:s22+$0xC200]  }
0x2c1: {  	v14 =	vunpack.i.l.bf16.f32 v14;
	v25 =	vunpack.i.u.bf16.f32 v16;
	v16 =	vunpack.i.l.bf16.f32 v16;
	v7 =	vld.idx.msk [tilespmem:v7+s28+$0x0], $0xffff  }
0x2c2: {  	v28 =	vunpack.i.u.bf16.f32 v17;
	v17 =	vunpack.i.l.bf16.f32 v17;
	v27 =	vunpack.i.u.bf16.f32 v18;
	v26 =	vld [tilespmem:s22+$0xC280]  }
0x2c3: {  	v18 =	vunpack.i.l.bf16.f32 v18;
	v30 =	vunpack.i.u.bf16.f32 v8;
	v8 =	vunpack.i.l.bf16.f32 v8;
	v29 =	vld [tilespmem:s22+$0xC100]  }
0x2c4: {  	v11 =	vmul.f32 v2, v11;
	v32 =	vunpack.i.u.bf16.f32 v15;
	v15 =	vunpack.i.l.bf16.f32 v15;
	v31 =	vld [tilespmem:s22+$0xC180]  }
0x2c5: {  	v4 =	vmul.f32 v4, v12;
	v12 =	vmul.f32 v1, v19;
	v2 =	vunpack.i.u.bf16.f32 v20;
	v33 =	vld [tilespmem:s22+$0xC300]  }
0x2c6: {  	v3 =	vmul.f32 v3, v23;
	v6 =	vmul.f32 v6, v16;
	v1 =	vunpack.i.l.bf16.f32 v20;
	v19 =	vld [tilespmem:s22+$0xC380]  }
0x2c7: {  	v5 =	vmul.f32 v5, v25;
	v18 =	vmul.f32 v63, v18;
	v16 =	vunpack.i.u.bf16.f32 v7;
	v20 =	vld [tilespmem:s22+$0x10100]  }
0x2c8: {  	v15 =	vmul.f32 v22, v15;
	v22 =	vmul.f32 v61, v27;
	v7 =	vunpack.i.l.bf16.f32 v7;
	v23 =	vld [tilespmem:s22+$0x10180]  }
0x2c9: {  	v9 =	vadd.f32 $0.0e+00, v9;
	v7 =	vmul.f32 v29, v7;
	v16 =	vmul.f32 v31, v16;
	v25 =	vld [tilespmem:s22+$0x10300]  }
0x2ca: {  	v10 =	vadd.f32 $0.0e+00, v10;
	v26 =	vmul.f32 v26, v32;
	v1 =	vmul.f32 v33, v1;
	v27 =	vld [tilespmem:s22+$0x10380]  }
0x2cb: {  	v7 =	vadd.f32 $0.0e+00, v7;
	v16 =	vadd.f32 $0.0e+00, v16;
	v2 =	vmul.f32 v19, v2;
	v19 =	vld [tilespmem:s22+$0x14100]  }
0x2cc: {  	s6 =	sshrl.u32 s5, $0x3;
	v9 =	vadd.f32 v15, v9;
	v10 =	vadd.f32 v26, v10;
	v8 =	vmul.f32 v20, v8;
	v15 =	vld [tilespmem:s22+$0x14180]  }
0x2cd: {  	s4 =	sadd.s32 $0x10, s4;
	s6 =	sor.u32 $0x8, s6;
	v1 =	vadd.f32 v1, v7;
	v2 =	vadd.f32 v2, v16;
	v7 =	vmul.f32 v23, v30;
	v16 =	vld [tilespmem:s22+$0x14300]  }
0x2ce: {  	s7 =	sand.u32 $0x70, s4;
	s9 =	sshll.u32 s6, $0x8;
	s6 =	sshll.u32 s6, $0xA;
	v9 =	vadd.f32 v18, v9;
	v10 =	vadd.f32 v22, v10;
	v17 =	vmul.f32 v25, v17;
	v18 =	vld [tilespmem:s22+$0x14380]  }
0x2cf: {  	s6 =	sand.u32 $0x3FFFFC00, s6;
	v1 =	vadd.f32 v8, v1;
	v62 =	vld [tilespmem:s25+$0x19080];
	s25 =	sor.u32 s7, s9;
	v8 =	vadd.f32 v7, v2;
	v20 =	vmul.f32 v27, v28  }
0x2d0: {  	v6 =	vadd.f32 v6, v9;
	v5 =	vadd.f32 v5, v10;
	s22 =	sor.u32 s7, s6;
	v7 =	vld [tilespmem:s25+$0x18080];
	v9 =	vmul.f32 v19, v14  }
0x2d1: {  	v10 =	vadd.f32 v17, v1;
	v2 =	vld [tilespmem:s22+$0x14200];
	v8 =	vadd.f32 v20, v8;
	v14 =	vmul.f32 v15, v24  }
0x2d2: {  	v6 =	vadd.f32 v4, v6;
	v5 =	vadd.f32 v3, v5;
	v1 =	vld [tilespmem:s22+$0x14280];
	v13 =	vmul.f32 v16, v13  }
0x2d3: {  	v9 =	vadd.f32 v9, v10;
	v4 =	vld [tilespmem:s22+$0x14000];
	v8 =	vadd.f32 v14, v8;
	v10 =	vmul.f32 v18, v21  }
0x2d4: {  	v12 =	vadd.f32 v12, v5;
	v14 =	vadd.f32 v11, v6;
	v3 =	vld [tilespmem:s22+$0x14080]  }
0x2d5: {  	v9 =	vadd.f32 v13, v9;
	v6 =	vld [tilespmem:s22+$0x10200];
	v8 =	vadd.f32 v10, v8  }
.Ltmp3:
0x2d6: {  	v5 =	vld [tilespmem:s22+$0x10280];
	(pc) =	sbr.rel @p1 .LBB2_8-.Ltmp3, $4  }
0x2d7: {  	v11 =	vadd.s32 $0xF0, v7;
	v10 =	vadd.f32 v12, v14;
	v63 =	vld [tilespmem:s22+$0x10000];
	v8 =	vadd.f32 v8, v9  }
0x2d8: {  	v13 =	vadd.s32 $0x108, v7;
	v61 =	vld [tilespmem:s22+$0x10080]  }
0x2d9: {  	v12 =	vadd.s32 $0xC0, v7;
	v9 =	vld [tilespmem:s22+$0xC000];
	v8 =	vadd.f32 v8, v10  }
0x2da: {  	s5 =	sadd.s32 $0x1, s5;
	v14 =	vadd.s32 $0xD8, v7;
	v10 =	vld [tilespmem:s22+$0xC080]  }
0x2db: {  	_ =	sdelay $0x3  }
0x2dc: {  	v15 =	vld.idx.msk [tilespmem:v7+s28+$0x0], $0xffff  }
0x2dd: {  	v16 =	vadd.s32 $0x90, v7;
	v11 =	vld.idx.msk [tilespmem:v11+s28+$0x0], $0xffff  }
0x2de: {  	v17 =	vadd.s32 $0xA8, v7;
	v13 =	vld.idx.msk [tilespmem:v13+s28+$0x0], $0xffff  }
0x2df: {  	v18 =	vadd.s32 $0x60, v7;
	v12 =	vld.idx.msk [tilespmem:v12+s28+$0x0], $0xffff  }
0x2e0: {  	v19 =	vadd.s32 $0x78, v7;
	v14 =	vld.idx.msk [tilespmem:v14+s28+$0x0], $0xffff  }
0x2e1: {  	v21 =	vadd.s32 $0x48, v7;
	v23 =	vld [tilespmem:s22+$0xC200]  }
0x2e2: {  	v20 =	vadd.s32 $0x30, v7;
	v16 =	vld.idx.msk [tilespmem:v16+s28+$0x0], $0xffff  }
0x2e3: {  	v33 =	vadd.s32 $0x18, v7;
	v17 =	vld.idx.msk [tilespmem:v17+s28+$0x0], $0xffff  }
0x2e4: {  	v18 =	vld.idx.msk [tilespmem:v18+s28+$0x0], $0xffff;
	v22 =	vunpack.i.u.bf16.f32 v15;
	v15 =	vunpack.i.l.bf16.f32 v15  }
0x2e5: {  	v19 =	vld.idx.msk [tilespmem:v19+s28+$0x0], $0xffff;
	v24 =	vunpack.i.u.bf16.f32 v12;
	v12 =	vunpack.i.l.bf16.f32 v12;
	v25 =	vunpack.i.u.bf16.f32 v14  }
0x2e6: {  	v21 =	vld.idx.msk [tilespmem:v21+s28+$0x0], $0xffff;
	v14 =	vunpack.i.l.bf16.f32 v14;
	v9 =	vmul.f32 v9, v15;
	v10 =	vmul.f32 v10, v22  }
0x2e7: {  	v15 =	vld.idx.msk [tilespmem:v20+s28+$0x0], $0xffff;
	v20 =	vunpack.i.u.bf16.f32 v11;
	v11 =	vunpack.i.l.bf16.f32 v11;
	v22 =	vunpack.i.u.bf16.f32 v13  }
0x2e8: {  	v7 =	vld.idx.msk [tilespmem:v33+s28+$0x0], $0xffff;
	v13 =	vunpack.i.l.bf16.f32 v13;
	v4 =	vmul.f32 v4, v12;
	v3 =	vmul.f32 v3, v24  }
0x2e9: {  	v30 =	vld [tilespmem:s22+$0xC100];
	v2 =	vmul.f32 v2, v11;
	v1 =	vmul.f32 v1, v20;
	v9 =	vadd.f32 $0.0e+00, v9  }
0x2ea: {  	v32 =	vld [tilespmem:s22+$0xC180];
	v10 =	vadd.f32 $0.0e+00, v10;
	v26 =	vunpack.i.u.bf16.f32 v16;
	v16 =	vunpack.i.l.bf16.f32 v16  }
0x2eb: {  	v27 =	vld [tilespmem:s22+$0xC280];
	v28 =	vunpack.i.u.bf16.f32 v18;
	v29 =	vunpack.i.u.bf16.f32 v17;
	v17 =	vunpack.i.l.bf16.f32 v17  }
0x2ec: {  	v20 =	vld [tilespmem:s22+$0xC300];
	v18 =	vunpack.i.l.bf16.f32 v18;
	v31 =	vunpack.i.u.bf16.f32 v19;
	v12 =	vunpack.i.u.bf16.f32 v21  }
0x2ed: {  	v24 =	vunpack.i.u.bf16.f32 v7;
	v7 =	vunpack.i.l.bf16.f32 v7;
	v6 =	vmul.f32 v6, v16;
	v16 =	vld [tilespmem:s22+$0xC380]  }
0x2ee: {  	v33 =	vld [tilespmem:s22+$0x10100];
	v11 =	vunpack.i.u.bf16.f32 v15;
	v18 =	vmul.f32 v63, v18;
	v5 =	vmul.f32 v5, v26  }
0x2ef: {  	v15 =	vunpack.i.l.bf16.f32 v15;
	v63 =	vld [tilespmem:s22+$0x10180];
	v7 =	vmul.f32 v30, v7;
	v24 =	vmul.f32 v32, v24  }
0x2f0: {  	v21 =	vunpack.i.l.bf16.f32 v21;
	v15 =	vmul.f32 v23, v15;
	v23 =	vmul.f32 v61, v28;
	v28 =	vld [tilespmem:s22+$0x10300]  }
0x2f1: {  	v19 =	vunpack.i.l.bf16.f32 v19;
	v11 =	vmul.f32 v27, v11;
	v20 =	vmul.f32 v20, v21;
	v21 =	vld [tilespmem:s22+$0x10380]  }
0x2f2: {  	v30 =	vld [tilespmem:s22+$0x14100];
	v7 =	vadd.f32 $0.0e+00, v7;
	v24 =	vadd.f32 $0.0e+00, v24;
	v12 =	vmul.f32 v16, v12  }
0x2f3: {  	v32 =	vmul.f32 v33, v19;
	v33 =	vld [tilespmem:s22+$0x14180];
	v9 =	vadd.f32 v15, v9;
	v10 =	vadd.f32 v11, v10  }
0x2f4: {  	v7 =	vadd.f32 v20, v7;
	v61 =	vmul.f32 v63, v31;
	v63 =	vld [tilespmem:s22+$0x14300];
	v12 =	vadd.f32 v12, v24  }
0x2f5: {  	v9 =	vadd.f32 v18, v9;
	v10 =	vadd.f32 v23, v10;
	v23 =	vld [tilespmem:s22+$0x14380];
	v17 =	vmul.f32 v28, v17  }
0x2f6: {  	v7 =	vadd.f32 v32, v7;
	v26 =	vmul.f32 v21, v29;
	v24 =	vadd.f32 v61, v12  }
0x2f7: {  	v27 =	vmul.f32 v30, v14;
	v6 =	vadd.f32 v6, v9;
	v5 =	vadd.f32 v5, v10  }
0x2f8: {  	v29 =	vmul.f32 v33, v25;
	v7 =	vadd.f32 v17, v7;
	v28 =	vadd.f32 v26, v24  }
0x2f9: {  	v4 =	vadd.f32 v4, v6;
	v3 =	vadd.f32 v3, v5;
	v30 =	vmul.f32 v63, v13  }
0x2fa: {  	v31 =	vadd.f32 v27, v7;
	v33 =	vmul.f32 v23, v22;
	v32 =	vadd.f32 v29, v28  }
0x2fb: {  	v2 =	vadd.f32 v2, v4;
	v1 =	vadd.f32 v1, v3  }
0x2fc: {  	v3 =	vadd.f32 v30, v31;
	v61 =	vadd.f32 v33, v32  }
0x2fd: {  	v63 =	vld [tilespmem:s25+$0x19080]  }
0x2fe: {  	v1 =	vadd.f32 v1, v2;
	v2 =	vadd.f32 v61, v3;
	_ =	sdelay $0x1  }
0x2ff: {  	v3 =	vmul.f32 v8, v62;
	v1 =	vadd.f32 v2, v1;
	_ =	sdelay $0x1  }
0x300: {  	v2 =	vadd.f32 v3, v60;
	v1 =	vmul.f32 v1, v63;
	_ =	sdelay $0x1  }
0x301: {  	v1 =	vadd.f32 v1, v2;
	_ =	sdelay $0x1  }
0x302: {  	s4 =	simm.s32 $0x1B000;
	[tilespmem:$0x1B000] =	vst v1  }
0x303: {  	[spmem:s10] =	stream.linear.scatter [tilespmem:s4], [sflag:$0x5], $0x80, $0x38;
	[tilespmem:$0x1B8B0] =	vst v63  }
0x304: {  	_ =	swait.ge [sflag:s23], $0x80  }
0x305: {  	[sflag:s23] =	ssyncset.done $0x0  }
0x306: {  	[sflag:s23] =	ssyncadd.s32 $0xFFFFFF80  }
0x307: {  	s4 =	simm.s32 @!p0 $0x1B080;
	[bflag:$0x0] =	sbarrier.arrive $0xFFFF  }
0x308: {  	[tilespmem:s4], [sflag:$0x5] =	stream.linear.gather @!p0 [spmem:s8], $0x800, $0x38;
	[tilespmem:$0x1B8B0] =	vst v63  }
0x309: {  	s4 =	simm.s32 @!p0 $0x5  }
0x30a: {  	_ =	swait.ge @!p0 [sflag:s4], $0x800  }
0x30b: {  	[sflag:s4] =	ssyncset.done @!p0 $0x0  }
0x30c: {  	[sflag:s4] =	ssyncadd.s32 @!p0 $0xFFFFF800  }
0x30d: {  	v1 =	vld @!p0 [tilespmem:$0x1B080];
	_ =	sdelay $0x1  }
0x30e: {  	v2 =	vld @!p0 [tilespmem:$0x1B100];
	_ =	sdelay $0x1  }
0x30f: {  	v3 =	vld @!p0 [tilespmem:$0x1B180]  }
0x310: {  	v1 =	vadd.f32 @!p0 $0.0e+00, v1  }
0x311: {  	v4 =	vld @!p0 [tilespmem:$0x1B200]  }
0x312: {  	v1 =	vadd.f32 @!p0 v2, v1  }
0x313: {  	v2 =	vld @!p0 [tilespmem:$0x1B280]  }
0x314: {  	v1 =	vadd.f32 @!p0 v3, v1  }
0x315: {  	v3 =	vld @!p0 [tilespmem:$0x1B300]  }
0x316: {  	v1 =	vadd.f32 @!p0 v4, v1  }
0x317: {  	v4 =	vld @!p0 [tilespmem:$0x1B380]  }
0x318: {  	v1 =	vadd.f32 @!p0 v2, v1  }
0x319: {  	v2 =	vld @!p0 [tilespmem:$0x1B400]  }
0x31a: {  	v1 =	vadd.f32 @!p0 v3, v1  }
0x31b: {  	v3 =	vld @!p0 [tilespmem:$0x1B480]  }
0x31c: {  	v1 =	vadd.f32 @!p0 v4, v1  }
0x31d: {  	v4 =	vld @!p0 [tilespmem:$0x1B500]  }
0x31e: {  	v1 =	vadd.f32 @!p0 v2, v1  }
0x31f: {  	v2 =	vld @!p0 [tilespmem:$0x1B580]  }
0x320: {  	v1 =	vadd.f32 @!p0 v3, v1  }
0x321: {  	v3 =	vld @!p0 [tilespmem:$0x1B600]  }
0x322: {  	v1 =	vadd.f32 @!p0 v4, v1  }
0x323: {  	v4 =	vld @!p0 [tilespmem:$0x1B680]  }
0x324: {  	v1 =	vadd.f32 @!p0 v2, v1  }
0x325: {  	v2 =	vld @!p0 [tilespmem:$0x1B700]  }
0x326: {  	v1 =	vadd.f32 @!p0 v3, v1  }
0x327: {  	v3 =	vld @!p0 [tilespmem:$0x1B780]  }
0x328: {  	v1 =	vadd.f32 @!p0 v4, v1  }
0x329: {  	v4 =	vld @!p0 [tilespmem:$0x1B800]  }
0x32a: {  	v1 =	vadd.f32 @!p0 v2, v1;
	_ =	sdelay $0x1  }
0x32b: {  	v1 =	vadd.f32 @!p0 v3, v1;
	_ =	sdelay $0x1  }
0x32c: {  	v1 =	vadd.f32 @!p0 v4, v1;
	_ =	sdelay $0x1  }
0x32d: {  	(xrf2) =	vadd.scan.msk.f32 @!p0 $0xffff, v1;
	_ =	sdelay $0x9  }
0x32e: {  	v1, _, _ =	vpop @!p0 (xrf2)  }
0x32f: {  	v1 =	vadd.f32 @!p0 $0.0e+00, v1;
	_ =	sdelay $0x1  }
0x330: {  	s24 =	sadd.s32 $0x1, s24;
	v1 =	vbroadcast @!p0 v1, $0xF  }
0x331: {  	p1 =	sne.s32 s24, s12  }
.Ltmp4:
0x332: {  	s5 =	simm.s32 @!p0 $0x0;
	s6 =	simm.s32 @!p0 $0x1B000;
	[tilespmem:$0x1B000] =	vst @!p0 v1;
	(pc) =	sbr.rel @p1 .LBB2_1-.Ltmp4, $4  }
0x333: {  	[hbm4b:s11+s5] =	stream.linear.scatter @!p0 [tilespmem:s6], [sflag:$0x5], $0x80, $0x38;
	[tilespmem:$0x1B8B0] =	vst v63  }
0x334: {  	_ =	swait.ge @!p0 [sflag:s4], $0x80  }
0x335: {  	[sflag:s4] =	ssyncset.done @!p0 $0x0  }
0x336: {  	[sflag:s4] =	ssyncadd.s32 @!p0 $0xFFFFFF80  }
0x337: {  	_ =	sfence.sel $0x180000  }
0x338: {  	[bflag:$0x0] =	sbarrier.arrive $0xFFFF  }
0x339: {  	_ =	strace $0x90000047  }
0x33a: {  	[bflag:$0x2] =	sbarrier.arrive $0xFFFF  }
0x33b: {  	s0 =	rddreg [dreg:$0x6]  }
0x33c: {  	s0 =	sadd.s32 @!p0 $0x100000, s0  }
0x33d: {  	[sflag:s0] =	ssyncadd.tile.s32 @!p0 $0x1;
	_ =	shalt  }
.Lfunc_end2:
_tile_overlayer_lowered:
.L_overlay_start_2:
0x33e: {  	(tag) =	ssettag $0x2  }
0x33f: {  	s0 =	rddreg [dreg:$0x0];
	s2 =	stileid.u32  }
0x340: {  	s1 =	rddreg [dreg:$0x1];
	p0 =	sne.s32 s2, $0x0  }
0x341: {  	s3 =	rddreg [dreg:$0x2];
	[bflag:$0x3] =	sbarrier.arrive $0xFFFF;
	s2 =	simm.s32 @!p0 $0x1C05  }
0x342: {  	[timem:s3], [sflag:s2] =	dma.local @!p0 [hbm:s0], s1  }
0x343: {  	s0 =	simm.s32 @!p0 $0x5  }
0x344: {  	_ =	swait.ge @!p0 [sflag:s0], s1  }
0x345: {  	s1 =	ssub.s32 @!p0 $0x0, s1;
	[sflag:s0] =	ssyncset.done @!p0 $0x0  }
0x346: {  	[sflag:s0] =	ssyncadd.s32 @!p0 s1  }
0x347: {  	[bflag:$0x3] =	sbarrier.arrive $0xFFFF  }
0x348: {  	_ =	shalt  }

</sc_bundles>
